<compile_context>
chip_gen: v7x
topology: tpu7x:2x2x1
jax: 0.10.2.dev20260603
libtpu: 0.0.44.dev20260713+nightly
codegen_flags: <defaults>
</compile_context>

<pallas_src>
import functools

import jax
import jax.numpy as jnp
from jax import lax
from jax.experimental import pallas as pl
from jax.experimental.pallas import tpu as pltpu
from jax.experimental.pallas import tpu_sc as plsc

N_NODES = 10000
N_EDGES = 160000
D_FEAT = 256
NUM_HEADS = 8
CH = 128
NCHUNK = N_EDGES // CH
OROW = NCHUNK * NUM_HEADS


TW = 2 * NUM_HEADS


def _tc_table(x, W2, b2):
    M = x.shape[0]
    BM = 2000
    H2 = TW

    def body(x_ref, w_ref, b_ref, t_ref):
        t_ref[...] = (
            jnp.dot(x_ref[...], w_ref[...], preferred_element_type=jnp.float32)
            + b_ref[...]
        )

    return pl.pallas_call(
        body,
        grid=(M // BM,),
        in_specs=[
            pl.BlockSpec((BM, D_FEAT), lambda i: (i, 0)),
            pl.BlockSpec((D_FEAT, H2), lambda i: (0, 0)),
            pl.BlockSpec((1, H2), lambda i: (0, 0)),
        ],
        out_specs=pl.BlockSpec((BM, H2), lambda i: (i, 0)),
        out_shape=jax.ShapeDtypeStruct((M, H2), jnp.float32),
    )(x, W2, b2)


def _sc_edge_combine(T, ei):
    info = plsc.get_sparse_core_info()
    NW = info.num_cores * info.num_subcores
    CPW = 40
    LASTN = NCHUNK - (NW - 1) * CPW
    mesh = plsc.VectorSubcoreMesh(core_axis_name="c", subcore_axis_name="s")

    @functools.partial(
        pl.kernel,
        out_type=jax.ShapeDtypeStruct((OROW, CH), jnp.float32),
        mesh=mesh,
        compiler_params=pltpu.CompilerParams(
            use_tc_tiling_on_sc=False, needs_layout_passes=False
        ),
        scratch_types=[
            pltpu.VMEM((CPW, CH), jnp.int32),
            pltpu.VMEM((CPW, CH), jnp.int32),
            pltpu.VMEM((CH, TW), jnp.float32),
            pltpu.VMEM((CH, TW), jnp.float32),
            pltpu.VMEM((CH, TW), jnp.float32),
            pltpu.VMEM((CH, TW), jnp.float32),
            pltpu.VMEM((NUM_HEADS, CH), jnp.float32),
            pltpu.VMEM((NUM_HEADS, CH), jnp.float32),
            pltpu.SemaphoreType.DMA,
            pltpu.SemaphoreType.DMA,
            pltpu.SemaphoreType.DMA,
            pltpu.SemaphoreType.DMA,
            pltpu.SemaphoreType.DMA,
            pltpu.SemaphoreType.DMA,
        ],
    )
    def k(t_hbm, e_hbm, out_hbm, io, idd, a0, a1, b0, b1,
          o0, o1, sa0, sa1, sb0, sb1, so0, so1):
        wid = lax.axis_index("s") * info.num_cores + lax.axis_index("c")
        base_c = wid * CPW
        is_last = wid == NW - 1
        n = jnp.where(is_last, LASTN, CPW)

        @pl.when(jnp.logical_not(is_last))
        def _():
            pltpu.sync_copy(e_hbm.at[pl.ds(base_c, CPW)], io)
            pltpu.sync_copy(e_hbm.at[pl.ds(NCHUNK + base_c, CPW)], idd)

        @pl.when(is_last)
        def _():
            pltpu.sync_copy(
                e_hbm.at[pl.ds(base_c, LASTN)], io.at[pl.ds(0, LASTN)]
            )
            pltpu.sync_copy(
                e_hbm.at[pl.ds(NCHUNK + base_c, LASTN)], idd.at[pl.ds(0, LASTN)]
            )

        A = [a0, a1]
        B = [b0, b1]
        O = [o0, o1]
        SA = [sa0, sa1]
        SB = [sb0, sb1]
        SO = [so0, so1]

        iota = lax.iota(jnp.int32, 16)

        def start_gathers(jj, p):
            pltpu.make_async_copy(t_hbm.at[io.at[jj]], A[p], SA[p]).start()
            pltpu.make_async_copy(t_hbm.at[idd.at[jj]], B[p], SB[p]).start()

        def wait_gathers(p):
            pltpu.make_async_copy(t_hbm.at[io.at[0]], A[p], SA[p]).wait()
            pltpu.make_async_copy(t_hbm.at[idd.at[0]], B[p], SB[p]).wait()

        def start_out(jj, p):
            r0 = pl.multiple_of((base_c + jj) * NUM_HEADS, NUM_HEADS)
            pltpu.make_async_copy(
                O[p], out_hbm.at[pl.ds(r0, NUM_HEADS)], SO[p]
            ).start()

        def wait_out(p):
            pltpu.make_async_copy(
                O[p], out_hbm.at[pl.ds(0, NUM_HEADS)], SO[p]
            ).wait()

        def compute(p):
            for h in range(NUM_HEADS):
                ch = jnp.full((16,), h, jnp.int32)
                ch8 = jnp.full((16,), h + 8, jnp.int32)
                for kk in range(CH // 16):
                    ridx = iota + (kk * 16)
                    va = plsc.load_gather(A[p], [ridx, ch])
                    vb = plsc.load_gather(B[p], [ridx, ch8])
                    O[p][h, pl.ds(kk * 16, 16)] = va + vb

        start_gathers(0, 0)
        start_gathers(1, 1)

        def body(t, _):
            j0 = t * 2
            for p in (0, 1):
                jj = j0 + p
                wait_gathers(p)

                @pl.when(t > 0)
                def _():
                    wait_out(p)

                compute(p)
                start_out(jj, p)

                @pl.when(jj + 2 < n)
                def _():
                    start_gathers(jj + 2, p)

            return 0

        lax.fori_loop(0, n // 2, body, 0)
        wait_out(0)
        wait_out(1)

    return k(T, ei)


def kernel(x, edge_index, W, b):
    W2 = jnp.concatenate([W[:D_FEAT], W[D_FEAT:]], axis=1)
    b2 = jnp.concatenate([b, jnp.zeros((NUM_HEADS,), jnp.float32)])
    T = _tc_table(x, W2, b2.reshape(1, TW))

    ei = edge_index.astype(jnp.int32).reshape(2 * NCHUNK, CH)
    out2 = _sc_edge_combine(T, ei)
    return (
        out2.reshape(NCHUNK, NUM_HEADS, CH)
        .transpose(0, 2, 1)
        .reshape(N_EDGES, NUM_HEADS)
    )

# --- scband reference (transcript-rebuilt; emitter-appended) ---
"""Pipeline reference for scband-virtual-adaptive-weight-layer-55198919688629 (READ-ONLY COPY).

The authoritative reference and input builder live on the scoring server;
editing this copy changes nothing except your own understanding.
"""

import jax, jax.numpy as jnp
import numpy as np

N_NODES = 10000
N_EDGES = 160000
D_FEAT = 256
NUM_HEADS = 8


def setup_inputs(seed: int = 0) -> dict:
    key = jax.random.key(seed)
    k1, k2, k3, k4 = jax.random.split(key, 4)
    x = jax.random.normal(k1, (N_NODES, D_FEAT), dtype=jnp.float32)
    edge_index = jax.random.randint(k2, (2, N_EDGES), 0, N_NODES, dtype=jnp.int64)
    # Linear(input_dim*2 -> num_heads): torch nn.Linear init (kaiming-uniform-ish)
    in_dim = 2 * D_FEAT
    bound = 1.0 / np.sqrt(in_dim)
    W = jax.random.uniform(k3, (in_dim, NUM_HEADS), dtype=jnp.float32, minval=-bound, maxval=bound)
    b = jax.random.uniform(k4, (NUM_HEADS,), dtype=jnp.float32, minval=-bound, maxval=bound)
    return {"x": x, "edge_index": edge_index, "W": W, "b": b}


def reference(x, edge_index, W, b):
    origin = edge_index[0]
    destination = edge_index[1]
    # gather origin/destination node features, concat along feature dim
    pair_features = jnp.concatenate([jnp.take(x, origin, axis=0), jnp.take(x, destination, axis=0)], axis=1)
    # linear projection to per-head adaptive weights
    return pair_features @ W + b

if __name__ == "__main__":
    import jax
    _d = setup_inputs()
    print(jax.jit(kernel)(*tuple(_d.values())))

</pallas_src>

<mosaic_0001>
#map = affine_map<(d0, d1) -> (0, 0)>
module attributes {stable_mosaic.version = 14 : i64} {
  func.func @k(%arg0: i32, %arg1: i32, %arg2: memref<10000x16xf32, #tpu.memory_space<hbm>>, %arg3: memref<2500x128xi32, #tpu.memory_space<hbm>>, %arg4: memref<10000x128xf32, #tpu.memory_space<hbm>>, %arg5: memref<40x128xi32, #tpu.memory_space<vmem>>, %arg6: memref<40x128xi32, #tpu.memory_space<vmem>>, %arg7: memref<128x16xf32, #tpu.memory_space<vmem>>, %arg8: memref<128x16xf32, #tpu.memory_space<vmem>>, %arg9: memref<128x16xf32, #tpu.memory_space<vmem>>, %arg10: memref<128x16xf32, #tpu.memory_space<vmem>>, %arg11: memref<8x128xf32, #tpu.memory_space<vmem>>, %arg12: memref<8x128xf32, #tpu.memory_space<vmem>>, %arg13: memref<!tpu.dma_semaphore, #tpu.memory_space<semaphore_mem>>, %arg14: memref<!tpu.dma_semaphore, #tpu.memory_space<semaphore_mem>>, %arg15: memref<!tpu.dma_semaphore, #tpu.memory_space<semaphore_mem>>, %arg16: memref<!tpu.dma_semaphore, #tpu.memory_space<semaphore_mem>>, %arg17: memref<!tpu.dma_semaphore, #tpu.memory_space<semaphore_mem>>, %arg18: memref<!tpu.dma_semaphore, #tpu.memory_space<semaphore_mem>>) attributes {dimension_semantics = [#tpu.dimension_semantics<core_parallel>, #tpu.dimension_semantics<subcore_parallel>], iteration_bounds = array<i64: 2, 16>, scalar_prefetch = 0 : i64, scratch_operands = 14 : i64, tpu.core_type = #tpu.core_type<sc_vector_subcore>, window_params = [{transform_indices = #map}, {transform_indices = #map}, {transform_indices = #map}]} {
    %mul3A = arith.constant 2 : i32
    %mul3A_0 = arith.muli %arg1, %mul3A : i32
    %add3A = arith.addi %mul3A_0, %arg0 : i32
    %mul3A_1 = arith.constant 40 : i32
    %mul3A_2 = arith.muli %add3A, %mul3A_1 : i32
    %eq3A = arith.constant 31 : i32
    %eq3A_3 = arith.cmpi eq, %add3A, %eq3A : i32
    %jit3A = arith.constant 10 : i32
    %jit3A_4 = arith.constant 40 : i32
    %select_n3A = arith.select %eq3A_3, %jit3A, %jit3A_4 : i32
    %not3A = arith.constant true
    %not3A_5 = arith.xori %eq3A_3, %not3A : i1
    %convert_element_type3A = arith.extui %not3A_5 : i1 to i32
    %cond3A = arith.constant 0 : i32
    %cond3A_6 = arith.cmpi ne, %convert_element_type3A, %cond3A : i32
    scf.if %cond3A_6 {
      "tpu.region"() ({
        %run_scoped3A = tpu.sem_alloc : memref<!tpu.dma_semaphore, #tpu.memory_space<semaphore_mem>>
        %dma_start3A_79 = arith.constant 0 : i32
        %dma_start3A_80 = tpu.memref_slice %arg3[%mul3A_2, %dma_start3A_79] : memref<2500x128xi32, #tpu.memory_space<hbm>> -> memref<40x128xi32, #tpu.memory_space<hbm>>
        %dma_start3A_81 = arith.constant 0 : i32
        %dma_start3A_82 = tpu.memref_slice %arg3[%mul3A_2, %dma_start3A_81] : memref<2500x128xi32, #tpu.memory_space<hbm>> -> memref<40x128xi32, #tpu.memory_space<hbm>>
        tpu.enqueue_dma source(%dma_start3A_82 : memref<40x128xi32, #tpu.memory_space<hbm>>) target(%arg5 : memref<40x128xi32, #tpu.memory_space<vmem>>) target_semaphore(%run_scoped3A : memref<!tpu.dma_semaphore, #tpu.memory_space<semaphore_mem>>)
        %dma_wait3A_83 = arith.constant 0 : i32
        %dma_wait3A_84 = tpu.memref_slice %arg3[%mul3A_2, %dma_wait3A_83] : memref<2500x128xi32, #tpu.memory_space<hbm>> -> memref<40x128xi32, #tpu.memory_space<hbm>>
        %dma_wait3A_85 = arith.constant 0 : i32
        %dma_wait3A_86 = tpu.memref_slice %arg3[%mul3A_2, %dma_wait3A_85] : memref<2500x128xi32, #tpu.memory_space<hbm>> -> memref<40x128xi32, #tpu.memory_space<hbm>>
        tpu.wait_dma2 semaphore(%run_scoped3A : memref<!tpu.dma_semaphore, #tpu.memory_space<semaphore_mem>>) src(%dma_wait3A_86 : memref<40x128xi32, #tpu.memory_space<hbm>>) dst(%arg5 : memref<40x128xi32, #tpu.memory_space<vmem>>)
        tpu.yield
      }) : () -> ()
      %add3A_77 = arith.constant 1250 : i32
      %add3A_78 = arith.addi %add3A_77, %mul3A_2 : i32
      "tpu.region"() ({
        %run_scoped3A = tpu.sem_alloc : memref<!tpu.dma_semaphore, #tpu.memory_space<semaphore_mem>>
        %dma_start3A_79 = arith.constant 0 : i32
        %dma_start3A_80 = tpu.memref_slice %arg3[%add3A_78, %dma_start3A_79] : memref<2500x128xi32, #tpu.memory_space<hbm>> -> memref<40x128xi32, #tpu.memory_space<hbm>>
        %dma_start3A_81 = arith.constant 0 : i32
        %dma_start3A_82 = tpu.memref_slice %arg3[%add3A_78, %dma_start3A_81] : memref<2500x128xi32, #tpu.memory_space<hbm>> -> memref<40x128xi32, #tpu.memory_space<hbm>>
        tpu.enqueue_dma source(%dma_start3A_82 : memref<40x128xi32, #tpu.memory_space<hbm>>) target(%arg6 : memref<40x128xi32, #tpu.memory_space<vmem>>) target_semaphore(%run_scoped3A : memref<!tpu.dma_semaphore, #tpu.memory_space<semaphore_mem>>)
        %dma_wait3A_83 = arith.constant 0 : i32
        %dma_wait3A_84 = tpu.memref_slice %arg3[%add3A_78, %dma_wait3A_83] : memref<2500x128xi32, #tpu.memory_space<hbm>> -> memref<40x128xi32, #tpu.memory_space<hbm>>
        %dma_wait3A_85 = arith.constant 0 : i32
        %dma_wait3A_86 = tpu.memref_slice %arg3[%add3A_78, %dma_wait3A_85] : memref<2500x128xi32, #tpu.memory_space<hbm>> -> memref<40x128xi32, #tpu.memory_space<hbm>>
        tpu.wait_dma2 semaphore(%run_scoped3A : memref<!tpu.dma_semaphore, #tpu.memory_space<semaphore_mem>>) src(%dma_wait3A_86 : memref<40x128xi32, #tpu.memory_space<hbm>>) dst(%arg6 : memref<40x128xi32, #tpu.memory_space<vmem>>)
        tpu.yield
      }) : () -> ()
    } else {
    }
    %convert_element_type3A_7 = arith.extui %eq3A_3 : i1 to i32
    %cond3A_8 = arith.constant 0 : i32
    %cond3A_9 = arith.cmpi ne, %convert_element_type3A_7, %cond3A_8 : i32
    scf.if %cond3A_9 {
      "tpu.region"() ({
        %run_scoped3A = tpu.sem_alloc : memref<!tpu.dma_semaphore, #tpu.memory_space<semaphore_mem>>
        %dma_start3A_79 = arith.constant 0 : i32
        %dma_start3A_80 = arith.constant 0 : i32
        %dma_start3A_81 = tpu.memref_slice %arg5[%dma_start3A_79, %dma_start3A_80] : memref<40x128xi32, #tpu.memory_space<vmem>> -> memref<10x128xi32, #tpu.memory_space<vmem>>
        %dma_start3A_82 = arith.constant 0 : i32
        %dma_start3A_83 = tpu.memref_slice %arg3[%mul3A_2, %dma_start3A_82] : memref<2500x128xi32, #tpu.memory_space<hbm>> -> memref<10x128xi32, #tpu.memory_space<hbm>>
        %dma_start3A_84 = arith.constant 0 : i32
        %dma_start3A_85 = arith.constant 0 : i32
        %dma_start3A_86 = tpu.memref_slice %arg5[%dma_start3A_84, %dma_start3A_85] : memref<40x128xi32, #tpu.memory_space<vmem>> -> memref<10x128xi32, #tpu.memory_space<vmem>>
        %dma_start3A_87 = arith.constant 0 : i32
        %dma_start3A_88 = tpu.memref_slice %arg3[%mul3A_2, %dma_start3A_87] : memref<2500x128xi32, #tpu.memory_space<hbm>> -> memref<10x128xi32, #tpu.memory_space<hbm>>
        tpu.enqueue_dma source(%dma_start3A_88 : memref<10x128xi32, #tpu.memory_space<hbm>>) target(%dma_start3A_86 : memref<10x128xi32, #tpu.memory_space<vmem>>) target_semaphore(%run_scoped3A : memref<!tpu.dma_semaphore, #tpu.memory_space<semaphore_mem>>)
        %dma_wait3A_89 = arith.constant 0 : i32
        %dma_wait3A_90 = arith.constant 0 : i32
        %dma_wait3A_91 = tpu.memref_slice %arg5[%dma_wait3A_89, %dma_wait3A_90] : memref<40x128xi32, #tpu.memory_space<vmem>> -> memref<10x128xi32, #tpu.memory_space<vmem>>
        %dma_wait3A_92 = arith.constant 0 : i32
        %dma_wait3A_93 = tpu.memref_slice %arg3[%mul3A_2, %dma_wait3A_92] : memref<2500x128xi32, #tpu.memory_space<hbm>> -> memref<10x128xi32, #tpu.memory_space<hbm>>
        %dma_wait3A_94 = arith.constant 0 : i32
        %dma_wait3A_95 = arith.constant 0 : i32
        %dma_wait3A_96 = tpu.memref_slice %arg5[%dma_wait3A_94, %dma_wait3A_95] : memref<40x128xi32, #tpu.memory_space<vmem>> -> memref<10x128xi32, #tpu.memory_space<vmem>>
        %dma_wait3A_97 = arith.constant 0 : i32
        %dma_wait3A_98 = tpu.memref_slice %arg3[%mul3A_2, %dma_wait3A_97] : memref<2500x128xi32, #tpu.memory_space<hbm>> -> memref<10x128xi32, #tpu.memory_space<hbm>>
        tpu.wait_dma2 semaphore(%run_scoped3A : memref<!tpu.dma_semaphore, #tpu.memory_space<semaphore_mem>>) src(%dma_wait3A_98 : memref<10x128xi32, #tpu.memory_space<hbm>>) dst(%dma_wait3A_96 : memref<10x128xi32, #tpu.memory_space<vmem>>)
        tpu.yield
      }) : () -> ()
      %add3A_77 = arith.constant 1250 : i32
      %add3A_78 = arith.addi %add3A_77, %mul3A_2 : i32
      "tpu.region"() ({
        %run_scoped3A = tpu.sem_alloc : memref<!tpu.dma_semaphore, #tpu.memory_space<semaphore_mem>>
        %dma_start3A_79 = arith.constant 0 : i32
        %dma_start3A_80 = arith.constant 0 : i32
        %dma_start3A_81 = tpu.memref_slice %arg6[%dma_start3A_79, %dma_start3A_80] : memref<40x128xi32, #tpu.memory_space<vmem>> -> memref<10x128xi32, #tpu.memory_space<vmem>>
        %dma_start3A_82 = arith.constant 0 : i32
        %dma_start3A_83 = tpu.memref_slice %arg3[%add3A_78, %dma_start3A_82] : memref<2500x128xi32, #tpu.memory_space<hbm>> -> memref<10x128xi32, #tpu.memory_space<hbm>>
        %dma_start3A_84 = arith.constant 0 : i32
        %dma_start3A_85 = arith.constant 0 : i32
        %dma_start3A_86 = tpu.memref_slice %arg6[%dma_start3A_84, %dma_start3A_85] : memref<40x128xi32, #tpu.memory_space<vmem>> -> memref<10x128xi32, #tpu.memory_space<vmem>>
        %dma_start3A_87 = arith.constant 0 : i32
        %dma_start3A_88 = tpu.memref_slice %arg3[%add3A_78, %dma_start3A_87] : memref<2500x128xi32, #tpu.memory_space<hbm>> -> memref<10x128xi32, #tpu.memory_space<hbm>>
        tpu.enqueue_dma source(%dma_start3A_88 : memref<10x128xi32, #tpu.memory_space<hbm>>) target(%dma_start3A_86 : memref<10x128xi32, #tpu.memory_space<vmem>>) target_semaphore(%run_scoped3A : memref<!tpu.dma_semaphore, #tpu.memory_space<semaphore_mem>>)
        %dma_wait3A_89 = arith.constant 0 : i32
        %dma_wait3A_90 = arith.constant 0 : i32
        %dma_wait3A_91 = tpu.memref_slice %arg6[%dma_wait3A_89, %dma_wait3A_90] : memref<40x128xi32, #tpu.memory_space<vmem>> -> memref<10x128xi32, #tpu.memory_space<vmem>>
        %dma_wait3A_92 = arith.constant 0 : i32
        %dma_wait3A_93 = tpu.memref_slice %arg3[%add3A_78, %dma_wait3A_92] : memref<2500x128xi32, #tpu.memory_space<hbm>> -> memref<10x128xi32, #tpu.memory_space<hbm>>
        %dma_wait3A_94 = arith.constant 0 : i32
        %dma_wait3A_95 = arith.constant 0 : i32
        %dma_wait3A_96 = tpu.memref_slice %arg6[%dma_wait3A_94, %dma_wait3A_95] : memref<40x128xi32, #tpu.memory_space<vmem>> -> memref<10x128xi32, #tpu.memory_space<vmem>>
        %dma_wait3A_97 = arith.constant 0 : i32
        %dma_wait3A_98 = tpu.memref_slice %arg3[%add3A_78, %dma_wait3A_97] : memref<2500x128xi32, #tpu.memory_space<hbm>> -> memref<10x128xi32, #tpu.memory_space<hbm>>
        tpu.wait_dma2 semaphore(%run_scoped3A : memref<!tpu.dma_semaphore, #tpu.memory_space<semaphore_mem>>) src(%dma_wait3A_98 : memref<10x128xi32, #tpu.memory_space<hbm>>) dst(%dma_wait3A_96 : memref<10x128xi32, #tpu.memory_space<vmem>>)
        tpu.yield
      }) : () -> ()
    } else {
    }
    %iota3A = tpu.iota {dimensions = array<i32: 0>} : vector<16xi32>
    %dma_start3A = arith.constant 0 : i32
    %dma_start3A_10 = arith.constant 0 : i32
    %dma_start3A_11 = tpu.memref_slice %arg5[%dma_start3A, %dma_start3A_10] : memref<40x128xi32, #tpu.memory_space<vmem>> -> memref<1x128xi32, #tpu.memory_space<vmem>>
    %dma_start3A_12 = tpu.memref_squeeze %dma_start3A_11 : memref<1x128xi32, #tpu.memory_space<vmem>> -> memref<128xi32, #tpu.memory_space<vmem>>
    %dma_start3A_13 = arith.constant 0 : i32
    %dma_start3A_14 = arith.constant 0 : i32
    %dma_start3A_15 = tpu.memref_slice %arg2[%dma_start3A_13, %dma_start3A_14] : memref<10000x16xf32, #tpu.memory_space<hbm>> -> memref<10000x16xf32, #tpu.memory_space<hbm>>
    tpu.enqueue_indirect_dma source(%dma_start3A_15 : memref<10000x16xf32, #tpu.memory_space<hbm>>) target(%arg7 : memref<128x16xf32, #tpu.memory_space<vmem>>) offsets(%dma_start3A_12 : memref<128xi32, #tpu.memory_space<vmem>>) semaphore(%arg13 : memref<!tpu.dma_semaphore, #tpu.memory_space<semaphore_mem>>)
    %dma_start3A_16 = arith.constant 0 : i32
    %dma_start3A_17 = arith.constant 0 : i32
    %dma_start3A_18 = tpu.memref_slice %arg6[%dma_start3A_16, %dma_start3A_17] : memref<40x128xi32, #tpu.memory_space<vmem>> -> memref<1x128xi32, #tpu.memory_space<vmem>>
    %dma_start3A_19 = tpu.memref_squeeze %dma_start3A_18 : memref<1x128xi32, #tpu.memory_space<vmem>> -> memref<128xi32, #tpu.memory_space<vmem>>
    %dma_start3A_20 = arith.constant 0 : i32
    %dma_start3A_21 = arith.constant 0 : i32
    %dma_start3A_22 = tpu.memref_slice %arg2[%dma_start3A_20, %dma_start3A_21] : memref<10000x16xf32, #tpu.memory_space<hbm>> -> memref<10000x16xf32, #tpu.memory_space<hbm>>
    tpu.enqueue_indirect_dma source(%dma_start3A_22 : memref<10000x16xf32, #tpu.memory_space<hbm>>) target(%arg9 : memref<128x16xf32, #tpu.memory_space<vmem>>) offsets(%dma_start3A_19 : memref<128xi32, #tpu.memory_space<vmem>>) semaphore(%arg15 : memref<!tpu.dma_semaphore, #tpu.memory_space<semaphore_mem>>)
    %dma_start3A_23 = arith.constant 1 : i32
    %dma_start3A_24 = arith.constant 0 : i32
    %dma_start3A_25 = tpu.memref_slice %arg5[%dma_start3A_23, %dma_start3A_24] : memref<40x128xi32, #tpu.memory_space<vmem>> -> memref<1x128xi32, #tpu.memory_space<vmem>>
    %dma_start3A_26 = tpu.memref_squeeze %dma_start3A_25 : memref<1x128xi32, #tpu.memory_space<vmem>> -> memref<128xi32, #tpu.memory_space<vmem>>
    %dma_start3A_27 = arith.constant 0 : i32
    %dma_start3A_28 = arith.constant 0 : i32
    %dma_start3A_29 = tpu.memref_slice %arg2[%dma_start3A_27, %dma_start3A_28] : memref<10000x16xf32, #tpu.memory_space<hbm>> -> memref<10000x16xf32, #tpu.memory_space<hbm>>
    tpu.enqueue_indirect_dma source(%dma_start3A_29 : memref<10000x16xf32, #tpu.memory_space<hbm>>) target(%arg8 : memref<128x16xf32, #tpu.memory_space<vmem>>) offsets(%dma_start3A_26 : memref<128xi32, #tpu.memory_space<vmem>>) semaphore(%arg14 : memref<!tpu.dma_semaphore, #tpu.memory_space<semaphore_mem>>)
    %dma_start3A_30 = arith.constant 1 : i32
    %dma_start3A_31 = arith.constant 0 : i32
    %dma_start3A_32 = tpu.memref_slice %arg6[%dma_start3A_30, %dma_start3A_31] : memref<40x128xi32, #tpu.memory_space<vmem>> -> memref<1x128xi32, #tpu.memory_space<vmem>>
    %dma_start3A_33 = tpu.memref_squeeze %dma_start3A_32 : memref<1x128xi32, #tpu.memory_space<vmem>> -> memref<128xi32, #tpu.memory_space<vmem>>
    %dma_start3A_34 = arith.constant 0 : i32
    %dma_start3A_35 = arith.constant 0 : i32
    %dma_start3A_36 = tpu.memref_slice %arg2[%dma_start3A_34, %dma_start3A_35] : memref<10000x16xf32, #tpu.memory_space<hbm>> -> memref<10000x16xf32, #tpu.memory_space<hbm>>
    tpu.enqueue_indirect_dma source(%dma_start3A_36 : memref<10000x16xf32, #tpu.memory_space<hbm>>) target(%arg10 : memref<128x16xf32, #tpu.memory_space<vmem>>) offsets(%dma_start3A_33 : memref<128xi32, #tpu.memory_space<vmem>>) semaphore(%arg16 : memref<!tpu.dma_semaphore, #tpu.memory_space<semaphore_mem>>)
    %jit3A_37 = arith.constant 2 : i32
    %div3A = arith.divsi %select_n3A, %jit3A_37 : i32
    %sign3A = arith.constant 0 : i32
    %sign3A_38 = arith.cmpi sgt, %select_n3A, %sign3A : i32
    %sign3A_39 = arith.extui %sign3A_38 : i1 to i32
    %sign3A_40 = arith.constant 0 : i32
    %sign3A_41 = arith.cmpi slt, %select_n3A, %sign3A_40 : i32
    %sign3A_42 = arith.extui %sign3A_41 : i1 to i32
    %sign3A_43 = arith.subi %sign3A_39, %sign3A_42 : i32
    %sign3A_44 = arith.constant 0 : i32
    %sign3A_45 = arith.cmpi sgt, %jit3A_37, %sign3A_44 : i32
    %sign3A_46 = arith.extui %sign3A_45 : i1 to i32
    %sign3A_47 = arith.constant 0 : i32
    %sign3A_48 = arith.cmpi slt, %jit3A_37, %sign3A_47 : i32
    %sign3A_49 = arith.extui %sign3A_48 : i1 to i32
    %sign3A_50 = arith.subi %sign3A_46, %sign3A_49 : i32
    %ne3A = arith.cmpi ne, %sign3A_43, %sign3A_50 : i32
    %rem3A = arith.remsi %select_n3A, %jit3A_37 : i32
    %ne3A_51 = arith.constant 0 : i32
    %ne3A_52 = arith.cmpi ne, %rem3A, %ne3A_51 : i32
    %and3A = arith.andi %ne3A, %ne3A_52 : i1
    %sub3A = arith.constant 1 : i32
    %sub3A_53 = arith.subi %div3A, %sub3A : i32
    %select_n3A_54 = arith.select %and3A, %sub3A_53, %div3A : i32
    %while3A = arith.constant 0 : i32
    %while3A_55 = arith.constant 0 : i32
    %while3A_56 = arith.subi %select_n3A_54, %while3A : i32
    %while3A_57 = arith.addi %while3A, %while3A_56 : i32
    %while3A_58 = arith.constant 1 : i32
    %while3A_59 = arith.divsi %while3A_56, %while3A_58 : i32
    %while3A_60 = arith.muli %while3A_59, %while3A_58 : i32
    %while3A_61 = arith.addi %while3A, %while3A_60 : i32
    %while3A_62 = arith.constant 1 : i32
    %while3A_63 = scf.for %while3A_77 = %while3A to %while3A_61 step %while3A_62 iter_args(%while3A_78 = %while3A_55) -> (i32)  : i32 {
      %mul3A_79 = arith.constant 2 : i32
      %mul3A_80 = arith.muli %while3A_77, %mul3A_79 : i32
      %add3A_81 = arith.constant 0 : i32
      %add3A_82 = arith.addi %mul3A_80, %add3A_81 : i32
      %dma_wait3A_83 = arith.constant 0 : i32
      %dma_wait3A_84 = arith.constant 0 : i32
      %dma_wait3A_85 = tpu.memref_slice %arg5[%dma_wait3A_83, %dma_wait3A_84] : memref<40x128xi32, #tpu.memory_space<vmem>> -> memref<1x128xi32, #tpu.memory_space<vmem>>
      %dma_wait3A_86 = tpu.memref_squeeze %dma_wait3A_85 : memref<1x128xi32, #tpu.memory_space<vmem>> -> memref<128xi32, #tpu.memory_space<vmem>>
      %dma_wait3A_87 = arith.constant 0 : i32
      %dma_wait3A_88 = arith.constant 0 : i32
      %dma_wait3A_89 = tpu.memref_slice %arg2[%dma_wait3A_87, %dma_wait3A_88] : memref<10000x16xf32, #tpu.memory_space<hbm>> -> memref<10000x16xf32, #tpu.memory_space<hbm>>
      tpu.wait_indirect_dma semaphore(%arg13 : memref<!tpu.dma_semaphore, #tpu.memory_space<semaphore_mem>>) src(%dma_wait3A_89 : memref<10000x16xf32, #tpu.memory_space<hbm>>) dst(%arg7 : memref<128x16xf32, #tpu.memory_space<vmem>>)
      %dma_wait3A_90 = arith.constant 0 : i32
      %dma_wait3A_91 = arith.constant 0 : i32
      %dma_wait3A_92 = tpu.memref_slice %arg6[%dma_wait3A_90, %dma_wait3A_91] : memref<40x128xi32, #tpu.memory_space<vmem>> -> memref<1x128xi32, #tpu.memory_space<vmem>>
      %dma_wait3A_93 = tpu.memref_squeeze %dma_wait3A_92 : memref<1x128xi32, #tpu.memory_space<vmem>> -> memref<128xi32, #tpu.memory_space<vmem>>
      %dma_wait3A_94 = arith.constant 0 : i32
      %dma_wait3A_95 = arith.constant 0 : i32
      %dma_wait3A_96 = tpu.memref_slice %arg2[%dma_wait3A_94, %dma_wait3A_95] : memref<10000x16xf32, #tpu.memory_space<hbm>> -> memref<10000x16xf32, #tpu.memory_space<hbm>>
      tpu.wait_indirect_dma semaphore(%arg15 : memref<!tpu.dma_semaphore, #tpu.memory_space<semaphore_mem>>) src(%dma_wait3A_96 : memref<10000x16xf32, #tpu.memory_space<hbm>>) dst(%arg9 : memref<128x16xf32, #tpu.memory_space<vmem>>)
      %gt3A = arith.constant 0 : i32
      %gt3A_97 = arith.cmpi sgt, %while3A_77, %gt3A : i32
      %convert_element_type3A_98 = arith.extui %gt3A_97 : i1 to i32
      %cond3A_99 = arith.constant 0 : i32
      %cond3A_100 = arith.cmpi ne, %convert_element_type3A_98, %cond3A_99 : i32
      scf.if %cond3A_100 {
        %dma_wait3A_1490 = arith.constant 0 : i32
        %dma_wait3A_1491 = arith.constant 0 : i32
        %dma_wait3A_1492 = tpu.memref_slice %arg4[%dma_wait3A_1490, %dma_wait3A_1491] : memref<10000x128xf32, #tpu.memory_space<hbm>> -> memref<8x128xf32, #tpu.memory_space<hbm>>
        %dma_wait3A_1493 = arith.constant 0 : i32
        %dma_wait3A_1494 = arith.constant 0 : i32
        %dma_wait3A_1495 = tpu.memref_slice %arg4[%dma_wait3A_1493, %dma_wait3A_1494] : memref<10000x128xf32, #tpu.memory_space<hbm>> -> memref<8x128xf32, #tpu.memory_space<hbm>>
        tpu.wait_dma2 semaphore(%arg17 : memref<!tpu.dma_semaphore, #tpu.memory_space<semaphore_mem>>) src(%arg11 : memref<8x128xf32, #tpu.memory_space<vmem>>) dst(%dma_wait3A_1495 : memref<8x128xf32, #tpu.memory_space<hbm>>)
      } else {
      }
      %broadcast_in_dim3A = arith.constant 0 : i32
      %broadcast_in_dim3A_101 = vector.broadcast %broadcast_in_dim3A : i32 to vector<16xi32>
      %broadcast_in_dim3A_102 = arith.constant 8 : i32
      %broadcast_in_dim3A_103 = vector.broadcast %broadcast_in_dim3A_102 : i32 to vector<16xi32>
      %add3A_104 = arith.constant 0 : i32
      %add3A_105 = vector.broadcast %add3A_104 : i32 to vector<16xi32>
      %add3A_106 = arith.addi %iota3A, %add3A_105 : vector<16xi32>
      %gather3A = tpu.vector_load_idx %arg7[%add3A_106, %broadcast_in_dim3A_101] : memref<128x16xf32, #tpu.memory_space<vmem>>[vector<16xi32>, vector<16xi32>], vector<16xf32>,
      %gather3A_107 = tpu.vector_load_idx %arg9[%add3A_106, %broadcast_in_dim3A_103] : memref<128x16xf32, #tpu.memory_space<vmem>>[vector<16xi32>, vector<16xi32>], vector<16xf32>,
      %add3A_108 = arith.addf %gather3A, %gather3A_107 : vector<16xf32>
      %swap3A = arith.constant 0 : i32
      %swap3A_109 = arith.index_cast %swap3A : i32 to index
      %swap3A_110 = arith.constant 0 : index
      %swap3A_111 = tpu.vector_load %arg11[%swap3A_109, %swap3A_110] {strides = array<i32>} : memref<8x128xf32, #tpu.memory_space<vmem>>, vector<16xf32>,
      tpu.vector_store %arg11[%swap3A_109, %swap3A_110], %add3A_108 {strides = array<i32>} : memref<8x128xf32, #tpu.memory_space<vmem>>, vector<16xf32>,
      %add3A_112 = arith.constant 16 : i32
      %add3A_113 = vector.broadcast %add3A_112 : i32 to vector<16xi32>
      %add3A_114 = arith.addi %iota3A, %add3A_113 : vector<16xi32>
      %gather3A_115 = tpu.vector_load_idx %arg7[%add3A_114, %broadcast_in_dim3A_101] : memref<128x16xf32, #tpu.memory_space<vmem>>[vector<16xi32>, vector<16xi32>], vector<16xf32>,
      %gather3A_116 = tpu.vector_load_idx %arg9[%add3A_114, %broadcast_in_dim3A_103] : memref<128x16xf32, #tpu.memory_space<vmem>>[vector<16xi32>, vector<16xi32>], vector<16xf32>,
      %add3A_117 = arith.addf %gather3A_115, %gather3A_116 : vector<16xf32>
      %swap3A_118 = arith.constant 0 : i32
      %swap3A_119 = arith.index_cast %swap3A_118 : i32 to index
      %swap3A_120 = arith.constant 16 : index
      %swap3A_121 = tpu.vector_load %arg11[%swap3A_119, %swap3A_120] {strides = array<i32>} : memref<8x128xf32, #tpu.memory_space<vmem>>, vector<16xf32>,
      tpu.vector_store %arg11[%swap3A_119, %swap3A_120], %add3A_117 {strides = array<i32>} : memref<8x128xf32, #tpu.memory_space<vmem>>, vector<16xf32>,
      %add3A_122 = arith.constant 32 : i32
      %add3A_123 = vector.broadcast %add3A_122 : i32 to vector<16xi32>
      %add3A_124 = arith.addi %iota3A, %add3A_123 : vector<16xi32>
      %gather3A_125 = tpu.vector_load_idx %arg7[%add3A_124, %broadcast_in_dim3A_101] : memref<128x16xf32, #tpu.memory_space<vmem>>[vector<16xi32>, vector<16xi32>], vector<16xf32>,
      %gather3A_126 = tpu.vector_load_idx %arg9[%add3A_124, %broadcast_in_dim3A_103] : memref<128x16xf32, #tpu.memory_space<vmem>>[vector<16xi32>, vector<16xi32>], vector<16xf32>,
      %add3A_127 = arith.addf %gather3A_125, %gather3A_126 : vector<16xf32>
      %swap3A_128 = arith.constant 0 : i32
      %swap3A_129 = arith.index_cast %swap3A_128 : i32 to index
      %swap3A_130 = arith.constant 32 : index
      %swap3A_131 = tpu.vector_load %arg11[%swap3A_129, %swap3A_130] {strides = array<i32>} : memref<8x128xf32, #tpu.memory_space<vmem>>, vector<16xf32>,
      tpu.vector_store %arg11[%swap3A_129, %swap3A_130], %add3A_127 {strides = array<i32>} : memref<8x128xf32, #tpu.memory_space<vmem>>, vector<16xf32>,
      %add3A_132 = arith.constant 48 : i32
      %add3A_133 = vector.broadcast %add3A_132 : i32 to vector<16xi32>
      %add3A_134 = arith.addi %iota3A, %add3A_133 : vector<16xi32>
      %gather3A_135 = tpu.vector_load_idx %arg7[%add3A_134, %broadcast_in_dim3A_101] : memref<128x16xf32, #tpu.memory_space<vmem>>[vector<16xi32>, vector<16xi32>], vector<16xf32>,
      %gather3A_136 = tpu.vector_load_idx %arg9[%add3A_134, %broadcast_in_dim3A_103] : memref<128x16xf32, #tpu.memory_space<vmem>>[vector<16xi32>, vector<16xi32>], vector<16xf32>,
      %add3A_137 = arith.addf %gather3A_135, %gather3A_136 : vector<16xf32>
      %swap3A_138 = arith.constant 0 : i32
      %swap3A_139 = arith.index_cast %swap3A_138 : i32 to index
      %swap3A_140 = arith.constant 48 : index
      %swap3A_141 = tpu.vector_load %arg11[%swap3A_139, %swap3A_140] {strides = array<i32>} : memref<8x128xf32, #tpu.memory_space<vmem>>, vector<16xf32>,
      tpu.vector_store %arg11[%swap3A_139, %swap3A_140], %add3A_137 {strides = array<i32>} : memref<8x128xf32, #tpu.memory_space<vmem>>, vector<16xf32>,
      %add3A_142 = arith.constant 64 : i32
      %add3A_143 = vector.broadcast %add3A_142 : i32 to vector<16xi32>
      %add3A_144 = arith.addi %iota3A, %add3A_143 : vector<16xi32>
      %gather3A_145 = tpu.vector_load_idx %arg7[%add3A_144, %broadcast_in_dim3A_101] : memref<128x16xf32, #tpu.memory_space<vmem>>[vector<16xi32>, vector<16xi32>], vector<16xf32>,
      %gather3A_146 = tpu.vector_load_idx %arg9[%add3A_144, %broadcast_in_dim3A_103] : memref<128x16xf32, #tpu.memory_space<vmem>>[vector<16xi32>, vector<16xi32>], vector<16xf32>,
      %add3A_147 = arith.addf %gather3A_145, %gather3A_146 : vector<16xf32>
      %swap3A_148 = arith.constant 0 : i32
      %swap3A_149 = arith.index_cast %swap3A_148 : i32 to index
      %swap3A_150 = arith.constant 64 : index
      %swap3A_151 = tpu.vector_load %arg11[%swap3A_149, %swap3A_150] {strides = array<i32>} : memref<8x128xf32, #tpu.memory_space<vmem>>, vector<16xf32>,
      tpu.vector_store %arg11[%swap3A_149, %swap3A_150], %add3A_147 {strides = array<i32>} : memref<8x128xf32, #tpu.memory_space<vmem>>, vector<16xf32>,
      %add3A_152 = arith.constant 80 : i32
      %add3A_153 = vector.broadcast %add3A_152 : i32 to vector<16xi32>
      %add3A_154 = arith.addi %iota3A, %add3A_153 : vector<16xi32>
      %gather3A_155 = tpu.vector_load_idx %arg7[%add3A_154, %broadcast_in_dim3A_101] : memref<128x16xf32, #tpu.memory_space<vmem>>[vector<16xi32>, vector<16xi32>], vector<16xf32>,
      %gather3A_156 = tpu.vector_load_idx %arg9[%add3A_154, %broadcast_in_dim3A_103] : memref<128x16xf32, #tpu.memory_space<vmem>>[vector<16xi32>, vector<16xi32>], vector<16xf32>,
      %add3A_157 = arith.addf %gather3A_155, %gather3A_156 : vector<16xf32>
      %swap3A_158 = arith.constant 0 : i32
      %swap3A_159 = arith.index_cast %swap3A_158 : i32 to index
      %swap3A_160 = arith.constant 80 : index
      %swap3A_161 = tpu.vector_load %arg11[%swap3A_159, %swap3A_160] {strides = array<i32>} : memref<8x128xf32, #tpu.memory_space<vmem>>, vector<16xf32>,
      tpu.vector_store %arg11[%swap3A_159, %swap3A_160], %add3A_157 {strides = array<i32>} : memref<8x128xf32, #tpu.memory_space<vmem>>, vector<16xf32>,
      %add3A_162 = arith.constant 96 : i32
      %add3A_163 = vector.broadcast %add3A_162 : i32 to vector<16xi32>
      %add3A_164 = arith.addi %iota3A, %add3A_163 : vector<16xi32>
      %gather3A_165 = tpu.vector_load_idx %arg7[%add3A_164, %broadcast_in_dim3A_101] : memref<128x16xf32, #tpu.memory_space<vmem>>[vector<16xi32>, vector<16xi32>], vector<16xf32>,
      %gather3A_166 = tpu.vector_load_idx %arg9[%add3A_164, %broadcast_in_dim3A_103] : memref<128x16xf32, #tpu.memory_space<vmem>>[vector<16xi32>, vector<16xi32>], vector<16xf32>,
      %add3A_167 = arith.addf %gather3A_165, %gather3A_166 : vector<16xf32>
      %swap3A_168 = arith.constant 0 : i32
      %swap3A_169 = arith.index_cast %swap3A_168 : i32 to index
      %swap3A_170 = arith.constant 96 : index
      %swap3A_171 = tpu.vector_load %arg11[%swap3A_169, %swap3A_170] {strides = array<i32>} : memref<8x128xf32, #tpu.memory_space<vmem>>, vector<16xf32>,
      tpu.vector_store %arg11[%swap3A_169, %swap3A_170], %add3A_167 {strides = array<i32>} : memref<8x128xf32, #tpu.memory_space<vmem>>, vector<16xf32>,
      %add3A_172 = arith.constant 112 : i32
      %add3A_173 = vector.broadcast %add3A_172 : i32 to vector<16xi32>
      %add3A_174 = arith.addi %iota3A, %add3A_173 : vector<16xi32>
      %gather3A_175 = tpu.vector_load_idx %arg7[%add3A_174, %broadcast_in_dim3A_101] : memref<128x16xf32, #tpu.memory_space<vmem>>[vector<16xi32>, vector<16xi32>], vector<16xf32>,
      %gather3A_176 = tpu.vector_load_idx %arg9[%add3A_174, %broadcast_in_dim3A_103] : memref<128x16xf32, #tpu.memory_space<vmem>>[vector<16xi32>, vector<16xi32>], vector<16xf32>,
      %add3A_177 = arith.addf %gather3A_175, %gather3A_176 : vector<16xf32>
      %swap3A_178 = arith.constant 0 : i32
      %swap3A_179 = arith.index_cast %swap3A_178 : i32 to index
      %swap3A_180 = arith.constant 112 : index
      %swap3A_181 = tpu.vector_load %arg11[%swap3A_179, %swap3A_180] {strides = array<i32>} : memref<8x128xf32, #tpu.memory_space<vmem>>, vector<16xf32>,
      tpu.vector_store %arg11[%swap3A_179, %swap3A_180], %add3A_177 {strides = array<i32>} : memref<8x128xf32, #tpu.memory_space<vmem>>, vector<16xf32>,
      %broadcast_in_dim3A_182 = arith.constant 1 : i32
      %broadcast_in_dim3A_183 = vector.broadcast %broadcast_in_dim3A_182 : i32 to vector<16xi32>
      %broadcast_in_dim3A_184 = arith.constant 9 : i32
      %broadcast_in_dim3A_185 = vector.broadcast %broadcast_in_dim3A_184 : i32 to vector<16xi32>
      %add3A_186 = arith.constant 0 : i32
      %add3A_187 = vector.broadcast %add3A_186 : i32 to vector<16xi32>
      %add3A_188 = arith.addi %iota3A, %add3A_187 : vector<16xi32>
      %gather3A_189 = tpu.vector_load_idx %arg7[%add3A_188, %broadcast_in_dim3A_183] : memref<128x16xf32, #tpu.memory_space<vmem>>[vector<16xi32>, vector<16xi32>], vector<16xf32>,
      %gather3A_190 = tpu.vector_load_idx %arg9[%add3A_188, %broadcast_in_dim3A_185] : memref<128x16xf32, #tpu.memory_space<vmem>>[vector<16xi32>, vector<16xi32>], vector<16xf32>,
      %add3A_191 = arith.addf %gather3A_189, %gather3A_190 : vector<16xf32>
      %swap3A_192 = arith.constant 1 : i32
      %swap3A_193 = arith.index_cast %swap3A_192 : i32 to index
      %swap3A_194 = arith.constant 0 : index
      %swap3A_195 = tpu.vector_load %arg11[%swap3A_193, %swap3A_194] {strides = array<i32>} : memref<8x128xf32, #tpu.memory_space<vmem>>, vector<16xf32>,
      tpu.vector_store %arg11[%swap3A_193, %swap3A_194], %add3A_191 {strides = array<i32>} : memref<8x128xf32, #tpu.memory_space<vmem>>, vector<16xf32>,
      %add3A_196 = arith.constant 16 : i32
      %add3A_197 = vector.broadcast %add3A_196 : i32 to vector<16xi32>
      %add3A_198 = arith.addi %iota3A, %add3A_197 : vector<16xi32>
      %gather3A_199 = tpu.vector_load_idx %arg7[%add3A_198, %broadcast_in_dim3A_183] : memref<128x16xf32, #tpu.memory_space<vmem>>[vector<16xi32>, vector<16xi32>], vector<16xf32>,
      %gather3A_200 = tpu.vector_load_idx %arg9[%add3A_198, %broadcast_in_dim3A_185] : memref<128x16xf32, #tpu.memory_space<vmem>>[vector<16xi32>, vector<16xi32>], vector<16xf32>,
      %add3A_201 = arith.addf %gather3A_199, %gather3A_200 : vector<16xf32>
      %swap3A_202 = arith.constant 1 : i32
      %swap3A_203 = arith.index_cast %swap3A_202 : i32 to index
      %swap3A_204 = arith.constant 16 : index
      %swap3A_205 = tpu.vector_load %arg11[%swap3A_203, %swap3A_204] {strides = array<i32>} : memref<8x128xf32, #tpu.memory_space<vmem>>, vector<16xf32>,
      tpu.vector_store %arg11[%swap3A_203, %swap3A_204], %add3A_201 {strides = array<i32>} : memref<8x128xf32, #tpu.memory_space<vmem>>, vector<16xf32>,
      %add3A_206 = arith.constant 32 : i32
      %add3A_207 = vector.broadcast %add3A_206 : i32 to vector<16xi32>
      %add3A_208 = arith.addi %iota3A, %add3A_207 : vector<16xi32>
      %gather3A_209 = tpu.vector_load_idx %arg7[%add3A_208, %broadcast_in_dim3A_183] : memref<128x16xf32, #tpu.memory_space<vmem>>[vector<16xi32>, vector<16xi32>], vector<16xf32>,
      %gather3A_210 = tpu.vector_load_idx %arg9[%add3A_208, %broadcast_in_dim3A_185] : memref<128x16xf32, #tpu.memory_space<vmem>>[vector<16xi32>, vector<16xi32>], vector<16xf32>,
      %add3A_211 = arith.addf %gather3A_209, %gather3A_210 : vector<16xf32>
      %swap3A_212 = arith.constant 1 : i32
      %swap3A_213 = arith.index_cast %swap3A_212 : i32 to index
      %swap3A_214 = arith.constant 32 : index
      %swap3A_215 = tpu.vector_load %arg11[%swap3A_213, %swap3A_214] {strides = array<i32>} : memref<8x128xf32, #tpu.memory_space<vmem>>, vector<16xf32>,
      tpu.vector_store %arg11[%swap3A_213, %swap3A_214], %add3A_211 {strides = array<i32>} : memref<8x128xf32, #tpu.memory_space<vmem>>, vector<16xf32>,
      %add3A_216 = arith.constant 48 : i32
      %add3A_217 = vector.broadcast %add3A_216 : i32 to vector<16xi32>
      %add3A_218 = arith.addi %iota3A, %add3A_217 : vector<16xi32>
      %gather3A_219 = tpu.vector_load_idx %arg7[%add3A_218, %broadcast_in_dim3A_183] : memref<128x16xf32, #tpu.memory_space<vmem>>[vector<16xi32>, vector<16xi32>], vector<16xf32>,
      %gather3A_220 = tpu.vector_load_idx %arg9[%add3A_218, %broadcast_in_dim3A_185] : memref<128x16xf32, #tpu.memory_space<vmem>>[vector<16xi32>, vector<16xi32>], vector<16xf32>,
      %add3A_221 = arith.addf %gather3A_219, %gather3A_220 : vector<16xf32>
      %swap3A_222 = arith.constant 1 : i32
      %swap3A_223 = arith.index_cast %swap3A_222 : i32 to index
      %swap3A_224 = arith.constant 48 : index
      %swap3A_225 = tpu.vector_load %arg11[%swap3A_223, %swap3A_224] {strides = array<i32>} : memref<8x128xf32, #tpu.memory_space<vmem>>, vector<16xf32>,
      tpu.vector_store %arg11[%swap3A_223, %swap3A_224], %add3A_221 {strides = array<i32>} : memref<8x128xf32, #tpu.memory_space<vmem>>, vector<16xf32>,
      %add3A_226 = arith.constant 64 : i32
      %add3A_227 = vector.broadcast %add3A_226 : i32 to vector<16xi32>
      %add3A_228 = arith.addi %iota3A, %add3A_227 : vector<16xi32>
      %gather3A_229 = tpu.vector_load_idx %arg7[%add3A_228, %broadcast_in_dim3A_183] : memref<128x16xf32, #tpu.memory_space<vmem>>[vector<16xi32>, vector<16xi32>], vector<16xf32>,
      %gather3A_230 = tpu.vector_load_idx %arg9[%add3A_228, %broadcast_in_dim3A_185] : memref<128x16xf32, #tpu.memory_space<vmem>>[vector<16xi32>, vector<16xi32>], vector<16xf32>,
      %add3A_231 = arith.addf %gather3A_229, %gather3A_230 : vector<16xf32>
      %swap3A_232 = arith.constant 1 : i32
      %swap3A_233 = arith.index_cast %swap3A_232 : i32 to index
      %swap3A_234 = arith.constant 64 : index
      %swap3A_235 = tpu.vector_load %arg11[%swap3A_233, %swap3A_234] {strides = array<i32>} : memref<8x128xf32, #tpu.memory_space<vmem>>, vector<16xf32>,
      tpu.vector_store %arg11[%swap3A_233, %swap3A_234], %add3A_231 {strides = array<i32>} : memref<8x128xf32, #tpu.memory_space<vmem>>, vector<16xf32>,
      %add3A_236 = arith.constant 80 : i32
      %add3A_237 = vector.broadcast %add3A_236 : i32 to vector<16xi32>
      %add3A_238 = arith.addi %iota3A, %add3A_237 : vector<16xi32>
      %gather3A_239 = tpu.vector_load_idx %arg7[%add3A_238, %broadcast_in_dim3A_183] : memref<128x16xf32, #tpu.memory_space<vmem>>[vector<16xi32>, vector<16xi32>], vector<16xf32>,
      %gather3A_240 = tpu.vector_load_idx %arg9[%add3A_238, %broadcast_in_dim3A_185] : memref<128x16xf32, #tpu.memory_space<vmem>>[vector<16xi32>, vector<16xi32>], vector<16xf32>,
      %add3A_241 = arith.addf %gather3A_239, %gather3A_240 : vector<16xf32>
      %swap3A_242 = arith.constant 1 : i32
      %swap3A_243 = arith.index_cast %swap3A_242 : i32 to index
      %swap3A_244 = arith.constant 80 : index
      %swap3A_245 = tpu.vector_load %arg11[%swap3A_243, %swap3A_244] {strides = array<i32>} : memref<8x128xf32, #tpu.memory_space<vmem>>, vector<16xf32>,
      tpu.vector_store %arg11[%swap3A_243, %swap3A_244], %add3A_241 {strides = array<i32>} : memref<8x128xf32, #tpu.memory_space<vmem>>, vector<16xf32>,
      %add3A_246 = arith.constant 96 : i32
      %add3A_247 = vector.broadcast %add3A_246 : i32 to vector<16xi32>
      %add3A_248 = arith.addi %iota3A, %add3A_247 : vector<16xi32>
      %gather3A_249 = tpu.vector_load_idx %arg7[%add3A_248, %broadcast_in_dim3A_183] : memref<128x16xf32, #tpu.memory_space<vmem>>[vector<16xi32>, vector<16xi32>], vector<16xf32>,
      %gather3A_250 = tpu.vector_load_idx %arg9[%add3A_248, %broadcast_in_dim3A_185] : memref<128x16xf32, #tpu.memory_space<vmem>>[vector<16xi32>, vector<16xi32>], vector<16xf32>,
      %add3A_251 = arith.addf %gather3A_249, %gather3A_250 : vector<16xf32>
      %swap3A_252 = arith.constant 1 : i32
      %swap3A_253 = arith.index_cast %swap3A_252 : i32 to index
      %swap3A_254 = arith.constant 96 : index
      %swap3A_255 = tpu.vector_load %arg11[%swap3A_253, %swap3A_254] {strides = array<i32>} : memref<8x128xf32, #tpu.memory_space<vmem>>, vector<16xf32>,
      tpu.vector_store %arg11[%swap3A_253, %swap3A_254], %add3A_251 {strides = array<i32>} : memref<8x128xf32, #tpu.memory_space<vmem>>, vector<16xf32>,
      %add3A_256 = arith.constant 112 : i32
      %add3A_257 = vector.broadcast %add3A_256 : i32 to vector<16xi32>
      %add3A_258 = arith.addi %iota3A, %add3A_257 : vector<16xi32>
      %gather3A_259 = tpu.vector_load_idx %arg7[%add3A_258, %broadcast_in_dim3A_183] : memref<128x16xf32, #tpu.memory_space<vmem>>[vector<16xi32>, vector<16xi32>], vector<16xf32>,
      %gather3A_260 = tpu.vector_load_idx %arg9[%add3A_258, %broadcast_in_dim3A_185] : memref<128x16xf32, #tpu.memory_space<vmem>>[vector<16xi32>, vector<16xi32>], vector<16xf32>,
      %add3A_261 = arith.addf %gather3A_259, %gather3A_260 : vector<16xf32>
      %swap3A_262 = arith.constant 1 : i32
      %swap3A_263 = arith.index_cast %swap3A_262 : i32 to index
      %swap3A_264 = arith.constant 112 : index
      %swap3A_265 = tpu.vector_load %arg11[%swap3A_263, %swap3A_264] {strides = array<i32>} : memref<8x128xf32, #tpu.memory_space<vmem>>, vector<16xf32>,
      tpu.vector_store %arg11[%swap3A_263, %swap3A_264], %add3A_261 {strides = array<i32>} : memref<8x128xf32, #tpu.memory_space<vmem>>, vector<16xf32>,
      %broadcast_in_dim3A_266 = arith.constant 2 : i32
      %broadcast_in_dim3A_267 = vector.broadcast %broadcast_in_dim3A_266 : i32 to vector<16xi32>
      %broadcast_in_dim3A_268 = arith.constant 10 : i32
      %broadcast_in_dim3A_269 = vector.broadcast %broadcast_in_dim3A_268 : i32 to vector<16xi32>
      %add3A_270 = arith.constant 0 : i32
      %add3A_271 = vector.broadcast %add3A_270 : i32 to vector<16xi32>
      %add3A_272 = arith.addi %iota3A, %add3A_271 : vector<16xi32>
      %gather3A_273 = tpu.vector_load_idx %arg7[%add3A_272, %broadcast_in_dim3A_267] : memref<128x16xf32, #tpu.memory_space<vmem>>[vector<16xi32>, vector<16xi32>], vector<16xf32>,
      %gather3A_274 = tpu.vector_load_idx %arg9[%add3A_272, %broadcast_in_dim3A_269] : memref<128x16xf32, #tpu.memory_space<vmem>>[vector<16xi32>, vector<16xi32>], vector<16xf32>,
      %add3A_275 = arith.addf %gather3A_273, %gather3A_274 : vector<16xf32>
      %swap3A_276 = arith.constant 2 : i32
      %swap3A_277 = arith.index_cast %swap3A_276 : i32 to index
      %swap3A_278 = arith.constant 0 : index
      %swap3A_279 = tpu.vector_load %arg11[%swap3A_277, %swap3A_278] {strides = array<i32>} : memref<8x128xf32, #tpu.memory_space<vmem>>, vector<16xf32>,
      tpu.vector_store %arg11[%swap3A_277, %swap3A_278], %add3A_275 {strides = array<i32>} : memref<8x128xf32, #tpu.memory_space<vmem>>, vector<16xf32>,
      %add3A_280 = arith.constant 16 : i32
      %add3A_281 = vector.broadcast %add3A_280 : i32 to vector<16xi32>
      %add3A_282 = arith.addi %iota3A, %add3A_281 : vector<16xi32>
      %gather3A_283 = tpu.vector_load_idx %arg7[%add3A_282, %broadcast_in_dim3A_267] : memref<128x16xf32, #tpu.memory_space<vmem>>[vector<16xi32>, vector<16xi32>], vector<16xf32>,
      %gather3A_284 = tpu.vector_load_idx %arg9[%add3A_282, %broadcast_in_dim3A_269] : memref<128x16xf32, #tpu.memory_space<vmem>>[vector<16xi32>, vector<16xi32>], vector<16xf32>,
      %add3A_285 = arith.addf %gather3A_283, %gather3A_284 : vector<16xf32>
      %swap3A_286 = arith.constant 2 : i32
      %swap3A_287 = arith.index_cast %swap3A_286 : i32 to index
      %swap3A_288 = arith.constant 16 : index
      %swap3A_289 = tpu.vector_load %arg11[%swap3A_287, %swap3A_288] {strides = array<i32>} : memref<8x128xf32, #tpu.memory_space<vmem>>, vector<16xf32>,
      tpu.vector_store %arg11[%swap3A_287, %swap3A_288], %add3A_285 {strides = array<i32>} : memref<8x128xf32, #tpu.memory_space<vmem>>, vector<16xf32>,
      %add3A_290 = arith.constant 32 : i32
      %add3A_291 = vector.broadcast %add3A_290 : i32 to vector<16xi32>
      %add3A_292 = arith.addi %iota3A, %add3A_291 : vector<16xi32>
      %gather3A_293 = tpu.vector_load_idx %arg7[%add3A_292, %broadcast_in_dim3A_267] : memref<128x16xf32, #tpu.memory_space<vmem>>[vector<16xi32>, vector<16xi32>], vector<16xf32>,
      %gather3A_294 = tpu.vector_load_idx %arg9[%add3A_292, %broadcast_in_dim3A_269] : memref<128x16xf32, #tpu.memory_space<vmem>>[vector<16xi32>, vector<16xi32>], vector<16xf32>,
      %add3A_295 = arith.addf %gather3A_293, %gather3A_294 : vector<16xf32>
      %swap3A_296 = arith.constant 2 : i32
      %swap3A_297 = arith.index_cast %swap3A_296 : i32 to index
      %swap3A_298 = arith.constant 32 : index
      %swap3A_299 = tpu.vector_load %arg11[%swap3A_297, %swap3A_298] {strides = array<i32>} : memref<8x128xf32, #tpu.memory_space<vmem>>, vector<16xf32>,
      tpu.vector_store %arg11[%swap3A_297, %swap3A_298], %add3A_295 {strides = array<i32>} : memref<8x128xf32, #tpu.memory_space<vmem>>, vector<16xf32>,
      %add3A_300 = arith.constant 48 : i32
      %add3A_301 = vector.broadcast %add3A_300 : i32 to vector<16xi32>
      %add3A_302 = arith.addi %iota3A, %add3A_301 : vector<16xi32>
      %gather3A_303 = tpu.vector_load_idx %arg7[%add3A_302, %broadcast_in_dim3A_267] : memref<128x16xf32, #tpu.memory_space<vmem>>[vector<16xi32>, vector<16xi32>], vector<16xf32>,
      %gather3A_304 = tpu.vector_load_idx %arg9[%add3A_302, %broadcast_in_dim3A_269] : memref<128x16xf32, #tpu.memory_space<vmem>>[vector<16xi32>, vector<16xi32>], vector<16xf32>,
      %add3A_305 = arith.addf %gather3A_303, %gather3A_304 : vector<16xf32>
      %swap3A_306 = arith.constant 2 : i32
      %swap3A_307 = arith.index_cast %swap3A_306 : i32 to index
      %swap3A_308 = arith.constant 48 : index
      %swap3A_309 = tpu.vector_load %arg11[%swap3A_307, %swap3A_308] {strides = array<i32>} : memref<8x128xf32, #tpu.memory_space<vmem>>, vector<16xf32>,
      tpu.vector_store %arg11[%swap3A_307, %swap3A_308], %add3A_305 {strides = array<i32>} : memref<8x128xf32, #tpu.memory_space<vmem>>, vector<16xf32>,
      %add3A_310 = arith.constant 64 : i32
      %add3A_311 = vector.broadcast %add3A_310 : i32 to vector<16xi32>
      %add3A_312 = arith.addi %iota3A, %add3A_311 : vector<16xi32>
      %gather3A_313 = tpu.vector_load_idx %arg7[%add3A_312, %broadcast_in_dim3A_267] : memref<128x16xf32, #tpu.memory_space<vmem>>[vector<16xi32>, vector<16xi32>], vector<16xf32>,
      %gather3A_314 = tpu.vector_load_idx %arg9[%add3A_312, %broadcast_in_dim3A_269] : memref<128x16xf32, #tpu.memory_space<vmem>>[vector<16xi32>, vector<16xi32>], vector<16xf32>,
      %add3A_315 = arith.addf %gather3A_313, %gather3A_314 : vector<16xf32>
      %swap3A_316 = arith.constant 2 : i32
      %swap3A_317 = arith.index_cast %swap3A_316 : i32 to index
      %swap3A_318 = arith.constant 64 : index
      %swap3A_319 = tpu.vector_load %arg11[%swap3A_317, %swap3A_318] {strides = array<i32>} : memref<8x128xf32, #tpu.memory_space<vmem>>, vector<16xf32>,
      tpu.vector_store %arg11[%swap3A_317, %swap3A_318], %add3A_315 {strides = array<i32>} : memref<8x128xf32, #tpu.memory_space<vmem>>, vector<16xf32>,
      %add3A_320 = arith.constant 80 : i32
      %add3A_321 = vector.broadcast %add3A_320 : i32 to vector<16xi32>
      %add3A_322 = arith.addi %iota3A, %add3A_321 : vector<16xi32>
      %gather3A_323 = tpu.vector_load_idx %arg7[%add3A_322, %broadcast_in_dim3A_267] : memref<128x16xf32, #tpu.memory_space<vmem>>[vector<16xi32>, vector<16xi32>], vector<16xf32>,
      %gather3A_324 = tpu.vector_load_idx %arg9[%add3A_322, %broadcast_in_dim3A_269] : memref<128x16xf32, #tpu.memory_space<vmem>>[vector<16xi32>, vector<16xi32>], vector<16xf32>,
      %add3A_325 = arith.addf %gather3A_323, %gather3A_324 : vector<16xf32>
      %swap3A_326 = arith.constant 2 : i32
      %swap3A_327 = arith.index_cast %swap3A_326 : i32 to index
      %swap3A_328 = arith.constant 80 : index
      %swap3A_329 = tpu.vector_load %arg11[%swap3A_327, %swap3A_328] {strides = array<i32>} : memref<8x128xf32, #tpu.memory_space<vmem>>, vector<16xf32>,
      tpu.vector_store %arg11[%swap3A_327, %swap3A_328], %add3A_325 {strides = array<i32>} : memref<8x128xf32, #tpu.memory_space<vmem>>, vector<16xf32>,
      %add3A_330 = arith.constant 96 : i32
      %add3A_331 = vector.broadcast %add3A_330 : i32 to vector<16xi32>
      %add3A_332 = arith.addi %iota3A, %add3A_331 : vector<16xi32>
      %gather3A_333 = tpu.vector_load_idx %arg7[%add3A_332, %broadcast_in_dim3A_267] : memref<128x16xf32, #tpu.memory_space<vmem>>[vector<16xi32>, vector<16xi32>], vector<16xf32>,
      %gather3A_334 = tpu.vector_load_idx %arg9[%add3A_332, %broadcast_in_dim3A_269] : memref<128x16xf32, #tpu.memory_space<vmem>>[vector<16xi32>, vector<16xi32>], vector<16xf32>,
      %add3A_335 = arith.addf %gather3A_333, %gather3A_334 : vector<16xf32>
      %swap3A_336 = arith.constant 2 : i32
      %swap3A_337 = arith.index_cast %swap3A_336 : i32 to index
      %swap3A_338 = arith.constant 96 : index
      %swap3A_339 = tpu.vector_load %arg11[%swap3A_337, %swap3A_338] {strides = array<i32>} : memref<8x128xf32, #tpu.memory_space<vmem>>, vector<16xf32>,
      tpu.vector_store %arg11[%swap3A_337, %swap3A_338], %add3A_335 {strides = array<i32>} : memref<8x128xf32, #tpu.memory_space<vmem>>, vector<16xf32>,
      %add3A_340 = arith.constant 112 : i32
      %add3A_341 = vector.broadcast %add3A_340 : i32 to vector<16xi32>
      %add3A_342 = arith.addi %iota3A, %add3A_341 : vector<16xi32>
      %gather3A_343 = tpu.vector_load_idx %arg7[%add3A_342, %broadcast_in_dim3A_267] : memref<128x16xf32, #tpu.memory_space<vmem>>[vector<16xi32>, vector<16xi32>], vector<16xf32>,
      %gather3A_344 = tpu.vector_load_idx %arg9[%add3A_342, %broadcast_in_dim3A_269] : memref<128x16xf32, #tpu.memory_space<vmem>>[vector<16xi32>, vector<16xi32>], vector<16xf32>,
      %add3A_345 = arith.addf %gather3A_343, %gather3A_344 : vector<16xf32>
      %swap3A_346 = arith.constant 2 : i32
      %swap3A_347 = arith.index_cast %swap3A_346 : i32 to index
      %swap3A_348 = arith.constant 112 : index
      %swap3A_349 = tpu.vector_load %arg11[%swap3A_347, %swap3A_348] {strides = array<i32>} : memref<8x128xf32, #tpu.memory_space<vmem>>, vector<16xf32>,
      tpu.vector_store %arg11[%swap3A_347, %swap3A_348], %add3A_345 {strides = array<i32>} : memref<8x128xf32, #tpu.memory_space<vmem>>, vector<16xf32>,
      %broadcast_in_dim3A_350 = arith.constant 3 : i32
      %broadcast_in_dim3A_351 = vector.broadcast %broadcast_in_dim3A_350 : i32 to vector<16xi32>
      %broadcast_in_dim3A_352 = arith.constant 11 : i32
      %broadcast_in_dim3A_353 = vector.broadcast %broadcast_in_dim3A_352 : i32 to vector<16xi32>
      %add3A_354 = arith.constant 0 : i32
      %add3A_355 = vector.broadcast %add3A_354 : i32 to vector<16xi32>
      %add3A_356 = arith.addi %iota3A, %add3A_355 : vector<16xi32>
      %gather3A_357 = tpu.vector_load_idx %arg7[%add3A_356, %broadcast_in_dim3A_351] : memref<128x16xf32, #tpu.memory_space<vmem>>[vector<16xi32>, vector<16xi32>], vector<16xf32>,
      %gather3A_358 = tpu.vector_load_idx %arg9[%add3A_356, %broadcast_in_dim3A_353] : memref<128x16xf32, #tpu.memory_space<vmem>>[vector<16xi32>, vector<16xi32>], vector<16xf32>,
      %add3A_359 = arith.addf %gather3A_357, %gather3A_358 : vector<16xf32>
      %swap3A_360 = arith.constant 3 : i32
      %swap3A_361 = arith.index_cast %swap3A_360 : i32 to index
      %swap3A_362 = arith.constant 0 : index
      %swap3A_363 = tpu.vector_load %arg11[%swap3A_361, %swap3A_362] {strides = array<i32>} : memref<8x128xf32, #tpu.memory_space<vmem>>, vector<16xf32>,
      tpu.vector_store %arg11[%swap3A_361, %swap3A_362], %add3A_359 {strides = array<i32>} : memref<8x128xf32, #tpu.memory_space<vmem>>, vector<16xf32>,
      %add3A_364 = arith.constant 16 : i32
      %add3A_365 = vector.broadcast %add3A_364 : i32 to vector<16xi32>
      %add3A_366 = arith.addi %iota3A, %add3A_365 : vector<16xi32>
      %gather3A_367 = tpu.vector_load_idx %arg7[%add3A_366, %broadcast_in_dim3A_351] : memref<128x16xf32, #tpu.memory_space<vmem>>[vector<16xi32>, vector<16xi32>], vector<16xf32>,
      %gather3A_368 = tpu.vector_load_idx %arg9[%add3A_366, %broadcast_in_dim3A_353] : memref<128x16xf32, #tpu.memory_space<vmem>>[vector<16xi32>, vector<16xi32>], vector<16xf32>,
      %add3A_369 = arith.addf %gather3A_367, %gather3A_368 : vector<16xf32>
      %swap3A_370 = arith.constant 3 : i32
      %swap3A_371 = arith.index_cast %swap3A_370 : i32 to index
      %swap3A_372 = arith.constant 16 : index
      %swap3A_373 = tpu.vector_load %arg11[%swap3A_371, %swap3A_372] {strides = array<i32>} : memref<8x128xf32, #tpu.memory_space<vmem>>, vector<16xf32>,
      tpu.vector_store %arg11[%swap3A_371, %swap3A_372], %add3A_369 {strides = array<i32>} : memref<8x128xf32, #tpu.memory_space<vmem>>, vector<16xf32>,
      %add3A_374 = arith.constant 32 : i32
      %add3A_375 = vector.broadcast %add3A_374 : i32 to vector<16xi32>
      %add3A_376 = arith.addi %iota3A, %add3A_375 : vector<16xi32>
      %gather3A_377 = tpu.vector_load_idx %arg7[%add3A_376, %broadcast_in_dim3A_351] : memref<128x16xf32, #tpu.memory_space<vmem>>[vector<16xi32>, vector<16xi32>], vector<16xf32>,
      %gather3A_378 = tpu.vector_load_idx %arg9[%add3A_376, %broadcast_in_dim3A_353] : memref<128x16xf32, #tpu.memory_space<vmem>>[vector<16xi32>, vector<16xi32>], vector<16xf32>,
      %add3A_379 = arith.addf %gather3A_377, %gather3A_378 : vector<16xf32>
      %swap3A_380 = arith.constant 3 : i32
      %swap3A_381 = arith.index_cast %swap3A_380 : i32 to index
      %swap3A_382 = arith.constant 32 : index
      %swap3A_383 = tpu.vector_load %arg11[%swap3A_381, %swap3A_382] {strides = array<i32>} : memref<8x128xf32, #tpu.memory_space<vmem>>, vector<16xf32>,
      tpu.vector_store %arg11[%swap3A_381, %swap3A_382], %add3A_379 {strides = array<i32>} : memref<8x128xf32, #tpu.memory_space<vmem>>, vector<16xf32>,
      %add3A_384 = arith.constant 48 : i32
      %add3A_385 = vector.broadcast %add3A_384 : i32 to vector<16xi32>
      %add3A_386 = arith.addi %iota3A, %add3A_385 : vector<16xi32>
      %gather3A_387 = tpu.vector_load_idx %arg7[%add3A_386, %broadcast_in_dim3A_351] : memref<128x16xf32, #tpu.memory_space<vmem>>[vector<16xi32>, vector<16xi32>], vector<16xf32>,
      %gather3A_388 = tpu.vector_load_idx %arg9[%add3A_386, %broadcast_in_dim3A_353] : memref<128x16xf32, #tpu.memory_space<vmem>>[vector<16xi32>, vector<16xi32>], vector<16xf32>,
      %add3A_389 = arith.addf %gather3A_387, %gather3A_388 : vector<16xf32>
      %swap3A_390 = arith.constant 3 : i32
      %swap3A_391 = arith.index_cast %swap3A_390 : i32 to index
      %swap3A_392 = arith.constant 48 : index
      %swap3A_393 = tpu.vector_load %arg11[%swap3A_391, %swap3A_392] {strides = array<i32>} : memref<8x128xf32, #tpu.memory_space<vmem>>, vector<16xf32>,
      tpu.vector_store %arg11[%swap3A_391, %swap3A_392], %add3A_389 {strides = array<i32>} : memref<8x128xf32, #tpu.memory_space<vmem>>, vector<16xf32>,
      %add3A_394 = arith.constant 64 : i32
      %add3A_395 = vector.broadcast %add3A_394 : i32 to vector<16xi32>
      %add3A_396 = arith.addi %iota3A, %add3A_395 : vector<16xi32>
      %gather3A_397 = tpu.vector_load_idx %arg7[%add3A_396, %broadcast_in_dim3A_351] : memref<128x16xf32, #tpu.memory_space<vmem>>[vector<16xi32>, vector<16xi32>], vector<16xf32>,
      %gather3A_398 = tpu.vector_load_idx %arg9[%add3A_396, %broadcast_in_dim3A_353] : memref<128x16xf32, #tpu.memory_space<vmem>>[vector<16xi32>, vector<16xi32>], vector<16xf32>,
      %add3A_399 = arith.addf %gather3A_397, %gather3A_398 : vector<16xf32>
      %swap3A_400 = arith.constant 3 : i32
      %swap3A_401 = arith.index_cast %swap3A_400 : i32 to index
      %swap3A_402 = arith.constant 64 : index
      %swap3A_403 = tpu.vector_load %arg11[%swap3A_401, %swap3A_402] {strides = array<i32>} : memref<8x128xf32, #tpu.memory_space<vmem>>, vector<16xf32>,
      tpu.vector_store %arg11[%swap3A_401, %swap3A_402], %add3A_399 {strides = array<i32>} : memref<8x128xf32, #tpu.memory_space<vmem>>, vector<16xf32>,
      %add3A_404 = arith.constant 80 : i32
      %add3A_405 = vector.broadcast %add3A_404 : i32 to vector<16xi32>
      %add3A_406 = arith.addi %iota3A, %add3A_405 : vector<16xi32>
      %gather3A_407 = tpu.vector_load_idx %arg7[%add3A_406, %broadcast_in_dim3A_351] : memref<128x16xf32, #tpu.memory_space<vmem>>[vector<16xi32>, vector<16xi32>], vector<16xf32>,
      %gather3A_408 = tpu.vector_load_idx %arg9[%add3A_406, %broadcast_in_dim3A_353] : memref<128x16xf32, #tpu.memory_space<vmem>>[vector<16xi32>, vector<16xi32>], vector<16xf32>,
      %add3A_409 = arith.addf %gather3A_407, %gather3A_408 : vector<16xf32>
      %swap3A_410 = arith.constant 3 : i32
      %swap3A_411 = arith.index_cast %swap3A_410 : i32 to index
      %swap3A_412 = arith.constant 80 : index
      %swap3A_413 = tpu.vector_load %arg11[%swap3A_411, %swap3A_412] {strides = array<i32>} : memref<8x128xf32, #tpu.memory_space<vmem>>, vector<16xf32>,
      tpu.vector_store %arg11[%swap3A_411, %swap3A_412], %add3A_409 {strides = array<i32>} : memref<8x128xf32, #tpu.memory_space<vmem>>, vector<16xf32>,
      %add3A_414 = arith.constant 96 : i32
      %add3A_415 = vector.broadcast %add3A_414 : i32 to vector<16xi32>
      %add3A_416 = arith.addi %iota3A, %add3A_415 : vector<16xi32>
      %gather3A_417 = tpu.vector_load_idx %arg7[%add3A_416, %broadcast_in_dim3A_351] : memref<128x16xf32, #tpu.memory_space<vmem>>[vector<16xi32>, vector<16xi32>], vector<16xf32>,
      %gather3A_418 = tpu.vector_load_idx %arg9[%add3A_416, %broadcast_in_dim3A_353] : memref<128x16xf32, #tpu.memory_space<vmem>>[vector<16xi32>, vector<16xi32>], vector<16xf32>,
      %add3A_419 = arith.addf %gather3A_417, %gather3A_418 : vector<16xf32>
      %swap3A_420 = arith.constant 3 : i32
      %swap3A_421 = arith.index_cast %swap3A_420 : i32 to index
      %swap3A_422 = arith.constant 96 : index
      %swap3A_423 = tpu.vector_load %arg11[%swap3A_421, %swap3A_422] {strides = array<i32>} : memref<8x128xf32, #tpu.memory_space<vmem>>, vector<16xf32>,
      tpu.vector_store %arg11[%swap3A_421, %swap3A_422], %add3A_419 {strides = array<i32>} : memref<8x128xf32, #tpu.memory_space<vmem>>, vector<16xf32>,
      %add3A_424 = arith.constant 112 : i32
      %add3A_425 = vector.broadcast %add3A_424 : i32 to vector<16xi32>
      %add3A_426 = arith.addi %iota3A, %add3A_425 : vector<16xi32>
      %gather3A_427 = tpu.vector_load_idx %arg7[%add3A_426, %broadcast_in_dim3A_351] : memref<128x16xf32, #tpu.memory_space<vmem>>[vector<16xi32>, vector<16xi32>], vector<16xf32>,
      %gather3A_428 = tpu.vector_load_idx %arg9[%add3A_426, %broadcast_in_dim3A_353] : memref<128x16xf32, #tpu.memory_space<vmem>>[vector<16xi32>, vector<16xi32>], vector<16xf32>,
      %add3A_429 = arith.addf %gather3A_427, %gather3A_428 : vector<16xf32>
      %swap3A_430 = arith.constant 3 : i32
      %swap3A_431 = arith.index_cast %swap3A_430 : i32 to index
      %swap3A_432 = arith.constant 112 : index
      %swap3A_433 = tpu.vector_load %arg11[%swap3A_431, %swap3A_432] {strides = array<i32>} : memref<8x128xf32, #tpu.memory_space<vmem>>, vector<16xf32>,
      tpu.vector_store %arg11[%swap3A_431, %swap3A_432], %add3A_429 {strides = array<i32>} : memref<8x128xf32, #tpu.memory_space<vmem>>, vector<16xf32>,
      %broadcast_in_dim3A_434 = arith.constant 4 : i32
      %broadcast_in_dim3A_435 = vector.broadcast %broadcast_in_dim3A_434 : i32 to vector<16xi32>
      %broadcast_in_dim3A_436 = arith.constant 12 : i32
      %broadcast_in_dim3A_437 = vector.broadcast %broadcast_in_dim3A_436 : i32 to vector<16xi32>
      %add3A_438 = arith.constant 0 : i32
      %add3A_439 = vector.broadcast %add3A_438 : i32 to vector<16xi32>
      %add3A_440 = arith.addi %iota3A, %add3A_439 : vector<16xi32>
      %gather3A_441 = tpu.vector_load_idx %arg7[%add3A_440, %broadcast_in_dim3A_435] : memref<128x16xf32, #tpu.memory_space<vmem>>[vector<16xi32>, vector<16xi32>], vector<16xf32>,
      %gather3A_442 = tpu.vector_load_idx %arg9[%add3A_440, %broadcast_in_dim3A_437] : memref<128x16xf32, #tpu.memory_space<vmem>>[vector<16xi32>, vector<16xi32>], vector<16xf32>,
      %add3A_443 = arith.addf %gather3A_441, %gather3A_442 : vector<16xf32>
      %swap3A_444 = arith.constant 4 : i32
      %swap3A_445 = arith.index_cast %swap3A_444 : i32 to index
      %swap3A_446 = arith.constant 0 : index
      %swap3A_447 = tpu.vector_load %arg11[%swap3A_445, %swap3A_446] {strides = array<i32>} : memref<8x128xf32, #tpu.memory_space<vmem>>, vector<16xf32>,
      tpu.vector_store %arg11[%swap3A_445, %swap3A_446], %add3A_443 {strides = array<i32>} : memref<8x128xf32, #tpu.memory_space<vmem>>, vector<16xf32>,
      %add3A_448 = arith.constant 16 : i32
      %add3A_449 = vector.broadcast %add3A_448 : i32 to vector<16xi32>
      %add3A_450 = arith.addi %iota3A, %add3A_449 : vector<16xi32>
      %gather3A_451 = tpu.vector_load_idx %arg7[%add3A_450, %broadcast_in_dim3A_435] : memref<128x16xf32, #tpu.memory_space<vmem>>[vector<16xi32>, vector<16xi32>], vector<16xf32>,
      %gather3A_452 = tpu.vector_load_idx %arg9[%add3A_450, %broadcast_in_dim3A_437] : memref<128x16xf32, #tpu.memory_space<vmem>>[vector<16xi32>, vector<16xi32>], vector<16xf32>,
      %add3A_453 = arith.addf %gather3A_451, %gather3A_452 : vector<16xf32>
      %swap3A_454 = arith.constant 4 : i32
      %swap3A_455 = arith.index_cast %swap3A_454 : i32 to index
      %swap3A_456 = arith.constant 16 : index
      %swap3A_457 = tpu.vector_load %arg11[%swap3A_455, %swap3A_456] {strides = array<i32>} : memref<8x128xf32, #tpu.memory_space<vmem>>, vector<16xf32>,
      tpu.vector_store %arg11[%swap3A_455, %swap3A_456], %add3A_453 {strides = array<i32>} : memref<8x128xf32, #tpu.memory_space<vmem>>, vector<16xf32>,
      %add3A_458 = arith.constant 32 : i32
      %add3A_459 = vector.broadcast %add3A_458 : i32 to vector<16xi32>
      %add3A_460 = arith.addi %iota3A, %add3A_459 : vector<16xi32>
      %gather3A_461 = tpu.vector_load_idx %arg7[%add3A_460, %broadcast_in_dim3A_435] : memref<128x16xf32, #tpu.memory_space<vmem>>[vector<16xi32>, vector<16xi32>], vector<16xf32>,
      %gather3A_462 = tpu.vector_load_idx %arg9[%add3A_460, %broadcast_in_dim3A_437] : memref<128x16xf32, #tpu.memory_space<vmem>>[vector<16xi32>, vector<16xi32>], vector<16xf32>,
      %add3A_463 = arith.addf %gather3A_461, %gather3A_462 : vector<16xf32>
      %swap3A_464 = arith.constant 4 : i32
      %swap3A_465 = arith.index_cast %swap3A_464 : i32 to index
      %swap3A_466 = arith.constant 32 : index
      %swap3A_467 = tpu.vector_load %arg11[%swap3A_465, %swap3A_466] {strides = array<i32>} : memref<8x128xf32, #tpu.memory_space<vmem>>, vector<16xf32>,
      tpu.vector_store %arg11[%swap3A_465, %swap3A_466], %add3A_463 {strides = array<i32>} : memref<8x128xf32, #tpu.memory_space<vmem>>, vector<16xf32>,
      %add3A_468 = arith.constant 48 : i32
      %add3A_469 = vector.broadcast %add3A_468 : i32 to vector<16xi32>
      %add3A_470 = arith.addi %iota3A, %add3A_469 : vector<16xi32>
      %gather3A_471 = tpu.vector_load_idx %arg7[%add3A_470, %broadcast_in_dim3A_435] : memref<128x16xf32, #tpu.memory_space<vmem>>[vector<16xi32>, vector<16xi32>], vector<16xf32>,
      %gather3A_472 = tpu.vector_load_idx %arg9[%add3A_470, %broadcast_in_dim3A_437] : memref<128x16xf32, #tpu.memory_space<vmem>>[vector<16xi32>, vector<16xi32>], vector<16xf32>,
      %add3A_473 = arith.addf %gather3A_471, %gather3A_472 : vector<16xf32>
      %swap3A_474 = arith.constant 4 : i32
      %swap3A_475 = arith.index_cast %swap3A_474 : i32 to index
      %swap3A_476 = arith.constant 48 : index
      %swap3A_477 = tpu.vector_load %arg11[%swap3A_475, %swap3A_476] {strides = array<i32>} : memref<8x128xf32, #tpu.memory_space<vmem>>, vector<16xf32>,
      tpu.vector_store %arg11[%swap3A_475, %swap3A_476], %add3A_473 {strides = array<i32>} : memref<8x128xf32, #tpu.memory_space<vmem>>, vector<16xf32>,
      %add3A_478 = arith.constant 64 : i32
      %add3A_479 = vector.broadcast %add3A_478 : i32 to vector<16xi32>
      %add3A_480 = arith.addi %iota3A, %add3A_479 : vector<16xi32>
      %gather3A_481 = tpu.vector_load_idx %arg7[%add3A_480, %broadcast_in_dim3A_435] : memref<128x16xf32, #tpu.memory_space<vmem>>[vector<16xi32>, vector<16xi32>], vector<16xf32>,
      %gather3A_482 = tpu.vector_load_idx %arg9[%add3A_480, %broadcast_in_dim3A_437] : memref<128x16xf32, #tpu.memory_space<vmem>>[vector<16xi32>, vector<16xi32>], vector<16xf32>,
      %add3A_483 = arith.addf %gather3A_481, %gather3A_482 : vector<16xf32>
      %swap3A_484 = arith.constant 4 : i32
      %swap3A_485 = arith.index_cast %swap3A_484 : i32 to index
      %swap3A_486 = arith.constant 64 : index
      %swap3A_487 = tpu.vector_load %arg11[%swap3A_485, %swap3A_486] {strides = array<i32>} : memref<8x128xf32, #tpu.memory_space<vmem>>, vector<16xf32>,
      tpu.vector_store %arg11[%swap3A_485, %swap3A_486], %add3A_483 {strides = array<i32>} : memref<8x128xf32, #tpu.memory_space<vmem>>, vector<16xf32>,
      %add3A_488 = arith.constant 80 : i32
      %add3A_489 = vector.broadcast %add3A_488 : i32 to vector<16xi32>
      %add3A_490 = arith.addi %iota3A, %add3A_489 : vector<16xi32>
      %gather3A_491 = tpu.vector_load_idx %arg7[%add3A_490, %broadcast_in_dim3A_435] : memref<128x16xf32, #tpu.memory_space<vmem>>[vector<16xi32>, vector<16xi32>], vector<16xf32>,
      %gather3A_492 = tpu.vector_load_idx %arg9[%add3A_490, %broadcast_in_dim3A_437] : memref<128x16xf32, #tpu.memory_space<vmem>>[vector<16xi32>, vector<16xi32>], vector<16xf32>,
      %add3A_493 = arith.addf %gather3A_491, %gather3A_492 : vector<16xf32>
      %swap3A_494 = arith.constant 4 : i32
      %swap3A_495 = arith.index_cast %swap3A_494 : i32 to index
      %swap3A_496 = arith.constant 80 : index
      %swap3A_497 = tpu.vector_load %arg11[%swap3A_495, %swap3A_496] {strides = array<i32>} : memref<8x128xf32, #tpu.memory_space<vmem>>, vector<16xf32>,
      tpu.vector_store %arg11[%swap3A_495, %swap3A_496], %add3A_493 {strides = array<i32>} : memref<8x128xf32, #tpu.memory_space<vmem>>, vector<16xf32>,
      %add3A_498 = arith.constant 96 : i32
      %add3A_499 = vector.broadcast %add3A_498 : i32 to vector<16xi32>
      %add3A_500 = arith.addi %iota3A, %add3A_499 : vector<16xi32>
      %gather3A_501 = tpu.vector_load_idx %arg7[%add3A_500, %broadcast_in_dim3A_435] : memref<128x16xf32, #tpu.memory_space<vmem>>[vector<16xi32>, vector<16xi32>], vector<16xf32>,
      %gather3A_502 = tpu.vector_load_idx %arg9[%add3A_500, %broadcast_in_dim3A_437] : memref<128x16xf32, #tpu.memory_space<vmem>>[vector<16xi32>, vector<16xi32>], vector<16xf32>,
      %add3A_503 = arith.addf %gather3A_501, %gather3A_502 : vector<16xf32>
      %swap3A_504 = arith.constant 4 : i32
      %swap3A_505 = arith.index_cast %swap3A_504 : i32 to index
      %swap3A_506 = arith.constant 96 : index
      %swap3A_507 = tpu.vector_load %arg11[%swap3A_505, %swap3A_506] {strides = array<i32>} : memref<8x128xf32, #tpu.memory_space<vmem>>, vector<16xf32>,
      tpu.vector_store %arg11[%swap3A_505, %swap3A_506], %add3A_503 {strides = array<i32>} : memref<8x128xf32, #tpu.memory_space<vmem>>, vector<16xf32>,
      %add3A_508 = arith.constant 112 : i32
      %add3A_509 = vector.broadcast %add3A_508 : i32 to vector<16xi32>
      %add3A_510 = arith.addi %iota3A, %add3A_509 : vector<16xi32>
      %gather3A_511 = tpu.vector_load_idx %arg7[%add3A_510, %broadcast_in_dim3A_435] : memref<128x16xf32, #tpu.memory_space<vmem>>[vector<16xi32>, vector<16xi32>], vector<16xf32>,
      %gather3A_512 = tpu.vector_load_idx %arg9[%add3A_510, %broadcast_in_dim3A_437] : memref<128x16xf32, #tpu.memory_space<vmem>>[vector<16xi32>, vector<16xi32>], vector<16xf32>,
      %add3A_513 = arith.addf %gather3A_511, %gather3A_512 : vector<16xf32>
      %swap3A_514 = arith.constant 4 : i32
      %swap3A_515 = arith.index_cast %swap3A_514 : i32 to index
      %swap3A_516 = arith.constant 112 : index
      %swap3A_517 = tpu.vector_load %arg11[%swap3A_515, %swap3A_516] {strides = array<i32>} : memref<8x128xf32, #tpu.memory_space<vmem>>, vector<16xf32>,
      tpu.vector_store %arg11[%swap3A_515, %swap3A_516], %add3A_513 {strides = array<i32>} : memref<8x128xf32, #tpu.memory_space<vmem>>, vector<16xf32>,
      %broadcast_in_dim3A_518 = arith.constant 5 : i32
      %broadcast_in_dim3A_519 = vector.broadcast %broadcast_in_dim3A_518 : i32 to vector<16xi32>
      %broadcast_in_dim3A_520 = arith.constant 13 : i32
      %broadcast_in_dim3A_521 = vector.broadcast %broadcast_in_dim3A_520 : i32 to vector<16xi32>
      %add3A_522 = arith.constant 0 : i32
      %add3A_523 = vector.broadcast %add3A_522 : i32 to vector<16xi32>
      %add3A_524 = arith.addi %iota3A, %add3A_523 : vector<16xi32>
      %gather3A_525 = tpu.vector_load_idx %arg7[%add3A_524, %broadcast_in_dim3A_519] : memref<128x16xf32, #tpu.memory_space<vmem>>[vector<16xi32>, vector<16xi32>], vector<16xf32>,
      %gather3A_526 = tpu.vector_load_idx %arg9[%add3A_524, %broadcast_in_dim3A_521] : memref<128x16xf32, #tpu.memory_space<vmem>>[vector<16xi32>, vector<16xi32>], vector<16xf32>,
      %add3A_527 = arith.addf %gather3A_525, %gather3A_526 : vector<16xf32>
      %swap3A_528 = arith.constant 5 : i32
      %swap3A_529 = arith.index_cast %swap3A_528 : i32 to index
      %swap3A_530 = arith.constant 0 : index
      %swap3A_531 = tpu.vector_load %arg11[%swap3A_529, %swap3A_530] {strides = array<i32>} : memref<8x128xf32, #tpu.memory_space<vmem>>, vector<16xf32>,
      tpu.vector_store %arg11[%swap3A_529, %swap3A_530], %add3A_527 {strides = array<i32>} : memref<8x128xf32, #tpu.memory_space<vmem>>, vector<16xf32>,
      %add3A_532 = arith.constant 16 : i32
      %add3A_533 = vector.broadcast %add3A_532 : i32 to vector<16xi32>
      %add3A_534 = arith.addi %iota3A, %add3A_533 : vector<16xi32>
      %gather3A_535 = tpu.vector_load_idx %arg7[%add3A_534, %broadcast_in_dim3A_519] : memref<128x16xf32, #tpu.memory_space<vmem>>[vector<16xi32>, vector<16xi32>], vector<16xf32>,
      %gather3A_536 = tpu.vector_load_idx %arg9[%add3A_534, %broadcast_in_dim3A_521] : memref<128x16xf32, #tpu.memory_space<vmem>>[vector<16xi32>, vector<16xi32>], vector<16xf32>,
      %add3A_537 = arith.addf %gather3A_535, %gather3A_536 : vector<16xf32>
      %swap3A_538 = arith.constant 5 : i32
      %swap3A_539 = arith.index_cast %swap3A_538 : i32 to index
      %swap3A_540 = arith.constant 16 : index
      %swap3A_541 = tpu.vector_load %arg11[%swap3A_539, %swap3A_540] {strides = array<i32>} : memref<8x128xf32, #tpu.memory_space<vmem>>, vector<16xf32>,
      tpu.vector_store %arg11[%swap3A_539, %swap3A_540], %add3A_537 {strides = array<i32>} : memref<8x128xf32, #tpu.memory_space<vmem>>, vector<16xf32>,
      %add3A_542 = arith.constant 32 : i32
      %add3A_543 = vector.broadcast %add3A_542 : i32 to vector<16xi32>
      %add3A_544 = arith.addi %iota3A, %add3A_543 : vector<16xi32>
      %gather3A_545 = tpu.vector_load_idx %arg7[%add3A_544, %broadcast_in_dim3A_519] : memref<128x16xf32, #tpu.memory_space<vmem>>[vector<16xi32>, vector<16xi32>], vector<16xf32>,
      %gather3A_546 = tpu.vector_load_idx %arg9[%add3A_544, %broadcast_in_dim3A_521] : memref<128x16xf32, #tpu.memory_space<vmem>>[vector<16xi32>, vector<16xi32>], vector<16xf32>,
      %add3A_547 = arith.addf %gather3A_545, %gather3A_546 : vector<16xf32>
      %swap3A_548 = arith.constant 5 : i32
      %swap3A_549 = arith.index_cast %swap3A_548 : i32 to index
      %swap3A_550 = arith.constant 32 : index
      %swap3A_551 = tpu.vector_load %arg11[%swap3A_549, %swap3A_550] {strides = array<i32>} : memref<8x128xf32, #tpu.memory_space<vmem>>, vector<16xf32>,
      tpu.vector_store %arg11[%swap3A_549, %swap3A_550], %add3A_547 {strides = array<i32>} : memref<8x128xf32, #tpu.memory_space<vmem>>, vector<16xf32>,
      %add3A_552 = arith.constant 48 : i32
      %add3A_553 = vector.broadcast %add3A_552 : i32 to vector<16xi32>
      %add3A_554 = arith.addi %iota3A, %add3A_553 : vector<16xi32>
      %gather3A_555 = tpu.vector_load_idx %arg7[%add3A_554, %broadcast_in_dim3A_519] : memref<128x16xf32, #tpu.memory_space<vmem>>[vector<16xi32>, vector<16xi32>], vector<16xf32>,
      %gather3A_556 = tpu.vector_load_idx %arg9[%add3A_554, %broadcast_in_dim3A_521] : memref<128x16xf32, #tpu.memory_space<vmem>>[vector<16xi32>, vector<16xi32>], vector<16xf32>,
      %add3A_557 = arith.addf %gather3A_555, %gather3A_556 : vector<16xf32>
      %swap3A_558 = arith.constant 5 : i32
      %swap3A_559 = arith.index_cast %swap3A_558 : i32 to index
      %swap3A_560 = arith.constant 48 : index
      %swap3A_561 = tpu.vector_load %arg11[%swap3A_559, %swap3A_560] {strides = array<i32>} : memref<8x128xf32, #tpu.memory_space<vmem>>, vector<16xf32>,
      tpu.vector_store %arg11[%swap3A_559, %swap3A_560], %add3A_557 {strides = array<i32>} : memref<8x128xf32, #tpu.memory_space<vmem>>, vector<16xf32>,
      %add3A_562 = arith.constant 64 : i32
      %add3A_563 = vector.broadcast %add3A_562 : i32 to vector<16xi32>
      %add3A_564 = arith.addi %iota3A, %add3A_563 : vector<16xi32>
      %gather3A_565 = tpu.vector_load_idx %arg7[%add3A_564, %broadcast_in_dim3A_519] : memref<128x16xf32, #tpu.memory_space<vmem>>[vector<16xi32>, vector<16xi32>], vector<16xf32>,
      %gather3A_566 = tpu.vector_load_idx %arg9[%add3A_564, %broadcast_in_dim3A_521] : memref<128x16xf32, #tpu.memory_space<vmem>>[vector<16xi32>, vector<16xi32>], vector<16xf32>,
      %add3A_567 = arith.addf %gather3A_565, %gather3A_566 : vector<16xf32>
      %swap3A_568 = arith.constant 5 : i32
      %swap3A_569 = arith.index_cast %swap3A_568 : i32 to index
      %swap3A_570 = arith.constant 64 : index
      %swap3A_571 = tpu.vector_load %arg11[%swap3A_569, %swap3A_570] {strides = array<i32>} : memref<8x128xf32, #tpu.memory_space<vmem>>, vector<16xf32>,
      tpu.vector_store %arg11[%swap3A_569, %swap3A_570], %add3A_567 {strides = array<i32>} : memref<8x128xf32, #tpu.memory_space<vmem>>, vector<16xf32>,
      %add3A_572 = arith.constant 80 : i32
      %add3A_573 = vector.broadcast %add3A_572 : i32 to vector<16xi32>
      %add3A_574 = arith.addi %iota3A, %add3A_573 : vector<16xi32>
      %gather3A_575 = tpu.vector_load_idx %arg7[%add3A_574, %broadcast_in_dim3A_519] : memref<128x16xf32, #tpu.memory_space<vmem>>[vector<16xi32>, vector<16xi32>], vector<16xf32>,
      %gather3A_576 = tpu.vector_load_idx %arg9[%add3A_574, %broadcast_in_dim3A_521] : memref<128x16xf32, #tpu.memory_space<vmem>>[vector<16xi32>, vector<16xi32>], vector<16xf32>,
      %add3A_577 = arith.addf %gather3A_575, %gather3A_576 : vector<16xf32>
      %swap3A_578 = arith.constant 5 : i32
      %swap3A_579 = arith.index_cast %swap3A_578 : i32 to index
      %swap3A_580 = arith.constant 80 : index
      %swap3A_581 = tpu.vector_load %arg11[%swap3A_579, %swap3A_580] {strides = array<i32>} : memref<8x128xf32, #tpu.memory_space<vmem>>, vector<16xf32>,
      tpu.vector_store %arg11[%swap3A_579, %swap3A_580], %add3A_577 {strides = array<i32>} : memref<8x128xf32, #tpu.memory_space<vmem>>, vector<16xf32>,
      %add3A_582 = arith.constant 96 : i32
      %add3A_583 = vector.broadcast %add3A_582 : i32 to vector<16xi32>
      %add3A_584 = arith.addi %iota3A, %add3A_583 : vector<16xi32>
      %gather3A_585 = tpu.vector_load_idx %arg7[%add3A_584, %broadcast_in_dim3A_519] : memref<128x16xf32, #tpu.memory_space<vmem>>[vector<16xi32>, vector<16xi32>], vector<16xf32>,
      %gather3A_586 = tpu.vector_load_idx %arg9[%add3A_584, %broadcast_in_dim3A_521] : memref<128x16xf32, #tpu.memory_space<vmem>>[vector<16xi32>, vector<16xi32>], vector<16xf32>,
      %add3A_587 = arith.addf %gather3A_585, %gather3A_586 : vector<16xf32>
      %swap3A_588 = arith.constant 5 : i32
      %swap3A_589 = arith.index_cast %swap3A_588 : i32 to index
      %swap3A_590 = arith.constant 96 : index
      %swap3A_591 = tpu.vector_load %arg11[%swap3A_589, %swap3A_590] {strides = array<i32>} : memref<8x128xf32, #tpu.memory_space<vmem>>, vector<16xf32>,
      tpu.vector_store %arg11[%swap3A_589, %swap3A_590], %add3A_587 {strides = array<i32>} : memref<8x128xf32, #tpu.memory_space<vmem>>, vector<16xf32>,
      %add3A_592 = arith.constant 112 : i32
      %add3A_593 = vector.broadcast %add3A_592 : i32 to vector<16xi32>
      %add3A_594 = arith.addi %iota3A, %add3A_593 : vector<16xi32>
      %gather3A_595 = tpu.vector_load_idx %arg7[%add3A_594, %broadcast_in_dim3A_519] : memref<128x16xf32, #tpu.memory_space<vmem>>[vector<16xi32>, vector<16xi32>], vector<16xf32>,
      %gather3A_596 = tpu.vector_load_idx %arg9[%add3A_594, %broadcast_in_dim3A_521] : memref<128x16xf32, #tpu.memory_space<vmem>>[vector<16xi32>, vector<16xi32>], vector<16xf32>,
      %add3A_597 = arith.addf %gather3A_595, %gather3A_596 : vector<16xf32>
      %swap3A_598 = arith.constant 5 : i32
      %swap3A_599 = arith.index_cast %swap3A_598 : i32 to index
      %swap3A_600 = arith.constant 112 : index
      %swap3A_601 = tpu.vector_load %arg11[%swap3A_599, %swap3A_600] {strides = array<i32>} : memref<8x128xf32, #tpu.memory_space<vmem>>, vector<16xf32>,
      tpu.vector_store %arg11[%swap3A_599, %swap3A_600], %add3A_597 {strides = array<i32>} : memref<8x128xf32, #tpu.memory_space<vmem>>, vector<16xf32>,
      %broadcast_in_dim3A_602 = arith.constant 6 : i32
      %broadcast_in_dim3A_603 = vector.broadcast %broadcast_in_dim3A_602 : i32 to vector<16xi32>
      %broadcast_in_dim3A_604 = arith.constant 14 : i32
      %broadcast_in_dim3A_605 = vector.broadcast %broadcast_in_dim3A_604 : i32 to vector<16xi32>
      %add3A_606 = arith.constant 0 : i32
      %add3A_607 = vector.broadcast %add3A_606 : i32 to vector<16xi32>
      %add3A_608 = arith.addi %iota3A, %add3A_607 : vector<16xi32>
      %gather3A_609 = tpu.vector_load_idx %arg7[%add3A_608, %broadcast_in_dim3A_603] : memref<128x16xf32, #tpu.memory_space<vmem>>[vector<16xi32>, vector<16xi32>], vector<16xf32>,
      %gather3A_610 = tpu.vector_load_idx %arg9[%add3A_608, %broadcast_in_dim3A_605] : memref<128x16xf32, #tpu.memory_space<vmem>>[vector<16xi32>, vector<16xi32>], vector<16xf32>,
      %add3A_611 = arith.addf %gather3A_609, %gather3A_610 : vector<16xf32>
      %swap3A_612 = arith.constant 6 : i32
      %swap3A_613 = arith.index_cast %swap3A_612 : i32 to index
      %swap3A_614 = arith.constant 0 : index
      %swap3A_615 = tpu.vector_load %arg11[%swap3A_613, %swap3A_614] {strides = array<i32>} : memref<8x128xf32, #tpu.memory_space<vmem>>, vector<16xf32>,
      tpu.vector_store %arg11[%swap3A_613, %swap3A_614], %add3A_611 {strides = array<i32>} : memref<8x128xf32, #tpu.memory_space<vmem>>, vector<16xf32>,
      %add3A_616 = arith.constant 16 : i32
      %add3A_617 = vector.broadcast %add3A_616 : i32 to vector<16xi32>
      %add3A_618 = arith.addi %iota3A, %add3A_617 : vector<16xi32>
      %gather3A_619 = tpu.vector_load_idx %arg7[%add3A_618, %broadcast_in_dim3A_603] : memref<128x16xf32, #tpu.memory_space<vmem>>[vector<16xi32>, vector<16xi32>], vector<16xf32>,
      %gather3A_620 = tpu.vector_load_idx %arg9[%add3A_618, %broadcast_in_dim3A_605] : memref<128x16xf32, #tpu.memory_space<vmem>>[vector<16xi32>, vector<16xi32>], vector<16xf32>,
      %add3A_621 = arith.addf %gather3A_619, %gather3A_620 : vector<16xf32>
      %swap3A_622 = arith.constant 6 : i32
      %swap3A_623 = arith.index_cast %swap3A_622 : i32 to index
      %swap3A_624 = arith.constant 16 : index
      %swap3A_625 = tpu.vector_load %arg11[%swap3A_623, %swap3A_624] {strides = array<i32>} : memref<8x128xf32, #tpu.memory_space<vmem>>, vector<16xf32>,
      tpu.vector_store %arg11[%swap3A_623, %swap3A_624], %add3A_621 {strides = array<i32>} : memref<8x128xf32, #tpu.memory_space<vmem>>, vector<16xf32>,
      %add3A_626 = arith.constant 32 : i32
      %add3A_627 = vector.broadcast %add3A_626 : i32 to vector<16xi32>
      %add3A_628 = arith.addi %iota3A, %add3A_627 : vector<16xi32>
      %gather3A_629 = tpu.vector_load_idx %arg7[%add3A_628, %broadcast_in_dim3A_603] : memref<128x16xf32, #tpu.memory_space<vmem>>[vector<16xi32>, vector<16xi32>], vector<16xf32>,
      %gather3A_630 = tpu.vector_load_idx %arg9[%add3A_628, %broadcast_in_dim3A_605] : memref<128x16xf32, #tpu.memory_space<vmem>>[vector<16xi32>, vector<16xi32>], vector<16xf32>,
      %add3A_631 = arith.addf %gather3A_629, %gather3A_630 : vector<16xf32>
      %swap3A_632 = arith.constant 6 : i32
      %swap3A_633 = arith.index_cast %swap3A_632 : i32 to index
      %swap3A_634 = arith.constant 32 : index
      %swap3A_635 = tpu.vector_load %arg11[%swap3A_633, %swap3A_634] {strides = array<i32>} : memref<8x128xf32, #tpu.memory_space<vmem>>, vector<16xf32>,
      tpu.vector_store %arg11[%swap3A_633, %swap3A_634], %add3A_631 {strides = array<i32>} : memref<8x128xf32, #tpu.memory_space<vmem>>, vector<16xf32>,
      %add3A_636 = arith.constant 48 : i32
      %add3A_637 = vector.broadcast %add3A_636 : i32 to vector<16xi32>
      %add3A_638 = arith.addi %iota3A, %add3A_637 : vector<16xi32>
      %gather3A_639 = tpu.vector_load_idx %arg7[%add3A_638, %broadcast_in_dim3A_603] : memref<128x16xf32, #tpu.memory_space<vmem>>[vector<16xi32>, vector<16xi32>], vector<16xf32>,
      %gather3A_640 = tpu.vector_load_idx %arg9[%add3A_638, %broadcast_in_dim3A_605] : memref<128x16xf32, #tpu.memory_space<vmem>>[vector<16xi32>, vector<16xi32>], vector<16xf32>,
      %add3A_641 = arith.addf %gather3A_639, %gather3A_640 : vector<16xf32>
      %swap3A_642 = arith.constant 6 : i32
      %swap3A_643 = arith.index_cast %swap3A_642 : i32 to index
      %swap3A_644 = arith.constant 48 : index
      %swap3A_645 = tpu.vector_load %arg11[%swap3A_643, %swap3A_644] {strides = array<i32>} : memref<8x128xf32, #tpu.memory_space<vmem>>, vector<16xf32>,
      tpu.vector_store %arg11[%swap3A_643, %swap3A_644], %add3A_641 {strides = array<i32>} : memref<8x128xf32, #tpu.memory_space<vmem>>, vector<16xf32>,
      %add3A_646 = arith.constant 64 : i32
      %add3A_647 = vector.broadcast %add3A_646 : i32 to vector<16xi32>
      %add3A_648 = arith.addi %iota3A, %add3A_647 : vector<16xi32>
      %gather3A_649 = tpu.vector_load_idx %arg7[%add3A_648, %broadcast_in_dim3A_603] : memref<128x16xf32, #tpu.memory_space<vmem>>[vector<16xi32>, vector<16xi32>], vector<16xf32>,
      %gather3A_650 = tpu.vector_load_idx %arg9[%add3A_648, %broadcast_in_dim3A_605] : memref<128x16xf32, #tpu.memory_space<vmem>>[vector<16xi32>, vector<16xi32>], vector<16xf32>,
      %add3A_651 = arith.addf %gather3A_649, %gather3A_650 : vector<16xf32>
      %swap3A_652 = arith.constant 6 : i32
      %swap3A_653 = arith.index_cast %swap3A_652 : i32 to index
      %swap3A_654 = arith.constant 64 : index
      %swap3A_655 = tpu.vector_load %arg11[%swap3A_653, %swap3A_654] {strides = array<i32>} : memref<8x128xf32, #tpu.memory_space<vmem>>, vector<16xf32>,
      tpu.vector_store %arg11[%swap3A_653, %swap3A_654], %add3A_651 {strides = array<i32>} : memref<8x128xf32, #tpu.memory_space<vmem>>, vector<16xf32>,
      %add3A_656 = arith.constant 80 : i32
      %add3A_657 = vector.broadcast %add3A_656 : i32 to vector<16xi32>
      %add3A_658 = arith.addi %iota3A, %add3A_657 : vector<16xi32>
      %gather3A_659 = tpu.vector_load_idx %arg7[%add3A_658, %broadcast_in_dim3A_603] : memref<128x16xf32, #tpu.memory_space<vmem>>[vector<16xi32>, vector<16xi32>], vector<16xf32>,
      %gather3A_660 = tpu.vector_load_idx %arg9[%add3A_658, %broadcast_in_dim3A_605] : memref<128x16xf32, #tpu.memory_space<vmem>>[vector<16xi32>, vector<16xi32>], vector<16xf32>,
      %add3A_661 = arith.addf %gather3A_659, %gather3A_660 : vector<16xf32>
      %swap3A_662 = arith.constant 6 : i32
      %swap3A_663 = arith.index_cast %swap3A_662 : i32 to index
      %swap3A_664 = arith.constant 80 : index
      %swap3A_665 = tpu.vector_load %arg11[%swap3A_663, %swap3A_664] {strides = array<i32>} : memref<8x128xf32, #tpu.memory_space<vmem>>, vector<16xf32>,
      tpu.vector_store %arg11[%swap3A_663, %swap3A_664], %add3A_661 {strides = array<i32>} : memref<8x128xf32, #tpu.memory_space<vmem>>, vector<16xf32>,
      %add3A_666 = arith.constant 96 : i32
      %add3A_667 = vector.broadcast %add3A_666 : i32 to vector<16xi32>
      %add3A_668 = arith.addi %iota3A, %add3A_667 : vector<16xi32>
      %gather3A_669 = tpu.vector_load_idx %arg7[%add3A_668, %broadcast_in_dim3A_603] : memref<128x16xf32, #tpu.memory_space<vmem>>[vector<16xi32>, vector<16xi32>], vector<16xf32>,
      %gather3A_670 = tpu.vector_load_idx %arg9[%add3A_668, %broadcast_in_dim3A_605] : memref<128x16xf32, #tpu.memory_space<vmem>>[vector<16xi32>, vector<16xi32>], vector<16xf32>,
      %add3A_671 = arith.addf %gather3A_669, %gather3A_670 : vector<16xf32>
      %swap3A_672 = arith.constant 6 : i32
      %swap3A_673 = arith.index_cast %swap3A_672 : i32 to index
      %swap3A_674 = arith.constant 96 : index
      %swap3A_675 = tpu.vector_load %arg11[%swap3A_673, %swap3A_674] {strides = array<i32>} : memref<8x128xf32, #tpu.memory_space<vmem>>, vector<16xf32>,
      tpu.vector_store %arg11[%swap3A_673, %swap3A_674], %add3A_671 {strides = array<i32>} : memref<8x128xf32, #tpu.memory_space<vmem>>, vector<16xf32>,
      %add3A_676 = arith.constant 112 : i32
      %add3A_677 = vector.broadcast %add3A_676 : i32 to vector<16xi32>
      %add3A_678 = arith.addi %iota3A, %add3A_677 : vector<16xi32>
      %gather3A_679 = tpu.vector_load_idx %arg7[%add3A_678, %broadcast_in_dim3A_603] : memref<128x16xf32, #tpu.memory_space<vmem>>[vector<16xi32>, vector<16xi32>], vector<16xf32>,
      %gather3A_680 = tpu.vector_load_idx %arg9[%add3A_678, %broadcast_in_dim3A_605] : memref<128x16xf32, #tpu.memory_space<vmem>>[vector<16xi32>, vector<16xi32>], vector<16xf32>,
      %add3A_681 = arith.addf %gather3A_679, %gather3A_680 : vector<16xf32>
      %swap3A_682 = arith.constant 6 : i32
      %swap3A_683 = arith.index_cast %swap3A_682 : i32 to index
      %swap3A_684 = arith.constant 112 : index
      %swap3A_685 = tpu.vector_load %arg11[%swap3A_683, %swap3A_684] {strides = array<i32>} : memref<8x128xf32, #tpu.memory_space<vmem>>, vector<16xf32>,
      tpu.vector_store %arg11[%swap3A_683, %swap3A_684], %add3A_681 {strides = array<i32>} : memref<8x128xf32, #tpu.memory_space<vmem>>, vector<16xf32>,
      %broadcast_in_dim3A_686 = arith.constant 7 : i32
      %broadcast_in_dim3A_687 = vector.broadcast %broadcast_in_dim3A_686 : i32 to vector<16xi32>
      %broadcast_in_dim3A_688 = arith.constant 15 : i32
      %broadcast_in_dim3A_689 = vector.broadcast %broadcast_in_dim3A_688 : i32 to vector<16xi32>
      %add3A_690 = arith.constant 0 : i32
      %add3A_691 = vector.broadcast %add3A_690 : i32 to vector<16xi32>
      %add3A_692 = arith.addi %iota3A, %add3A_691 : vector<16xi32>
      %gather3A_693 = tpu.vector_load_idx %arg7[%add3A_692, %broadcast_in_dim3A_687] : memref<128x16xf32, #tpu.memory_space<vmem>>[vector<16xi32>, vector<16xi32>], vector<16xf32>,
      %gather3A_694 = tpu.vector_load_idx %arg9[%add3A_692, %broadcast_in_dim3A_689] : memref<128x16xf32, #tpu.memory_space<vmem>>[vector<16xi32>, vector<16xi32>], vector<16xf32>,
      %add3A_695 = arith.addf %gather3A_693, %gather3A_694 : vector<16xf32>
      %swap3A_696 = arith.constant 7 : i32
      %swap3A_697 = arith.index_cast %swap3A_696 : i32 to index
      %swap3A_698 = arith.constant 0 : index
      %swap3A_699 = tpu.vector_load %arg11[%swap3A_697, %swap3A_698] {strides = array<i32>} : memref<8x128xf32, #tpu.memory_space<vmem>>, vector<16xf32>,
      tpu.vector_store %arg11[%swap3A_697, %swap3A_698], %add3A_695 {strides = array<i32>} : memref<8x128xf32, #tpu.memory_space<vmem>>, vector<16xf32>,
      %add3A_700 = arith.constant 16 : i32
      %add3A_701 = vector.broadcast %add3A_700 : i32 to vector<16xi32>
      %add3A_702 = arith.addi %iota3A, %add3A_701 : vector<16xi32>
      %gather3A_703 = tpu.vector_load_idx %arg7[%add3A_702, %broadcast_in_dim3A_687] : memref<128x16xf32, #tpu.memory_space<vmem>>[vector<16xi32>, vector<16xi32>], vector<16xf32>,
      %gather3A_704 = tpu.vector_load_idx %arg9[%add3A_702, %broadcast_in_dim3A_689] : memref<128x16xf32, #tpu.memory_space<vmem>>[vector<16xi32>, vector<16xi32>], vector<16xf32>,
      %add3A_705 = arith.addf %gather3A_703, %gather3A_704 : vector<16xf32>
      %swap3A_706 = arith.constant 7 : i32
      %swap3A_707 = arith.index_cast %swap3A_706 : i32 to index
      %swap3A_708 = arith.constant 16 : index
      %swap3A_709 = tpu.vector_load %arg11[%swap3A_707, %swap3A_708] {strides = array<i32>} : memref<8x128xf32, #tpu.memory_space<vmem>>, vector<16xf32>,
      tpu.vector_store %arg11[%swap3A_707, %swap3A_708], %add3A_705 {strides = array<i32>} : memref<8x128xf32, #tpu.memory_space<vmem>>, vector<16xf32>,
      %add3A_710 = arith.constant 32 : i32
      %add3A_711 = vector.broadcast %add3A_710 : i32 to vector<16xi32>
      %add3A_712 = arith.addi %iota3A, %add3A_711 : vector<16xi32>
      %gather3A_713 = tpu.vector_load_idx %arg7[%add3A_712, %broadcast_in_dim3A_687] : memref<128x16xf32, #tpu.memory_space<vmem>>[vector<16xi32>, vector<16xi32>], vector<16xf32>,
      %gather3A_714 = tpu.vector_load_idx %arg9[%add3A_712, %broadcast_in_dim3A_689] : memref<128x16xf32, #tpu.memory_space<vmem>>[vector<16xi32>, vector<16xi32>], vector<16xf32>,
      %add3A_715 = arith.addf %gather3A_713, %gather3A_714 : vector<16xf32>
      %swap3A_716 = arith.constant 7 : i32
      %swap3A_717 = arith.index_cast %swap3A_716 : i32 to index
      %swap3A_718 = arith.constant 32 : index
      %swap3A_719 = tpu.vector_load %arg11[%swap3A_717, %swap3A_718] {strides = array<i32>} : memref<8x128xf32, #tpu.memory_space<vmem>>, vector<16xf32>,
      tpu.vector_store %arg11[%swap3A_717, %swap3A_718], %add3A_715 {strides = array<i32>} : memref<8x128xf32, #tpu.memory_space<vmem>>, vector<16xf32>,
      %add3A_720 = arith.constant 48 : i32
      %add3A_721 = vector.broadcast %add3A_720 : i32 to vector<16xi32>
      %add3A_722 = arith.addi %iota3A, %add3A_721 : vector<16xi32>
      %gather3A_723 = tpu.vector_load_idx %arg7[%add3A_722, %broadcast_in_dim3A_687] : memref<128x16xf32, #tpu.memory_space<vmem>>[vector<16xi32>, vector<16xi32>], vector<16xf32>,
      %gather3A_724 = tpu.vector_load_idx %arg9[%add3A_722, %broadcast_in_dim3A_689] : memref<128x16xf32, #tpu.memory_space<vmem>>[vector<16xi32>, vector<16xi32>], vector<16xf32>,
      %add3A_725 = arith.addf %gather3A_723, %gather3A_724 : vector<16xf32>
      %swap3A_726 = arith.constant 7 : i32
      %swap3A_727 = arith.index_cast %swap3A_726 : i32 to index
      %swap3A_728 = arith.constant 48 : index
      %swap3A_729 = tpu.vector_load %arg11[%swap3A_727, %swap3A_728] {strides = array<i32>} : memref<8x128xf32, #tpu.memory_space<vmem>>, vector<16xf32>,
      tpu.vector_store %arg11[%swap3A_727, %swap3A_728], %add3A_725 {strides = array<i32>} : memref<8x128xf32, #tpu.memory_space<vmem>>, vector<16xf32>,
      %add3A_730 = arith.constant 64 : i32
      %add3A_731 = vector.broadcast %add3A_730 : i32 to vector<16xi32>
      %add3A_732 = arith.addi %iota3A, %add3A_731 : vector<16xi32>
      %gather3A_733 = tpu.vector_load_idx %arg7[%add3A_732, %broadcast_in_dim3A_687] : memref<128x16xf32, #tpu.memory_space<vmem>>[vector<16xi32>, vector<16xi32>], vector<16xf32>,
      %gather3A_734 = tpu.vector_load_idx %arg9[%add3A_732, %broadcast_in_dim3A_689] : memref<128x16xf32, #tpu.memory_space<vmem>>[vector<16xi32>, vector<16xi32>], vector<16xf32>,
      %add3A_735 = arith.addf %gather3A_733, %gather3A_734 : vector<16xf32>
      %swap3A_736 = arith.constant 7 : i32
      %swap3A_737 = arith.index_cast %swap3A_736 : i32 to index
      %swap3A_738 = arith.constant 64 : index
      %swap3A_739 = tpu.vector_load %arg11[%swap3A_737, %swap3A_738] {strides = array<i32>} : memref<8x128xf32, #tpu.memory_space<vmem>>, vector<16xf32>,
      tpu.vector_store %arg11[%swap3A_737, %swap3A_738], %add3A_735 {strides = array<i32>} : memref<8x128xf32, #tpu.memory_space<vmem>>, vector<16xf32>,
      %add3A_740 = arith.constant 80 : i32
      %add3A_741 = vector.broadcast %add3A_740 : i32 to vector<16xi32>
      %add3A_742 = arith.addi %iota3A, %add3A_741 : vector<16xi32>
      %gather3A_743 = tpu.vector_load_idx %arg7[%add3A_742, %broadcast_in_dim3A_687] : memref<128x16xf32, #tpu.memory_space<vmem>>[vector<16xi32>, vector<16xi32>], vector<16xf32>,
      %gather3A_744 = tpu.vector_load_idx %arg9[%add3A_742, %broadcast_in_dim3A_689] : memref<128x16xf32, #tpu.memory_space<vmem>>[vector<16xi32>, vector<16xi32>], vector<16xf32>,
      %add3A_745 = arith.addf %gather3A_743, %gather3A_744 : vector<16xf32>
      %swap3A_746 = arith.constant 7 : i32
      %swap3A_747 = arith.index_cast %swap3A_746 : i32 to index
      %swap3A_748 = arith.constant 80 : index
      %swap3A_749 = tpu.vector_load %arg11[%swap3A_747, %swap3A_748] {strides = array<i32>} : memref<8x128xf32, #tpu.memory_space<vmem>>, vector<16xf32>,
      tpu.vector_store %arg11[%swap3A_747, %swap3A_748], %add3A_745 {strides = array<i32>} : memref<8x128xf32, #tpu.memory_space<vmem>>, vector<16xf32>,
      %add3A_750 = arith.constant 96 : i32
      %add3A_751 = vector.broadcast %add3A_750 : i32 to vector<16xi32>
      %add3A_752 = arith.addi %iota3A, %add3A_751 : vector<16xi32>
      %gather3A_753 = tpu.vector_load_idx %arg7[%add3A_752, %broadcast_in_dim3A_687] : memref<128x16xf32, #tpu.memory_space<vmem>>[vector<16xi32>, vector<16xi32>], vector<16xf32>,
      %gather3A_754 = tpu.vector_load_idx %arg9[%add3A_752, %broadcast_in_dim3A_689] : memref<128x16xf32, #tpu.memory_space<vmem>>[vector<16xi32>, vector<16xi32>], vector<16xf32>,
      %add3A_755 = arith.addf %gather3A_753, %gather3A_754 : vector<16xf32>
      %swap3A_756 = arith.constant 7 : i32
      %swap3A_757 = arith.index_cast %swap3A_756 : i32 to index
      %swap3A_758 = arith.constant 96 : index
      %swap3A_759 = tpu.vector_load %arg11[%swap3A_757, %swap3A_758] {strides = array<i32>} : memref<8x128xf32, #tpu.memory_space<vmem>>, vector<16xf32>,
      tpu.vector_store %arg11[%swap3A_757, %swap3A_758], %add3A_755 {strides = array<i32>} : memref<8x128xf32, #tpu.memory_space<vmem>>, vector<16xf32>,
      %add3A_760 = arith.constant 112 : i32
      %add3A_761 = vector.broadcast %add3A_760 : i32 to vector<16xi32>
      %add3A_762 = arith.addi %iota3A, %add3A_761 : vector<16xi32>
      %gather3A_763 = tpu.vector_load_idx %arg7[%add3A_762, %broadcast_in_dim3A_687] : memref<128x16xf32, #tpu.memory_space<vmem>>[vector<16xi32>, vector<16xi32>], vector<16xf32>,
      %gather3A_764 = tpu.vector_load_idx %arg9[%add3A_762, %broadcast_in_dim3A_689] : memref<128x16xf32, #tpu.memory_space<vmem>>[vector<16xi32>, vector<16xi32>], vector<16xf32>,
      %add3A_765 = arith.addf %gather3A_763, %gather3A_764 : vector<16xf32>
      %swap3A_766 = arith.constant 7 : i32
      %swap3A_767 = arith.index_cast %swap3A_766 : i32 to index
      %swap3A_768 = arith.constant 112 : index
      %swap3A_769 = tpu.vector_load %arg11[%swap3A_767, %swap3A_768] {strides = array<i32>} : memref<8x128xf32, #tpu.memory_space<vmem>>, vector<16xf32>,
      tpu.vector_store %arg11[%swap3A_767, %swap3A_768], %add3A_765 {strides = array<i32>} : memref<8x128xf32, #tpu.memory_space<vmem>>, vector<16xf32>,
      %add3A_770 = arith.addi %mul3A_2, %add3A_82 : i32
      %mul3A_771 = arith.constant 8 : i32
      %mul3A_772 = arith.muli %add3A_770, %mul3A_771 : i32
      %multiple_of3A = tpu.assume_multiple %mul3A_772, 8 : i32
      %dma_start3A_773 = arith.constant 0 : i32
      %dma_start3A_774 = tpu.memref_slice %arg4[%multiple_of3A, %dma_start3A_773] : memref<10000x128xf32, #tpu.memory_space<hbm>> -> memref<8x128xf32, #tpu.memory_space<hbm>>
      %dma_start3A_775 = arith.constant 0 : i32
      %dma_start3A_776 = tpu.memref_slice %arg4[%multiple_of3A, %dma_start3A_775] : memref<10000x128xf32, #tpu.memory_space<hbm>> -> memref<8x128xf32, #tpu.memory_space<hbm>>
      tpu.enqueue_dma source(%arg11 : memref<8x128xf32, #tpu.memory_space<vmem>>) target(%dma_start3A_776 : memref<8x128xf32, #tpu.memory_space<hbm>>) target_semaphore(%arg17 : memref<!tpu.dma_semaphore, #tpu.memory_space<semaphore_mem>>)
      %add3A_777 = arith.constant 2 : i32
      %add3A_778 = arith.addi %add3A_82, %add3A_777 : i32
      %lt3A = arith.cmpi slt, %add3A_778, %select_n3A : i32
      %convert_element_type3A_779 = arith.extui %lt3A : i1 to i32
      %cond3A_780 = arith.constant 0 : i32
      %cond3A_781 = arith.cmpi ne, %convert_element_type3A_779, %cond3A_780 : i32
      scf.if %cond3A_781 {
        %add3A_1490 = arith.constant 2 : i32
        %add3A_1491 = arith.addi %add3A_82, %add3A_1490 : i32
        %dma_start3A_1492 = arith.constant 0 : i32
        %dma_start3A_1493 = tpu.memref_slice %arg5[%add3A_1491, %dma_start3A_1492] : memref<40x128xi32, #tpu.memory_space<vmem>> -> memref<1x128xi32, #tpu.memory_space<vmem>>
        %dma_start3A_1494 = tpu.memref_squeeze %dma_start3A_1493 : memref<1x128xi32, #tpu.memory_space<vmem>> -> memref<128xi32, #tpu.memory_space<vmem>>
        %dma_start3A_1495 = arith.constant 0 : i32
        %dma_start3A_1496 = arith.constant 0 : i32
        %dma_start3A_1497 = tpu.memref_slice %arg2[%dma_start3A_1495, %dma_start3A_1496] : memref<10000x16xf32, #tpu.memory_space<hbm>> -> memref<10000x16xf32, #tpu.memory_space<hbm>>
        tpu.enqueue_indirect_dma source(%dma_start3A_1497 : memref<10000x16xf32, #tpu.memory_space<hbm>>) target(%arg7 : memref<128x16xf32, #tpu.memory_space<vmem>>) offsets(%dma_start3A_1494 : memref<128xi32, #tpu.memory_space<vmem>>) semaphore(%arg13 : memref<!tpu.dma_semaphore, #tpu.memory_space<semaphore_mem>>)
        %dma_start3A_1498 = arith.constant 0 : i32
        %dma_start3A_1499 = tpu.memref_slice %arg6[%add3A_1491, %dma_start3A_1498] : memref<40x128xi32, #tpu.memory_space<vmem>> -> memref<1x128xi32, #tpu.memory_space<vmem>>
        %dma_start3A_1500 = tpu.memref_squeeze %dma_start3A_1499 : memref<1x128xi32, #tpu.memory_space<vmem>> -> memref<128xi32, #tpu.memory_space<vmem>>
        %dma_start3A_1501 = arith.constant 0 : i32
        %dma_start3A_1502 = arith.constant 0 : i32
        %dma_start3A_1503 = tpu.memref_slice %arg2[%dma_start3A_1501, %dma_start3A_1502] : memref<10000x16xf32, #tpu.memory_space<hbm>> -> memref<10000x16xf32, #tpu.memory_space<hbm>>
        tpu.enqueue_indirect_dma source(%dma_start3A_1503 : memref<10000x16xf32, #tpu.memory_space<hbm>>) target(%arg9 : memref<128x16xf32, #tpu.memory_space<vmem>>) offsets(%dma_start3A_1500 : memref<128xi32, #tpu.memory_space<vmem>>) semaphore(%arg15 : memref<!tpu.dma_semaphore, #tpu.memory_space<semaphore_mem>>)
      } else {
      }
      %add3A_782 = arith.constant 1 : i32
      %add3A_783 = arith.addi %mul3A_80, %add3A_782 : i32
      %dma_wait3A_784 = arith.constant 0 : i32
      %dma_wait3A_785 = arith.constant 0 : i32
      %dma_wait3A_786 = tpu.memref_slice %arg5[%dma_wait3A_784, %dma_wait3A_785] : memref<40x128xi32, #tpu.memory_space<vmem>> -> memref<1x128xi32, #tpu.memory_space<vmem>>
      %dma_wait3A_787 = tpu.memref_squeeze %dma_wait3A_786 : memref<1x128xi32, #tpu.memory_space<vmem>> -> memref<128xi32, #tpu.memory_space<vmem>>
      %dma_wait3A_788 = arith.constant 0 : i32
      %dma_wait3A_789 = arith.constant 0 : i32
      %dma_wait3A_790 = tpu.memref_slice %arg2[%dma_wait3A_788, %dma_wait3A_789] : memref<10000x16xf32, #tpu.memory_space<hbm>> -> memref<10000x16xf32, #tpu.memory_space<hbm>>
      tpu.wait_indirect_dma semaphore(%arg14 : memref<!tpu.dma_semaphore, #tpu.memory_space<semaphore_mem>>) src(%dma_wait3A_790 : memref<10000x16xf32, #tpu.memory_space<hbm>>) dst(%arg8 : memref<128x16xf32, #tpu.memory_space<vmem>>)
      %dma_wait3A_791 = arith.constant 0 : i32
      %dma_wait3A_792 = arith.constant 0 : i32
      %dma_wait3A_793 = tpu.memref_slice %arg6[%dma_wait3A_791, %dma_wait3A_792] : memref<40x128xi32, #tpu.memory_space<vmem>> -> memref<1x128xi32, #tpu.memory_space<vmem>>
      %dma_wait3A_794 = tpu.memref_squeeze %dma_wait3A_793 : memref<1x128xi32, #tpu.memory_space<vmem>> -> memref<128xi32, #tpu.memory_space<vmem>>
      %dma_wait3A_795 = arith.constant 0 : i32
      %dma_wait3A_796 = arith.constant 0 : i32
      %dma_wait3A_797 = tpu.memref_slice %arg2[%dma_wait3A_795, %dma_wait3A_796] : memref<10000x16xf32, #tpu.memory_space<hbm>> -> memref<10000x16xf32, #tpu.memory_space<hbm>>
      tpu.wait_indirect_dma semaphore(%arg16 : memref<!tpu.dma_semaphore, #tpu.memory_space<semaphore_mem>>) src(%dma_wait3A_797 : memref<10000x16xf32, #tpu.memory_space<hbm>>) dst(%arg10 : memref<128x16xf32, #tpu.memory_space<vmem>>)
      %gt3A_798 = arith.constant 0 : i32
      %gt3A_799 = arith.cmpi sgt, %while3A_77, %gt3A_798 : i32
      %convert_element_type3A_800 = arith.extui %gt3A_799 : i1 to i32
      %cond3A_801 = arith.constant 0 : i32
      %cond3A_802 = arith.cmpi ne, %convert_element_type3A_800, %cond3A_801 : i32
      scf.if %cond3A_802 {
        %dma_wait3A_1490 = arith.constant 0 : i32
        %dma_wait3A_1491 = arith.constant 0 : i32
        %dma_wait3A_1492 = tpu.memref_slice %arg4[%dma_wait3A_1490, %dma_wait3A_1491] : memref<10000x128xf32, #tpu.memory_space<hbm>> -> memref<8x128xf32, #tpu.memory_space<hbm>>
        %dma_wait3A_1493 = arith.constant 0 : i32
        %dma_wait3A_1494 = arith.constant 0 : i32
        %dma_wait3A_1495 = tpu.memref_slice %arg4[%dma_wait3A_1493, %dma_wait3A_1494] : memref<10000x128xf32, #tpu.memory_space<hbm>> -> memref<8x128xf32, #tpu.memory_space<hbm>>
        tpu.wait_dma2 semaphore(%arg18 : memref<!tpu.dma_semaphore, #tpu.memory_space<semaphore_mem>>) src(%arg12 : memref<8x128xf32, #tpu.memory_space<vmem>>) dst(%dma_wait3A_1495 : memref<8x128xf32, #tpu.memory_space<hbm>>)
      } else {
      }
      %broadcast_in_dim3A_803 = arith.constant 0 : i32
      %broadcast_in_dim3A_804 = vector.broadcast %broadcast_in_dim3A_803 : i32 to vector<16xi32>
      %broadcast_in_dim3A_805 = arith.constant 8 : i32
      %broadcast_in_dim3A_806 = vector.broadcast %broadcast_in_dim3A_805 : i32 to vector<16xi32>
      %add3A_807 = arith.constant 0 : i32
      %add3A_808 = vector.broadcast %add3A_807 : i32 to vector<16xi32>
      %add3A_809 = arith.addi %iota3A, %add3A_808 : vector<16xi32>
      %gather3A_810 = tpu.vector_load_idx %arg8[%add3A_809, %broadcast_in_dim3A_804] : memref<128x16xf32, #tpu.memory_space<vmem>>[vector<16xi32>, vector<16xi32>], vector<16xf32>,
      %gather3A_811 = tpu.vector_load_idx %arg10[%add3A_809, %broadcast_in_dim3A_806] : memref<128x16xf32, #tpu.memory_space<vmem>>[vector<16xi32>, vector<16xi32>], vector<16xf32>,
      %add3A_812 = arith.addf %gather3A_810, %gather3A_811 : vector<16xf32>
      %swap3A_813 = arith.constant 0 : i32
      %swap3A_814 = arith.index_cast %swap3A_813 : i32 to index
      %swap3A_815 = arith.constant 0 : index
      %swap3A_816 = tpu.vector_load %arg12[%swap3A_814, %swap3A_815] {strides = array<i32>} : memref<8x128xf32, #tpu.memory_space<vmem>>, vector<16xf32>,
      tpu.vector_store %arg12[%swap3A_814, %swap3A_815], %add3A_812 {strides = array<i32>} : memref<8x128xf32, #tpu.memory_space<vmem>>, vector<16xf32>,
      %add3A_817 = arith.constant 16 : i32
      %add3A_818 = vector.broadcast %add3A_817 : i32 to vector<16xi32>
      %add3A_819 = arith.addi %iota3A, %add3A_818 : vector<16xi32>
      %gather3A_820 = tpu.vector_load_idx %arg8[%add3A_819, %broadcast_in_dim3A_804] : memref<128x16xf32, #tpu.memory_space<vmem>>[vector<16xi32>, vector<16xi32>], vector<16xf32>,
      %gather3A_821 = tpu.vector_load_idx %arg10[%add3A_819, %broadcast_in_dim3A_806] : memref<128x16xf32, #tpu.memory_space<vmem>>[vector<16xi32>, vector<16xi32>], vector<16xf32>,
      %add3A_822 = arith.addf %gather3A_820, %gather3A_821 : vector<16xf32>
      %swap3A_823 = arith.constant 0 : i32
      %swap3A_824 = arith.index_cast %swap3A_823 : i32 to index
      %swap3A_825 = arith.constant 16 : index
      %swap3A_826 = tpu.vector_load %arg12[%swap3A_824, %swap3A_825] {strides = array<i32>} : memref<8x128xf32, #tpu.memory_space<vmem>>, vector<16xf32>,
      tpu.vector_store %arg12[%swap3A_824, %swap3A_825], %add3A_822 {strides = array<i32>} : memref<8x128xf32, #tpu.memory_space<vmem>>, vector<16xf32>,
      %add3A_827 = arith.constant 32 : i32
      %add3A_828 = vector.broadcast %add3A_827 : i32 to vector<16xi32>
      %add3A_829 = arith.addi %iota3A, %add3A_828 : vector<16xi32>
      %gather3A_830 = tpu.vector_load_idx %arg8[%add3A_829, %broadcast_in_dim3A_804] : memref<128x16xf32, #tpu.memory_space<vmem>>[vector<16xi32>, vector<16xi32>], vector<16xf32>,
      %gather3A_831 = tpu.vector_load_idx %arg10[%add3A_829, %broadcast_in_dim3A_806] : memref<128x16xf32, #tpu.memory_space<vmem>>[vector<16xi32>, vector<16xi32>], vector<16xf32>,
      %add3A_832 = arith.addf %gather3A_830, %gather3A_831 : vector<16xf32>
      %swap3A_833 = arith.constant 0 : i32
      %swap3A_834 = arith.index_cast %swap3A_833 : i32 to index
      %swap3A_835 = arith.constant 32 : index
      %swap3A_836 = tpu.vector_load %arg12[%swap3A_834, %swap3A_835] {strides = array<i32>} : memref<8x128xf32, #tpu.memory_space<vmem>>, vector<16xf32>,
      tpu.vector_store %arg12[%swap3A_834, %swap3A_835], %add3A_832 {strides = array<i32>} : memref<8x128xf32, #tpu.memory_space<vmem>>, vector<16xf32>,
      %add3A_837 = arith.constant 48 : i32
      %add3A_838 = vector.broadcast %add3A_837 : i32 to vector<16xi32>
      %add3A_839 = arith.addi %iota3A, %add3A_838 : vector<16xi32>
      %gather3A_840 = tpu.vector_load_idx %arg8[%add3A_839, %broadcast_in_dim3A_804] : memref<128x16xf32, #tpu.memory_space<vmem>>[vector<16xi32>, vector<16xi32>], vector<16xf32>,
      %gather3A_841 = tpu.vector_load_idx %arg10[%add3A_839, %broadcast_in_dim3A_806] : memref<128x16xf32, #tpu.memory_space<vmem>>[vector<16xi32>, vector<16xi32>], vector<16xf32>,
      %add3A_842 = arith.addf %gather3A_840, %gather3A_841 : vector<16xf32>
      %swap3A_843 = arith.constant 0 : i32
      %swap3A_844 = arith.index_cast %swap3A_843 : i32 to index
      %swap3A_845 = arith.constant 48 : index
      %swap3A_846 = tpu.vector_load %arg12[%swap3A_844, %swap3A_845] {strides = array<i32>} : memref<8x128xf32, #tpu.memory_space<vmem>>, vector<16xf32>,
      tpu.vector_store %arg12[%swap3A_844, %swap3A_845], %add3A_842 {strides = array<i32>} : memref<8x128xf32, #tpu.memory_space<vmem>>, vector<16xf32>,
      %add3A_847 = arith.constant 64 : i32
      %add3A_848 = vector.broadcast %add3A_847 : i32 to vector<16xi32>
      %add3A_849 = arith.addi %iota3A, %add3A_848 : vector<16xi32>
      %gather3A_850 = tpu.vector_load_idx %arg8[%add3A_849, %broadcast_in_dim3A_804] : memref<128x16xf32, #tpu.memory_space<vmem>>[vector<16xi32>, vector<16xi32>], vector<16xf32>,
      %gather3A_851 = tpu.vector_load_idx %arg10[%add3A_849, %broadcast_in_dim3A_806] : memref<128x16xf32, #tpu.memory_space<vmem>>[vector<16xi32>, vector<16xi32>], vector<16xf32>,
      %add3A_852 = arith.addf %gather3A_850, %gather3A_851 : vector<16xf32>
      %swap3A_853 = arith.constant 0 : i32
      %swap3A_854 = arith.index_cast %swap3A_853 : i32 to index
      %swap3A_855 = arith.constant 64 : index
      %swap3A_856 = tpu.vector_load %arg12[%swap3A_854, %swap3A_855] {strides = array<i32>} : memref<8x128xf32, #tpu.memory_space<vmem>>, vector<16xf32>,
      tpu.vector_store %arg12[%swap3A_854, %swap3A_855], %add3A_852 {strides = array<i32>} : memref<8x128xf32, #tpu.memory_space<vmem>>, vector<16xf32>,
      %add3A_857 = arith.constant 80 : i32
      %add3A_858 = vector.broadcast %add3A_857 : i32 to vector<16xi32>
      %add3A_859 = arith.addi %iota3A, %add3A_858 : vector<16xi32>
      %gather3A_860 = tpu.vector_load_idx %arg8[%add3A_859, %broadcast_in_dim3A_804] : memref<128x16xf32, #tpu.memory_space<vmem>>[vector<16xi32>, vector<16xi32>], vector<16xf32>,
      %gather3A_861 = tpu.vector_load_idx %arg10[%add3A_859, %broadcast_in_dim3A_806] : memref<128x16xf32, #tpu.memory_space<vmem>>[vector<16xi32>, vector<16xi32>], vector<16xf32>,
      %add3A_862 = arith.addf %gather3A_860, %gather3A_861 : vector<16xf32>
      %swap3A_863 = arith.constant 0 : i32
      %swap3A_864 = arith.index_cast %swap3A_863 : i32 to index
      %swap3A_865 = arith.constant 80 : index
      %swap3A_866 = tpu.vector_load %arg12[%swap3A_864, %swap3A_865] {strides = array<i32>} : memref<8x128xf32, #tpu.memory_space<vmem>>, vector<16xf32>,
      tpu.vector_store %arg12[%swap3A_864, %swap3A_865], %add3A_862 {strides = array<i32>} : memref<8x128xf32, #tpu.memory_space<vmem>>, vector<16xf32>,
      %add3A_867 = arith.constant 96 : i32
      %add3A_868 = vector.broadcast %add3A_867 : i32 to vector<16xi32>
      %add3A_869 = arith.addi %iota3A, %add3A_868 : vector<16xi32>
      %gather3A_870 = tpu.vector_load_idx %arg8[%add3A_869, %broadcast_in_dim3A_804] : memref<128x16xf32, #tpu.memory_space<vmem>>[vector<16xi32>, vector<16xi32>], vector<16xf32>,
      %gather3A_871 = tpu.vector_load_idx %arg10[%add3A_869, %broadcast_in_dim3A_806] : memref<128x16xf32, #tpu.memory_space<vmem>>[vector<16xi32>, vector<16xi32>], vector<16xf32>,
      %add3A_872 = arith.addf %gather3A_870, %gather3A_871 : vector<16xf32>
      %swap3A_873 = arith.constant 0 : i32
      %swap3A_874 = arith.index_cast %swap3A_873 : i32 to index
      %swap3A_875 = arith.constant 96 : index
      %swap3A_876 = tpu.vector_load %arg12[%swap3A_874, %swap3A_875] {strides = array<i32>} : memref<8x128xf32, #tpu.memory_space<vmem>>, vector<16xf32>,
      tpu.vector_store %arg12[%swap3A_874, %swap3A_875], %add3A_872 {strides = array<i32>} : memref<8x128xf32, #tpu.memory_space<vmem>>, vector<16xf32>,
      %add3A_877 = arith.constant 112 : i32
      %add3A_878 = vector.broadcast %add3A_877 : i32 to vector<16xi32>
      %add3A_879 = arith.addi %iota3A, %add3A_878 : vector<16xi32>
      %gather3A_880 = tpu.vector_load_idx %arg8[%add3A_879, %broadcast_in_dim3A_804] : memref<128x16xf32, #tpu.memory_space<vmem>>[vector<16xi32>, vector<16xi32>], vector<16xf32>,
      %gather3A_881 = tpu.vector_load_idx %arg10[%add3A_879, %broadcast_in_dim3A_806] : memref<128x16xf32, #tpu.memory_space<vmem>>[vector<16xi32>, vector<16xi32>], vector<16xf32>,
      %add3A_882 = arith.addf %gather3A_880, %gather3A_881 : vector<16xf32>
      %swap3A_883 = arith.constant 0 : i32
      %swap3A_884 = arith.index_cast %swap3A_883 : i32 to index
      %swap3A_885 = arith.constant 112 : index
      %swap3A_886 = tpu.vector_load %arg12[%swap3A_884, %swap3A_885] {strides = array<i32>} : memref<8x128xf32, #tpu.memory_space<vmem>>, vector<16xf32>,
      tpu.vector_store %arg12[%swap3A_884, %swap3A_885], %add3A_882 {strides = array<i32>} : memref<8x128xf32, #tpu.memory_space<vmem>>, vector<16xf32>,
      %broadcast_in_dim3A_887 = arith.constant 1 : i32
      %broadcast_in_dim3A_888 = vector.broadcast %broadcast_in_dim3A_887 : i32 to vector<16xi32>
      %broadcast_in_dim3A_889 = arith.constant 9 : i32
      %broadcast_in_dim3A_890 = vector.broadcast %broadcast_in_dim3A_889 : i32 to vector<16xi32>
      %add3A_891 = arith.constant 0 : i32
      %add3A_892 = vector.broadcast %add3A_891 : i32 to vector<16xi32>
      %add3A_893 = arith.addi %iota3A, %add3A_892 : vector<16xi32>
      %gather3A_894 = tpu.vector_load_idx %arg8[%add3A_893, %broadcast_in_dim3A_888] : memref<128x16xf32, #tpu.memory_space<vmem>>[vector<16xi32>, vector<16xi32>], vector<16xf32>,
      %gather3A_895 = tpu.vector_load_idx %arg10[%add3A_893, %broadcast_in_dim3A_890] : memref<128x16xf32, #tpu.memory_space<vmem>>[vector<16xi32>, vector<16xi32>], vector<16xf32>,
      %add3A_896 = arith.addf %gather3A_894, %gather3A_895 : vector<16xf32>
      %swap3A_897 = arith.constant 1 : i32
      %swap3A_898 = arith.index_cast %swap3A_897 : i32 to index
      %swap3A_899 = arith.constant 0 : index
      %swap3A_900 = tpu.vector_load %arg12[%swap3A_898, %swap3A_899] {strides = array<i32>} : memref<8x128xf32, #tpu.memory_space<vmem>>, vector<16xf32>,
      tpu.vector_store %arg12[%swap3A_898, %swap3A_899], %add3A_896 {strides = array<i32>} : memref<8x128xf32, #tpu.memory_space<vmem>>, vector<16xf32>,
      %add3A_901 = arith.constant 16 : i32
      %add3A_902 = vector.broadcast %add3A_901 : i32 to vector<16xi32>
      %add3A_903 = arith.addi %iota3A, %add3A_902 : vector<16xi32>
      %gather3A_904 = tpu.vector_load_idx %arg8[%add3A_903, %broadcast_in_dim3A_888] : memref<128x16xf32, #tpu.memory_space<vmem>>[vector<16xi32>, vector<16xi32>], vector<16xf32>,
      %gather3A_905 = tpu.vector_load_idx %arg10[%add3A_903, %broadcast_in_dim3A_890] : memref<128x16xf32, #tpu.memory_space<vmem>>[vector<16xi32>, vector<16xi32>], vector<16xf32>,
      %add3A_906 = arith.addf %gather3A_904, %gather3A_905 : vector<16xf32>
      %swap3A_907 = arith.constant 1 : i32
      %swap3A_908 = arith.index_cast %swap3A_907 : i32 to index
      %swap3A_909 = arith.constant 16 : index
      %swap3A_910 = tpu.vector_load %arg12[%swap3A_908, %swap3A_909] {strides = array<i32>} : memref<8x128xf32, #tpu.memory_space<vmem>>, vector<16xf32>,
      tpu.vector_store %arg12[%swap3A_908, %swap3A_909], %add3A_906 {strides = array<i32>} : memref<8x128xf32, #tpu.memory_space<vmem>>, vector<16xf32>,
      %add3A_911 = arith.constant 32 : i32
      %add3A_912 = vector.broadcast %add3A_911 : i32 to vector<16xi32>
      %add3A_913 = arith.addi %iota3A, %add3A_912 : vector<16xi32>
      %gather3A_914 = tpu.vector_load_idx %arg8[%add3A_913, %broadcast_in_dim3A_888] : memref<128x16xf32, #tpu.memory_space<vmem>>[vector<16xi32>, vector<16xi32>], vector<16xf32>,
      %gather3A_915 = tpu.vector_load_idx %arg10[%add3A_913, %broadcast_in_dim3A_890] : memref<128x16xf32, #tpu.memory_space<vmem>>[vector<16xi32>, vector<16xi32>], vector<16xf32>,
      %add3A_916 = arith.addf %gather3A_914, %gather3A_915 : vector<16xf32>
      %swap3A_917 = arith.constant 1 : i32
      %swap3A_918 = arith.index_cast %swap3A_917 : i32 to index
      %swap3A_919 = arith.constant 32 : index
      %swap3A_920 = tpu.vector_load %arg12[%swap3A_918, %swap3A_919] {strides = array<i32>} : memref<8x128xf32, #tpu.memory_space<vmem>>, vector<16xf32>,
      tpu.vector_store %arg12[%swap3A_918, %swap3A_919], %add3A_916 {strides = array<i32>} : memref<8x128xf32, #tpu.memory_space<vmem>>, vector<16xf32>,
      %add3A_921 = arith.constant 48 : i32
      %add3A_922 = vector.broadcast %add3A_921 : i32 to vector<16xi32>
      %add3A_923 = arith.addi %iota3A, %add3A_922 : vector<16xi32>
      %gather3A_924 = tpu.vector_load_idx %arg8[%add3A_923, %broadcast_in_dim3A_888] : memref<128x16xf32, #tpu.memory_space<vmem>>[vector<16xi32>, vector<16xi32>], vector<16xf32>,
      %gather3A_925 = tpu.vector_load_idx %arg10[%add3A_923, %broadcast_in_dim3A_890] : memref<128x16xf32, #tpu.memory_space<vmem>>[vector<16xi32>, vector<16xi32>], vector<16xf32>,
      %add3A_926 = arith.addf %gather3A_924, %gather3A_925 : vector<16xf32>
      %swap3A_927 = arith.constant 1 : i32
      %swap3A_928 = arith.index_cast %swap3A_927 : i32 to index
      %swap3A_929 = arith.constant 48 : index
      %swap3A_930 = tpu.vector_load %arg12[%swap3A_928, %swap3A_929] {strides = array<i32>} : memref<8x128xf32, #tpu.memory_space<vmem>>, vector<16xf32>,
      tpu.vector_store %arg12[%swap3A_928, %swap3A_929], %add3A_926 {strides = array<i32>} : memref<8x128xf32, #tpu.memory_space<vmem>>, vector<16xf32>,
      %add3A_931 = arith.constant 64 : i32
      %add3A_932 = vector.broadcast %add3A_931 : i32 to vector<16xi32>
      %add3A_933 = arith.addi %iota3A, %add3A_932 : vector<16xi32>
      %gather3A_934 = tpu.vector_load_idx %arg8[%add3A_933, %broadcast_in_dim3A_888] : memref<128x16xf32, #tpu.memory_space<vmem>>[vector<16xi32>, vector<16xi32>], vector<16xf32>,
      %gather3A_935 = tpu.vector_load_idx %arg10[%add3A_933, %broadcast_in_dim3A_890] : memref<128x16xf32, #tpu.memory_space<vmem>>[vector<16xi32>, vector<16xi32>], vector<16xf32>,
      %add3A_936 = arith.addf %gather3A_934, %gather3A_935 : vector<16xf32>
      %swap3A_937 = arith.constant 1 : i32
      %swap3A_938 = arith.index_cast %swap3A_937 : i32 to index
      %swap3A_939 = arith.constant 64 : index
      %swap3A_940 = tpu.vector_load %arg12[%swap3A_938, %swap3A_939] {strides = array<i32>} : memref<8x128xf32, #tpu.memory_space<vmem>>, vector<16xf32>,
      tpu.vector_store %arg12[%swap3A_938, %swap3A_939], %add3A_936 {strides = array<i32>} : memref<8x128xf32, #tpu.memory_space<vmem>>, vector<16xf32>,
      %add3A_941 = arith.constant 80 : i32
      %add3A_942 = vector.broadcast %add3A_941 : i32 to vector<16xi32>
      %add3A_943 = arith.addi %iota3A, %add3A_942 : vector<16xi32>
      %gather3A_944 = tpu.vector_load_idx %arg8[%add3A_943, %broadcast_in_dim3A_888] : memref<128x16xf32, #tpu.memory_space<vmem>>[vector<16xi32>, vector<16xi32>], vector<16xf32>,
      %gather3A_945 = tpu.vector_load_idx %arg10[%add3A_943, %broadcast_in_dim3A_890] : memref<128x16xf32, #tpu.memory_space<vmem>>[vector<16xi32>, vector<16xi32>], vector<16xf32>,
      %add3A_946 = arith.addf %gather3A_944, %gather3A_945 : vector<16xf32>
      %swap3A_947 = arith.constant 1 : i32
      %swap3A_948 = arith.index_cast %swap3A_947 : i32 to index
      %swap3A_949 = arith.constant 80 : index
      %swap3A_950 = tpu.vector_load %arg12[%swap3A_948, %swap3A_949] {strides = array<i32>} : memref<8x128xf32, #tpu.memory_space<vmem>>, vector<16xf32>,
      tpu.vector_store %arg12[%swap3A_948, %swap3A_949], %add3A_946 {strides = array<i32>} : memref<8x128xf32, #tpu.memory_space<vmem>>, vector<16xf32>,
      %add3A_951 = arith.constant 96 : i32
      %add3A_952 = vector.broadcast %add3A_951 : i32 to vector<16xi32>
      %add3A_953 = arith.addi %iota3A, %add3A_952 : vector<16xi32>
      %gather3A_954 = tpu.vector_load_idx %arg8[%add3A_953, %broadcast_in_dim3A_888] : memref<128x16xf32, #tpu.memory_space<vmem>>[vector<16xi32>, vector<16xi32>], vector<16xf32>,
      %gather3A_955 = tpu.vector_load_idx %arg10[%add3A_953, %broadcast_in_dim3A_890] : memref<128x16xf32, #tpu.memory_space<vmem>>[vector<16xi32>, vector<16xi32>], vector<16xf32>,
      %add3A_956 = arith.addf %gather3A_954, %gather3A_955 : vector<16xf32>
      %swap3A_957 = arith.constant 1 : i32
      %swap3A_958 = arith.index_cast %swap3A_957 : i32 to index
      %swap3A_959 = arith.constant 96 : index
      %swap3A_960 = tpu.vector_load %arg12[%swap3A_958, %swap3A_959] {strides = array<i32>} : memref<8x128xf32, #tpu.memory_space<vmem>>, vector<16xf32>,
      tpu.vector_store %arg12[%swap3A_958, %swap3A_959], %add3A_956 {strides = array<i32>} : memref<8x128xf32, #tpu.memory_space<vmem>>, vector<16xf32>,
      %add3A_961 = arith.constant 112 : i32
      %add3A_962 = vector.broadcast %add3A_961 : i32 to vector<16xi32>
      %add3A_963 = arith.addi %iota3A, %add3A_962 : vector<16xi32>
      %gather3A_964 = tpu.vector_load_idx %arg8[%add3A_963, %broadcast_in_dim3A_888] : memref<128x16xf32, #tpu.memory_space<vmem>>[vector<16xi32>, vector<16xi32>], vector<16xf32>,
      %gather3A_965 = tpu.vector_load_idx %arg10[%add3A_963, %broadcast_in_dim3A_890] : memref<128x16xf32, #tpu.memory_space<vmem>>[vector<16xi32>, vector<16xi32>], vector<16xf32>,
      %add3A_966 = arith.addf %gather3A_964, %gather3A_965 : vector<16xf32>
      %swap3A_967 = arith.constant 1 : i32
      %swap3A_968 = arith.index_cast %swap3A_967 : i32 to index
      %swap3A_969 = arith.constant 112 : index
      %swap3A_970 = tpu.vector_load %arg12[%swap3A_968, %swap3A_969] {strides = array<i32>} : memref<8x128xf32, #tpu.memory_space<vmem>>, vector<16xf32>,
      tpu.vector_store %arg12[%swap3A_968, %swap3A_969], %add3A_966 {strides = array<i32>} : memref<8x128xf32, #tpu.memory_space<vmem>>, vector<16xf32>,
      %broadcast_in_dim3A_971 = arith.constant 2 : i32
      %broadcast_in_dim3A_972 = vector.broadcast %broadcast_in_dim3A_971 : i32 to vector<16xi32>
      %broadcast_in_dim3A_973 = arith.constant 10 : i32
      %broadcast_in_dim3A_974 = vector.broadcast %broadcast_in_dim3A_973 : i32 to vector<16xi32>
      %add3A_975 = arith.constant 0 : i32
      %add3A_976 = vector.broadcast %add3A_975 : i32 to vector<16xi32>
      %add3A_977 = arith.addi %iota3A, %add3A_976 : vector<16xi32>
      %gather3A_978 = tpu.vector_load_idx %arg8[%add3A_977, %broadcast_in_dim3A_972] : memref<128x16xf32, #tpu.memory_space<vmem>>[vector<16xi32>, vector<16xi32>], vector<16xf32>,
      %gather3A_979 = tpu.vector_load_idx %arg10[%add3A_977, %broadcast_in_dim3A_974] : memref<128x16xf32, #tpu.memory_space<vmem>>[vector<16xi32>, vector<16xi32>], vector<16xf32>,
      %add3A_980 = arith.addf %gather3A_978, %gather3A_979 : vector<16xf32>
      %swap3A_981 = arith.constant 2 : i32
      %swap3A_982 = arith.index_cast %swap3A_981 : i32 to index
      %swap3A_983 = arith.constant 0 : index
      %swap3A_984 = tpu.vector_load %arg12[%swap3A_982, %swap3A_983] {strides = array<i32>} : memref<8x128xf32, #tpu.memory_space<vmem>>, vector<16xf32>,
      tpu.vector_store %arg12[%swap3A_982, %swap3A_983], %add3A_980 {strides = array<i32>} : memref<8x128xf32, #tpu.memory_space<vmem>>, vector<16xf32>,
      %add3A_985 = arith.constant 16 : i32
      %add3A_986 = vector.broadcast %add3A_985 : i32 to vector<16xi32>
      %add3A_987 = arith.addi %iota3A, %add3A_986 : vector<16xi32>
      %gather3A_988 = tpu.vector_load_idx %arg8[%add3A_987, %broadcast_in_dim3A_972] : memref<128x16xf32, #tpu.memory_space<vmem>>[vector<16xi32>, vector<16xi32>], vector<16xf32>,
      %gather3A_989 = tpu.vector_load_idx %arg10[%add3A_987, %broadcast_in_dim3A_974] : memref<128x16xf32, #tpu.memory_space<vmem>>[vector<16xi32>, vector<16xi32>], vector<16xf32>,
      %add3A_990 = arith.addf %gather3A_988, %gather3A_989 : vector<16xf32>
      %swap3A_991 = arith.constant 2 : i32
      %swap3A_992 = arith.index_cast %swap3A_991 : i32 to index
      %swap3A_993 = arith.constant 16 : index
      %swap3A_994 = tpu.vector_load %arg12[%swap3A_992, %swap3A_993] {strides = array<i32>} : memref<8x128xf32, #tpu.memory_space<vmem>>, vector<16xf32>,
      tpu.vector_store %arg12[%swap3A_992, %swap3A_993], %add3A_990 {strides = array<i32>} : memref<8x128xf32, #tpu.memory_space<vmem>>, vector<16xf32>,
      %add3A_995 = arith.constant 32 : i32
      %add3A_996 = vector.broadcast %add3A_995 : i32 to vector<16xi32>
      %add3A_997 = arith.addi %iota3A, %add3A_996 : vector<16xi32>
      %gather3A_998 = tpu.vector_load_idx %arg8[%add3A_997, %broadcast_in_dim3A_972] : memref<128x16xf32, #tpu.memory_space<vmem>>[vector<16xi32>, vector<16xi32>], vector<16xf32>,
      %gather3A_999 = tpu.vector_load_idx %arg10[%add3A_997, %broadcast_in_dim3A_974] : memref<128x16xf32, #tpu.memory_space<vmem>>[vector<16xi32>, vector<16xi32>], vector<16xf32>,
      %add3A_1000 = arith.addf %gather3A_998, %gather3A_999 : vector<16xf32>
      %swap3A_1001 = arith.constant 2 : i32
      %swap3A_1002 = arith.index_cast %swap3A_1001 : i32 to index
      %swap3A_1003 = arith.constant 32 : index
      %swap3A_1004 = tpu.vector_load %arg12[%swap3A_1002, %swap3A_1003] {strides = array<i32>} : memref<8x128xf32, #tpu.memory_space<vmem>>, vector<16xf32>,
      tpu.vector_store %arg12[%swap3A_1002, %swap3A_1003], %add3A_1000 {strides = array<i32>} : memref<8x128xf32, #tpu.memory_space<vmem>>, vector<16xf32>,
      %add3A_1005 = arith.constant 48 : i32
      %add3A_1006 = vector.broadcast %add3A_1005 : i32 to vector<16xi32>
      %add3A_1007 = arith.addi %iota3A, %add3A_1006 : vector<16xi32>
      %gather3A_1008 = tpu.vector_load_idx %arg8[%add3A_1007, %broadcast_in_dim3A_972] : memref<128x16xf32, #tpu.memory_space<vmem>>[vector<16xi32>, vector<16xi32>], vector<16xf32>,
      %gather3A_1009 = tpu.vector_load_idx %arg10[%add3A_1007, %broadcast_in_dim3A_974] : memref<128x16xf32, #tpu.memory_space<vmem>>[vector<16xi32>, vector<16xi32>], vector<16xf32>,
      %add3A_1010 = arith.addf %gather3A_1008, %gather3A_1009 : vector<16xf32>
      %swap3A_1011 = arith.constant 2 : i32
      %swap3A_1012 = arith.index_cast %swap3A_1011 : i32 to index
      %swap3A_1013 = arith.constant 48 : index
      %swap3A_1014 = tpu.vector_load %arg12[%swap3A_1012, %swap3A_1013] {strides = array<i32>} : memref<8x128xf32, #tpu.memory_space<vmem>>, vector<16xf32>,
      tpu.vector_store %arg12[%swap3A_1012, %swap3A_1013], %add3A_1010 {strides = array<i32>} : memref<8x128xf32, #tpu.memory_space<vmem>>, vector<16xf32>,
      %add3A_1015 = arith.constant 64 : i32
      %add3A_1016 = vector.broadcast %add3A_1015 : i32 to vector<16xi32>
      %add3A_1017 = arith.addi %iota3A, %add3A_1016 : vector<16xi32>
      %gather3A_1018 = tpu.vector_load_idx %arg8[%add3A_1017, %broadcast_in_dim3A_972] : memref<128x16xf32, #tpu.memory_space<vmem>>[vector<16xi32>, vector<16xi32>], vector<16xf32>,
      %gather3A_1019 = tpu.vector_load_idx %arg10[%add3A_1017, %broadcast_in_dim3A_974] : memref<128x16xf32, #tpu.memory_space<vmem>>[vector<16xi32>, vector<16xi32>], vector<16xf32>,
      %add3A_1020 = arith.addf %gather3A_1018, %gather3A_1019 : vector<16xf32>
      %swap3A_1021 = arith.constant 2 : i32
      %swap3A_1022 = arith.index_cast %swap3A_1021 : i32 to index
      %swap3A_1023 = arith.constant 64 : index
      %swap3A_1024 = tpu.vector_load %arg12[%swap3A_1022, %swap3A_1023] {strides = array<i32>} : memref<8x128xf32, #tpu.memory_space<vmem>>, vector<16xf32>,
      tpu.vector_store %arg12[%swap3A_1022, %swap3A_1023], %add3A_1020 {strides = array<i32>} : memref<8x128xf32, #tpu.memory_space<vmem>>, vector<16xf32>,
      %add3A_1025 = arith.constant 80 : i32
      %add3A_1026 = vector.broadcast %add3A_1025 : i32 to vector<16xi32>
      %add3A_1027 = arith.addi %iota3A, %add3A_1026 : vector<16xi32>
      %gather3A_1028 = tpu.vector_load_idx %arg8[%add3A_1027, %broadcast_in_dim3A_972] : memref<128x16xf32, #tpu.memory_space<vmem>>[vector<16xi32>, vector<16xi32>], vector<16xf32>,
      %gather3A_1029 = tpu.vector_load_idx %arg10[%add3A_1027, %broadcast_in_dim3A_974] : memref<128x16xf32, #tpu.memory_space<vmem>>[vector<16xi32>, vector<16xi32>], vector<16xf32>,
      %add3A_1030 = arith.addf %gather3A_1028, %gather3A_1029 : vector<16xf32>
      %swap3A_1031 = arith.constant 2 : i32
      %swap3A_1032 = arith.index_cast %swap3A_1031 : i32 to index
      %swap3A_1033 = arith.constant 80 : index
      %swap3A_1034 = tpu.vector_load %arg12[%swap3A_1032, %swap3A_1033] {strides = array<i32>} : memref<8x128xf32, #tpu.memory_space<vmem>>, vector<16xf32>,
      tpu.vector_store %arg12[%swap3A_1032, %swap3A_1033], %add3A_1030 {strides = array<i32>} : memref<8x128xf32, #tpu.memory_space<vmem>>, vector<16xf32>,
      %add3A_1035 = arith.constant 96 : i32
      %add3A_1036 = vector.broadcast %add3A_1035 : i32 to vector<16xi32>
      %add3A_1037 = arith.addi %iota3A, %add3A_1036 : vector<16xi32>
      %gather3A_1038 = tpu.vector_load_idx %arg8[%add3A_1037, %broadcast_in_dim3A_972] : memref<128x16xf32, #tpu.memory_space<vmem>>[vector<16xi32>, vector<16xi32>], vector<16xf32>,
      %gather3A_1039 = tpu.vector_load_idx %arg10[%add3A_1037, %broadcast_in_dim3A_974] : memref<128x16xf32, #tpu.memory_space<vmem>>[vector<16xi32>, vector<16xi32>], vector<16xf32>,
      %add3A_1040 = arith.addf %gather3A_1038, %gather3A_1039 : vector<16xf32>
      %swap3A_1041 = arith.constant 2 : i32
      %swap3A_1042 = arith.index_cast %swap3A_1041 : i32 to index
      %swap3A_1043 = arith.constant 96 : index
      %swap3A_1044 = tpu.vector_load %arg12[%swap3A_1042, %swap3A_1043] {strides = array<i32>} : memref<8x128xf32, #tpu.memory_space<vmem>>, vector<16xf32>,
      tpu.vector_store %arg12[%swap3A_1042, %swap3A_1043], %add3A_1040 {strides = array<i32>} : memref<8x128xf32, #tpu.memory_space<vmem>>, vector<16xf32>,
      %add3A_1045 = arith.constant 112 : i32
      %add3A_1046 = vector.broadcast %add3A_1045 : i32 to vector<16xi32>
      %add3A_1047 = arith.addi %iota3A, %add3A_1046 : vector<16xi32>
      %gather3A_1048 = tpu.vector_load_idx %arg8[%add3A_1047, %broadcast_in_dim3A_972] : memref<128x16xf32, #tpu.memory_space<vmem>>[vector<16xi32>, vector<16xi32>], vector<16xf32>,
      %gather3A_1049 = tpu.vector_load_idx %arg10[%add3A_1047, %broadcast_in_dim3A_974] : memref<128x16xf32, #tpu.memory_space<vmem>>[vector<16xi32>, vector<16xi32>], vector<16xf32>,
      %add3A_1050 = arith.addf %gather3A_1048, %gather3A_1049 : vector<16xf32>
      %swap3A_1051 = arith.constant 2 : i32
      %swap3A_1052 = arith.index_cast %swap3A_1051 : i32 to index
      %swap3A_1053 = arith.constant 112 : index
      %swap3A_1054 = tpu.vector_load %arg12[%swap3A_1052, %swap3A_1053] {strides = array<i32>} : memref<8x128xf32, #tpu.memory_space<vmem>>, vector<16xf32>,
      tpu.vector_store %arg12[%swap3A_1052, %swap3A_1053], %add3A_1050 {strides = array<i32>} : memref<8x128xf32, #tpu.memory_space<vmem>>, vector<16xf32>,
      %broadcast_in_dim3A_1055 = arith.constant 3 : i32
      %broadcast_in_dim3A_1056 = vector.broadcast %broadcast_in_dim3A_1055 : i32 to vector<16xi32>
      %broadcast_in_dim3A_1057 = arith.constant 11 : i32
      %broadcast_in_dim3A_1058 = vector.broadcast %broadcast_in_dim3A_1057 : i32 to vector<16xi32>
      %add3A_1059 = arith.constant 0 : i32
      %add3A_1060 = vector.broadcast %add3A_1059 : i32 to vector<16xi32>
      %add3A_1061 = arith.addi %iota3A, %add3A_1060 : vector<16xi32>
      %gather3A_1062 = tpu.vector_load_idx %arg8[%add3A_1061, %broadcast_in_dim3A_1056] : memref<128x16xf32, #tpu.memory_space<vmem>>[vector<16xi32>, vector<16xi32>], vector<16xf32>,
      %gather3A_1063 = tpu.vector_load_idx %arg10[%add3A_1061, %broadcast_in_dim3A_1058] : memref<128x16xf32, #tpu.memory_space<vmem>>[vector<16xi32>, vector<16xi32>], vector<16xf32>,
      %add3A_1064 = arith.addf %gather3A_1062, %gather3A_1063 : vector<16xf32>
      %swap3A_1065 = arith.constant 3 : i32
      %swap3A_1066 = arith.index_cast %swap3A_1065 : i32 to index
      %swap3A_1067 = arith.constant 0 : index
      %swap3A_1068 = tpu.vector_load %arg12[%swap3A_1066, %swap3A_1067] {strides = array<i32>} : memref<8x128xf32, #tpu.memory_space<vmem>>, vector<16xf32>,
      tpu.vector_store %arg12[%swap3A_1066, %swap3A_1067], %add3A_1064 {strides = array<i32>} : memref<8x128xf32, #tpu.memory_space<vmem>>, vector<16xf32>,
      %add3A_1069 = arith.constant 16 : i32
      %add3A_1070 = vector.broadcast %add3A_1069 : i32 to vector<16xi32>
      %add3A_1071 = arith.addi %iota3A, %add3A_1070 : vector<16xi32>
      %gather3A_1072 = tpu.vector_load_idx %arg8[%add3A_1071, %broadcast_in_dim3A_1056] : memref<128x16xf32, #tpu.memory_space<vmem>>[vector<16xi32>, vector<16xi32>], vector<16xf32>,
      %gather3A_1073 = tpu.vector_load_idx %arg10[%add3A_1071, %broadcast_in_dim3A_1058] : memref<128x16xf32, #tpu.memory_space<vmem>>[vector<16xi32>, vector<16xi32>], vector<16xf32>,
      %add3A_1074 = arith.addf %gather3A_1072, %gather3A_1073 : vector<16xf32>
      %swap3A_1075 = arith.constant 3 : i32
      %swap3A_1076 = arith.index_cast %swap3A_1075 : i32 to index
      %swap3A_1077 = arith.constant 16 : index
      %swap3A_1078 = tpu.vector_load %arg12[%swap3A_1076, %swap3A_1077] {strides = array<i32>} : memref<8x128xf32, #tpu.memory_space<vmem>>, vector<16xf32>,
      tpu.vector_store %arg12[%swap3A_1076, %swap3A_1077], %add3A_1074 {strides = array<i32>} : memref<8x128xf32, #tpu.memory_space<vmem>>, vector<16xf32>,
      %add3A_1079 = arith.constant 32 : i32
      %add3A_1080 = vector.broadcast %add3A_1079 : i32 to vector<16xi32>
      %add3A_1081 = arith.addi %iota3A, %add3A_1080 : vector<16xi32>
      %gather3A_1082 = tpu.vector_load_idx %arg8[%add3A_1081, %broadcast_in_dim3A_1056] : memref<128x16xf32, #tpu.memory_space<vmem>>[vector<16xi32>, vector<16xi32>], vector<16xf32>,
      %gather3A_1083 = tpu.vector_load_idx %arg10[%add3A_1081, %broadcast_in_dim3A_1058] : memref<128x16xf32, #tpu.memory_space<vmem>>[vector<16xi32>, vector<16xi32>], vector<16xf32>,
      %add3A_1084 = arith.addf %gather3A_1082, %gather3A_1083 : vector<16xf32>
      %swap3A_1085 = arith.constant 3 : i32
      %swap3A_1086 = arith.index_cast %swap3A_1085 : i32 to index
      %swap3A_1087 = arith.constant 32 : index
      %swap3A_1088 = tpu.vector_load %arg12[%swap3A_1086, %swap3A_1087] {strides = array<i32>} : memref<8x128xf32, #tpu.memory_space<vmem>>, vector<16xf32>,
      tpu.vector_store %arg12[%swap3A_1086, %swap3A_1087], %add3A_1084 {strides = array<i32>} : memref<8x128xf32, #tpu.memory_space<vmem>>, vector<16xf32>,
      %add3A_1089 = arith.constant 48 : i32
      %add3A_1090 = vector.broadcast %add3A_1089 : i32 to vector<16xi32>
      %add3A_1091 = arith.addi %iota3A, %add3A_1090 : vector<16xi32>
      %gather3A_1092 = tpu.vector_load_idx %arg8[%add3A_1091, %broadcast_in_dim3A_1056] : memref<128x16xf32, #tpu.memory_space<vmem>>[vector<16xi32>, vector<16xi32>], vector<16xf32>,
      %gather3A_1093 = tpu.vector_load_idx %arg10[%add3A_1091, %broadcast_in_dim3A_1058] : memref<128x16xf32, #tpu.memory_space<vmem>>[vector<16xi32>, vector<16xi32>], vector<16xf32>,
      %add3A_1094 = arith.addf %gather3A_1092, %gather3A_1093 : vector<16xf32>
      %swap3A_1095 = arith.constant 3 : i32
      %swap3A_1096 = arith.index_cast %swap3A_1095 : i32 to index
      %swap3A_1097 = arith.constant 48 : index
      %swap3A_1098 = tpu.vector_load %arg12[%swap3A_1096, %swap3A_1097] {strides = array<i32>} : memref<8x128xf32, #tpu.memory_space<vmem>>, vector<16xf32>,
      tpu.vector_store %arg12[%swap3A_1096, %swap3A_1097], %add3A_1094 {strides = array<i32>} : memref<8x128xf32, #tpu.memory_space<vmem>>, vector<16xf32>,
      %add3A_1099 = arith.constant 64 : i32
      %add3A_1100 = vector.broadcast %add3A_1099 : i32 to vector<16xi32>
      %add3A_1101 = arith.addi %iota3A, %add3A_1100 : vector<16xi32>
      %gather3A_1102 = tpu.vector_load_idx %arg8[%add3A_1101, %broadcast_in_dim3A_1056] : memref<128x16xf32, #tpu.memory_space<vmem>>[vector<16xi32>, vector<16xi32>], vector<16xf32>,
      %gather3A_1103 = tpu.vector_load_idx %arg10[%add3A_1101, %broadcast_in_dim3A_1058] : memref<128x16xf32, #tpu.memory_space<vmem>>[vector<16xi32>, vector<16xi32>], vector<16xf32>,
      %add3A_1104 = arith.addf %gather3A_1102, %gather3A_1103 : vector<16xf32>
      %swap3A_1105 = arith.constant 3 : i32
      %swap3A_1106 = arith.index_cast %swap3A_1105 : i32 to index
      %swap3A_1107 = arith.constant 64 : index
      %swap3A_1108 = tpu.vector_load %arg12[%swap3A_1106, %swap3A_1107] {strides = array<i32>} : memref<8x128xf32, #tpu.memory_space<vmem>>, vector<16xf32>,
      tpu.vector_store %arg12[%swap3A_1106, %swap3A_1107], %add3A_1104 {strides = array<i32>} : memref<8x128xf32, #tpu.memory_space<vmem>>, vector<16xf32>,
      %add3A_1109 = arith.constant 80 : i32
      %add3A_1110 = vector.broadcast %add3A_1109 : i32 to vector<16xi32>
      %add3A_1111 = arith.addi %iota3A, %add3A_1110 : vector<16xi32>
      %gather3A_1112 = tpu.vector_load_idx %arg8[%add3A_1111, %broadcast_in_dim3A_1056] : memref<128x16xf32, #tpu.memory_space<vmem>>[vector<16xi32>, vector<16xi32>], vector<16xf32>,
      %gather3A_1113 = tpu.vector_load_idx %arg10[%add3A_1111, %broadcast_in_dim3A_1058] : memref<128x16xf32, #tpu.memory_space<vmem>>[vector<16xi32>, vector<16xi32>], vector<16xf32>,
      %add3A_1114 = arith.addf %gather3A_1112, %gather3A_1113 : vector<16xf32>
      %swap3A_1115 = arith.constant 3 : i32
      %swap3A_1116 = arith.index_cast %swap3A_1115 : i32 to index
      %swap3A_1117 = arith.constant 80 : index
      %swap3A_1118 = tpu.vector_load %arg12[%swap3A_1116, %swap3A_1117] {strides = array<i32>} : memref<8x128xf32, #tpu.memory_space<vmem>>, vector<16xf32>,
      tpu.vector_store %arg12[%swap3A_1116, %swap3A_1117], %add3A_1114 {strides = array<i32>} : memref<8x128xf32, #tpu.memory_space<vmem>>, vector<16xf32>,
      %add3A_1119 = arith.constant 96 : i32
      %add3A_1120 = vector.broadcast %add3A_1119 : i32 to vector<16xi32>
      %add3A_1121 = arith.addi %iota3A, %add3A_1120 : vector<16xi32>
      %gather3A_1122 = tpu.vector_load_idx %arg8[%add3A_1121, %broadcast_in_dim3A_1056] : memref<128x16xf32, #tpu.memory_space<vmem>>[vector<16xi32>, vector<16xi32>], vector<16xf32>,
      %gather3A_1123 = tpu.vector_load_idx %arg10[%add3A_1121, %broadcast_in_dim3A_1058] : memref<128x16xf32, #tpu.memory_space<vmem>>[vector<16xi32>, vector<16xi32>], vector<16xf32>,
      %add3A_1124 = arith.addf %gather3A_1122, %gather3A_1123 : vector<16xf32>
      %swap3A_1125 = arith.constant 3 : i32
      %swap3A_1126 = arith.index_cast %swap3A_1125 : i32 to index
      %swap3A_1127 = arith.constant 96 : index
      %swap3A_1128 = tpu.vector_load %arg12[%swap3A_1126, %swap3A_1127] {strides = array<i32>} : memref<8x128xf32, #tpu.memory_space<vmem>>, vector<16xf32>,
      tpu.vector_store %arg12[%swap3A_1126, %swap3A_1127], %add3A_1124 {strides = array<i32>} : memref<8x128xf32, #tpu.memory_space<vmem>>, vector<16xf32>,
      %add3A_1129 = arith.constant 112 : i32
      %add3A_1130 = vector.broadcast %add3A_1129 : i32 to vector<16xi32>
      %add3A_1131 = arith.addi %iota3A, %add3A_1130 : vector<16xi32>
      %gather3A_1132 = tpu.vector_load_idx %arg8[%add3A_1131, %broadcast_in_dim3A_1056] : memref<128x16xf32, #tpu.memory_space<vmem>>[vector<16xi32>, vector<16xi32>], vector<16xf32>,
      %gather3A_1133 = tpu.vector_load_idx %arg10[%add3A_1131, %broadcast_in_dim3A_1058] : memref<128x16xf32, #tpu.memory_space<vmem>>[vector<16xi32>, vector<16xi32>], vector<16xf32>,
      %add3A_1134 = arith.addf %gather3A_1132, %gather3A_1133 : vector<16xf32>
      %swap3A_1135 = arith.constant 3 : i32
      %swap3A_1136 = arith.index_cast %swap3A_1135 : i32 to index
      %swap3A_1137 = arith.constant 112 : index
      %swap3A_1138 = tpu.vector_load %arg12[%swap3A_1136, %swap3A_1137] {strides = array<i32>} : memref<8x128xf32, #tpu.memory_space<vmem>>, vector<16xf32>,
      tpu.vector_store %arg12[%swap3A_1136, %swap3A_1137], %add3A_1134 {strides = array<i32>} : memref<8x128xf32, #tpu.memory_space<vmem>>, vector<16xf32>,
      %broadcast_in_dim3A_1139 = arith.constant 4 : i32
      %broadcast_in_dim3A_1140 = vector.broadcast %broadcast_in_dim3A_1139 : i32 to vector<16xi32>
      %broadcast_in_dim3A_1141 = arith.constant 12 : i32
      %broadcast_in_dim3A_1142 = vector.broadcast %broadcast_in_dim3A_1141 : i32 to vector<16xi32>
      %add3A_1143 = arith.constant 0 : i32
      %add3A_1144 = vector.broadcast %add3A_1143 : i32 to vector<16xi32>
      %add3A_1145 = arith.addi %iota3A, %add3A_1144 : vector<16xi32>
      %gather3A_1146 = tpu.vector_load_idx %arg8[%add3A_1145, %broadcast_in_dim3A_1140] : memref<128x16xf32, #tpu.memory_space<vmem>>[vector<16xi32>, vector<16xi32>], vector<16xf32>,
      %gather3A_1147 = tpu.vector_load_idx %arg10[%add3A_1145, %broadcast_in_dim3A_1142] : memref<128x16xf32, #tpu.memory_space<vmem>>[vector<16xi32>, vector<16xi32>], vector<16xf32>,
      %add3A_1148 = arith.addf %gather3A_1146, %gather3A_1147 : vector<16xf32>
      %swap3A_1149 = arith.constant 4 : i32
      %swap3A_1150 = arith.index_cast %swap3A_1149 : i32 to index
      %swap3A_1151 = arith.constant 0 : index
      %swap3A_1152 = tpu.vector_load %arg12[%swap3A_1150, %swap3A_1151] {strides = array<i32>} : memref<8x128xf32, #tpu.memory_space<vmem>>, vector<16xf32>,
      tpu.vector_store %arg12[%swap3A_1150, %swap3A_1151], %add3A_1148 {strides = array<i32>} : memref<8x128xf32, #tpu.memory_space<vmem>>, vector<16xf32>,
      %add3A_1153 = arith.constant 16 : i32
      %add3A_1154 = vector.broadcast %add3A_1153 : i32 to vector<16xi32>
      %add3A_1155 = arith.addi %iota3A, %add3A_1154 : vector<16xi32>
      %gather3A_1156 = tpu.vector_load_idx %arg8[%add3A_1155, %broadcast_in_dim3A_1140] : memref<128x16xf32, #tpu.memory_space<vmem>>[vector<16xi32>, vector<16xi32>], vector<16xf32>,
      %gather3A_1157 = tpu.vector_load_idx %arg10[%add3A_1155, %broadcast_in_dim3A_1142] : memref<128x16xf32, #tpu.memory_space<vmem>>[vector<16xi32>, vector<16xi32>], vector<16xf32>,
      %add3A_1158 = arith.addf %gather3A_1156, %gather3A_1157 : vector<16xf32>
      %swap3A_1159 = arith.constant 4 : i32
      %swap3A_1160 = arith.index_cast %swap3A_1159 : i32 to index
      %swap3A_1161 = arith.constant 16 : index
      %swap3A_1162 = tpu.vector_load %arg12[%swap3A_1160, %swap3A_1161] {strides = array<i32>} : memref<8x128xf32, #tpu.memory_space<vmem>>, vector<16xf32>,
      tpu.vector_store %arg12[%swap3A_1160, %swap3A_1161], %add3A_1158 {strides = array<i32>} : memref<8x128xf32, #tpu.memory_space<vmem>>, vector<16xf32>,
      %add3A_1163 = arith.constant 32 : i32
      %add3A_1164 = vector.broadcast %add3A_1163 : i32 to vector<16xi32>
      %add3A_1165 = arith.addi %iota3A, %add3A_1164 : vector<16xi32>
      %gather3A_1166 = tpu.vector_load_idx %arg8[%add3A_1165, %broadcast_in_dim3A_1140] : memref<128x16xf32, #tpu.memory_space<vmem>>[vector<16xi32>, vector<16xi32>], vector<16xf32>,
      %gather3A_1167 = tpu.vector_load_idx %arg10[%add3A_1165, %broadcast_in_dim3A_1142] : memref<128x16xf32, #tpu.memory_space<vmem>>[vector<16xi32>, vector<16xi32>], vector<16xf32>,
      %add3A_1168 = arith.addf %gather3A_1166, %gather3A_1167 : vector<16xf32>
      %swap3A_1169 = arith.constant 4 : i32
      %swap3A_1170 = arith.index_cast %swap3A_1169 : i32 to index
      %swap3A_1171 = arith.constant 32 : index
      %swap3A_1172 = tpu.vector_load %arg12[%swap3A_1170, %swap3A_1171] {strides = array<i32>} : memref<8x128xf32, #tpu.memory_space<vmem>>, vector<16xf32>,
      tpu.vector_store %arg12[%swap3A_1170, %swap3A_1171], %add3A_1168 {strides = array<i32>} : memref<8x128xf32, #tpu.memory_space<vmem>>, vector<16xf32>,
      %add3A_1173 = arith.constant 48 : i32
      %add3A_1174 = vector.broadcast %add3A_1173 : i32 to vector<16xi32>
      %add3A_1175 = arith.addi %iota3A, %add3A_1174 : vector<16xi32>
      %gather3A_1176 = tpu.vector_load_idx %arg8[%add3A_1175, %broadcast_in_dim3A_1140] : memref<128x16xf32, #tpu.memory_space<vmem>>[vector<16xi32>, vector<16xi32>], vector<16xf32>,
      %gather3A_1177 = tpu.vector_load_idx %arg10[%add3A_1175, %broadcast_in_dim3A_1142] : memref<128x16xf32, #tpu.memory_space<vmem>>[vector<16xi32>, vector<16xi32>], vector<16xf32>,
      %add3A_1178 = arith.addf %gather3A_1176, %gather3A_1177 : vector<16xf32>
      %swap3A_1179 = arith.constant 4 : i32
      %swap3A_1180 = arith.index_cast %swap3A_1179 : i32 to index
      %swap3A_1181 = arith.constant 48 : index
      %swap3A_1182 = tpu.vector_load %arg12[%swap3A_1180, %swap3A_1181] {strides = array<i32>} : memref<8x128xf32, #tpu.memory_space<vmem>>, vector<16xf32>,
      tpu.vector_store %arg12[%swap3A_1180, %swap3A_1181], %add3A_1178 {strides = array<i32>} : memref<8x128xf32, #tpu.memory_space<vmem>>, vector<16xf32>,
      %add3A_1183 = arith.constant 64 : i32
      %add3A_1184 = vector.broadcast %add3A_1183 : i32 to vector<16xi32>
      %add3A_1185 = arith.addi %iota3A, %add3A_1184 : vector<16xi32>
      %gather3A_1186 = tpu.vector_load_idx %arg8[%add3A_1185, %broadcast_in_dim3A_1140] : memref<128x16xf32, #tpu.memory_space<vmem>>[vector<16xi32>, vector<16xi32>], vector<16xf32>,
      %gather3A_1187 = tpu.vector_load_idx %arg10[%add3A_1185, %broadcast_in_dim3A_1142] : memref<128x16xf32, #tpu.memory_space<vmem>>[vector<16xi32>, vector<16xi32>], vector<16xf32>,
      %add3A_1188 = arith.addf %gather3A_1186, %gather3A_1187 : vector<16xf32>
      %swap3A_1189 = arith.constant 4 : i32
      %swap3A_1190 = arith.index_cast %swap3A_1189 : i32 to index
      %swap3A_1191 = arith.constant 64 : index
      %swap3A_1192 = tpu.vector_load %arg12[%swap3A_1190, %swap3A_1191] {strides = array<i32>} : memref<8x128xf32, #tpu.memory_space<vmem>>, vector<16xf32>,
      tpu.vector_store %arg12[%swap3A_1190, %swap3A_1191], %add3A_1188 {strides = array<i32>} : memref<8x128xf32, #tpu.memory_space<vmem>>, vector<16xf32>,
      %add3A_1193 = arith.constant 80 : i32
      %add3A_1194 = vector.broadcast %add3A_1193 : i32 to vector<16xi32>
      %add3A_1195 = arith.addi %iota3A, %add3A_1194 : vector<16xi32>
      %gather3A_1196 = tpu.vector_load_idx %arg8[%add3A_1195, %broadcast_in_dim3A_1140] : memref<128x16xf32, #tpu.memory_space<vmem>>[vector<16xi32>, vector<16xi32>], vector<16xf32>,
      %gather3A_1197 = tpu.vector_load_idx %arg10[%add3A_1195, %broadcast_in_dim3A_1142] : memref<128x16xf32, #tpu.memory_space<vmem>>[vector<16xi32>, vector<16xi32>], vector<16xf32>,
      %add3A_1198 = arith.addf %gather3A_1196, %gather3A_1197 : vector<16xf32>
      %swap3A_1199 = arith.constant 4 : i32
      %swap3A_1200 = arith.index_cast %swap3A_1199 : i32 to index
      %swap3A_1201 = arith.constant 80 : index
      %swap3A_1202 = tpu.vector_load %arg12[%swap3A_1200, %swap3A_1201] {strides = array<i32>} : memref<8x128xf32, #tpu.memory_space<vmem>>, vector<16xf32>,
      tpu.vector_store %arg12[%swap3A_1200, %swap3A_1201], %add3A_1198 {strides = array<i32>} : memref<8x128xf32, #tpu.memory_space<vmem>>, vector<16xf32>,
      %add3A_1203 = arith.constant 96 : i32
      %add3A_1204 = vector.broadcast %add3A_1203 : i32 to vector<16xi32>
      %add3A_1205 = arith.addi %iota3A, %add3A_1204 : vector<16xi32>
      %gather3A_1206 = tpu.vector_load_idx %arg8[%add3A_1205, %broadcast_in_dim3A_1140] : memref<128x16xf32, #tpu.memory_space<vmem>>[vector<16xi32>, vector<16xi32>], vector<16xf32>,
      %gather3A_1207 = tpu.vector_load_idx %arg10[%add3A_1205, %broadcast_in_dim3A_1142] : memref<128x16xf32, #tpu.memory_space<vmem>>[vector<16xi32>, vector<16xi32>], vector<16xf32>,
      %add3A_1208 = arith.addf %gather3A_1206, %gather3A_1207 : vector<16xf32>
      %swap3A_1209 = arith.constant 4 : i32
      %swap3A_1210 = arith.index_cast %swap3A_1209 : i32 to index
      %swap3A_1211 = arith.constant 96 : index
      %swap3A_1212 = tpu.vector_load %arg12[%swap3A_1210, %swap3A_1211] {strides = array<i32>} : memref<8x128xf32, #tpu.memory_space<vmem>>, vector<16xf32>,
      tpu.vector_store %arg12[%swap3A_1210, %swap3A_1211], %add3A_1208 {strides = array<i32>} : memref<8x128xf32, #tpu.memory_space<vmem>>, vector<16xf32>,
      %add3A_1213 = arith.constant 112 : i32
      %add3A_1214 = vector.broadcast %add3A_1213 : i32 to vector<16xi32>
      %add3A_1215 = arith.addi %iota3A, %add3A_1214 : vector<16xi32>
      %gather3A_1216 = tpu.vector_load_idx %arg8[%add3A_1215, %broadcast_in_dim3A_1140] : memref<128x16xf32, #tpu.memory_space<vmem>>[vector<16xi32>, vector<16xi32>], vector<16xf32>,
      %gather3A_1217 = tpu.vector_load_idx %arg10[%add3A_1215, %broadcast_in_dim3A_1142] : memref<128x16xf32, #tpu.memory_space<vmem>>[vector<16xi32>, vector<16xi32>], vector<16xf32>,
      %add3A_1218 = arith.addf %gather3A_1216, %gather3A_1217 : vector<16xf32>
      %swap3A_1219 = arith.constant 4 : i32
      %swap3A_1220 = arith.index_cast %swap3A_1219 : i32 to index
      %swap3A_1221 = arith.constant 112 : index
      %swap3A_1222 = tpu.vector_load %arg12[%swap3A_1220, %swap3A_1221] {strides = array<i32>} : memref<8x128xf32, #tpu.memory_space<vmem>>, vector<16xf32>,
      tpu.vector_store %arg12[%swap3A_1220, %swap3A_1221], %add3A_1218 {strides = array<i32>} : memref<8x128xf32, #tpu.memory_space<vmem>>, vector<16xf32>,
      %broadcast_in_dim3A_1223 = arith.constant 5 : i32
      %broadcast_in_dim3A_1224 = vector.broadcast %broadcast_in_dim3A_1223 : i32 to vector<16xi32>
      %broadcast_in_dim3A_1225 = arith.constant 13 : i32
      %broadcast_in_dim3A_1226 = vector.broadcast %broadcast_in_dim3A_1225 : i32 to vector<16xi32>
      %add3A_1227 = arith.constant 0 : i32
      %add3A_1228 = vector.broadcast %add3A_1227 : i32 to vector<16xi32>
      %add3A_1229 = arith.addi %iota3A, %add3A_1228 : vector<16xi32>
      %gather3A_1230 = tpu.vector_load_idx %arg8[%add3A_1229, %broadcast_in_dim3A_1224] : memref<128x16xf32, #tpu.memory_space<vmem>>[vector<16xi32>, vector<16xi32>], vector<16xf32>,
      %gather3A_1231 = tpu.vector_load_idx %arg10[%add3A_1229, %broadcast_in_dim3A_1226] : memref<128x16xf32, #tpu.memory_space<vmem>>[vector<16xi32>, vector<16xi32>], vector<16xf32>,
      %add3A_1232 = arith.addf %gather3A_1230, %gather3A_1231 : vector<16xf32>
      %swap3A_1233 = arith.constant 5 : i32
      %swap3A_1234 = arith.index_cast %swap3A_1233 : i32 to index
      %swap3A_1235 = arith.constant 0 : index
      %swap3A_1236 = tpu.vector_load %arg12[%swap3A_1234, %swap3A_1235] {strides = array<i32>} : memref<8x128xf32, #tpu.memory_space<vmem>>, vector<16xf32>,
      tpu.vector_store %arg12[%swap3A_1234, %swap3A_1235], %add3A_1232 {strides = array<i32>} : memref<8x128xf32, #tpu.memory_space<vmem>>, vector<16xf32>,
      %add3A_1237 = arith.constant 16 : i32
      %add3A_1238 = vector.broadcast %add3A_1237 : i32 to vector<16xi32>
      %add3A_1239 = arith.addi %iota3A, %add3A_1238 : vector<16xi32>
      %gather3A_1240 = tpu.vector_load_idx %arg8[%add3A_1239, %broadcast_in_dim3A_1224] : memref<128x16xf32, #tpu.memory_space<vmem>>[vector<16xi32>, vector<16xi32>], vector<16xf32>,
      %gather3A_1241 = tpu.vector_load_idx %arg10[%add3A_1239, %broadcast_in_dim3A_1226] : memref<128x16xf32, #tpu.memory_space<vmem>>[vector<16xi32>, vector<16xi32>], vector<16xf32>,
      %add3A_1242 = arith.addf %gather3A_1240, %gather3A_1241 : vector<16xf32>
      %swap3A_1243 = arith.constant 5 : i32
      %swap3A_1244 = arith.index_cast %swap3A_1243 : i32 to index
      %swap3A_1245 = arith.constant 16 : index
      %swap3A_1246 = tpu.vector_load %arg12[%swap3A_1244, %swap3A_1245] {strides = array<i32>} : memref<8x128xf32, #tpu.memory_space<vmem>>, vector<16xf32>,
      tpu.vector_store %arg12[%swap3A_1244, %swap3A_1245], %add3A_1242 {strides = array<i32>} : memref<8x128xf32, #tpu.memory_space<vmem>>, vector<16xf32>,
      %add3A_1247 = arith.constant 32 : i32
      %add3A_1248 = vector.broadcast %add3A_1247 : i32 to vector<16xi32>
      %add3A_1249 = arith.addi %iota3A, %add3A_1248 : vector<16xi32>
      %gather3A_1250 = tpu.vector_load_idx %arg8[%add3A_1249, %broadcast_in_dim3A_1224] : memref<128x16xf32, #tpu.memory_space<vmem>>[vector<16xi32>, vector<16xi32>], vector<16xf32>,
      %gather3A_1251 = tpu.vector_load_idx %arg10[%add3A_1249, %broadcast_in_dim3A_1226] : memref<128x16xf32, #tpu.memory_space<vmem>>[vector<16xi32>, vector<16xi32>], vector<16xf32>,
      %add3A_1252 = arith.addf %gather3A_1250, %gather3A_1251 : vector<16xf32>
      %swap3A_1253 = arith.constant 5 : i32
      %swap3A_1254 = arith.index_cast %swap3A_1253 : i32 to index
      %swap3A_1255 = arith.constant 32 : index
      %swap3A_1256 = tpu.vector_load %arg12[%swap3A_1254, %swap3A_1255] {strides = array<i32>} : memref<8x128xf32, #tpu.memory_space<vmem>>, vector<16xf32>,
      tpu.vector_store %arg12[%swap3A_1254, %swap3A_1255], %add3A_1252 {strides = array<i32>} : memref<8x128xf32, #tpu.memory_space<vmem>>, vector<16xf32>,
      %add3A_1257 = arith.constant 48 : i32
      %add3A_1258 = vector.broadcast %add3A_1257 : i32 to vector<16xi32>
      %add3A_1259 = arith.addi %iota3A, %add3A_1258 : vector<16xi32>
      %gather3A_1260 = tpu.vector_load_idx %arg8[%add3A_1259, %broadcast_in_dim3A_1224] : memref<128x16xf32, #tpu.memory_space<vmem>>[vector<16xi32>, vector<16xi32>], vector<16xf32>,
      %gather3A_1261 = tpu.vector_load_idx %arg10[%add3A_1259, %broadcast_in_dim3A_1226] : memref<128x16xf32, #tpu.memory_space<vmem>>[vector<16xi32>, vector<16xi32>], vector<16xf32>,
      %add3A_1262 = arith.addf %gather3A_1260, %gather3A_1261 : vector<16xf32>
      %swap3A_1263 = arith.constant 5 : i32
      %swap3A_1264 = arith.index_cast %swap3A_1263 : i32 to index
      %swap3A_1265 = arith.constant 48 : index
      %swap3A_1266 = tpu.vector_load %arg12[%swap3A_1264, %swap3A_1265] {strides = array<i32>} : memref<8x128xf32, #tpu.memory_space<vmem>>, vector<16xf32>,
      tpu.vector_store %arg12[%swap3A_1264, %swap3A_1265], %add3A_1262 {strides = array<i32>} : memref<8x128xf32, #tpu.memory_space<vmem>>, vector<16xf32>,
      %add3A_1267 = arith.constant 64 : i32
      %add3A_1268 = vector.broadcast %add3A_1267 : i32 to vector<16xi32>
      %add3A_1269 = arith.addi %iota3A, %add3A_1268 : vector<16xi32>
      %gather3A_1270 = tpu.vector_load_idx %arg8[%add3A_1269, %broadcast_in_dim3A_1224] : memref<128x16xf32, #tpu.memory_space<vmem>>[vector<16xi32>, vector<16xi32>], vector<16xf32>,
      %gather3A_1271 = tpu.vector_load_idx %arg10[%add3A_1269, %broadcast_in_dim3A_1226] : memref<128x16xf32, #tpu.memory_space<vmem>>[vector<16xi32>, vector<16xi32>], vector<16xf32>,
      %add3A_1272 = arith.addf %gather3A_1270, %gather3A_1271 : vector<16xf32>
      %swap3A_1273 = arith.constant 5 : i32
      %swap3A_1274 = arith.index_cast %swap3A_1273 : i32 to index
      %swap3A_1275 = arith.constant 64 : index
      %swap3A_1276 = tpu.vector_load %arg12[%swap3A_1274, %swap3A_1275] {strides = array<i32>} : memref<8x128xf32, #tpu.memory_space<vmem>>, vector<16xf32>,
      tpu.vector_store %arg12[%swap3A_1274, %swap3A_1275], %add3A_1272 {strides = array<i32>} : memref<8x128xf32, #tpu.memory_space<vmem>>, vector<16xf32>,
      %add3A_1277 = arith.constant 80 : i32
      %add3A_1278 = vector.broadcast %add3A_1277 : i32 to vector<16xi32>
      %add3A_1279 = arith.addi %iota3A, %add3A_1278 : vector<16xi32>
      %gather3A_1280 = tpu.vector_load_idx %arg8[%add3A_1279, %broadcast_in_dim3A_1224] : memref<128x16xf32, #tpu.memory_space<vmem>>[vector<16xi32>, vector<16xi32>], vector<16xf32>,
      %gather3A_1281 = tpu.vector_load_idx %arg10[%add3A_1279, %broadcast_in_dim3A_1226] : memref<128x16xf32, #tpu.memory_space<vmem>>[vector<16xi32>, vector<16xi32>], vector<16xf32>,
      %add3A_1282 = arith.addf %gather3A_1280, %gather3A_1281 : vector<16xf32>
      %swap3A_1283 = arith.constant 5 : i32
      %swap3A_1284 = arith.index_cast %swap3A_1283 : i32 to index
      %swap3A_1285 = arith.constant 80 : index
      %swap3A_1286 = tpu.vector_load %arg12[%swap3A_1284, %swap3A_1285] {strides = array<i32>} : memref<8x128xf32, #tpu.memory_space<vmem>>, vector<16xf32>,
      tpu.vector_store %arg12[%swap3A_1284, %swap3A_1285], %add3A_1282 {strides = array<i32>} : memref<8x128xf32, #tpu.memory_space<vmem>>, vector<16xf32>,
      %add3A_1287 = arith.constant 96 : i32
      %add3A_1288 = vector.broadcast %add3A_1287 : i32 to vector<16xi32>
      %add3A_1289 = arith.addi %iota3A, %add3A_1288 : vector<16xi32>
      %gather3A_1290 = tpu.vector_load_idx %arg8[%add3A_1289, %broadcast_in_dim3A_1224] : memref<128x16xf32, #tpu.memory_space<vmem>>[vector<16xi32>, vector<16xi32>], vector<16xf32>,
      %gather3A_1291 = tpu.vector_load_idx %arg10[%add3A_1289, %broadcast_in_dim3A_1226] : memref<128x16xf32, #tpu.memory_space<vmem>>[vector<16xi32>, vector<16xi32>], vector<16xf32>,
      %add3A_1292 = arith.addf %gather3A_1290, %gather3A_1291 : vector<16xf32>
      %swap3A_1293 = arith.constant 5 : i32
      %swap3A_1294 = arith.index_cast %swap3A_1293 : i32 to index
      %swap3A_1295 = arith.constant 96 : index
      %swap3A_1296 = tpu.vector_load %arg12[%swap3A_1294, %swap3A_1295] {strides = array<i32>} : memref<8x128xf32, #tpu.memory_space<vmem>>, vector<16xf32>,
      tpu.vector_store %arg12[%swap3A_1294, %swap3A_1295], %add3A_1292 {strides = array<i32>} : memref<8x128xf32, #tpu.memory_space<vmem>>, vector<16xf32>,
      %add3A_1297 = arith.constant 112 : i32
      %add3A_1298 = vector.broadcast %add3A_1297 : i32 to vector<16xi32>
      %add3A_1299 = arith.addi %iota3A, %add3A_1298 : vector<16xi32>
      %gather3A_1300 = tpu.vector_load_idx %arg8[%add3A_1299, %broadcast_in_dim3A_1224] : memref<128x16xf32, #tpu.memory_space<vmem>>[vector<16xi32>, vector<16xi32>], vector<16xf32>,
      %gather3A_1301 = tpu.vector_load_idx %arg10[%add3A_1299, %broadcast_in_dim3A_1226] : memref<128x16xf32, #tpu.memory_space<vmem>>[vector<16xi32>, vector<16xi32>], vector<16xf32>,
      %add3A_1302 = arith.addf %gather3A_1300, %gather3A_1301 : vector<16xf32>
      %swap3A_1303 = arith.constant 5 : i32
      %swap3A_1304 = arith.index_cast %swap3A_1303 : i32 to index
      %swap3A_1305 = arith.constant 112 : index
      %swap3A_1306 = tpu.vector_load %arg12[%swap3A_1304, %swap3A_1305] {strides = array<i32>} : memref<8x128xf32, #tpu.memory_space<vmem>>, vector<16xf32>,
      tpu.vector_store %arg12[%swap3A_1304, %swap3A_1305], %add3A_1302 {strides = array<i32>} : memref<8x128xf32, #tpu.memory_space<vmem>>, vector<16xf32>,
      %broadcast_in_dim3A_1307 = arith.constant 6 : i32
      %broadcast_in_dim3A_1308 = vector.broadcast %broadcast_in_dim3A_1307 : i32 to vector<16xi32>
      %broadcast_in_dim3A_1309 = arith.constant 14 : i32
      %broadcast_in_dim3A_1310 = vector.broadcast %broadcast_in_dim3A_1309 : i32 to vector<16xi32>
      %add3A_1311 = arith.constant 0 : i32
      %add3A_1312 = vector.broadcast %add3A_1311 : i32 to vector<16xi32>
      %add3A_1313 = arith.addi %iota3A, %add3A_1312 : vector<16xi32>
      %gather3A_1314 = tpu.vector_load_idx %arg8[%add3A_1313, %broadcast_in_dim3A_1308] : memref<128x16xf32, #tpu.memory_space<vmem>>[vector<16xi32>, vector<16xi32>], vector<16xf32>,
      %gather3A_1315 = tpu.vector_load_idx %arg10[%add3A_1313, %broadcast_in_dim3A_1310] : memref<128x16xf32, #tpu.memory_space<vmem>>[vector<16xi32>, vector<16xi32>], vector<16xf32>,
      %add3A_1316 = arith.addf %gather3A_1314, %gather3A_1315 : vector<16xf32>
      %swap3A_1317 = arith.constant 6 : i32
      %swap3A_1318 = arith.index_cast %swap3A_1317 : i32 to index
      %swap3A_1319 = arith.constant 0 : index
      %swap3A_1320 = tpu.vector_load %arg12[%swap3A_1318, %swap3A_1319] {strides = array<i32>} : memref<8x128xf32, #tpu.memory_space<vmem>>, vector<16xf32>,
      tpu.vector_store %arg12[%swap3A_1318, %swap3A_1319], %add3A_1316 {strides = array<i32>} : memref<8x128xf32, #tpu.memory_space<vmem>>, vector<16xf32>,
      %add3A_1321 = arith.constant 16 : i32
      %add3A_1322 = vector.broadcast %add3A_1321 : i32 to vector<16xi32>
      %add3A_1323 = arith.addi %iota3A, %add3A_1322 : vector<16xi32>
      %gather3A_1324 = tpu.vector_load_idx %arg8[%add3A_1323, %broadcast_in_dim3A_1308] : memref<128x16xf32, #tpu.memory_space<vmem>>[vector<16xi32>, vector<16xi32>], vector<16xf32>,
      %gather3A_1325 = tpu.vector_load_idx %arg10[%add3A_1323, %broadcast_in_dim3A_1310] : memref<128x16xf32, #tpu.memory_space<vmem>>[vector<16xi32>, vector<16xi32>], vector<16xf32>,
      %add3A_1326 = arith.addf %gather3A_1324, %gather3A_1325 : vector<16xf32>
      %swap3A_1327 = arith.constant 6 : i32
      %swap3A_1328 = arith.index_cast %swap3A_1327 : i32 to index
      %swap3A_1329 = arith.constant 16 : index
      %swap3A_1330 = tpu.vector_load %arg12[%swap3A_1328, %swap3A_1329] {strides = array<i32>} : memref<8x128xf32, #tpu.memory_space<vmem>>, vector<16xf32>,
      tpu.vector_store %arg12[%swap3A_1328, %swap3A_1329], %add3A_1326 {strides = array<i32>} : memref<8x128xf32, #tpu.memory_space<vmem>>, vector<16xf32>,
      %add3A_1331 = arith.constant 32 : i32
      %add3A_1332 = vector.broadcast %add3A_1331 : i32 to vector<16xi32>
      %add3A_1333 = arith.addi %iota3A, %add3A_1332 : vector<16xi32>
      %gather3A_1334 = tpu.vector_load_idx %arg8[%add3A_1333, %broadcast_in_dim3A_1308] : memref<128x16xf32, #tpu.memory_space<vmem>>[vector<16xi32>, vector<16xi32>], vector<16xf32>,
      %gather3A_1335 = tpu.vector_load_idx %arg10[%add3A_1333, %broadcast_in_dim3A_1310] : memref<128x16xf32, #tpu.memory_space<vmem>>[vector<16xi32>, vector<16xi32>], vector<16xf32>,
      %add3A_1336 = arith.addf %gather3A_1334, %gather3A_1335 : vector<16xf32>
      %swap3A_1337 = arith.constant 6 : i32
      %swap3A_1338 = arith.index_cast %swap3A_1337 : i32 to index
      %swap3A_1339 = arith.constant 32 : index
      %swap3A_1340 = tpu.vector_load %arg12[%swap3A_1338, %swap3A_1339] {strides = array<i32>} : memref<8x128xf32, #tpu.memory_space<vmem>>, vector<16xf32>,
      tpu.vector_store %arg12[%swap3A_1338, %swap3A_1339], %add3A_1336 {strides = array<i32>} : memref<8x128xf32, #tpu.memory_space<vmem>>, vector<16xf32>,
      %add3A_1341 = arith.constant 48 : i32
      %add3A_1342 = vector.broadcast %add3A_1341 : i32 to vector<16xi32>
      %add3A_1343 = arith.addi %iota3A, %add3A_1342 : vector<16xi32>
      %gather3A_1344 = tpu.vector_load_idx %arg8[%add3A_1343, %broadcast_in_dim3A_1308] : memref<128x16xf32, #tpu.memory_space<vmem>>[vector<16xi32>, vector<16xi32>], vector<16xf32>,
      %gather3A_1345 = tpu.vector_load_idx %arg10[%add3A_1343, %broadcast_in_dim3A_1310] : memref<128x16xf32, #tpu.memory_space<vmem>>[vector<16xi32>, vector<16xi32>], vector<16xf32>,
      %add3A_1346 = arith.addf %gather3A_1344, %gather3A_1345 : vector<16xf32>
      %swap3A_1347 = arith.constant 6 : i32
      %swap3A_1348 = arith.index_cast %swap3A_1347 : i32 to index
      %swap3A_1349 = arith.constant 48 : index
      %swap3A_1350 = tpu.vector_load %arg12[%swap3A_1348, %swap3A_1349] {strides = array<i32>} : memref<8x128xf32, #tpu.memory_space<vmem>>, vector<16xf32>,
      tpu.vector_store %arg12[%swap3A_1348, %swap3A_1349], %add3A_1346 {strides = array<i32>} : memref<8x128xf32, #tpu.memory_space<vmem>>, vector<16xf32>,
      %add3A_1351 = arith.constant 64 : i32
      %add3A_1352 = vector.broadcast %add3A_1351 : i32 to vector<16xi32>
      %add3A_1353 = arith.addi %iota3A, %add3A_1352 : vector<16xi32>
      %gather3A_1354 = tpu.vector_load_idx %arg8[%add3A_1353, %broadcast_in_dim3A_1308] : memref<128x16xf32, #tpu.memory_space<vmem>>[vector<16xi32>, vector<16xi32>], vector<16xf32>,
      %gather3A_1355 = tpu.vector_load_idx %arg10[%add3A_1353, %broadcast_in_dim3A_1310] : memref<128x16xf32, #tpu.memory_space<vmem>>[vector<16xi32>, vector<16xi32>], vector<16xf32>,
      %add3A_1356 = arith.addf %gather3A_1354, %gather3A_1355 : vector<16xf32>
      %swap3A_1357 = arith.constant 6 : i32
      %swap3A_1358 = arith.index_cast %swap3A_1357 : i32 to index
      %swap3A_1359 = arith.constant 64 : index
      %swap3A_1360 = tpu.vector_load %arg12[%swap3A_1358, %swap3A_1359] {strides = array<i32>} : memref<8x128xf32, #tpu.memory_space<vmem>>, vector<16xf32>,
      tpu.vector_store %arg12[%swap3A_1358, %swap3A_1359], %add3A_1356 {strides = array<i32>} : memref<8x128xf32, #tpu.memory_space<vmem>>, vector<16xf32>,
      %add3A_1361 = arith.constant 80 : i32
      %add3A_1362 = vector.broadcast %add3A_1361 : i32 to vector<16xi32>
      %add3A_1363 = arith.addi %iota3A, %add3A_1362 : vector<16xi32>
      %gather3A_1364 = tpu.vector_load_idx %arg8[%add3A_1363, %broadcast_in_dim3A_1308] : memref<128x16xf32, #tpu.memory_space<vmem>>[vector<16xi32>, vector<16xi32>], vector<16xf32>,
      %gather3A_1365 = tpu.vector_load_idx %arg10[%add3A_1363, %broadcast_in_dim3A_1310] : memref<128x16xf32, #tpu.memory_space<vmem>>[vector<16xi32>, vector<16xi32>], vector<16xf32>,
      %add3A_1366 = arith.addf %gather3A_1364, %gather3A_1365 : vector<16xf32>
      %swap3A_1367 = arith.constant 6 : i32
      %swap3A_1368 = arith.index_cast %swap3A_1367 : i32 to index
      %swap3A_1369 = arith.constant 80 : index
      %swap3A_1370 = tpu.vector_load %arg12[%swap3A_1368, %swap3A_1369] {strides = array<i32>} : memref<8x128xf32, #tpu.memory_space<vmem>>, vector<16xf32>,
      tpu.vector_store %arg12[%swap3A_1368, %swap3A_1369], %add3A_1366 {strides = array<i32>} : memref<8x128xf32, #tpu.memory_space<vmem>>, vector<16xf32>,
      %add3A_1371 = arith.constant 96 : i32
      %add3A_1372 = vector.broadcast %add3A_1371 : i32 to vector<16xi32>
      %add3A_1373 = arith.addi %iota3A, %add3A_1372 : vector<16xi32>
      %gather3A_1374 = tpu.vector_load_idx %arg8[%add3A_1373, %broadcast_in_dim3A_1308] : memref<128x16xf32, #tpu.memory_space<vmem>>[vector<16xi32>, vector<16xi32>], vector<16xf32>,
      %gather3A_1375 = tpu.vector_load_idx %arg10[%add3A_1373, %broadcast_in_dim3A_1310] : memref<128x16xf32, #tpu.memory_space<vmem>>[vector<16xi32>, vector<16xi32>], vector<16xf32>,
      %add3A_1376 = arith.addf %gather3A_1374, %gather3A_1375 : vector<16xf32>
      %swap3A_1377 = arith.constant 6 : i32
      %swap3A_1378 = arith.index_cast %swap3A_1377 : i32 to index
      %swap3A_1379 = arith.constant 96 : index
      %swap3A_1380 = tpu.vector_load %arg12[%swap3A_1378, %swap3A_1379] {strides = array<i32>} : memref<8x128xf32, #tpu.memory_space<vmem>>, vector<16xf32>,
      tpu.vector_store %arg12[%swap3A_1378, %swap3A_1379], %add3A_1376 {strides = array<i32>} : memref<8x128xf32, #tpu.memory_space<vmem>>, vector<16xf32>,
      %add3A_1381 = arith.constant 112 : i32
      %add3A_1382 = vector.broadcast %add3A_1381 : i32 to vector<16xi32>
      %add3A_1383 = arith.addi %iota3A, %add3A_1382 : vector<16xi32>
      %gather3A_1384 = tpu.vector_load_idx %arg8[%add3A_1383, %broadcast_in_dim3A_1308] : memref<128x16xf32, #tpu.memory_space<vmem>>[vector<16xi32>, vector<16xi32>], vector<16xf32>,
      %gather3A_1385 = tpu.vector_load_idx %arg10[%add3A_1383, %broadcast_in_dim3A_1310] : memref<128x16xf32, #tpu.memory_space<vmem>>[vector<16xi32>, vector<16xi32>], vector<16xf32>,
      %add3A_1386 = arith.addf %gather3A_1384, %gather3A_1385 : vector<16xf32>
      %swap3A_1387 = arith.constant 6 : i32
      %swap3A_1388 = arith.index_cast %swap3A_1387 : i32 to index
      %swap3A_1389 = arith.constant 112 : index
      %swap3A_1390 = tpu.vector_load %arg12[%swap3A_1388, %swap3A_1389] {strides = array<i32>} : memref<8x128xf32, #tpu.memory_space<vmem>>, vector<16xf32>,
      tpu.vector_store %arg12[%swap3A_1388, %swap3A_1389], %add3A_1386 {strides = array<i32>} : memref<8x128xf32, #tpu.memory_space<vmem>>, vector<16xf32>,
      %broadcast_in_dim3A_1391 = arith.constant 7 : i32
      %broadcast_in_dim3A_1392 = vector.broadcast %broadcast_in_dim3A_1391 : i32 to vector<16xi32>
      %broadcast_in_dim3A_1393 = arith.constant 15 : i32
      %broadcast_in_dim3A_1394 = vector.broadcast %broadcast_in_dim3A_1393 : i32 to vector<16xi32>
      %add3A_1395 = arith.constant 0 : i32
      %add3A_1396 = vector.broadcast %add3A_1395 : i32 to vector<16xi32>
      %add3A_1397 = arith.addi %iota3A, %add3A_1396 : vector<16xi32>
      %gather3A_1398 = tpu.vector_load_idx %arg8[%add3A_1397, %broadcast_in_dim3A_1392] : memref<128x16xf32, #tpu.memory_space<vmem>>[vector<16xi32>, vector<16xi32>], vector<16xf32>,
      %gather3A_1399 = tpu.vector_load_idx %arg10[%add3A_1397, %broadcast_in_dim3A_1394] : memref<128x16xf32, #tpu.memory_space<vmem>>[vector<16xi32>, vector<16xi32>], vector<16xf32>,
      %add3A_1400 = arith.addf %gather3A_1398, %gather3A_1399 : vector<16xf32>
      %swap3A_1401 = arith.constant 7 : i32
      %swap3A_1402 = arith.index_cast %swap3A_1401 : i32 to index
      %swap3A_1403 = arith.constant 0 : index
      %swap3A_1404 = tpu.vector_load %arg12[%swap3A_1402, %swap3A_1403] {strides = array<i32>} : memref<8x128xf32, #tpu.memory_space<vmem>>, vector<16xf32>,
      tpu.vector_store %arg12[%swap3A_1402, %swap3A_1403], %add3A_1400 {strides = array<i32>} : memref<8x128xf32, #tpu.memory_space<vmem>>, vector<16xf32>,
      %add3A_1405 = arith.constant 16 : i32
      %add3A_1406 = vector.broadcast %add3A_1405 : i32 to vector<16xi32>
      %add3A_1407 = arith.addi %iota3A, %add3A_1406 : vector<16xi32>
      %gather3A_1408 = tpu.vector_load_idx %arg8[%add3A_1407, %broadcast_in_dim3A_1392] : memref<128x16xf32, #tpu.memory_space<vmem>>[vector<16xi32>, vector<16xi32>], vector<16xf32>,
      %gather3A_1409 = tpu.vector_load_idx %arg10[%add3A_1407, %broadcast_in_dim3A_1394] : memref<128x16xf32, #tpu.memory_space<vmem>>[vector<16xi32>, vector<16xi32>], vector<16xf32>,
      %add3A_1410 = arith.addf %gather3A_1408, %gather3A_1409 : vector<16xf32>
      %swap3A_1411 = arith.constant 7 : i32
      %swap3A_1412 = arith.index_cast %swap3A_1411 : i32 to index
      %swap3A_1413 = arith.constant 16 : index
      %swap3A_1414 = tpu.vector_load %arg12[%swap3A_1412, %swap3A_1413] {strides = array<i32>} : memref<8x128xf32, #tpu.memory_space<vmem>>, vector<16xf32>,
      tpu.vector_store %arg12[%swap3A_1412, %swap3A_1413], %add3A_1410 {strides = array<i32>} : memref<8x128xf32, #tpu.memory_space<vmem>>, vector<16xf32>,
      %add3A_1415 = arith.constant 32 : i32
      %add3A_1416 = vector.broadcast %add3A_1415 : i32 to vector<16xi32>
      %add3A_1417 = arith.addi %iota3A, %add3A_1416 : vector<16xi32>
      %gather3A_1418 = tpu.vector_load_idx %arg8[%add3A_1417, %broadcast_in_dim3A_1392] : memref<128x16xf32, #tpu.memory_space<vmem>>[vector<16xi32>, vector<16xi32>], vector<16xf32>,
      %gather3A_1419 = tpu.vector_load_idx %arg10[%add3A_1417, %broadcast_in_dim3A_1394] : memref<128x16xf32, #tpu.memory_space<vmem>>[vector<16xi32>, vector<16xi32>], vector<16xf32>,
      %add3A_1420 = arith.addf %gather3A_1418, %gather3A_1419 : vector<16xf32>
      %swap3A_1421 = arith.constant 7 : i32
      %swap3A_1422 = arith.index_cast %swap3A_1421 : i32 to index
      %swap3A_1423 = arith.constant 32 : index
      %swap3A_1424 = tpu.vector_load %arg12[%swap3A_1422, %swap3A_1423] {strides = array<i32>} : memref<8x128xf32, #tpu.memory_space<vmem>>, vector<16xf32>,
      tpu.vector_store %arg12[%swap3A_1422, %swap3A_1423], %add3A_1420 {strides = array<i32>} : memref<8x128xf32, #tpu.memory_space<vmem>>, vector<16xf32>,
      %add3A_1425 = arith.constant 48 : i32
      %add3A_1426 = vector.broadcast %add3A_1425 : i32 to vector<16xi32>
      %add3A_1427 = arith.addi %iota3A, %add3A_1426 : vector<16xi32>
      %gather3A_1428 = tpu.vector_load_idx %arg8[%add3A_1427, %broadcast_in_dim3A_1392] : memref<128x16xf32, #tpu.memory_space<vmem>>[vector<16xi32>, vector<16xi32>], vector<16xf32>,
      %gather3A_1429 = tpu.vector_load_idx %arg10[%add3A_1427, %broadcast_in_dim3A_1394] : memref<128x16xf32, #tpu.memory_space<vmem>>[vector<16xi32>, vector<16xi32>], vector<16xf32>,
      %add3A_1430 = arith.addf %gather3A_1428, %gather3A_1429 : vector<16xf32>
      %swap3A_1431 = arith.constant 7 : i32
      %swap3A_1432 = arith.index_cast %swap3A_1431 : i32 to index
      %swap3A_1433 = arith.constant 48 : index
      %swap3A_1434 = tpu.vector_load %arg12[%swap3A_1432, %swap3A_1433] {strides = array<i32>} : memref<8x128xf32, #tpu.memory_space<vmem>>, vector<16xf32>,
      tpu.vector_store %arg12[%swap3A_1432, %swap3A_1433], %add3A_1430 {strides = array<i32>} : memref<8x128xf32, #tpu.memory_space<vmem>>, vector<16xf32>,
      %add3A_1435 = arith.constant 64 : i32
      %add3A_1436 = vector.broadcast %add3A_1435 : i32 to vector<16xi32>
      %add3A_1437 = arith.addi %iota3A, %add3A_1436 : vector<16xi32>
      %gather3A_1438 = tpu.vector_load_idx %arg8[%add3A_1437, %broadcast_in_dim3A_1392] : memref<128x16xf32, #tpu.memory_space<vmem>>[vector<16xi32>, vector<16xi32>], vector<16xf32>,
      %gather3A_1439 = tpu.vector_load_idx %arg10[%add3A_1437, %broadcast_in_dim3A_1394] : memref<128x16xf32, #tpu.memory_space<vmem>>[vector<16xi32>, vector<16xi32>], vector<16xf32>,
      %add3A_1440 = arith.addf %gather3A_1438, %gather3A_1439 : vector<16xf32>
      %swap3A_1441 = arith.constant 7 : i32
      %swap3A_1442 = arith.index_cast %swap3A_1441 : i32 to index
      %swap3A_1443 = arith.constant 64 : index
      %swap3A_1444 = tpu.vector_load %arg12[%swap3A_1442, %swap3A_1443] {strides = array<i32>} : memref<8x128xf32, #tpu.memory_space<vmem>>, vector<16xf32>,
      tpu.vector_store %arg12[%swap3A_1442, %swap3A_1443], %add3A_1440 {strides = array<i32>} : memref<8x128xf32, #tpu.memory_space<vmem>>, vector<16xf32>,
      %add3A_1445 = arith.constant 80 : i32
      %add3A_1446 = vector.broadcast %add3A_1445 : i32 to vector<16xi32>
      %add3A_1447 = arith.addi %iota3A, %add3A_1446 : vector<16xi32>
      %gather3A_1448 = tpu.vector_load_idx %arg8[%add3A_1447, %broadcast_in_dim3A_1392] : memref<128x16xf32, #tpu.memory_space<vmem>>[vector<16xi32>, vector<16xi32>], vector<16xf32>,
      %gather3A_1449 = tpu.vector_load_idx %arg10[%add3A_1447, %broadcast_in_dim3A_1394] : memref<128x16xf32, #tpu.memory_space<vmem>>[vector<16xi32>, vector<16xi32>], vector<16xf32>,
      %add3A_1450 = arith.addf %gather3A_1448, %gather3A_1449 : vector<16xf32>
      %swap3A_1451 = arith.constant 7 : i32
      %swap3A_1452 = arith.index_cast %swap3A_1451 : i32 to index
      %swap3A_1453 = arith.constant 80 : index
      %swap3A_1454 = tpu.vector_load %arg12[%swap3A_1452, %swap3A_1453] {strides = array<i32>} : memref<8x128xf32, #tpu.memory_space<vmem>>, vector<16xf32>,
      tpu.vector_store %arg12[%swap3A_1452, %swap3A_1453], %add3A_1450 {strides = array<i32>} : memref<8x128xf32, #tpu.memory_space<vmem>>, vector<16xf32>,
      %add3A_1455 = arith.constant 96 : i32
      %add3A_1456 = vector.broadcast %add3A_1455 : i32 to vector<16xi32>
      %add3A_1457 = arith.addi %iota3A, %add3A_1456 : vector<16xi32>
      %gather3A_1458 = tpu.vector_load_idx %arg8[%add3A_1457, %broadcast_in_dim3A_1392] : memref<128x16xf32, #tpu.memory_space<vmem>>[vector<16xi32>, vector<16xi32>], vector<16xf32>,
      %gather3A_1459 = tpu.vector_load_idx %arg10[%add3A_1457, %broadcast_in_dim3A_1394] : memref<128x16xf32, #tpu.memory_space<vmem>>[vector<16xi32>, vector<16xi32>], vector<16xf32>,
      %add3A_1460 = arith.addf %gather3A_1458, %gather3A_1459 : vector<16xf32>
      %swap3A_1461 = arith.constant 7 : i32
      %swap3A_1462 = arith.index_cast %swap3A_1461 : i32 to index
      %swap3A_1463 = arith.constant 96 : index
      %swap3A_1464 = tpu.vector_load %arg12[%swap3A_1462, %swap3A_1463] {strides = array<i32>} : memref<8x128xf32, #tpu.memory_space<vmem>>, vector<16xf32>,
      tpu.vector_store %arg12[%swap3A_1462, %swap3A_1463], %add3A_1460 {strides = array<i32>} : memref<8x128xf32, #tpu.memory_space<vmem>>, vector<16xf32>,
      %add3A_1465 = arith.constant 112 : i32
      %add3A_1466 = vector.broadcast %add3A_1465 : i32 to vector<16xi32>
      %add3A_1467 = arith.addi %iota3A, %add3A_1466 : vector<16xi32>
      %gather3A_1468 = tpu.vector_load_idx %arg8[%add3A_1467, %broadcast_in_dim3A_1392] : memref<128x16xf32, #tpu.memory_space<vmem>>[vector<16xi32>, vector<16xi32>], vector<16xf32>,
      %gather3A_1469 = tpu.vector_load_idx %arg10[%add3A_1467, %broadcast_in_dim3A_1394] : memref<128x16xf32, #tpu.memory_space<vmem>>[vector<16xi32>, vector<16xi32>], vector<16xf32>,
      %add3A_1470 = arith.addf %gather3A_1468, %gather3A_1469 : vector<16xf32>
      %swap3A_1471 = arith.constant 7 : i32
      %swap3A_1472 = arith.index_cast %swap3A_1471 : i32 to index
      %swap3A_1473 = arith.constant 112 : index
      %swap3A_1474 = tpu.vector_load %arg12[%swap3A_1472, %swap3A_1473] {strides = array<i32>} : memref<8x128xf32, #tpu.memory_space<vmem>>, vector<16xf32>,
      tpu.vector_store %arg12[%swap3A_1472, %swap3A_1473], %add3A_1470 {strides = array<i32>} : memref<8x128xf32, #tpu.memory_space<vmem>>, vector<16xf32>,
      %add3A_1475 = arith.addi %mul3A_2, %add3A_783 : i32
      %mul3A_1476 = arith.constant 8 : i32
      %mul3A_1477 = arith.muli %add3A_1475, %mul3A_1476 : i32
      %multiple_of3A_1478 = tpu.assume_multiple %mul3A_1477, 8 : i32
      %dma_start3A_1479 = arith.constant 0 : i32
      %dma_start3A_1480 = tpu.memref_slice %arg4[%multiple_of3A_1478, %dma_start3A_1479] : memref<10000x128xf32, #tpu.memory_space<hbm>> -> memref<8x128xf32, #tpu.memory_space<hbm>>
      %dma_start3A_1481 = arith.constant 0 : i32
      %dma_start3A_1482 = tpu.memref_slice %arg4[%multiple_of3A_1478, %dma_start3A_1481] : memref<10000x128xf32, #tpu.memory_space<hbm>> -> memref<8x128xf32, #tpu.memory_space<hbm>>
      tpu.enqueue_dma source(%arg12 : memref<8x128xf32, #tpu.memory_space<vmem>>) target(%dma_start3A_1482 : memref<8x128xf32, #tpu.memory_space<hbm>>) target_semaphore(%arg18 : memref<!tpu.dma_semaphore, #tpu.memory_space<semaphore_mem>>)
      %add3A_1483 = arith.constant 2 : i32
      %add3A_1484 = arith.addi %add3A_783, %add3A_1483 : i32
      %lt3A_1485 = arith.cmpi slt, %add3A_1484, %select_n3A : i32
      %convert_element_type3A_1486 = arith.extui %lt3A_1485 : i1 to i32
      %cond3A_1487 = arith.constant 0 : i32
      %cond3A_1488 = arith.cmpi ne, %convert_element_type3A_1486, %cond3A_1487 : i32
      scf.if %cond3A_1488 {
        %add3A_1490 = arith.constant 2 : i32
        %add3A_1491 = arith.addi %add3A_783, %add3A_1490 : i32
        %dma_start3A_1492 = arith.constant 0 : i32
        %dma_start3A_1493 = tpu.memref_slice %arg5[%add3A_1491, %dma_start3A_1492] : memref<40x128xi32, #tpu.memory_space<vmem>> -> memref<1x128xi32, #tpu.memory_space<vmem>>
        %dma_start3A_1494 = tpu.memref_squeeze %dma_start3A_1493 : memref<1x128xi32, #tpu.memory_space<vmem>> -> memref<128xi32, #tpu.memory_space<vmem>>
        %dma_start3A_1495 = arith.constant 0 : i32
        %dma_start3A_1496 = arith.constant 0 : i32
        %dma_start3A_1497 = tpu.memref_slice %arg2[%dma_start3A_1495, %dma_start3A_1496] : memref<10000x16xf32, #tpu.memory_space<hbm>> -> memref<10000x16xf32, #tpu.memory_space<hbm>>
        tpu.enqueue_indirect_dma source(%dma_start3A_1497 : memref<10000x16xf32, #tpu.memory_space<hbm>>) target(%arg8 : memref<128x16xf32, #tpu.memory_space<vmem>>) offsets(%dma_start3A_1494 : memref<128xi32, #tpu.memory_space<vmem>>) semaphore(%arg14 : memref<!tpu.dma_semaphore, #tpu.memory_space<semaphore_mem>>)
        %dma_start3A_1498 = arith.constant 0 : i32
        %dma_start3A_1499 = tpu.memref_slice %arg6[%add3A_1491, %dma_start3A_1498] : memref<40x128xi32, #tpu.memory_space<vmem>> -> memref<1x128xi32, #tpu.memory_space<vmem>>
        %dma_start3A_1500 = tpu.memref_squeeze %dma_start3A_1499 : memref<1x128xi32, #tpu.memory_space<vmem>> -> memref<128xi32, #tpu.memory_space<vmem>>
        %dma_start3A_1501 = arith.constant 0 : i32
        %dma_start3A_1502 = arith.constant 0 : i32
        %dma_start3A_1503 = tpu.memref_slice %arg2[%dma_start3A_1501, %dma_start3A_1502] : memref<10000x16xf32, #tpu.memory_space<hbm>> -> memref<10000x16xf32, #tpu.memory_space<hbm>>
        tpu.enqueue_indirect_dma source(%dma_start3A_1503 : memref<10000x16xf32, #tpu.memory_space<hbm>>) target(%arg10 : memref<128x16xf32, #tpu.memory_space<vmem>>) offsets(%dma_start3A_1500 : memref<128xi32, #tpu.memory_space<vmem>>) semaphore(%arg16 : memref<!tpu.dma_semaphore, #tpu.memory_space<semaphore_mem>>)
      } else {
      }
      %while3A_1489 = arith.constant 0 : i32
      scf.yield %while3A_1489 : i32
    }
    %while3A_64 = arith.constant 1 : i32
    %while3A_65 = scf.for %while3A_77 = %while3A_61 to %while3A_57 step %while3A_64 iter_args(%while3A_78 = %while3A_63) -> (i32)  : i32 {
      %mul3A_79 = arith.constant 2 : i32
      %mul3A_80 = arith.muli %while3A_77, %mul3A_79 : i32
      %add3A_81 = arith.constant 0 : i32
      %add3A_82 = arith.addi %mul3A_80, %add3A_81 : i32
      %dma_wait3A_83 = arith.constant 0 : i32
      %dma_wait3A_84 = arith.constant 0 : i32
      %dma_wait3A_85 = tpu.memref_slice %arg5[%dma_wait3A_83, %dma_wait3A_84] : memref<40x128xi32, #tpu.memory_space<vmem>> -> memref<1x128xi32, #tpu.memory_space<vmem>>
      %dma_wait3A_86 = tpu.memref_squeeze %dma_wait3A_85 : memref<1x128xi32, #tpu.memory_space<vmem>> -> memref<128xi32, #tpu.memory_space<vmem>>
      %dma_wait3A_87 = arith.constant 0 : i32
      %dma_wait3A_88 = arith.constant 0 : i32
      %dma_wait3A_89 = tpu.memref_slice %arg2[%dma_wait3A_87, %dma_wait3A_88] : memref<10000x16xf32, #tpu.memory_space<hbm>> -> memref<10000x16xf32, #tpu.memory_space<hbm>>
      tpu.wait_indirect_dma semaphore(%arg13 : memref<!tpu.dma_semaphore, #tpu.memory_space<semaphore_mem>>) src(%dma_wait3A_89 : memref<10000x16xf32, #tpu.memory_space<hbm>>) dst(%arg7 : memref<128x16xf32, #tpu.memory_space<vmem>>)
      %dma_wait3A_90 = arith.constant 0 : i32
      %dma_wait3A_91 = arith.constant 0 : i32
      %dma_wait3A_92 = tpu.memref_slice %arg6[%dma_wait3A_90, %dma_wait3A_91] : memref<40x128xi32, #tpu.memory_space<vmem>> -> memref<1x128xi32, #tpu.memory_space<vmem>>
      %dma_wait3A_93 = tpu.memref_squeeze %dma_wait3A_92 : memref<1x128xi32, #tpu.memory_space<vmem>> -> memref<128xi32, #tpu.memory_space<vmem>>
      %dma_wait3A_94 = arith.constant 0 : i32
      %dma_wait3A_95 = arith.constant 0 : i32
      %dma_wait3A_96 = tpu.memref_slice %arg2[%dma_wait3A_94, %dma_wait3A_95] : memref<10000x16xf32, #tpu.memory_space<hbm>> -> memref<10000x16xf32, #tpu.memory_space<hbm>>
      tpu.wait_indirect_dma semaphore(%arg15 : memref<!tpu.dma_semaphore, #tpu.memory_space<semaphore_mem>>) src(%dma_wait3A_96 : memref<10000x16xf32, #tpu.memory_space<hbm>>) dst(%arg9 : memref<128x16xf32, #tpu.memory_space<vmem>>)
      %gt3A = arith.constant 0 : i32
      %gt3A_97 = arith.cmpi sgt, %while3A_77, %gt3A : i32
      %convert_element_type3A_98 = arith.extui %gt3A_97 : i1 to i32
      %cond3A_99 = arith.constant 0 : i32
      %cond3A_100 = arith.cmpi ne, %convert_element_type3A_98, %cond3A_99 : i32
      scf.if %cond3A_100 {
        %dma_wait3A_1490 = arith.constant 0 : i32
        %dma_wait3A_1491 = arith.constant 0 : i32
        %dma_wait3A_1492 = tpu.memref_slice %arg4[%dma_wait3A_1490, %dma_wait3A_1491] : memref<10000x128xf32, #tpu.memory_space<hbm>> -> memref<8x128xf32, #tpu.memory_space<hbm>>
        %dma_wait3A_1493 = arith.constant 0 : i32
        %dma_wait3A_1494 = arith.constant 0 : i32
        %dma_wait3A_1495 = tpu.memref_slice %arg4[%dma_wait3A_1493, %dma_wait3A_1494] : memref<10000x128xf32, #tpu.memory_space<hbm>> -> memref<8x128xf32, #tpu.memory_space<hbm>>
        tpu.wait_dma2 semaphore(%arg17 : memref<!tpu.dma_semaphore, #tpu.memory_space<semaphore_mem>>) src(%arg11 : memref<8x128xf32, #tpu.memory_space<vmem>>) dst(%dma_wait3A_1495 : memref<8x128xf32, #tpu.memory_space<hbm>>)
      } else {
      }
      %broadcast_in_dim3A = arith.constant 0 : i32
      %broadcast_in_dim3A_101 = vector.broadcast %broadcast_in_dim3A : i32 to vector<16xi32>
      %broadcast_in_dim3A_102 = arith.constant 8 : i32
      %broadcast_in_dim3A_103 = vector.broadcast %broadcast_in_dim3A_102 : i32 to vector<16xi32>
      %add3A_104 = arith.constant 0 : i32
      %add3A_105 = vector.broadcast %add3A_104 : i32 to vector<16xi32>
      %add3A_106 = arith.addi %iota3A, %add3A_105 : vector<16xi32>
      %gather3A = tpu.vector_load_idx %arg7[%add3A_106, %broadcast_in_dim3A_101] : memref<128x16xf32, #tpu.memory_space<vmem>>[vector<16xi32>, vector<16xi32>], vector<16xf32>,
      %gather3A_107 = tpu.vector_load_idx %arg9[%add3A_106, %broadcast_in_dim3A_103] : memref<128x16xf32, #tpu.memory_space<vmem>>[vector<16xi32>, vector<16xi32>], vector<16xf32>,
      %add3A_108 = arith.addf %gather3A, %gather3A_107 : vector<16xf32>
      %swap3A = arith.constant 0 : i32
      %swap3A_109 = arith.index_cast %swap3A : i32 to index
      %swap3A_110 = arith.constant 0 : index
      %swap3A_111 = tpu.vector_load %arg11[%swap3A_109, %swap3A_110] {strides = array<i32>} : memref<8x128xf32, #tpu.memory_space<vmem>>, vector<16xf32>,
      tpu.vector_store %arg11[%swap3A_109, %swap3A_110], %add3A_108 {strides = array<i32>} : memref<8x128xf32, #tpu.memory_space<vmem>>, vector<16xf32>,
      %add3A_112 = arith.constant 16 : i32
      %add3A_113 = vector.broadcast %add3A_112 : i32 to vector<16xi32>
      %add3A_114 = arith.addi %iota3A, %add3A_113 : vector<16xi32>
      %gather3A_115 = tpu.vector_load_idx %arg7[%add3A_114, %broadcast_in_dim3A_101] : memref<128x16xf32, #tpu.memory_space<vmem>>[vector<16xi32>, vector<16xi32>], vector<16xf32>,
      %gather3A_116 = tpu.vector_load_idx %arg9[%add3A_114, %broadcast_in_dim3A_103] : memref<128x16xf32, #tpu.memory_space<vmem>>[vector<16xi32>, vector<16xi32>], vector<16xf32>,
      %add3A_117 = arith.addf %gather3A_115, %gather3A_116 : vector<16xf32>
      %swap3A_118 = arith.constant 0 : i32
      %swap3A_119 = arith.index_cast %swap3A_118 : i32 to index
      %swap3A_120 = arith.constant 16 : index
      %swap3A_121 = tpu.vector_load %arg11[%swap3A_119, %swap3A_120] {strides = array<i32>} : memref<8x128xf32, #tpu.memory_space<vmem>>, vector<16xf32>,
      tpu.vector_store %arg11[%swap3A_119, %swap3A_120], %add3A_117 {strides = array<i32>} : memref<8x128xf32, #tpu.memory_space<vmem>>, vector<16xf32>,
      %add3A_122 = arith.constant 32 : i32
      %add3A_123 = vector.broadcast %add3A_122 : i32 to vector<16xi32>
      %add3A_124 = arith.addi %iota3A, %add3A_123 : vector<16xi32>
      %gather3A_125 = tpu.vector_load_idx %arg7[%add3A_124, %broadcast_in_dim3A_101] : memref<128x16xf32, #tpu.memory_space<vmem>>[vector<16xi32>, vector<16xi32>], vector<16xf32>,
      %gather3A_126 = tpu.vector_load_idx %arg9[%add3A_124, %broadcast_in_dim3A_103] : memref<128x16xf32, #tpu.memory_space<vmem>>[vector<16xi32>, vector<16xi32>], vector<16xf32>,
      %add3A_127 = arith.addf %gather3A_125, %gather3A_126 : vector<16xf32>
      %swap3A_128 = arith.constant 0 : i32
      %swap3A_129 = arith.index_cast %swap3A_128 : i32 to index
      %swap3A_130 = arith.constant 32 : index
      %swap3A_131 = tpu.vector_load %arg11[%swap3A_129, %swap3A_130] {strides = array<i32>} : memref<8x128xf32, #tpu.memory_space<vmem>>, vector<16xf32>,
      tpu.vector_store %arg11[%swap3A_129, %swap3A_130], %add3A_127 {strides = array<i32>} : memref<8x128xf32, #tpu.memory_space<vmem>>, vector<16xf32>,
      %add3A_132 = arith.constant 48 : i32
      %add3A_133 = vector.broadcast %add3A_132 : i32 to vector<16xi32>
      %add3A_134 = arith.addi %iota3A, %add3A_133 : vector<16xi32>
      %gather3A_135 = tpu.vector_load_idx %arg7[%add3A_134, %broadcast_in_dim3A_101] : memref<128x16xf32, #tpu.memory_space<vmem>>[vector<16xi32>, vector<16xi32>], vector<16xf32>,
      %gather3A_136 = tpu.vector_load_idx %arg9[%add3A_134, %broadcast_in_dim3A_103] : memref<128x16xf32, #tpu.memory_space<vmem>>[vector<16xi32>, vector<16xi32>], vector<16xf32>,
      %add3A_137 = arith.addf %gather3A_135, %gather3A_136 : vector<16xf32>
      %swap3A_138 = arith.constant 0 : i32
      %swap3A_139 = arith.index_cast %swap3A_138 : i32 to index
      %swap3A_140 = arith.constant 48 : index
      %swap3A_141 = tpu.vector_load %arg11[%swap3A_139, %swap3A_140] {strides = array<i32>} : memref<8x128xf32, #tpu.memory_space<vmem>>, vector<16xf32>,
      tpu.vector_store %arg11[%swap3A_139, %swap3A_140], %add3A_137 {strides = array<i32>} : memref<8x128xf32, #tpu.memory_space<vmem>>, vector<16xf32>,
      %add3A_142 = arith.constant 64 : i32
      %add3A_143 = vector.broadcast %add3A_142 : i32 to vector<16xi32>
      %add3A_144 = arith.addi %iota3A, %add3A_143 : vector<16xi32>
      %gather3A_145 = tpu.vector_load_idx %arg7[%add3A_144, %broadcast_in_dim3A_101] : memref<128x16xf32, #tpu.memory_space<vmem>>[vector<16xi32>, vector<16xi32>], vector<16xf32>,
      %gather3A_146 = tpu.vector_load_idx %arg9[%add3A_144, %broadcast_in_dim3A_103] : memref<128x16xf32, #tpu.memory_space<vmem>>[vector<16xi32>, vector<16xi32>], vector<16xf32>,
      %add3A_147 = arith.addf %gather3A_145, %gather3A_146 : vector<16xf32>
      %swap3A_148 = arith.constant 0 : i32
      %swap3A_149 = arith.index_cast %swap3A_148 : i32 to index
      %swap3A_150 = arith.constant 64 : index
      %swap3A_151 = tpu.vector_load %arg11[%swap3A_149, %swap3A_150] {strides = array<i32>} : memref<8x128xf32, #tpu.memory_space<vmem>>, vector<16xf32>,
      tpu.vector_store %arg11[%swap3A_149, %swap3A_150], %add3A_147 {strides = array<i32>} : memref<8x128xf32, #tpu.memory_space<vmem>>, vector<16xf32>,
      %add3A_152 = arith.constant 80 : i32
      %add3A_153 = vector.broadcast %add3A_152 : i32 to vector<16xi32>
      %add3A_154 = arith.addi %iota3A, %add3A_153 : vector<16xi32>
      %gather3A_155 = tpu.vector_load_idx %arg7[%add3A_154, %broadcast_in_dim3A_101] : memref<128x16xf32, #tpu.memory_space<vmem>>[vector<16xi32>, vector<16xi32>], vector<16xf32>,
      %gather3A_156 = tpu.vector_load_idx %arg9[%add3A_154, %broadcast_in_dim3A_103] : memref<128x16xf32, #tpu.memory_space<vmem>>[vector<16xi32>, vector<16xi32>], vector<16xf32>,
      %add3A_157 = arith.addf %gather3A_155, %gather3A_156 : vector<16xf32>
      %swap3A_158 = arith.constant 0 : i32
      %swap3A_159 = arith.index_cast %swap3A_158 : i32 to index
      %swap3A_160 = arith.constant 80 : index
      %swap3A_161 = tpu.vector_load %arg11[%swap3A_159, %swap3A_160] {strides = array<i32>} : memref<8x128xf32, #tpu.memory_space<vmem>>, vector<16xf32>,
      tpu.vector_store %arg11[%swap3A_159, %swap3A_160], %add3A_157 {strides = array<i32>} : memref<8x128xf32, #tpu.memory_space<vmem>>, vector<16xf32>,
      %add3A_162 = arith.constant 96 : i32
      %add3A_163 = vector.broadcast %add3A_162 : i32 to vector<16xi32>
      %add3A_164 = arith.addi %iota3A, %add3A_163 : vector<16xi32>
      %gather3A_165 = tpu.vector_load_idx %arg7[%add3A_164, %broadcast_in_dim3A_101] : memref<128x16xf32, #tpu.memory_space<vmem>>[vector<16xi32>, vector<16xi32>], vector<16xf32>,
      %gather3A_166 = tpu.vector_load_idx %arg9[%add3A_164, %broadcast_in_dim3A_103] : memref<128x16xf32, #tpu.memory_space<vmem>>[vector<16xi32>, vector<16xi32>], vector<16xf32>,
      %add3A_167 = arith.addf %gather3A_165, %gather3A_166 : vector<16xf32>
      %swap3A_168 = arith.constant 0 : i32
      %swap3A_169 = arith.index_cast %swap3A_168 : i32 to index
      %swap3A_170 = arith.constant 96 : index
      %swap3A_171 = tpu.vector_load %arg11[%swap3A_169, %swap3A_170] {strides = array<i32>} : memref<8x128xf32, #tpu.memory_space<vmem>>, vector<16xf32>,
      tpu.vector_store %arg11[%swap3A_169, %swap3A_170], %add3A_167 {strides = array<i32>} : memref<8x128xf32, #tpu.memory_space<vmem>>, vector<16xf32>,
      %add3A_172 = arith.constant 112 : i32
      %add3A_173 = vector.broadcast %add3A_172 : i32 to vector<16xi32>
      %add3A_174 = arith.addi %iota3A, %add3A_173 : vector<16xi32>
      %gather3A_175 = tpu.vector_load_idx %arg7[%add3A_174, %broadcast_in_dim3A_101] : memref<128x16xf32, #tpu.memory_space<vmem>>[vector<16xi32>, vector<16xi32>], vector<16xf32>,
      %gather3A_176 = tpu.vector_load_idx %arg9[%add3A_174, %broadcast_in_dim3A_103] : memref<128x16xf32, #tpu.memory_space<vmem>>[vector<16xi32>, vector<16xi32>], vector<16xf32>,
      %add3A_177 = arith.addf %gather3A_175, %gather3A_176 : vector<16xf32>
      %swap3A_178 = arith.constant 0 : i32
      %swap3A_179 = arith.index_cast %swap3A_178 : i32 to index
      %swap3A_180 = arith.constant 112 : index
      %swap3A_181 = tpu.vector_load %arg11[%swap3A_179, %swap3A_180] {strides = array<i32>} : memref<8x128xf32, #tpu.memory_space<vmem>>, vector<16xf32>,
      tpu.vector_store %arg11[%swap3A_179, %swap3A_180], %add3A_177 {strides = array<i32>} : memref<8x128xf32, #tpu.memory_space<vmem>>, vector<16xf32>,
      %broadcast_in_dim3A_182 = arith.constant 1 : i32
      %broadcast_in_dim3A_183 = vector.broadcast %broadcast_in_dim3A_182 : i32 to vector<16xi32>
      %broadcast_in_dim3A_184 = arith.constant 9 : i32
      %broadcast_in_dim3A_185 = vector.broadcast %broadcast_in_dim3A_184 : i32 to vector<16xi32>
      %add3A_186 = arith.constant 0 : i32
      %add3A_187 = vector.broadcast %add3A_186 : i32 to vector<16xi32>
      %add3A_188 = arith.addi %iota3A, %add3A_187 : vector<16xi32>
      %gather3A_189 = tpu.vector_load_idx %arg7[%add3A_188, %broadcast_in_dim3A_183] : memref<128x16xf32, #tpu.memory_space<vmem>>[vector<16xi32>, vector<16xi32>], vector<16xf32>,
      %gather3A_190 = tpu.vector_load_idx %arg9[%add3A_188, %broadcast_in_dim3A_185] : memref<128x16xf32, #tpu.memory_space<vmem>>[vector<16xi32>, vector<16xi32>], vector<16xf32>,
      %add3A_191 = arith.addf %gather3A_189, %gather3A_190 : vector<16xf32>
      %swap3A_192 = arith.constant 1 : i32
      %swap3A_193 = arith.index_cast %swap3A_192 : i32 to index
      %swap3A_194 = arith.constant 0 : index
      %swap3A_195 = tpu.vector_load %arg11[%swap3A_193, %swap3A_194] {strides = array<i32>} : memref<8x128xf32, #tpu.memory_space<vmem>>, vector<16xf32>,
      tpu.vector_store %arg11[%swap3A_193, %swap3A_194], %add3A_191 {strides = array<i32>} : memref<8x128xf32, #tpu.memory_space<vmem>>, vector<16xf32>,
      %add3A_196 = arith.constant 16 : i32
      %add3A_197 = vector.broadcast %add3A_196 : i32 to vector<16xi32>
      %add3A_198 = arith.addi %iota3A, %add3A_197 : vector<16xi32>
      %gather3A_199 = tpu.vector_load_idx %arg7[%add3A_198, %broadcast_in_dim3A_183] : memref<128x16xf32, #tpu.memory_space<vmem>>[vector<16xi32>, vector<16xi32>], vector<16xf32>,
      %gather3A_200 = tpu.vector_load_idx %arg9[%add3A_198, %broadcast_in_dim3A_185] : memref<128x16xf32, #tpu.memory_space<vmem>>[vector<16xi32>, vector<16xi32>], vector<16xf32>,
      %add3A_201 = arith.addf %gather3A_199, %gather3A_200 : vector<16xf32>
      %swap3A_202 = arith.constant 1 : i32
      %swap3A_203 = arith.index_cast %swap3A_202 : i32 to index
      %swap3A_204 = arith.constant 16 : index
      %swap3A_205 = tpu.vector_load %arg11[%swap3A_203, %swap3A_204] {strides = array<i32>} : memref<8x128xf32, #tpu.memory_space<vmem>>, vector<16xf32>,
      tpu.vector_store %arg11[%swap3A_203, %swap3A_204], %add3A_201 {strides = array<i32>} : memref<8x128xf32, #tpu.memory_space<vmem>>, vector<16xf32>,
      %add3A_206 = arith.constant 32 : i32
      %add3A_207 = vector.broadcast %add3A_206 : i32 to vector<16xi32>
      %add3A_208 = arith.addi %iota3A, %add3A_207 : vector<16xi32>
      %gather3A_209 = tpu.vector_load_idx %arg7[%add3A_208, %broadcast_in_dim3A_183] : memref<128x16xf32, #tpu.memory_space<vmem>>[vector<16xi32>, vector<16xi32>], vector<16xf32>,
      %gather3A_210 = tpu.vector_load_idx %arg9[%add3A_208, %broadcast_in_dim3A_185] : memref<128x16xf32, #tpu.memory_space<vmem>>[vector<16xi32>, vector<16xi32>], vector<16xf32>,
      %add3A_211 = arith.addf %gather3A_209, %gather3A_210 : vector<16xf32>
      %swap3A_212 = arith.constant 1 : i32
      %swap3A_213 = arith.index_cast %swap3A_212 : i32 to index
      %swap3A_214 = arith.constant 32 : index
      %swap3A_215 = tpu.vector_load %arg11[%swap3A_213, %swap3A_214] {strides = array<i32>} : memref<8x128xf32, #tpu.memory_space<vmem>>, vector<16xf32>,
      tpu.vector_store %arg11[%swap3A_213, %swap3A_214], %add3A_211 {strides = array<i32>} : memref<8x128xf32, #tpu.memory_space<vmem>>, vector<16xf32>,
      %add3A_216 = arith.constant 48 : i32
      %add3A_217 = vector.broadcast %add3A_216 : i32 to vector<16xi32>
      %add3A_218 = arith.addi %iota3A, %add3A_217 : vector<16xi32>
      %gather3A_219 = tpu.vector_load_idx %arg7[%add3A_218, %broadcast_in_dim3A_183] : memref<128x16xf32, #tpu.memory_space<vmem>>[vector<16xi32>, vector<16xi32>], vector<16xf32>,
      %gather3A_220 = tpu.vector_load_idx %arg9[%add3A_218, %broadcast_in_dim3A_185] : memref<128x16xf32, #tpu.memory_space<vmem>>[vector<16xi32>, vector<16xi32>], vector<16xf32>,
      %add3A_221 = arith.addf %gather3A_219, %gather3A_220 : vector<16xf32>
      %swap3A_222 = arith.constant 1 : i32
      %swap3A_223 = arith.index_cast %swap3A_222 : i32 to index
      %swap3A_224 = arith.constant 48 : index
      %swap3A_225 = tpu.vector_load %arg11[%swap3A_223, %swap3A_224] {strides = array<i32>} : memref<8x128xf32, #tpu.memory_space<vmem>>, vector<16xf32>,
      tpu.vector_store %arg11[%swap3A_223, %swap3A_224], %add3A_221 {strides = array<i32>} : memref<8x128xf32, #tpu.memory_space<vmem>>, vector<16xf32>,
      %add3A_226 = arith.constant 64 : i32
      %add3A_227 = vector.broadcast %add3A_226 : i32 to vector<16xi32>
      %add3A_228 = arith.addi %iota3A, %add3A_227 : vector<16xi32>
      %gather3A_229 = tpu.vector_load_idx %arg7[%add3A_228, %broadcast_in_dim3A_183] : memref<128x16xf32, #tpu.memory_space<vmem>>[vector<16xi32>, vector<16xi32>], vector<16xf32>,
      %gather3A_230 = tpu.vector_load_idx %arg9[%add3A_228, %broadcast_in_dim3A_185] : memref<128x16xf32, #tpu.memory_space<vmem>>[vector<16xi32>, vector<16xi32>], vector<16xf32>,
      %add3A_231 = arith.addf %gather3A_229, %gather3A_230 : vector<16xf32>
      %swap3A_232 = arith.constant 1 : i32
      %swap3A_233 = arith.index_cast %swap3A_232 : i32 to index
      %swap3A_234 = arith.constant 64 : index
      %swap3A_235 = tpu.vector_load %arg11[%swap3A_233, %swap3A_234] {strides = array<i32>} : memref<8x128xf32, #tpu.memory_space<vmem>>, vector<16xf32>,
      tpu.vector_store %arg11[%swap3A_233, %swap3A_234], %add3A_231 {strides = array<i32>} : memref<8x128xf32, #tpu.memory_space<vmem>>, vector<16xf32>,
      %add3A_236 = arith.constant 80 : i32
      %add3A_237 = vector.broadcast %add3A_236 : i32 to vector<16xi32>
      %add3A_238 = arith.addi %iota3A, %add3A_237 : vector<16xi32>
      %gather3A_239 = tpu.vector_load_idx %arg7[%add3A_238, %broadcast_in_dim3A_183] : memref<128x16xf32, #tpu.memory_space<vmem>>[vector<16xi32>, vector<16xi32>], vector<16xf32>,
      %gather3A_240 = tpu.vector_load_idx %arg9[%add3A_238, %broadcast_in_dim3A_185] : memref<128x16xf32, #tpu.memory_space<vmem>>[vector<16xi32>, vector<16xi32>], vector<16xf32>,
      %add3A_241 = arith.addf %gather3A_239, %gather3A_240 : vector<16xf32>
      %swap3A_242 = arith.constant 1 : i32
      %swap3A_243 = arith.index_cast %swap3A_242 : i32 to index
      %swap3A_244 = arith.constant 80 : index
      %swap3A_245 = tpu.vector_load %arg11[%swap3A_243, %swap3A_244] {strides = array<i32>} : memref<8x128xf32, #tpu.memory_space<vmem>>, vector<16xf32>,
      tpu.vector_store %arg11[%swap3A_243, %swap3A_244], %add3A_241 {strides = array<i32>} : memref<8x128xf32, #tpu.memory_space<vmem>>, vector<16xf32>,
      %add3A_246 = arith.constant 96 : i32
      %add3A_247 = vector.broadcast %add3A_246 : i32 to vector<16xi32>
      %add3A_248 = arith.addi %iota3A, %add3A_247 : vector<16xi32>
      %gather3A_249 = tpu.vector_load_idx %arg7[%add3A_248, %broadcast_in_dim3A_183] : memref<128x16xf32, #tpu.memory_space<vmem>>[vector<16xi32>, vector<16xi32>], vector<16xf32>,
      %gather3A_250 = tpu.vector_load_idx %arg9[%add3A_248, %broadcast_in_dim3A_185] : memref<128x16xf32, #tpu.memory_space<vmem>>[vector<16xi32>, vector<16xi32>], vector<16xf32>,
      %add3A_251 = arith.addf %gather3A_249, %gather3A_250 : vector<16xf32>
      %swap3A_252 = arith.constant 1 : i32
      %swap3A_253 = arith.index_cast %swap3A_252 : i32 to index
      %swap3A_254 = arith.constant 96 : index
      %swap3A_255 = tpu.vector_load %arg11[%swap3A_253, %swap3A_254] {strides = array<i32>} : memref<8x128xf32, #tpu.memory_space<vmem>>, vector<16xf32>,
      tpu.vector_store %arg11[%swap3A_253, %swap3A_254], %add3A_251 {strides = array<i32>} : memref<8x128xf32, #tpu.memory_space<vmem>>, vector<16xf32>,
      %add3A_256 = arith.constant 112 : i32
      %add3A_257 = vector.broadcast %add3A_256 : i32 to vector<16xi32>
      %add3A_258 = arith.addi %iota3A, %add3A_257 : vector<16xi32>
      %gather3A_259 = tpu.vector_load_idx %arg7[%add3A_258, %broadcast_in_dim3A_183] : memref<128x16xf32, #tpu.memory_space<vmem>>[vector<16xi32>, vector<16xi32>], vector<16xf32>,
      %gather3A_260 = tpu.vector_load_idx %arg9[%add3A_258, %broadcast_in_dim3A_185] : memref<128x16xf32, #tpu.memory_space<vmem>>[vector<16xi32>, vector<16xi32>], vector<16xf32>,
      %add3A_261 = arith.addf %gather3A_259, %gather3A_260 : vector<16xf32>
      %swap3A_262 = arith.constant 1 : i32
      %swap3A_263 = arith.index_cast %swap3A_262 : i32 to index
      %swap3A_264 = arith.constant 112 : index
      %swap3A_265 = tpu.vector_load %arg11[%swap3A_263, %swap3A_264] {strides = array<i32>} : memref<8x128xf32, #tpu.memory_space<vmem>>, vector<16xf32>,
      tpu.vector_store %arg11[%swap3A_263, %swap3A_264], %add3A_261 {strides = array<i32>} : memref<8x128xf32, #tpu.memory_space<vmem>>, vector<16xf32>,
      %broadcast_in_dim3A_266 = arith.constant 2 : i32
      %broadcast_in_dim3A_267 = vector.broadcast %broadcast_in_dim3A_266 : i32 to vector<16xi32>
      %broadcast_in_dim3A_268 = arith.constant 10 : i32
      %broadcast_in_dim3A_269 = vector.broadcast %broadcast_in_dim3A_268 : i32 to vector<16xi32>
      %add3A_270 = arith.constant 0 : i32
      %add3A_271 = vector.broadcast %add3A_270 : i32 to vector<16xi32>
      %add3A_272 = arith.addi %iota3A, %add3A_271 : vector<16xi32>
      %gather3A_273 = tpu.vector_load_idx %arg7[%add3A_272, %broadcast_in_dim3A_267] : memref<128x16xf32, #tpu.memory_space<vmem>>[vector<16xi32>, vector<16xi32>], vector<16xf32>,
      %gather3A_274 = tpu.vector_load_idx %arg9[%add3A_272, %broadcast_in_dim3A_269] : memref<128x16xf32, #tpu.memory_space<vmem>>[vector<16xi32>, vector<16xi32>], vector<16xf32>,
      %add3A_275 = arith.addf %gather3A_273, %gather3A_274 : vector<16xf32>
      %swap3A_276 = arith.constant 2 : i32
      %swap3A_277 = arith.index_cast %swap3A_276 : i32 to index
      %swap3A_278 = arith.constant 0 : index
      %swap3A_279 = tpu.vector_load %arg11[%swap3A_277, %swap3A_278] {strides = array<i32>} : memref<8x128xf32, #tpu.memory_space<vmem>>, vector<16xf32>,
      tpu.vector_store %arg11[%swap3A_277, %swap3A_278], %add3A_275 {strides = array<i32>} : memref<8x128xf32, #tpu.memory_space<vmem>>, vector<16xf32>,
      %add3A_280 = arith.constant 16 : i32
      %add3A_281 = vector.broadcast %add3A_280 : i32 to vector<16xi32>
      %add3A_282 = arith.addi %iota3A, %add3A_281 : vector<16xi32>
      %gather3A_283 = tpu.vector_load_idx %arg7[%add3A_282, %broadcast_in_dim3A_267] : memref<128x16xf32, #tpu.memory_space<vmem>>[vector<16xi32>, vector<16xi32>], vector<16xf32>,
      %gather3A_284 = tpu.vector_load_idx %arg9[%add3A_282, %broadcast_in_dim3A_269] : memref<128x16xf32, #tpu.memory_space<vmem>>[vector<16xi32>, vector<16xi32>], vector<16xf32>,
      %add3A_285 = arith.addf %gather3A_283, %gather3A_284 : vector<16xf32>
      %swap3A_286 = arith.constant 2 : i32
      %swap3A_287 = arith.index_cast %swap3A_286 : i32 to index
      %swap3A_288 = arith.constant 16 : index
      %swap3A_289 = tpu.vector_load %arg11[%swap3A_287, %swap3A_288] {strides = array<i32>} : memref<8x128xf32, #tpu.memory_space<vmem>>, vector<16xf32>,
      tpu.vector_store %arg11[%swap3A_287, %swap3A_288], %add3A_285 {strides = array<i32>} : memref<8x128xf32, #tpu.memory_space<vmem>>, vector<16xf32>,
      %add3A_290 = arith.constant 32 : i32
      %add3A_291 = vector.broadcast %add3A_290 : i32 to vector<16xi32>
      %add3A_292 = arith.addi %iota3A, %add3A_291 : vector<16xi32>
      %gather3A_293 = tpu.vector_load_idx %arg7[%add3A_292, %broadcast_in_dim3A_267] : memref<128x16xf32, #tpu.memory_space<vmem>>[vector<16xi32>, vector<16xi32>], vector<16xf32>,
      %gather3A_294 = tpu.vector_load_idx %arg9[%add3A_292, %broadcast_in_dim3A_269] : memref<128x16xf32, #tpu.memory_space<vmem>>[vector<16xi32>, vector<16xi32>], vector<16xf32>,
      %add3A_295 = arith.addf %gather3A_293, %gather3A_294 : vector<16xf32>
      %swap3A_296 = arith.constant 2 : i32
      %swap3A_297 = arith.index_cast %swap3A_296 : i32 to index
      %swap3A_298 = arith.constant 32 : index
      %swap3A_299 = tpu.vector_load %arg11[%swap3A_297, %swap3A_298] {strides = array<i32>} : memref<8x128xf32, #tpu.memory_space<vmem>>, vector<16xf32>,
      tpu.vector_store %arg11[%swap3A_297, %swap3A_298], %add3A_295 {strides = array<i32>} : memref<8x128xf32, #tpu.memory_space<vmem>>, vector<16xf32>,
      %add3A_300 = arith.constant 48 : i32
      %add3A_301 = vector.broadcast %add3A_300 : i32 to vector<16xi32>
      %add3A_302 = arith.addi %iota3A, %add3A_301 : vector<16xi32>
      %gather3A_303 = tpu.vector_load_idx %arg7[%add3A_302, %broadcast_in_dim3A_267] : memref<128x16xf32, #tpu.memory_space<vmem>>[vector<16xi32>, vector<16xi32>], vector<16xf32>,
      %gather3A_304 = tpu.vector_load_idx %arg9[%add3A_302, %broadcast_in_dim3A_269] : memref<128x16xf32, #tpu.memory_space<vmem>>[vector<16xi32>, vector<16xi32>], vector<16xf32>,
      %add3A_305 = arith.addf %gather3A_303, %gather3A_304 : vector<16xf32>
      %swap3A_306 = arith.constant 2 : i32
      %swap3A_307 = arith.index_cast %swap3A_306 : i32 to index
      %swap3A_308 = arith.constant 48 : index
      %swap3A_309 = tpu.vector_load %arg11[%swap3A_307, %swap3A_308] {strides = array<i32>} : memref<8x128xf32, #tpu.memory_space<vmem>>, vector<16xf32>,
      tpu.vector_store %arg11[%swap3A_307, %swap3A_308], %add3A_305 {strides = array<i32>} : memref<8x128xf32, #tpu.memory_space<vmem>>, vector<16xf32>,
      %add3A_310 = arith.constant 64 : i32
      %add3A_311 = vector.broadcast %add3A_310 : i32 to vector<16xi32>
      %add3A_312 = arith.addi %iota3A, %add3A_311 : vector<16xi32>
      %gather3A_313 = tpu.vector_load_idx %arg7[%add3A_312, %broadcast_in_dim3A_267] : memref<128x16xf32, #tpu.memory_space<vmem>>[vector<16xi32>, vector<16xi32>], vector<16xf32>,
      %gather3A_314 = tpu.vector_load_idx %arg9[%add3A_312, %broadcast_in_dim3A_269] : memref<128x16xf32, #tpu.memory_space<vmem>>[vector<16xi32>, vector<16xi32>], vector<16xf32>,
      %add3A_315 = arith.addf %gather3A_313, %gather3A_314 : vector<16xf32>
      %swap3A_316 = arith.constant 2 : i32
      %swap3A_317 = arith.index_cast %swap3A_316 : i32 to index
      %swap3A_318 = arith.constant 64 : index
      %swap3A_319 = tpu.vector_load %arg11[%swap3A_317, %swap3A_318] {strides = array<i32>} : memref<8x128xf32, #tpu.memory_space<vmem>>, vector<16xf32>,
      tpu.vector_store %arg11[%swap3A_317, %swap3A_318], %add3A_315 {strides = array<i32>} : memref<8x128xf32, #tpu.memory_space<vmem>>, vector<16xf32>,
      %add3A_320 = arith.constant 80 : i32
      %add3A_321 = vector.broadcast %add3A_320 : i32 to vector<16xi32>
      %add3A_322 = arith.addi %iota3A, %add3A_321 : vector<16xi32>
      %gather3A_323 = tpu.vector_load_idx %arg7[%add3A_322, %broadcast_in_dim3A_267] : memref<128x16xf32, #tpu.memory_space<vmem>>[vector<16xi32>, vector<16xi32>], vector<16xf32>,
      %gather3A_324 = tpu.vector_load_idx %arg9[%add3A_322, %broadcast_in_dim3A_269] : memref<128x16xf32, #tpu.memory_space<vmem>>[vector<16xi32>, vector<16xi32>], vector<16xf32>,
      %add3A_325 = arith.addf %gather3A_323, %gather3A_324 : vector<16xf32>
      %swap3A_326 = arith.constant 2 : i32
      %swap3A_327 = arith.index_cast %swap3A_326 : i32 to index
      %swap3A_328 = arith.constant 80 : index
      %swap3A_329 = tpu.vector_load %arg11[%swap3A_327, %swap3A_328] {strides = array<i32>} : memref<8x128xf32, #tpu.memory_space<vmem>>, vector<16xf32>,
      tpu.vector_store %arg11[%swap3A_327, %swap3A_328], %add3A_325 {strides = array<i32>} : memref<8x128xf32, #tpu.memory_space<vmem>>, vector<16xf32>,
      %add3A_330 = arith.constant 96 : i32
      %add3A_331 = vector.broadcast %add3A_330 : i32 to vector<16xi32>
      %add3A_332 = arith.addi %iota3A, %add3A_331 : vector<16xi32>
      %gather3A_333 = tpu.vector_load_idx %arg7[%add3A_332, %broadcast_in_dim3A_267] : memref<128x16xf32, #tpu.memory_space<vmem>>[vector<16xi32>, vector<16xi32>], vector<16xf32>,
      %gather3A_334 = tpu.vector_load_idx %arg9[%add3A_332, %broadcast_in_dim3A_269] : memref<128x16xf32, #tpu.memory_space<vmem>>[vector<16xi32>, vector<16xi32>], vector<16xf32>,
      %add3A_335 = arith.addf %gather3A_333, %gather3A_334 : vector<16xf32>
      %swap3A_336 = arith.constant 2 : i32
      %swap3A_337 = arith.index_cast %swap3A_336 : i32 to index
      %swap3A_338 = arith.constant 96 : index
      %swap3A_339 = tpu.vector_load %arg11[%swap3A_337, %swap3A_338] {strides = array<i32>} : memref<8x128xf32, #tpu.memory_space<vmem>>, vector<16xf32>,
      tpu.vector_store %arg11[%swap3A_337, %swap3A_338], %add3A_335 {strides = array<i32>} : memref<8x128xf32, #tpu.memory_space<vmem>>, vector<16xf32>,
      %add3A_340 = arith.constant 112 : i32
      %add3A_341 = vector.broadcast %add3A_340 : i32 to vector<16xi32>
      %add3A_342 = arith.addi %iota3A, %add3A_341 : vector<16xi32>
      %gather3A_343 = tpu.vector_load_idx %arg7[%add3A_342, %broadcast_in_dim3A_267] : memref<128x16xf32, #tpu.memory_space<vmem>>[vector<16xi32>, vector<16xi32>], vector<16xf32>,
      %gather3A_344 = tpu.vector_load_idx %arg9[%add3A_342, %broadcast_in_dim3A_269] : memref<128x16xf32, #tpu.memory_space<vmem>>[vector<16xi32>, vector<16xi32>], vector<16xf32>,
      %add3A_345 = arith.addf %gather3A_343, %gather3A_344 : vector<16xf32>
      %swap3A_346 = arith.constant 2 : i32
      %swap3A_347 = arith.index_cast %swap3A_346 : i32 to index
      %swap3A_348 = arith.constant 112 : index
      %swap3A_349 = tpu.vector_load %arg11[%swap3A_347, %swap3A_348] {strides = array<i32>} : memref<8x128xf32, #tpu.memory_space<vmem>>, vector<16xf32>,
      tpu.vector_store %arg11[%swap3A_347, %swap3A_348], %add3A_345 {strides = array<i32>} : memref<8x128xf32, #tpu.memory_space<vmem>>, vector<16xf32>,
      %broadcast_in_dim3A_350 = arith.constant 3 : i32
      %broadcast_in_dim3A_351 = vector.broadcast %broadcast_in_dim3A_350 : i32 to vector<16xi32>
      %broadcast_in_dim3A_352 = arith.constant 11 : i32
      %broadcast_in_dim3A_353 = vector.broadcast %broadcast_in_dim3A_352 : i32 to vector<16xi32>
      %add3A_354 = arith.constant 0 : i32
      %add3A_355 = vector.broadcast %add3A_354 : i32 to vector<16xi32>
      %add3A_356 = arith.addi %iota3A, %add3A_355 : vector<16xi32>
      %gather3A_357 = tpu.vector_load_idx %arg7[%add3A_356, %broadcast_in_dim3A_351] : memref<128x16xf32, #tpu.memory_space<vmem>>[vector<16xi32>, vector<16xi32>], vector<16xf32>,
      %gather3A_358 = tpu.vector_load_idx %arg9[%add3A_356, %broadcast_in_dim3A_353] : memref<128x16xf32, #tpu.memory_space<vmem>>[vector<16xi32>, vector<16xi32>], vector<16xf32>,
      %add3A_359 = arith.addf %gather3A_357, %gather3A_358 : vector<16xf32>
      %swap3A_360 = arith.constant 3 : i32
      %swap3A_361 = arith.index_cast %swap3A_360 : i32 to index
      %swap3A_362 = arith.constant 0 : index
      %swap3A_363 = tpu.vector_load %arg11[%swap3A_361, %swap3A_362] {strides = array<i32>} : memref<8x128xf32, #tpu.memory_space<vmem>>, vector<16xf32>,
      tpu.vector_store %arg11[%swap3A_361, %swap3A_362], %add3A_359 {strides = array<i32>} : memref<8x128xf32, #tpu.memory_space<vmem>>, vector<16xf32>,
      %add3A_364 = arith.constant 16 : i32
      %add3A_365 = vector.broadcast %add3A_364 : i32 to vector<16xi32>
      %add3A_366 = arith.addi %iota3A, %add3A_365 : vector<16xi32>
      %gather3A_367 = tpu.vector_load_idx %arg7[%add3A_366, %broadcast_in_dim3A_351] : memref<128x16xf32, #tpu.memory_space<vmem>>[vector<16xi32>, vector<16xi32>], vector<16xf32>,
      %gather3A_368 = tpu.vector_load_idx %arg9[%add3A_366, %broadcast_in_dim3A_353] : memref<128x16xf32, #tpu.memory_space<vmem>>[vector<16xi32>, vector<16xi32>], vector<16xf32>,
      %add3A_369 = arith.addf %gather3A_367, %gather3A_368 : vector<16xf32>
      %swap3A_370 = arith.constant 3 : i32
      %swap3A_371 = arith.index_cast %swap3A_370 : i32 to index
      %swap3A_372 = arith.constant 16 : index
      %swap3A_373 = tpu.vector_load %arg11[%swap3A_371, %swap3A_372] {strides = array<i32>} : memref<8x128xf32, #tpu.memory_space<vmem>>, vector<16xf32>,
      tpu.vector_store %arg11[%swap3A_371, %swap3A_372], %add3A_369 {strides = array<i32>} : memref<8x128xf32, #tpu.memory_space<vmem>>, vector<16xf32>,
      %add3A_374 = arith.constant 32 : i32
      %add3A_375 = vector.broadcast %add3A_374 : i32 to vector<16xi32>
      %add3A_376 = arith.addi %iota3A, %add3A_375 : vector<16xi32>
      %gather3A_377 = tpu.vector_load_idx %arg7[%add3A_376, %broadcast_in_dim3A_351] : memref<128x16xf32, #tpu.memory_space<vmem>>[vector<16xi32>, vector<16xi32>], vector<16xf32>,
      %gather3A_378 = tpu.vector_load_idx %arg9[%add3A_376, %broadcast_in_dim3A_353] : memref<128x16xf32, #tpu.memory_space<vmem>>[vector<16xi32>, vector<16xi32>], vector<16xf32>,
      %add3A_379 = arith.addf %gather3A_377, %gather3A_378 : vector<16xf32>
      %swap3A_380 = arith.constant 3 : i32
      %swap3A_381 = arith.index_cast %swap3A_380 : i32 to index
      %swap3A_382 = arith.constant 32 : index
      %swap3A_383 = tpu.vector_load %arg11[%swap3A_381, %swap3A_382] {strides = array<i32>} : memref<8x128xf32, #tpu.memory_space<vmem>>, vector<16xf32>,
      tpu.vector_store %arg11[%swap3A_381, %swap3A_382], %add3A_379 {strides = array<i32>} : memref<8x128xf32, #tpu.memory_space<vmem>>, vector<16xf32>,
      %add3A_384 = arith.constant 48 : i32
      %add3A_385 = vector.broadcast %add3A_384 : i32 to vector<16xi32>
      %add3A_386 = arith.addi %iota3A, %add3A_385 : vector<16xi32>
      %gather3A_387 = tpu.vector_load_idx %arg7[%add3A_386, %broadcast_in_dim3A_351] : memref<128x16xf32, #tpu.memory_space<vmem>>[vector<16xi32>, vector<16xi32>], vector<16xf32>,
      %gather3A_388 = tpu.vector_load_idx %arg9[%add3A_386, %broadcast_in_dim3A_353] : memref<128x16xf32, #tpu.memory_space<vmem>>[vector<16xi32>, vector<16xi32>], vector<16xf32>,
      %add3A_389 = arith.addf %gather3A_387, %gather3A_388 : vector<16xf32>
      %swap3A_390 = arith.constant 3 : i32
      %swap3A_391 = arith.index_cast %swap3A_390 : i32 to index
      %swap3A_392 = arith.constant 48 : index
      %swap3A_393 = tpu.vector_load %arg11[%swap3A_391, %swap3A_392] {strides = array<i32>} : memref<8x128xf32, #tpu.memory_space<vmem>>, vector<16xf32>,
      tpu.vector_store %arg11[%swap3A_391, %swap3A_392], %add3A_389 {strides = array<i32>} : memref<8x128xf32, #tpu.memory_space<vmem>>, vector<16xf32>,
      %add3A_394 = arith.constant 64 : i32
      %add3A_395 = vector.broadcast %add3A_394 : i32 to vector<16xi32>
      %add3A_396 = arith.addi %iota3A, %add3A_395 : vector<16xi32>
      %gather3A_397 = tpu.vector_load_idx %arg7[%add3A_396, %broadcast_in_dim3A_351] : memref<128x16xf32, #tpu.memory_space<vmem>>[vector<16xi32>, vector<16xi32>], vector<16xf32>,
      %gather3A_398 = tpu.vector_load_idx %arg9[%add3A_396, %broadcast_in_dim3A_353] : memref<128x16xf32, #tpu.memory_space<vmem>>[vector<16xi32>, vector<16xi32>], vector<16xf32>,
      %add3A_399 = arith.addf %gather3A_397, %gather3A_398 : vector<16xf32>
      %swap3A_400 = arith.constant 3 : i32
      %swap3A_401 = arith.index_cast %swap3A_400 : i32 to index
      %swap3A_402 = arith.constant 64 : index
      %swap3A_403 = tpu.vector_load %arg11[%swap3A_401, %swap3A_402] {strides = array<i32>} : memref<8x128xf32, #tpu.memory_space<vmem>>, vector<16xf32>,
      tpu.vector_store %arg11[%swap3A_401, %swap3A_402], %add3A_399 {strides = array<i32>} : memref<8x128xf32, #tpu.memory_space<vmem>>, vector<16xf32>,
      %add3A_404 = arith.constant 80 : i32
      %add3A_405 = vector.broadcast %add3A_404 : i32 to vector<16xi32>
      %add3A_406 = arith.addi %iota3A, %add3A_405 : vector<16xi32>
      %gather3A_407 = tpu.vector_load_idx %arg7[%add3A_406, %broadcast_in_dim3A_351] : memref<128x16xf32, #tpu.memory_space<vmem>>[vector<16xi32>, vector<16xi32>], vector<16xf32>,
      %gather3A_408 = tpu.vector_load_idx %arg9[%add3A_406, %broadcast_in_dim3A_353] : memref<128x16xf32, #tpu.memory_space<vmem>>[vector<16xi32>, vector<16xi32>], vector<16xf32>,
      %add3A_409 = arith.addf %gather3A_407, %gather3A_408 : vector<16xf32>
      %swap3A_410 = arith.constant 3 : i32
      %swap3A_411 = arith.index_cast %swap3A_410 : i32 to index
      %swap3A_412 = arith.constant 80 : index
      %swap3A_413 = tpu.vector_load %arg11[%swap3A_411, %swap3A_412] {strides = array<i32>} : memref<8x128xf32, #tpu.memory_space<vmem>>, vector<16xf32>,
      tpu.vector_store %arg11[%swap3A_411, %swap3A_412], %add3A_409 {strides = array<i32>} : memref<8x128xf32, #tpu.memory_space<vmem>>, vector<16xf32>,
      %add3A_414 = arith.constant 96 : i32
      %add3A_415 = vector.broadcast %add3A_414 : i32 to vector<16xi32>
      %add3A_416 = arith.addi %iota3A, %add3A_415 : vector<16xi32>
      %gather3A_417 = tpu.vector_load_idx %arg7[%add3A_416, %broadcast_in_dim3A_351] : memref<128x16xf32, #tpu.memory_space<vmem>>[vector<16xi32>, vector<16xi32>], vector<16xf32>,
      %gather3A_418 = tpu.vector_load_idx %arg9[%add3A_416, %broadcast_in_dim3A_353] : memref<128x16xf32, #tpu.memory_space<vmem>>[vector<16xi32>, vector<16xi32>], vector<16xf32>,
      %add3A_419 = arith.addf %gather3A_417, %gather3A_418 : vector<16xf32>
      %swap3A_420 = arith.constant 3 : i32
      %swap3A_421 = arith.index_cast %swap3A_420 : i32 to index
      %swap3A_422 = arith.constant 96 : index
      %swap3A_423 = tpu.vector_load %arg11[%swap3A_421, %swap3A_422] {strides = array<i32>} : memref<8x128xf32, #tpu.memory_space<vmem>>, vector<16xf32>,
      tpu.vector_store %arg11[%swap3A_421, %swap3A_422], %add3A_419 {strides = array<i32>} : memref<8x128xf32, #tpu.memory_space<vmem>>, vector<16xf32>,
      %add3A_424 = arith.constant 112 : i32
      %add3A_425 = vector.broadcast %add3A_424 : i32 to vector<16xi32>
      %add3A_426 = arith.addi %iota3A, %add3A_425 : vector<16xi32>
      %gather3A_427 = tpu.vector_load_idx %arg7[%add3A_426, %broadcast_in_dim3A_351] : memref<128x16xf32, #tpu.memory_space<vmem>>[vector<16xi32>, vector<16xi32>], vector<16xf32>,
      %gather3A_428 = tpu.vector_load_idx %arg9[%add3A_426, %broadcast_in_dim3A_353] : memref<128x16xf32, #tpu.memory_space<vmem>>[vector<16xi32>, vector<16xi32>], vector<16xf32>,
      %add3A_429 = arith.addf %gather3A_427, %gather3A_428 : vector<16xf32>
      %swap3A_430 = arith.constant 3 : i32
      %swap3A_431 = arith.index_cast %swap3A_430 : i32 to index
      %swap3A_432 = arith.constant 112 : index
      %swap3A_433 = tpu.vector_load %arg11[%swap3A_431, %swap3A_432] {strides = array<i32>} : memref<8x128xf32, #tpu.memory_space<vmem>>, vector<16xf32>,
      tpu.vector_store %arg11[%swap3A_431, %swap3A_432], %add3A_429 {strides = array<i32>} : memref<8x128xf32, #tpu.memory_space<vmem>>, vector<16xf32>,
      %broadcast_in_dim3A_434 = arith.constant 4 : i32
      %broadcast_in_dim3A_435 = vector.broadcast %broadcast_in_dim3A_434 : i32 to vector<16xi32>
      %broadcast_in_dim3A_436 = arith.constant 12 : i32
      %broadcast_in_dim3A_437 = vector.broadcast %broadcast_in_dim3A_436 : i32 to vector<16xi32>
      %add3A_438 = arith.constant 0 : i32
      %add3A_439 = vector.broadcast %add3A_438 : i32 to vector<16xi32>
      %add3A_440 = arith.addi %iota3A, %add3A_439 : vector<16xi32>
      %gather3A_441 = tpu.vector_load_idx %arg7[%add3A_440, %broadcast_in_dim3A_435] : memref<128x16xf32, #tpu.memory_space<vmem>>[vector<16xi32>, vector<16xi32>], vector<16xf32>,
      %gather3A_442 = tpu.vector_load_idx %arg9[%add3A_440, %broadcast_in_dim3A_437] : memref<128x16xf32, #tpu.memory_space<vmem>>[vector<16xi32>, vector<16xi32>], vector<16xf32>,
      %add3A_443 = arith.addf %gather3A_441, %gather3A_442 : vector<16xf32>
      %swap3A_444 = arith.constant 4 : i32
      %swap3A_445 = arith.index_cast %swap3A_444 : i32 to index
      %swap3A_446 = arith.constant 0 : index
      %swap3A_447 = tpu.vector_load %arg11[%swap3A_445, %swap3A_446] {strides = array<i32>} : memref<8x128xf32, #tpu.memory_space<vmem>>, vector<16xf32>,
      tpu.vector_store %arg11[%swap3A_445, %swap3A_446], %add3A_443 {strides = array<i32>} : memref<8x128xf32, #tpu.memory_space<vmem>>, vector<16xf32>,
      %add3A_448 = arith.constant 16 : i32
      %add3A_449 = vector.broadcast %add3A_448 : i32 to vector<16xi32>
      %add3A_450 = arith.addi %iota3A, %add3A_449 : vector<16xi32>
      %gather3A_451 = tpu.vector_load_idx %arg7[%add3A_450, %broadcast_in_dim3A_435] : memref<128x16xf32, #tpu.memory_space<vmem>>[vector<16xi32>, vector<16xi32>], vector<16xf32>,
      %gather3A_452 = tpu.vector_load_idx %arg9[%add3A_450, %broadcast_in_dim3A_437] : memref<128x16xf32, #tpu.memory_space<vmem>>[vector<16xi32>, vector<16xi32>], vector<16xf32>,
      %add3A_453 = arith.addf %gather3A_451, %gather3A_452 : vector<16xf32>
      %swap3A_454 = arith.constant 4 : i32
      %swap3A_455 = arith.index_cast %swap3A_454 : i32 to index
      %swap3A_456 = arith.constant 16 : index
      %swap3A_457 = tpu.vector_load %arg11[%swap3A_455, %swap3A_456] {strides = array<i32>} : memref<8x128xf32, #tpu.memory_space<vmem>>, vector<16xf32>,
      tpu.vector_store %arg11[%swap3A_455, %swap3A_456], %add3A_453 {strides = array<i32>} : memref<8x128xf32, #tpu.memory_space<vmem>>, vector<16xf32>,
      %add3A_458 = arith.constant 32 : i32
      %add3A_459 = vector.broadcast %add3A_458 : i32 to vector<16xi32>
      %add3A_460 = arith.addi %iota3A, %add3A_459 : vector<16xi32>
      %gather3A_461 = tpu.vector_load_idx %arg7[%add3A_460, %broadcast_in_dim3A_435] : memref<128x16xf32, #tpu.memory_space<vmem>>[vector<16xi32>, vector<16xi32>], vector<16xf32>,
      %gather3A_462 = tpu.vector_load_idx %arg9[%add3A_460, %broadcast_in_dim3A_437] : memref<128x16xf32, #tpu.memory_space<vmem>>[vector<16xi32>, vector<16xi32>], vector<16xf32>,
      %add3A_463 = arith.addf %gather3A_461, %gather3A_462 : vector<16xf32>
      %swap3A_464 = arith.constant 4 : i32
      %swap3A_465 = arith.index_cast %swap3A_464 : i32 to index
      %swap3A_466 = arith.constant 32 : index
      %swap3A_467 = tpu.vector_load %arg11[%swap3A_465, %swap3A_466] {strides = array<i32>} : memref<8x128xf32, #tpu.memory_space<vmem>>, vector<16xf32>,
      tpu.vector_store %arg11[%swap3A_465, %swap3A_466], %add3A_463 {strides = array<i32>} : memref<8x128xf32, #tpu.memory_space<vmem>>, vector<16xf32>,
      %add3A_468 = arith.constant 48 : i32
      %add3A_469 = vector.broadcast %add3A_468 : i32 to vector<16xi32>
      %add3A_470 = arith.addi %iota3A, %add3A_469 : vector<16xi32>
      %gather3A_471 = tpu.vector_load_idx %arg7[%add3A_470, %broadcast_in_dim3A_435] : memref<128x16xf32, #tpu.memory_space<vmem>>[vector<16xi32>, vector<16xi32>], vector<16xf32>,
      %gather3A_472 = tpu.vector_load_idx %arg9[%add3A_470, %broadcast_in_dim3A_437] : memref<128x16xf32, #tpu.memory_space<vmem>>[vector<16xi32>, vector<16xi32>], vector<16xf32>,
      %add3A_473 = arith.addf %gather3A_471, %gather3A_472 : vector<16xf32>
      %swap3A_474 = arith.constant 4 : i32
      %swap3A_475 = arith.index_cast %swap3A_474 : i32 to index
      %swap3A_476 = arith.constant 48 : index
      %swap3A_477 = tpu.vector_load %arg11[%swap3A_475, %swap3A_476] {strides = array<i32>} : memref<8x128xf32, #tpu.memory_space<vmem>>, vector<16xf32>,
      tpu.vector_store %arg11[%swap3A_475, %swap3A_476], %add3A_473 {strides = array<i32>} : memref<8x128xf32, #tpu.memory_space<vmem>>, vector<16xf32>,
      %add3A_478 = arith.constant 64 : i32
      %add3A_479 = vector.broadcast %add3A_478 : i32 to vector<16xi32>
      %add3A_480 = arith.addi %iota3A, %add3A_479 : vector<16xi32>
      %gather3A_481 = tpu.vector_load_idx %arg7[%add3A_480, %broadcast_in_dim3A_435] : memref<128x16xf32, #tpu.memory_space<vmem>>[vector<16xi32>, vector<16xi32>], vector<16xf32>,
      %gather3A_482 = tpu.vector_load_idx %arg9[%add3A_480, %broadcast_in_dim3A_437] : memref<128x16xf32, #tpu.memory_space<vmem>>[vector<16xi32>, vector<16xi32>], vector<16xf32>,
      %add3A_483 = arith.addf %gather3A_481, %gather3A_482 : vector<16xf32>
      %swap3A_484 = arith.constant 4 : i32
      %swap3A_485 = arith.index_cast %swap3A_484 : i32 to index
      %swap3A_486 = arith.constant 64 : index
      %swap3A_487 = tpu.vector_load %arg11[%swap3A_485, %swap3A_486] {strides = array<i32>} : memref<8x128xf32, #tpu.memory_space<vmem>>, vector<16xf32>,
      tpu.vector_store %arg11[%swap3A_485, %swap3A_486], %add3A_483 {strides = array<i32>} : memref<8x128xf32, #tpu.memory_space<vmem>>, vector<16xf32>,
      %add3A_488 = arith.constant 80 : i32
      %add3A_489 = vector.broadcast %add3A_488 : i32 to vector<16xi32>
      %add3A_490 = arith.addi %iota3A, %add3A_489 : vector<16xi32>
      %gather3A_491 = tpu.vector_load_idx %arg7[%add3A_490, %broadcast_in_dim3A_435] : memref<128x16xf32, #tpu.memory_space<vmem>>[vector<16xi32>, vector<16xi32>], vector<16xf32>,
      %gather3A_492 = tpu.vector_load_idx %arg9[%add3A_490, %broadcast_in_dim3A_437] : memref<128x16xf32, #tpu.memory_space<vmem>>[vector<16xi32>, vector<16xi32>], vector<16xf32>,
      %add3A_493 = arith.addf %gather3A_491, %gather3A_492 : vector<16xf32>
      %swap3A_494 = arith.constant 4 : i32
      %swap3A_495 = arith.index_cast %swap3A_494 : i32 to index
      %swap3A_496 = arith.constant 80 : index
      %swap3A_497 = tpu.vector_load %arg11[%swap3A_495, %swap3A_496] {strides = array<i32>} : memref<8x128xf32, #tpu.memory_space<vmem>>, vector<16xf32>,
      tpu.vector_store %arg11[%swap3A_495, %swap3A_496], %add3A_493 {strides = array<i32>} : memref<8x128xf32, #tpu.memory_space<vmem>>, vector<16xf32>,
      %add3A_498 = arith.constant 96 : i32
      %add3A_499 = vector.broadcast %add3A_498 : i32 to vector<16xi32>
      %add3A_500 = arith.addi %iota3A, %add3A_499 : vector<16xi32>
      %gather3A_501 = tpu.vector_load_idx %arg7[%add3A_500, %broadcast_in_dim3A_435] : memref<128x16xf32, #tpu.memory_space<vmem>>[vector<16xi32>, vector<16xi32>], vector<16xf32>,
      %gather3A_502 = tpu.vector_load_idx %arg9[%add3A_500, %broadcast_in_dim3A_437] : memref<128x16xf32, #tpu.memory_space<vmem>>[vector<16xi32>, vector<16xi32>], vector<16xf32>,
      %add3A_503 = arith.addf %gather3A_501, %gather3A_502 : vector<16xf32>
      %swap3A_504 = arith.constant 4 : i32
      %swap3A_505 = arith.index_cast %swap3A_504 : i32 to index
      %swap3A_506 = arith.constant 96 : index
      %swap3A_507 = tpu.vector_load %arg11[%swap3A_505, %swap3A_506] {strides = array<i32>} : memref<8x128xf32, #tpu.memory_space<vmem>>, vector<16xf32>,
      tpu.vector_store %arg11[%swap3A_505, %swap3A_506], %add3A_503 {strides = array<i32>} : memref<8x128xf32, #tpu.memory_space<vmem>>, vector<16xf32>,
      %add3A_508 = arith.constant 112 : i32
      %add3A_509 = vector.broadcast %add3A_508 : i32 to vector<16xi32>
      %add3A_510 = arith.addi %iota3A, %add3A_509 : vector<16xi32>
      %gather3A_511 = tpu.vector_load_idx %arg7[%add3A_510, %broadcast_in_dim3A_435] : memref<128x16xf32, #tpu.memory_space<vmem>>[vector<16xi32>, vector<16xi32>], vector<16xf32>,
      %gather3A_512 = tpu.vector_load_idx %arg9[%add3A_510, %broadcast_in_dim3A_437] : memref<128x16xf32, #tpu.memory_space<vmem>>[vector<16xi32>, vector<16xi32>], vector<16xf32>,
      %add3A_513 = arith.addf %gather3A_511, %gather3A_512 : vector<16xf32>
      %swap3A_514 = arith.constant 4 : i32
      %swap3A_515 = arith.index_cast %swap3A_514 : i32 to index
      %swap3A_516 = arith.constant 112 : index
      %swap3A_517 = tpu.vector_load %arg11[%swap3A_515, %swap3A_516] {strides = array<i32>} : memref<8x128xf32, #tpu.memory_space<vmem>>, vector<16xf32>,
      tpu.vector_store %arg11[%swap3A_515, %swap3A_516], %add3A_513 {strides = array<i32>} : memref<8x128xf32, #tpu.memory_space<vmem>>, vector<16xf32>,
      %broadcast_in_dim3A_518 = arith.constant 5 : i32
      %broadcast_in_dim3A_519 = vector.broadcast %broadcast_in_dim3A_518 : i32 to vector<16xi32>
      %broadcast_in_dim3A_520 = arith.constant 13 : i32
      %broadcast_in_dim3A_521 = vector.broadcast %broadcast_in_dim3A_520 : i32 to vector<16xi32>
      %add3A_522 = arith.constant 0 : i32
      %add3A_523 = vector.broadcast %add3A_522 : i32 to vector<16xi32>
      %add3A_524 = arith.addi %iota3A, %add3A_523 : vector<16xi32>
      %gather3A_525 = tpu.vector_load_idx %arg7[%add3A_524, %broadcast_in_dim3A_519] : memref<128x16xf32, #tpu.memory_space<vmem>>[vector<16xi32>, vector<16xi32>], vector<16xf32>,
      %gather3A_526 = tpu.vector_load_idx %arg9[%add3A_524, %broadcast_in_dim3A_521] : memref<128x16xf32, #tpu.memory_space<vmem>>[vector<16xi32>, vector<16xi32>], vector<16xf32>,
      %add3A_527 = arith.addf %gather3A_525, %gather3A_526 : vector<16xf32>
      %swap3A_528 = arith.constant 5 : i32
      %swap3A_529 = arith.index_cast %swap3A_528 : i32 to index
      %swap3A_530 = arith.constant 0 : index
      %swap3A_531 = tpu.vector_load %arg11[%swap3A_529, %swap3A_530] {strides = array<i32>} : memref<8x128xf32, #tpu.memory_space<vmem>>, vector<16xf32>,
      tpu.vector_store %arg11[%swap3A_529, %swap3A_530], %add3A_527 {strides = array<i32>} : memref<8x128xf32, #tpu.memory_space<vmem>>, vector<16xf32>,
      %add3A_532 = arith.constant 16 : i32
      %add3A_533 = vector.broadcast %add3A_532 : i32 to vector<16xi32>
      %add3A_534 = arith.addi %iota3A, %add3A_533 : vector<16xi32>
      %gather3A_535 = tpu.vector_load_idx %arg7[%add3A_534, %broadcast_in_dim3A_519] : memref<128x16xf32, #tpu.memory_space<vmem>>[vector<16xi32>, vector<16xi32>], vector<16xf32>,
      %gather3A_536 = tpu.vector_load_idx %arg9[%add3A_534, %broadcast_in_dim3A_521] : memref<128x16xf32, #tpu.memory_space<vmem>>[vector<16xi32>, vector<16xi32>], vector<16xf32>,
      %add3A_537 = arith.addf %gather3A_535, %gather3A_536 : vector<16xf32>
      %swap3A_538 = arith.constant 5 : i32
      %swap3A_539 = arith.index_cast %swap3A_538 : i32 to index
      %swap3A_540 = arith.constant 16 : index
      %swap3A_541 = tpu.vector_load %arg11[%swap3A_539, %swap3A_540] {strides = array<i32>} : memref<8x128xf32, #tpu.memory_space<vmem>>, vector<16xf32>,
      tpu.vector_store %arg11[%swap3A_539, %swap3A_540], %add3A_537 {strides = array<i32>} : memref<8x128xf32, #tpu.memory_space<vmem>>, vector<16xf32>,
      %add3A_542 = arith.constant 32 : i32
      %add3A_543 = vector.broadcast %add3A_542 : i32 to vector<16xi32>
      %add3A_544 = arith.addi %iota3A, %add3A_543 : vector<16xi32>
      %gather3A_545 = tpu.vector_load_idx %arg7[%add3A_544, %broadcast_in_dim3A_519] : memref<128x16xf32, #tpu.memory_space<vmem>>[vector<16xi32>, vector<16xi32>], vector<16xf32>,
      %gather3A_546 = tpu.vector_load_idx %arg9[%add3A_544, %broadcast_in_dim3A_521] : memref<128x16xf32, #tpu.memory_space<vmem>>[vector<16xi32>, vector<16xi32>], vector<16xf32>,
      %add3A_547 = arith.addf %gather3A_545, %gather3A_546 : vector<16xf32>
      %swap3A_548 = arith.constant 5 : i32
      %swap3A_549 = arith.index_cast %swap3A_548 : i32 to index
      %swap3A_550 = arith.constant 32 : index
      %swap3A_551 = tpu.vector_load %arg11[%swap3A_549, %swap3A_550] {strides = array<i32>} : memref<8x128xf32, #tpu.memory_space<vmem>>, vector<16xf32>,
      tpu.vector_store %arg11[%swap3A_549, %swap3A_550], %add3A_547 {strides = array<i32>} : memref<8x128xf32, #tpu.memory_space<vmem>>, vector<16xf32>,
      %add3A_552 = arith.constant 48 : i32
      %add3A_553 = vector.broadcast %add3A_552 : i32 to vector<16xi32>
      %add3A_554 = arith.addi %iota3A, %add3A_553 : vector<16xi32>
      %gather3A_555 = tpu.vector_load_idx %arg7[%add3A_554, %broadcast_in_dim3A_519] : memref<128x16xf32, #tpu.memory_space<vmem>>[vector<16xi32>, vector<16xi32>], vector<16xf32>,
      %gather3A_556 = tpu.vector_load_idx %arg9[%add3A_554, %broadcast_in_dim3A_521] : memref<128x16xf32, #tpu.memory_space<vmem>>[vector<16xi32>, vector<16xi32>], vector<16xf32>,
      %add3A_557 = arith.addf %gather3A_555, %gather3A_556 : vector<16xf32>
      %swap3A_558 = arith.constant 5 : i32
      %swap3A_559 = arith.index_cast %swap3A_558 : i32 to index
      %swap3A_560 = arith.constant 48 : index
      %swap3A_561 = tpu.vector_load %arg11[%swap3A_559, %swap3A_560] {strides = array<i32>} : memref<8x128xf32, #tpu.memory_space<vmem>>, vector<16xf32>,
      tpu.vector_store %arg11[%swap3A_559, %swap3A_560], %add3A_557 {strides = array<i32>} : memref<8x128xf32, #tpu.memory_space<vmem>>, vector<16xf32>,
      %add3A_562 = arith.constant 64 : i32
      %add3A_563 = vector.broadcast %add3A_562 : i32 to vector<16xi32>
      %add3A_564 = arith.addi %iota3A, %add3A_563 : vector<16xi32>
      %gather3A_565 = tpu.vector_load_idx %arg7[%add3A_564, %broadcast_in_dim3A_519] : memref<128x16xf32, #tpu.memory_space<vmem>>[vector<16xi32>, vector<16xi32>], vector<16xf32>,
      %gather3A_566 = tpu.vector_load_idx %arg9[%add3A_564, %broadcast_in_dim3A_521] : memref<128x16xf32, #tpu.memory_space<vmem>>[vector<16xi32>, vector<16xi32>], vector<16xf32>,
      %add3A_567 = arith.addf %gather3A_565, %gather3A_566 : vector<16xf32>
      %swap3A_568 = arith.constant 5 : i32
      %swap3A_569 = arith.index_cast %swap3A_568 : i32 to index
      %swap3A_570 = arith.constant 64 : index
      %swap3A_571 = tpu.vector_load %arg11[%swap3A_569, %swap3A_570] {strides = array<i32>} : memref<8x128xf32, #tpu.memory_space<vmem>>, vector<16xf32>,
      tpu.vector_store %arg11[%swap3A_569, %swap3A_570], %add3A_567 {strides = array<i32>} : memref<8x128xf32, #tpu.memory_space<vmem>>, vector<16xf32>,
      %add3A_572 = arith.constant 80 : i32
      %add3A_573 = vector.broadcast %add3A_572 : i32 to vector<16xi32>
      %add3A_574 = arith.addi %iota3A, %add3A_573 : vector<16xi32>
      %gather3A_575 = tpu.vector_load_idx %arg7[%add3A_574, %broadcast_in_dim3A_519] : memref<128x16xf32, #tpu.memory_space<vmem>>[vector<16xi32>, vector<16xi32>], vector<16xf32>,
      %gather3A_576 = tpu.vector_load_idx %arg9[%add3A_574, %broadcast_in_dim3A_521] : memref<128x16xf32, #tpu.memory_space<vmem>>[vector<16xi32>, vector<16xi32>], vector<16xf32>,
      %add3A_577 = arith.addf %gather3A_575, %gather3A_576 : vector<16xf32>
      %swap3A_578 = arith.constant 5 : i32
      %swap3A_579 = arith.index_cast %swap3A_578 : i32 to index
      %swap3A_580 = arith.constant 80 : index
      %swap3A_581 = tpu.vector_load %arg11[%swap3A_579, %swap3A_580] {strides = array<i32>} : memref<8x128xf32, #tpu.memory_space<vmem>>, vector<16xf32>,
      tpu.vector_store %arg11[%swap3A_579, %swap3A_580], %add3A_577 {strides = array<i32>} : memref<8x128xf32, #tpu.memory_space<vmem>>, vector<16xf32>,
      %add3A_582 = arith.constant 96 : i32
      %add3A_583 = vector.broadcast %add3A_582 : i32 to vector<16xi32>
      %add3A_584 = arith.addi %iota3A, %add3A_583 : vector<16xi32>
      %gather3A_585 = tpu.vector_load_idx %arg7[%add3A_584, %broadcast_in_dim3A_519] : memref<128x16xf32, #tpu.memory_space<vmem>>[vector<16xi32>, vector<16xi32>], vector<16xf32>,
      %gather3A_586 = tpu.vector_load_idx %arg9[%add3A_584, %broadcast_in_dim3A_521] : memref<128x16xf32, #tpu.memory_space<vmem>>[vector<16xi32>, vector<16xi32>], vector<16xf32>,
      %add3A_587 = arith.addf %gather3A_585, %gather3A_586 : vector<16xf32>
      %swap3A_588 = arith.constant 5 : i32
      %swap3A_589 = arith.index_cast %swap3A_588 : i32 to index
      %swap3A_590 = arith.constant 96 : index
      %swap3A_591 = tpu.vector_load %arg11[%swap3A_589, %swap3A_590] {strides = array<i32>} : memref<8x128xf32, #tpu.memory_space<vmem>>, vector<16xf32>,
      tpu.vector_store %arg11[%swap3A_589, %swap3A_590], %add3A_587 {strides = array<i32>} : memref<8x128xf32, #tpu.memory_space<vmem>>, vector<16xf32>,
      %add3A_592 = arith.constant 112 : i32
      %add3A_593 = vector.broadcast %add3A_592 : i32 to vector<16xi32>
      %add3A_594 = arith.addi %iota3A, %add3A_593 : vector<16xi32>
      %gather3A_595 = tpu.vector_load_idx %arg7[%add3A_594, %broadcast_in_dim3A_519] : memref<128x16xf32, #tpu.memory_space<vmem>>[vector<16xi32>, vector<16xi32>], vector<16xf32>,
      %gather3A_596 = tpu.vector_load_idx %arg9[%add3A_594, %broadcast_in_dim3A_521] : memref<128x16xf32, #tpu.memory_space<vmem>>[vector<16xi32>, vector<16xi32>], vector<16xf32>,
      %add3A_597 = arith.addf %gather3A_595, %gather3A_596 : vector<16xf32>
      %swap3A_598 = arith.constant 5 : i32
      %swap3A_599 = arith.index_cast %swap3A_598 : i32 to index
      %swap3A_600 = arith.constant 112 : index
      %swap3A_601 = tpu.vector_load %arg11[%swap3A_599, %swap3A_600] {strides = array<i32>} : memref<8x128xf32, #tpu.memory_space<vmem>>, vector<16xf32>,
      tpu.vector_store %arg11[%swap3A_599, %swap3A_600], %add3A_597 {strides = array<i32>} : memref<8x128xf32, #tpu.memory_space<vmem>>, vector<16xf32>,
      %broadcast_in_dim3A_602 = arith.constant 6 : i32
      %broadcast_in_dim3A_603 = vector.broadcast %broadcast_in_dim3A_602 : i32 to vector<16xi32>
      %broadcast_in_dim3A_604 = arith.constant 14 : i32
      %broadcast_in_dim3A_605 = vector.broadcast %broadcast_in_dim3A_604 : i32 to vector<16xi32>
      %add3A_606 = arith.constant 0 : i32
      %add3A_607 = vector.broadcast %add3A_606 : i32 to vector<16xi32>
      %add3A_608 = arith.addi %iota3A, %add3A_607 : vector<16xi32>
      %gather3A_609 = tpu.vector_load_idx %arg7[%add3A_608, %broadcast_in_dim3A_603] : memref<128x16xf32, #tpu.memory_space<vmem>>[vector<16xi32>, vector<16xi32>], vector<16xf32>,
      %gather3A_610 = tpu.vector_load_idx %arg9[%add3A_608, %broadcast_in_dim3A_605] : memref<128x16xf32, #tpu.memory_space<vmem>>[vector<16xi32>, vector<16xi32>], vector<16xf32>,
      %add3A_611 = arith.addf %gather3A_609, %gather3A_610 : vector<16xf32>
      %swap3A_612 = arith.constant 6 : i32
      %swap3A_613 = arith.index_cast %swap3A_612 : i32 to index
      %swap3A_614 = arith.constant 0 : index
      %swap3A_615 = tpu.vector_load %arg11[%swap3A_613, %swap3A_614] {strides = array<i32>} : memref<8x128xf32, #tpu.memory_space<vmem>>, vector<16xf32>,
      tpu.vector_store %arg11[%swap3A_613, %swap3A_614], %add3A_611 {strides = array<i32>} : memref<8x128xf32, #tpu.memory_space<vmem>>, vector<16xf32>,
      %add3A_616 = arith.constant 16 : i32
      %add3A_617 = vector.broadcast %add3A_616 : i32 to vector<16xi32>
      %add3A_618 = arith.addi %iota3A, %add3A_617 : vector<16xi32>
      %gather3A_619 = tpu.vector_load_idx %arg7[%add3A_618, %broadcast_in_dim3A_603] : memref<128x16xf32, #tpu.memory_space<vmem>>[vector<16xi32>, vector<16xi32>], vector<16xf32>,
      %gather3A_620 = tpu.vector_load_idx %arg9[%add3A_618, %broadcast_in_dim3A_605] : memref<128x16xf32, #tpu.memory_space<vmem>>[vector<16xi32>, vector<16xi32>], vector<16xf32>,
      %add3A_621 = arith.addf %gather3A_619, %gather3A_620 : vector<16xf32>
      %swap3A_622 = arith.constant 6 : i32
      %swap3A_623 = arith.index_cast %swap3A_622 : i32 to index
      %swap3A_624 = arith.constant 16 : index
      %swap3A_625 = tpu.vector_load %arg11[%swap3A_623, %swap3A_624] {strides = array<i32>} : memref<8x128xf32, #tpu.memory_space<vmem>>, vector<16xf32>,
      tpu.vector_store %arg11[%swap3A_623, %swap3A_624], %add3A_621 {strides = array<i32>} : memref<8x128xf32, #tpu.memory_space<vmem>>, vector<16xf32>,
      %add3A_626 = arith.constant 32 : i32
      %add3A_627 = vector.broadcast %add3A_626 : i32 to vector<16xi32>
      %add3A_628 = arith.addi %iota3A, %add3A_627 : vector<16xi32>
      %gather3A_629 = tpu.vector_load_idx %arg7[%add3A_628, %broadcast_in_dim3A_603] : memref<128x16xf32, #tpu.memory_space<vmem>>[vector<16xi32>, vector<16xi32>], vector<16xf32>,
      %gather3A_630 = tpu.vector_load_idx %arg9[%add3A_628, %broadcast_in_dim3A_605] : memref<128x16xf32, #tpu.memory_space<vmem>>[vector<16xi32>, vector<16xi32>], vector<16xf32>,
      %add3A_631 = arith.addf %gather3A_629, %gather3A_630 : vector<16xf32>
      %swap3A_632 = arith.constant 6 : i32
      %swap3A_633 = arith.index_cast %swap3A_632 : i32 to index
      %swap3A_634 = arith.constant 32 : index
      %swap3A_635 = tpu.vector_load %arg11[%swap3A_633, %swap3A_634] {strides = array<i32>} : memref<8x128xf32, #tpu.memory_space<vmem>>, vector<16xf32>,
      tpu.vector_store %arg11[%swap3A_633, %swap3A_634], %add3A_631 {strides = array<i32>} : memref<8x128xf32, #tpu.memory_space<vmem>>, vector<16xf32>,
      %add3A_636 = arith.constant 48 : i32
      %add3A_637 = vector.broadcast %add3A_636 : i32 to vector<16xi32>
      %add3A_638 = arith.addi %iota3A, %add3A_637 : vector<16xi32>
      %gather3A_639 = tpu.vector_load_idx %arg7[%add3A_638, %broadcast_in_dim3A_603] : memref<128x16xf32, #tpu.memory_space<vmem>>[vector<16xi32>, vector<16xi32>], vector<16xf32>,
      %gather3A_640 = tpu.vector_load_idx %arg9[%add3A_638, %broadcast_in_dim3A_605] : memref<128x16xf32, #tpu.memory_space<vmem>>[vector<16xi32>, vector<16xi32>], vector<16xf32>,
      %add3A_641 = arith.addf %gather3A_639, %gather3A_640 : vector<16xf32>
      %swap3A_642 = arith.constant 6 : i32
      %swap3A_643 = arith.index_cast %swap3A_642 : i32 to index
      %swap3A_644 = arith.constant 48 : index
      %swap3A_645 = tpu.vector_load %arg11[%swap3A_643, %swap3A_644] {strides = array<i32>} : memref<8x128xf32, #tpu.memory_space<vmem>>, vector<16xf32>,
      tpu.vector_store %arg11[%swap3A_643, %swap3A_644], %add3A_641 {strides = array<i32>} : memref<8x128xf32, #tpu.memory_space<vmem>>, vector<16xf32>,
      %add3A_646 = arith.constant 64 : i32
      %add3A_647 = vector.broadcast %add3A_646 : i32 to vector<16xi32>
      %add3A_648 = arith.addi %iota3A, %add3A_647 : vector<16xi32>
      %gather3A_649 = tpu.vector_load_idx %arg7[%add3A_648, %broadcast_in_dim3A_603] : memref<128x16xf32, #tpu.memory_space<vmem>>[vector<16xi32>, vector<16xi32>], vector<16xf32>,
      %gather3A_650 = tpu.vector_load_idx %arg9[%add3A_648, %broadcast_in_dim3A_605] : memref<128x16xf32, #tpu.memory_space<vmem>>[vector<16xi32>, vector<16xi32>], vector<16xf32>,
      %add3A_651 = arith.addf %gather3A_649, %gather3A_650 : vector<16xf32>
      %swap3A_652 = arith.constant 6 : i32
      %swap3A_653 = arith.index_cast %swap3A_652 : i32 to index
      %swap3A_654 = arith.constant 64 : index
      %swap3A_655 = tpu.vector_load %arg11[%swap3A_653, %swap3A_654] {strides = array<i32>} : memref<8x128xf32, #tpu.memory_space<vmem>>, vector<16xf32>,
      tpu.vector_store %arg11[%swap3A_653, %swap3A_654], %add3A_651 {strides = array<i32>} : memref<8x128xf32, #tpu.memory_space<vmem>>, vector<16xf32>,
      %add3A_656 = arith.constant 80 : i32
      %add3A_657 = vector.broadcast %add3A_656 : i32 to vector<16xi32>
      %add3A_658 = arith.addi %iota3A, %add3A_657 : vector<16xi32>
      %gather3A_659 = tpu.vector_load_idx %arg7[%add3A_658, %broadcast_in_dim3A_603] : memref<128x16xf32, #tpu.memory_space<vmem>>[vector<16xi32>, vector<16xi32>], vector<16xf32>,
      %gather3A_660 = tpu.vector_load_idx %arg9[%add3A_658, %broadcast_in_dim3A_605] : memref<128x16xf32, #tpu.memory_space<vmem>>[vector<16xi32>, vector<16xi32>], vector<16xf32>,
      %add3A_661 = arith.addf %gather3A_659, %gather3A_660 : vector<16xf32>
      %swap3A_662 = arith.constant 6 : i32
      %swap3A_663 = arith.index_cast %swap3A_662 : i32 to index
      %swap3A_664 = arith.constant 80 : index
      %swap3A_665 = tpu.vector_load %arg11[%swap3A_663, %swap3A_664] {strides = array<i32>} : memref<8x128xf32, #tpu.memory_space<vmem>>, vector<16xf32>,
      tpu.vector_store %arg11[%swap3A_663, %swap3A_664], %add3A_661 {strides = array<i32>} : memref<8x128xf32, #tpu.memory_space<vmem>>, vector<16xf32>,
      %add3A_666 = arith.constant 96 : i32
      %add3A_667 = vector.broadcast %add3A_666 : i32 to vector<16xi32>
      %add3A_668 = arith.addi %iota3A, %add3A_667 : vector<16xi32>
      %gather3A_669 = tpu.vector_load_idx %arg7[%add3A_668, %broadcast_in_dim3A_603] : memref<128x16xf32, #tpu.memory_space<vmem>>[vector<16xi32>, vector<16xi32>], vector<16xf32>,
      %gather3A_670 = tpu.vector_load_idx %arg9[%add3A_668, %broadcast_in_dim3A_605] : memref<128x16xf32, #tpu.memory_space<vmem>>[vector<16xi32>, vector<16xi32>], vector<16xf32>,
      %add3A_671 = arith.addf %gather3A_669, %gather3A_670 : vector<16xf32>
      %swap3A_672 = arith.constant 6 : i32
      %swap3A_673 = arith.index_cast %swap3A_672 : i32 to index
      %swap3A_674 = arith.constant 96 : index
      %swap3A_675 = tpu.vector_load %arg11[%swap3A_673, %swap3A_674] {strides = array<i32>} : memref<8x128xf32, #tpu.memory_space<vmem>>, vector<16xf32>,
      tpu.vector_store %arg11[%swap3A_673, %swap3A_674], %add3A_671 {strides = array<i32>} : memref<8x128xf32, #tpu.memory_space<vmem>>, vector<16xf32>,
      %add3A_676 = arith.constant 112 : i32
      %add3A_677 = vector.broadcast %add3A_676 : i32 to vector<16xi32>
      %add3A_678 = arith.addi %iota3A, %add3A_677 : vector<16xi32>
      %gather3A_679 = tpu.vector_load_idx %arg7[%add3A_678, %broadcast_in_dim3A_603] : memref<128x16xf32, #tpu.memory_space<vmem>>[vector<16xi32>, vector<16xi32>], vector<16xf32>,
      %gather3A_680 = tpu.vector_load_idx %arg9[%add3A_678, %broadcast_in_dim3A_605] : memref<128x16xf32, #tpu.memory_space<vmem>>[vector<16xi32>, vector<16xi32>], vector<16xf32>,
      %add3A_681 = arith.addf %gather3A_679, %gather3A_680 : vector<16xf32>
      %swap3A_682 = arith.constant 6 : i32
      %swap3A_683 = arith.index_cast %swap3A_682 : i32 to index
      %swap3A_684 = arith.constant 112 : index
      %swap3A_685 = tpu.vector_load %arg11[%swap3A_683, %swap3A_684] {strides = array<i32>} : memref<8x128xf32, #tpu.memory_space<vmem>>, vector<16xf32>,
      tpu.vector_store %arg11[%swap3A_683, %swap3A_684], %add3A_681 {strides = array<i32>} : memref<8x128xf32, #tpu.memory_space<vmem>>, vector<16xf32>,
      %broadcast_in_dim3A_686 = arith.constant 7 : i32
      %broadcast_in_dim3A_687 = vector.broadcast %broadcast_in_dim3A_686 : i32 to vector<16xi32>
      %broadcast_in_dim3A_688 = arith.constant 15 : i32
      %broadcast_in_dim3A_689 = vector.broadcast %broadcast_in_dim3A_688 : i32 to vector<16xi32>
      %add3A_690 = arith.constant 0 : i32
      %add3A_691 = vector.broadcast %add3A_690 : i32 to vector<16xi32>
      %add3A_692 = arith.addi %iota3A, %add3A_691 : vector<16xi32>
      %gather3A_693 = tpu.vector_load_idx %arg7[%add3A_692, %broadcast_in_dim3A_687] : memref<128x16xf32, #tpu.memory_space<vmem>>[vector<16xi32>, vector<16xi32>], vector<16xf32>,
      %gather3A_694 = tpu.vector_load_idx %arg9[%add3A_692, %broadcast_in_dim3A_689] : memref<128x16xf32, #tpu.memory_space<vmem>>[vector<16xi32>, vector<16xi32>], vector<16xf32>,
      %add3A_695 = arith.addf %gather3A_693, %gather3A_694 : vector<16xf32>
      %swap3A_696 = arith.constant 7 : i32
      %swap3A_697 = arith.index_cast %swap3A_696 : i32 to index
      %swap3A_698 = arith.constant 0 : index
      %swap3A_699 = tpu.vector_load %arg11[%swap3A_697, %swap3A_698] {strides = array<i32>} : memref<8x128xf32, #tpu.memory_space<vmem>>, vector<16xf32>,
      tpu.vector_store %arg11[%swap3A_697, %swap3A_698], %add3A_695 {strides = array<i32>} : memref<8x128xf32, #tpu.memory_space<vmem>>, vector<16xf32>,
      %add3A_700 = arith.constant 16 : i32
      %add3A_701 = vector.broadcast %add3A_700 : i32 to vector<16xi32>
      %add3A_702 = arith.addi %iota3A, %add3A_701 : vector<16xi32>
      %gather3A_703 = tpu.vector_load_idx %arg7[%add3A_702, %broadcast_in_dim3A_687] : memref<128x16xf32, #tpu.memory_space<vmem>>[vector<16xi32>, vector<16xi32>], vector<16xf32>,
      %gather3A_704 = tpu.vector_load_idx %arg9[%add3A_702, %broadcast_in_dim3A_689] : memref<128x16xf32, #tpu.memory_space<vmem>>[vector<16xi32>, vector<16xi32>], vector<16xf32>,
      %add3A_705 = arith.addf %gather3A_703, %gather3A_704 : vector<16xf32>
      %swap3A_706 = arith.constant 7 : i32
      %swap3A_707 = arith.index_cast %swap3A_706 : i32 to index
      %swap3A_708 = arith.constant 16 : index
      %swap3A_709 = tpu.vector_load %arg11[%swap3A_707, %swap3A_708] {strides = array<i32>} : memref<8x128xf32, #tpu.memory_space<vmem>>, vector<16xf32>,
      tpu.vector_store %arg11[%swap3A_707, %swap3A_708], %add3A_705 {strides = array<i32>} : memref<8x128xf32, #tpu.memory_space<vmem>>, vector<16xf32>,
      %add3A_710 = arith.constant 32 : i32
      %add3A_711 = vector.broadcast %add3A_710 : i32 to vector<16xi32>
      %add3A_712 = arith.addi %iota3A, %add3A_711 : vector<16xi32>
      %gather3A_713 = tpu.vector_load_idx %arg7[%add3A_712, %broadcast_in_dim3A_687] : memref<128x16xf32, #tpu.memory_space<vmem>>[vector<16xi32>, vector<16xi32>], vector<16xf32>,
      %gather3A_714 = tpu.vector_load_idx %arg9[%add3A_712, %broadcast_in_dim3A_689] : memref<128x16xf32, #tpu.memory_space<vmem>>[vector<16xi32>, vector<16xi32>], vector<16xf32>,
      %add3A_715 = arith.addf %gather3A_713, %gather3A_714 : vector<16xf32>
      %swap3A_716 = arith.constant 7 : i32
      %swap3A_717 = arith.index_cast %swap3A_716 : i32 to index
      %swap3A_718 = arith.constant 32 : index
      %swap3A_719 = tpu.vector_load %arg11[%swap3A_717, %swap3A_718] {strides = array<i32>} : memref<8x128xf32, #tpu.memory_space<vmem>>, vector<16xf32>,
      tpu.vector_store %arg11[%swap3A_717, %swap3A_718], %add3A_715 {strides = array<i32>} : memref<8x128xf32, #tpu.memory_space<vmem>>, vector<16xf32>,
      %add3A_720 = arith.constant 48 : i32
      %add3A_721 = vector.broadcast %add3A_720 : i32 to vector<16xi32>
      %add3A_722 = arith.addi %iota3A, %add3A_721 : vector<16xi32>
      %gather3A_723 = tpu.vector_load_idx %arg7[%add3A_722, %broadcast_in_dim3A_687] : memref<128x16xf32, #tpu.memory_space<vmem>>[vector<16xi32>, vector<16xi32>], vector<16xf32>,
      %gather3A_724 = tpu.vector_load_idx %arg9[%add3A_722, %broadcast_in_dim3A_689] : memref<128x16xf32, #tpu.memory_space<vmem>>[vector<16xi32>, vector<16xi32>], vector<16xf32>,
      %add3A_725 = arith.addf %gather3A_723, %gather3A_724 : vector<16xf32>
      %swap3A_726 = arith.constant 7 : i32
      %swap3A_727 = arith.index_cast %swap3A_726 : i32 to index
      %swap3A_728 = arith.constant 48 : index
      %swap3A_729 = tpu.vector_load %arg11[%swap3A_727, %swap3A_728] {strides = array<i32>} : memref<8x128xf32, #tpu.memory_space<vmem>>, vector<16xf32>,
      tpu.vector_store %arg11[%swap3A_727, %swap3A_728], %add3A_725 {strides = array<i32>} : memref<8x128xf32, #tpu.memory_space<vmem>>, vector<16xf32>,
      %add3A_730 = arith.constant 64 : i32
      %add3A_731 = vector.broadcast %add3A_730 : i32 to vector<16xi32>
      %add3A_732 = arith.addi %iota3A, %add3A_731 : vector<16xi32>
      %gather3A_733 = tpu.vector_load_idx %arg7[%add3A_732, %broadcast_in_dim3A_687] : memref<128x16xf32, #tpu.memory_space<vmem>>[vector<16xi32>, vector<16xi32>], vector<16xf32>,
      %gather3A_734 = tpu.vector_load_idx %arg9[%add3A_732, %broadcast_in_dim3A_689] : memref<128x16xf32, #tpu.memory_space<vmem>>[vector<16xi32>, vector<16xi32>], vector<16xf32>,
      %add3A_735 = arith.addf %gather3A_733, %gather3A_734 : vector<16xf32>
      %swap3A_736 = arith.constant 7 : i32
      %swap3A_737 = arith.index_cast %swap3A_736 : i32 to index
      %swap3A_738 = arith.constant 64 : index
      %swap3A_739 = tpu.vector_load %arg11[%swap3A_737, %swap3A_738] {strides = array<i32>} : memref<8x128xf32, #tpu.memory_space<vmem>>, vector<16xf32>,
      tpu.vector_store %arg11[%swap3A_737, %swap3A_738], %add3A_735 {strides = array<i32>} : memref<8x128xf32, #tpu.memory_space<vmem>>, vector<16xf32>,
      %add3A_740 = arith.constant 80 : i32
      %add3A_741 = vector.broadcast %add3A_740 : i32 to vector<16xi32>
      %add3A_742 = arith.addi %iota3A, %add3A_741 : vector<16xi32>
      %gather3A_743 = tpu.vector_load_idx %arg7[%add3A_742, %broadcast_in_dim3A_687] : memref<128x16xf32, #tpu.memory_space<vmem>>[vector<16xi32>, vector<16xi32>], vector<16xf32>,
      %gather3A_744 = tpu.vector_load_idx %arg9[%add3A_742, %broadcast_in_dim3A_689] : memref<128x16xf32, #tpu.memory_space<vmem>>[vector<16xi32>, vector<16xi32>], vector<16xf32>,
      %add3A_745 = arith.addf %gather3A_743, %gather3A_744 : vector<16xf32>
      %swap3A_746 = arith.constant 7 : i32
      %swap3A_747 = arith.index_cast %swap3A_746 : i32 to index
      %swap3A_748 = arith.constant 80 : index
      %swap3A_749 = tpu.vector_load %arg11[%swap3A_747, %swap3A_748] {strides = array<i32>} : memref<8x128xf32, #tpu.memory_space<vmem>>, vector<16xf32>,
      tpu.vector_store %arg11[%swap3A_747, %swap3A_748], %add3A_745 {strides = array<i32>} : memref<8x128xf32, #tpu.memory_space<vmem>>, vector<16xf32>,
      %add3A_750 = arith.constant 96 : i32
      %add3A_751 = vector.broadcast %add3A_750 : i32 to vector<16xi32>
      %add3A_752 = arith.addi %iota3A, %add3A_751 : vector<16xi32>
      %gather3A_753 = tpu.vector_load_idx %arg7[%add3A_752, %broadcast_in_dim3A_687] : memref<128x16xf32, #tpu.memory_space<vmem>>[vector<16xi32>, vector<16xi32>], vector<16xf32>,
      %gather3A_754 = tpu.vector_load_idx %arg9[%add3A_752, %broadcast_in_dim3A_689] : memref<128x16xf32, #tpu.memory_space<vmem>>[vector<16xi32>, vector<16xi32>], vector<16xf32>,
      %add3A_755 = arith.addf %gather3A_753, %gather3A_754 : vector<16xf32>
      %swap3A_756 = arith.constant 7 : i32
      %swap3A_757 = arith.index_cast %swap3A_756 : i32 to index
      %swap3A_758 = arith.constant 96 : index
      %swap3A_759 = tpu.vector_load %arg11[%swap3A_757, %swap3A_758] {strides = array<i32>} : memref<8x128xf32, #tpu.memory_space<vmem>>, vector<16xf32>,
      tpu.vector_store %arg11[%swap3A_757, %swap3A_758], %add3A_755 {strides = array<i32>} : memref<8x128xf32, #tpu.memory_space<vmem>>, vector<16xf32>,
      %add3A_760 = arith.constant 112 : i32
      %add3A_761 = vector.broadcast %add3A_760 : i32 to vector<16xi32>
      %add3A_762 = arith.addi %iota3A, %add3A_761 : vector<16xi32>
      %gather3A_763 = tpu.vector_load_idx %arg7[%add3A_762, %broadcast_in_dim3A_687] : memref<128x16xf32, #tpu.memory_space<vmem>>[vector<16xi32>, vector<16xi32>], vector<16xf32>,
      %gather3A_764 = tpu.vector_load_idx %arg9[%add3A_762, %broadcast_in_dim3A_689] : memref<128x16xf32, #tpu.memory_space<vmem>>[vector<16xi32>, vector<16xi32>], vector<16xf32>,
      %add3A_765 = arith.addf %gather3A_763, %gather3A_764 : vector<16xf32>
      %swap3A_766 = arith.constant 7 : i32
      %swap3A_767 = arith.index_cast %swap3A_766 : i32 to index
      %swap3A_768 = arith.constant 112 : index
      %swap3A_769 = tpu.vector_load %arg11[%swap3A_767, %swap3A_768] {strides = array<i32>} : memref<8x128xf32, #tpu.memory_space<vmem>>, vector<16xf32>,
      tpu.vector_store %arg11[%swap3A_767, %swap3A_768], %add3A_765 {strides = array<i32>} : memref<8x128xf32, #tpu.memory_space<vmem>>, vector<16xf32>,
      %add3A_770 = arith.addi %mul3A_2, %add3A_82 : i32
      %mul3A_771 = arith.constant 8 : i32
      %mul3A_772 = arith.muli %add3A_770, %mul3A_771 : i32
      %multiple_of3A = tpu.assume_multiple %mul3A_772, 8 : i32
      %dma_start3A_773 = arith.constant 0 : i32
      %dma_start3A_774 = tpu.memref_slice %arg4[%multiple_of3A, %dma_start3A_773] : memref<10000x128xf32, #tpu.memory_space<hbm>> -> memref<8x128xf32, #tpu.memory_space<hbm>>
      %dma_start3A_775 = arith.constant 0 : i32
      %dma_start3A_776 = tpu.memref_slice %arg4[%multiple_of3A, %dma_start3A_775] : memref<10000x128xf32, #tpu.memory_space<hbm>> -> memref<8x128xf32, #tpu.memory_space<hbm>>
      tpu.enqueue_dma source(%arg11 : memref<8x128xf32, #tpu.memory_space<vmem>>) target(%dma_start3A_776 : memref<8x128xf32, #tpu.memory_space<hbm>>) target_semaphore(%arg17 : memref<!tpu.dma_semaphore, #tpu.memory_space<semaphore_mem>>)
      %add3A_777 = arith.constant 2 : i32
      %add3A_778 = arith.addi %add3A_82, %add3A_777 : i32
      %lt3A = arith.cmpi slt, %add3A_778, %select_n3A : i32
      %convert_element_type3A_779 = arith.extui %lt3A : i1 to i32
      %cond3A_780 = arith.constant 0 : i32
      %cond3A_781 = arith.cmpi ne, %convert_element_type3A_779, %cond3A_780 : i32
      scf.if %cond3A_781 {
        %add3A_1490 = arith.constant 2 : i32
        %add3A_1491 = arith.addi %add3A_82, %add3A_1490 : i32
        %dma_start3A_1492 = arith.constant 0 : i32
        %dma_start3A_1493 = tpu.memref_slice %arg5[%add3A_1491, %dma_start3A_1492] : memref<40x128xi32, #tpu.memory_space<vmem>> -> memref<1x128xi32, #tpu.memory_space<vmem>>
        %dma_start3A_1494 = tpu.memref_squeeze %dma_start3A_1493 : memref<1x128xi32, #tpu.memory_space<vmem>> -> memref<128xi32, #tpu.memory_space<vmem>>
        %dma_start3A_1495 = arith.constant 0 : i32
        %dma_start3A_1496 = arith.constant 0 : i32
        %dma_start3A_1497 = tpu.memref_slice %arg2[%dma_start3A_1495, %dma_start3A_1496] : memref<10000x16xf32, #tpu.memory_space<hbm>> -> memref<10000x16xf32, #tpu.memory_space<hbm>>
        tpu.enqueue_indirect_dma source(%dma_start3A_1497 : memref<10000x16xf32, #tpu.memory_space<hbm>>) target(%arg7 : memref<128x16xf32, #tpu.memory_space<vmem>>) offsets(%dma_start3A_1494 : memref<128xi32, #tpu.memory_space<vmem>>) semaphore(%arg13 : memref<!tpu.dma_semaphore, #tpu.memory_space<semaphore_mem>>)
        %dma_start3A_1498 = arith.constant 0 : i32
        %dma_start3A_1499 = tpu.memref_slice %arg6[%add3A_1491, %dma_start3A_1498] : memref<40x128xi32, #tpu.memory_space<vmem>> -> memref<1x128xi32, #tpu.memory_space<vmem>>
        %dma_start3A_1500 = tpu.memref_squeeze %dma_start3A_1499 : memref<1x128xi32, #tpu.memory_space<vmem>> -> memref<128xi32, #tpu.memory_space<vmem>>
        %dma_start3A_1501 = arith.constant 0 : i32
        %dma_start3A_1502 = arith.constant 0 : i32
        %dma_start3A_1503 = tpu.memref_slice %arg2[%dma_start3A_1501, %dma_start3A_1502] : memref<10000x16xf32, #tpu.memory_space<hbm>> -> memref<10000x16xf32, #tpu.memory_space<hbm>>
        tpu.enqueue_indirect_dma source(%dma_start3A_1503 : memref<10000x16xf32, #tpu.memory_space<hbm>>) target(%arg9 : memref<128x16xf32, #tpu.memory_space<vmem>>) offsets(%dma_start3A_1500 : memref<128xi32, #tpu.memory_space<vmem>>) semaphore(%arg15 : memref<!tpu.dma_semaphore, #tpu.memory_space<semaphore_mem>>)
      } else {
      }
      %add3A_782 = arith.constant 1 : i32
      %add3A_783 = arith.addi %mul3A_80, %add3A_782 : i32
      %dma_wait3A_784 = arith.constant 0 : i32
      %dma_wait3A_785 = arith.constant 0 : i32
      %dma_wait3A_786 = tpu.memref_slice %arg5[%dma_wait3A_784, %dma_wait3A_785] : memref<40x128xi32, #tpu.memory_space<vmem>> -> memref<1x128xi32, #tpu.memory_space<vmem>>
      %dma_wait3A_787 = tpu.memref_squeeze %dma_wait3A_786 : memref<1x128xi32, #tpu.memory_space<vmem>> -> memref<128xi32, #tpu.memory_space<vmem>>
      %dma_wait3A_788 = arith.constant 0 : i32
      %dma_wait3A_789 = arith.constant 0 : i32
      %dma_wait3A_790 = tpu.memref_slice %arg2[%dma_wait3A_788, %dma_wait3A_789] : memref<10000x16xf32, #tpu.memory_space<hbm>> -> memref<10000x16xf32, #tpu.memory_space<hbm>>
      tpu.wait_indirect_dma semaphore(%arg14 : memref<!tpu.dma_semaphore, #tpu.memory_space<semaphore_mem>>) src(%dma_wait3A_790 : memref<10000x16xf32, #tpu.memory_space<hbm>>) dst(%arg8 : memref<128x16xf32, #tpu.memory_space<vmem>>)
      %dma_wait3A_791 = arith.constant 0 : i32
      %dma_wait3A_792 = arith.constant 0 : i32
      %dma_wait3A_793 = tpu.memref_slice %arg6[%dma_wait3A_791, %dma_wait3A_792] : memref<40x128xi32, #tpu.memory_space<vmem>> -> memref<1x128xi32, #tpu.memory_space<vmem>>
      %dma_wait3A_794 = tpu.memref_squeeze %dma_wait3A_793 : memref<1x128xi32, #tpu.memory_space<vmem>> -> memref<128xi32, #tpu.memory_space<vmem>>
      %dma_wait3A_795 = arith.constant 0 : i32
      %dma_wait3A_796 = arith.constant 0 : i32
      %dma_wait3A_797 = tpu.memref_slice %arg2[%dma_wait3A_795, %dma_wait3A_796] : memref<10000x16xf32, #tpu.memory_space<hbm>> -> memref<10000x16xf32, #tpu.memory_space<hbm>>
      tpu.wait_indirect_dma semaphore(%arg16 : memref<!tpu.dma_semaphore, #tpu.memory_space<semaphore_mem>>) src(%dma_wait3A_797 : memref<10000x16xf32, #tpu.memory_space<hbm>>) dst(%arg10 : memref<128x16xf32, #tpu.memory_space<vmem>>)
      %gt3A_798 = arith.constant 0 : i32
      %gt3A_799 = arith.cmpi sgt, %while3A_77, %gt3A_798 : i32
      %convert_element_type3A_800 = arith.extui %gt3A_799 : i1 to i32
      %cond3A_801 = arith.constant 0 : i32
      %cond3A_802 = arith.cmpi ne, %convert_element_type3A_800, %cond3A_801 : i32
      scf.if %cond3A_802 {
        %dma_wait3A_1490 = arith.constant 0 : i32
        %dma_wait3A_1491 = arith.constant 0 : i32
        %dma_wait3A_1492 = tpu.memref_slice %arg4[%dma_wait3A_1490, %dma_wait3A_1491] : memref<10000x128xf32, #tpu.memory_space<hbm>> -> memref<8x128xf32, #tpu.memory_space<hbm>>
        %dma_wait3A_1493 = arith.constant 0 : i32
        %dma_wait3A_1494 = arith.constant 0 : i32
        %dma_wait3A_1495 = tpu.memref_slice %arg4[%dma_wait3A_1493, %dma_wait3A_1494] : memref<10000x128xf32, #tpu.memory_space<hbm>> -> memref<8x128xf32, #tpu.memory_space<hbm>>
        tpu.wait_dma2 semaphore(%arg18 : memref<!tpu.dma_semaphore, #tpu.memory_space<semaphore_mem>>) src(%arg12 : memref<8x128xf32, #tpu.memory_space<vmem>>) dst(%dma_wait3A_1495 : memref<8x128xf32, #tpu.memory_space<hbm>>)
      } else {
      }
      %broadcast_in_dim3A_803 = arith.constant 0 : i32
      %broadcast_in_dim3A_804 = vector.broadcast %broadcast_in_dim3A_803 : i32 to vector<16xi32>
      %broadcast_in_dim3A_805 = arith.constant 8 : i32
      %broadcast_in_dim3A_806 = vector.broadcast %broadcast_in_dim3A_805 : i32 to vector<16xi32>
      %add3A_807 = arith.constant 0 : i32
      %add3A_808 = vector.broadcast %add3A_807 : i32 to vector<16xi32>
      %add3A_809 = arith.addi %iota3A, %add3A_808 : vector<16xi32>
      %gather3A_810 = tpu.vector_load_idx %arg8[%add3A_809, %broadcast_in_dim3A_804] : memref<128x16xf32, #tpu.memory_space<vmem>>[vector<16xi32>, vector<16xi32>], vector<16xf32>,
      %gather3A_811 = tpu.vector_load_idx %arg10[%add3A_809, %broadcast_in_dim3A_806] : memref<128x16xf32, #tpu.memory_space<vmem>>[vector<16xi32>, vector<16xi32>], vector<16xf32>,
      %add3A_812 = arith.addf %gather3A_810, %gather3A_811 : vector<16xf32>
      %swap3A_813 = arith.constant 0 : i32
      %swap3A_814 = arith.index_cast %swap3A_813 : i32 to index
      %swap3A_815 = arith.constant 0 : index
      %swap3A_816 = tpu.vector_load %arg12[%swap3A_814, %swap3A_815] {strides = array<i32>} : memref<8x128xf32, #tpu.memory_space<vmem>>, vector<16xf32>,
      tpu.vector_store %arg12[%swap3A_814, %swap3A_815], %add3A_812 {strides = array<i32>} : memref<8x128xf32, #tpu.memory_space<vmem>>, vector<16xf32>,
      %add3A_817 = arith.constant 16 : i32
      %add3A_818 = vector.broadcast %add3A_817 : i32 to vector<16xi32>
      %add3A_819 = arith.addi %iota3A, %add3A_818 : vector<16xi32>
      %gather3A_820 = tpu.vector_load_idx %arg8[%add3A_819, %broadcast_in_dim3A_804] : memref<128x16xf32, #tpu.memory_space<vmem>>[vector<16xi32>, vector<16xi32>], vector<16xf32>,
      %gather3A_821 = tpu.vector_load_idx %arg10[%add3A_819, %broadcast_in_dim3A_806] : memref<128x16xf32, #tpu.memory_space<vmem>>[vector<16xi32>, vector<16xi32>], vector<16xf32>,
      %add3A_822 = arith.addf %gather3A_820, %gather3A_821 : vector<16xf32>
      %swap3A_823 = arith.constant 0 : i32
      %swap3A_824 = arith.index_cast %swap3A_823 : i32 to index
      %swap3A_825 = arith.constant 16 : index
      %swap3A_826 = tpu.vector_load %arg12[%swap3A_824, %swap3A_825] {strides = array<i32>} : memref<8x128xf32, #tpu.memory_space<vmem>>, vector<16xf32>,
      tpu.vector_store %arg12[%swap3A_824, %swap3A_825], %add3A_822 {strides = array<i32>} : memref<8x128xf32, #tpu.memory_space<vmem>>, vector<16xf32>,
      %add3A_827 = arith.constant 32 : i32
      %add3A_828 = vector.broadcast %add3A_827 : i32 to vector<16xi32>
      %add3A_829 = arith.addi %iota3A, %add3A_828 : vector<16xi32>
      %gather3A_830 = tpu.vector_load_idx %arg8[%add3A_829, %broadcast_in_dim3A_804] : memref<128x16xf32, #tpu.memory_space<vmem>>[vector<16xi32>, vector<16xi32>], vector<16xf32>,
      %gather3A_831 = tpu.vector_load_idx %arg10[%add3A_829, %broadcast_in_dim3A_806] : memref<128x16xf32, #tpu.memory_space<vmem>>[vector<16xi32>, vector<16xi32>], vector<16xf32>,
      %add3A_832 = arith.addf %gather3A_830, %gather3A_831 : vector<16xf32>
      %swap3A_833 = arith.constant 0 : i32
      %swap3A_834 = arith.index_cast %swap3A_833 : i32 to index
      %swap3A_835 = arith.constant 32 : index
      %swap3A_836 = tpu.vector_load %arg12[%swap3A_834, %swap3A_835] {strides = array<i32>} : memref<8x128xf32, #tpu.memory_space<vmem>>, vector<16xf32>,
      tpu.vector_store %arg12[%swap3A_834, %swap3A_835], %add3A_832 {strides = array<i32>} : memref<8x128xf32, #tpu.memory_space<vmem>>, vector<16xf32>,
      %add3A_837 = arith.constant 48 : i32
      %add3A_838 = vector.broadcast %add3A_837 : i32 to vector<16xi32>
      %add3A_839 = arith.addi %iota3A, %add3A_838 : vector<16xi32>
      %gather3A_840 = tpu.vector_load_idx %arg8[%add3A_839, %broadcast_in_dim3A_804] : memref<128x16xf32, #tpu.memory_space<vmem>>[vector<16xi32>, vector<16xi32>], vector<16xf32>,
      %gather3A_841 = tpu.vector_load_idx %arg10[%add3A_839, %broadcast_in_dim3A_806] : memref<128x16xf32, #tpu.memory_space<vmem>>[vector<16xi32>, vector<16xi32>], vector<16xf32>,
      %add3A_842 = arith.addf %gather3A_840, %gather3A_841 : vector<16xf32>
      %swap3A_843 = arith.constant 0 : i32
      %swap3A_844 = arith.index_cast %swap3A_843 : i32 to index
      %swap3A_845 = arith.constant 48 : index
      %swap3A_846 = tpu.vector_load %arg12[%swap3A_844, %swap3A_845] {strides = array<i32>} : memref<8x128xf32, #tpu.memory_space<vmem>>, vector<16xf32>,
      tpu.vector_store %arg12[%swap3A_844, %swap3A_845], %add3A_842 {strides = array<i32>} : memref<8x128xf32, #tpu.memory_space<vmem>>, vector<16xf32>,
      %add3A_847 = arith.constant 64 : i32
      %add3A_848 = vector.broadcast %add3A_847 : i32 to vector<16xi32>
      %add3A_849 = arith.addi %iota3A, %add3A_848 : vector<16xi32>
      %gather3A_850 = tpu.vector_load_idx %arg8[%add3A_849, %broadcast_in_dim3A_804] : memref<128x16xf32, #tpu.memory_space<vmem>>[vector<16xi32>, vector<16xi32>], vector<16xf32>,
      %gather3A_851 = tpu.vector_load_idx %arg10[%add3A_849, %broadcast_in_dim3A_806] : memref<128x16xf32, #tpu.memory_space<vmem>>[vector<16xi32>, vector<16xi32>], vector<16xf32>,
      %add3A_852 = arith.addf %gather3A_850, %gather3A_851 : vector<16xf32>
      %swap3A_853 = arith.constant 0 : i32
      %swap3A_854 = arith.index_cast %swap3A_853 : i32 to index
      %swap3A_855 = arith.constant 64 : index
      %swap3A_856 = tpu.vector_load %arg12[%swap3A_854, %swap3A_855] {strides = array<i32>} : memref<8x128xf32, #tpu.memory_space<vmem>>, vector<16xf32>,
      tpu.vector_store %arg12[%swap3A_854, %swap3A_855], %add3A_852 {strides = array<i32>} : memref<8x128xf32, #tpu.memory_space<vmem>>, vector<16xf32>,
      %add3A_857 = arith.constant 80 : i32
      %add3A_858 = vector.broadcast %add3A_857 : i32 to vector<16xi32>
      %add3A_859 = arith.addi %iota3A, %add3A_858 : vector<16xi32>
      %gather3A_860 = tpu.vector_load_idx %arg8[%add3A_859, %broadcast_in_dim3A_804] : memref<128x16xf32, #tpu.memory_space<vmem>>[vector<16xi32>, vector<16xi32>], vector<16xf32>,
      %gather3A_861 = tpu.vector_load_idx %arg10[%add3A_859, %broadcast_in_dim3A_806] : memref<128x16xf32, #tpu.memory_space<vmem>>[vector<16xi32>, vector<16xi32>], vector<16xf32>,
      %add3A_862 = arith.addf %gather3A_860, %gather3A_861 : vector<16xf32>
      %swap3A_863 = arith.constant 0 : i32
      %swap3A_864 = arith.index_cast %swap3A_863 : i32 to index
      %swap3A_865 = arith.constant 80 : index
      %swap3A_866 = tpu.vector_load %arg12[%swap3A_864, %swap3A_865] {strides = array<i32>} : memref<8x128xf32, #tpu.memory_space<vmem>>, vector<16xf32>,
      tpu.vector_store %arg12[%swap3A_864, %swap3A_865], %add3A_862 {strides = array<i32>} : memref<8x128xf32, #tpu.memory_space<vmem>>, vector<16xf32>,
      %add3A_867 = arith.constant 96 : i32
      %add3A_868 = vector.broadcast %add3A_867 : i32 to vector<16xi32>
      %add3A_869 = arith.addi %iota3A, %add3A_868 : vector<16xi32>
      %gather3A_870 = tpu.vector_load_idx %arg8[%add3A_869, %broadcast_in_dim3A_804] : memref<128x16xf32, #tpu.memory_space<vmem>>[vector<16xi32>, vector<16xi32>], vector<16xf32>,
      %gather3A_871 = tpu.vector_load_idx %arg10[%add3A_869, %broadcast_in_dim3A_806] : memref<128x16xf32, #tpu.memory_space<vmem>>[vector<16xi32>, vector<16xi32>], vector<16xf32>,
      %add3A_872 = arith.addf %gather3A_870, %gather3A_871 : vector<16xf32>
      %swap3A_873 = arith.constant 0 : i32
      %swap3A_874 = arith.index_cast %swap3A_873 : i32 to index
      %swap3A_875 = arith.constant 96 : index
      %swap3A_876 = tpu.vector_load %arg12[%swap3A_874, %swap3A_875] {strides = array<i32>} : memref<8x128xf32, #tpu.memory_space<vmem>>, vector<16xf32>,
      tpu.vector_store %arg12[%swap3A_874, %swap3A_875], %add3A_872 {strides = array<i32>} : memref<8x128xf32, #tpu.memory_space<vmem>>, vector<16xf32>,
      %add3A_877 = arith.constant 112 : i32
      %add3A_878 = vector.broadcast %add3A_877 : i32 to vector<16xi32>
      %add3A_879 = arith.addi %iota3A, %add3A_878 : vector<16xi32>
      %gather3A_880 = tpu.vector_load_idx %arg8[%add3A_879, %broadcast_in_dim3A_804] : memref<128x16xf32, #tpu.memory_space<vmem>>[vector<16xi32>, vector<16xi32>], vector<16xf32>,
      %gather3A_881 = tpu.vector_load_idx %arg10[%add3A_879, %broadcast_in_dim3A_806] : memref<128x16xf32, #tpu.memory_space<vmem>>[vector<16xi32>, vector<16xi32>], vector<16xf32>,
      %add3A_882 = arith.addf %gather3A_880, %gather3A_881 : vector<16xf32>
      %swap3A_883 = arith.constant 0 : i32
      %swap3A_884 = arith.index_cast %swap3A_883 : i32 to index
      %swap3A_885 = arith.constant 112 : index
      %swap3A_886 = tpu.vector_load %arg12[%swap3A_884, %swap3A_885] {strides = array<i32>} : memref<8x128xf32, #tpu.memory_space<vmem>>, vector<16xf32>,
      tpu.vector_store %arg12[%swap3A_884, %swap3A_885], %add3A_882 {strides = array<i32>} : memref<8x128xf32, #tpu.memory_space<vmem>>, vector<16xf32>,
      %broadcast_in_dim3A_887 = arith.constant 1 : i32
      %broadcast_in_dim3A_888 = vector.broadcast %broadcast_in_dim3A_887 : i32 to vector<16xi32>
      %broadcast_in_dim3A_889 = arith.constant 9 : i32
      %broadcast_in_dim3A_890 = vector.broadcast %broadcast_in_dim3A_889 : i32 to vector<16xi32>
      %add3A_891 = arith.constant 0 : i32
      %add3A_892 = vector.broadcast %add3A_891 : i32 to vector<16xi32>
      %add3A_893 = arith.addi %iota3A, %add3A_892 : vector<16xi32>
      %gather3A_894 = tpu.vector_load_idx %arg8[%add3A_893, %broadcast_in_dim3A_888] : memref<128x16xf32, #tpu.memory_space<vmem>>[vector<16xi32>, vector<16xi32>], vector<16xf32>,
      %gather3A_895 = tpu.vector_load_idx %arg10[%add3A_893, %broadcast_in_dim3A_890] : memref<128x16xf32, #tpu.memory_space<vmem>>[vector<16xi32>, vector<16xi32>], vector<16xf32>,
      %add3A_896 = arith.addf %gather3A_894, %gather3A_895 : vector<16xf32>
      %swap3A_897 = arith.constant 1 : i32
      %swap3A_898 = arith.index_cast %swap3A_897 : i32 to index
      %swap3A_899 = arith.constant 0 : index
      %swap3A_900 = tpu.vector_load %arg12[%swap3A_898, %swap3A_899] {strides = array<i32>} : memref<8x128xf32, #tpu.memory_space<vmem>>, vector<16xf32>,
      tpu.vector_store %arg12[%swap3A_898, %swap3A_899], %add3A_896 {strides = array<i32>} : memref<8x128xf32, #tpu.memory_space<vmem>>, vector<16xf32>,
      %add3A_901 = arith.constant 16 : i32
      %add3A_902 = vector.broadcast %add3A_901 : i32 to vector<16xi32>
      %add3A_903 = arith.addi %iota3A, %add3A_902 : vector<16xi32>
      %gather3A_904 = tpu.vector_load_idx %arg8[%add3A_903, %broadcast_in_dim3A_888] : memref<128x16xf32, #tpu.memory_space<vmem>>[vector<16xi32>, vector<16xi32>], vector<16xf32>,
      %gather3A_905 = tpu.vector_load_idx %arg10[%add3A_903, %broadcast_in_dim3A_890] : memref<128x16xf32, #tpu.memory_space<vmem>>[vector<16xi32>, vector<16xi32>], vector<16xf32>,
      %add3A_906 = arith.addf %gather3A_904, %gather3A_905 : vector<16xf32>
      %swap3A_907 = arith.constant 1 : i32
      %swap3A_908 = arith.index_cast %swap3A_907 : i32 to index
      %swap3A_909 = arith.constant 16 : index
      %swap3A_910 = tpu.vector_load %arg12[%swap3A_908, %swap3A_909] {strides = array<i32>} : memref<8x128xf32, #tpu.memory_space<vmem>>, vector<16xf32>,
      tpu.vector_store %arg12[%swap3A_908, %swap3A_909], %add3A_906 {strides = array<i32>} : memref<8x128xf32, #tpu.memory_space<vmem>>, vector<16xf32>,
      %add3A_911 = arith.constant 32 : i32
      %add3A_912 = vector.broadcast %add3A_911 : i32 to vector<16xi32>
      %add3A_913 = arith.addi %iota3A, %add3A_912 : vector<16xi32>
      %gather3A_914 = tpu.vector_load_idx %arg8[%add3A_913, %broadcast_in_dim3A_888] : memref<128x16xf32, #tpu.memory_space<vmem>>[vector<16xi32>, vector<16xi32>], vector<16xf32>,
      %gather3A_915 = tpu.vector_load_idx %arg10[%add3A_913, %broadcast_in_dim3A_890] : memref<128x16xf32, #tpu.memory_space<vmem>>[vector<16xi32>, vector<16xi32>], vector<16xf32>,
      %add3A_916 = arith.addf %gather3A_914, %gather3A_915 : vector<16xf32>
      %swap3A_917 = arith.constant 1 : i32
      %swap3A_918 = arith.index_cast %swap3A_917 : i32 to index
      %swap3A_919 = arith.constant 32 : index
      %swap3A_920 = tpu.vector_load %arg12[%swap3A_918, %swap3A_919] {strides = array<i32>} : memref<8x128xf32, #tpu.memory_space<vmem>>, vector<16xf32>,
      tpu.vector_store %arg12[%swap3A_918, %swap3A_919], %add3A_916 {strides = array<i32>} : memref<8x128xf32, #tpu.memory_space<vmem>>, vector<16xf32>,
      %add3A_921 = arith.constant 48 : i32
      %add3A_922 = vector.broadcast %add3A_921 : i32 to vector<16xi32>
      %add3A_923 = arith.addi %iota3A, %add3A_922 : vector<16xi32>
      %gather3A_924 = tpu.vector_load_idx %arg8[%add3A_923, %broadcast_in_dim3A_888] : memref<128x16xf32, #tpu.memory_space<vmem>>[vector<16xi32>, vector<16xi32>], vector<16xf32>,
      %gather3A_925 = tpu.vector_load_idx %arg10[%add3A_923, %broadcast_in_dim3A_890] : memref<128x16xf32, #tpu.memory_space<vmem>>[vector<16xi32>, vector<16xi32>], vector<16xf32>,
      %add3A_926 = arith.addf %gather3A_924, %gather3A_925 : vector<16xf32>
      %swap3A_927 = arith.constant 1 : i32
      %swap3A_928 = arith.index_cast %swap3A_927 : i32 to index
      %swap3A_929 = arith.constant 48 : index
      %swap3A_930 = tpu.vector_load %arg12[%swap3A_928, %swap3A_929] {strides = array<i32>} : memref<8x128xf32, #tpu.memory_space<vmem>>, vector<16xf32>,
      tpu.vector_store %arg12[%swap3A_928, %swap3A_929], %add3A_926 {strides = array<i32>} : memref<8x128xf32, #tpu.memory_space<vmem>>, vector<16xf32>,
      %add3A_931 = arith.constant 64 : i32
      %add3A_932 = vector.broadcast %add3A_931 : i32 to vector<16xi32>
      %add3A_933 = arith.addi %iota3A, %add3A_932 : vector<16xi32>
      %gather3A_934 = tpu.vector_load_idx %arg8[%add3A_933, %broadcast_in_dim3A_888] : memref<128x16xf32, #tpu.memory_space<vmem>>[vector<16xi32>, vector<16xi32>], vector<16xf32>,
      %gather3A_935 = tpu.vector_load_idx %arg10[%add3A_933, %broadcast_in_dim3A_890] : memref<128x16xf32, #tpu.memory_space<vmem>>[vector<16xi32>, vector<16xi32>], vector<16xf32>,
      %add3A_936 = arith.addf %gather3A_934, %gather3A_935 : vector<16xf32>
      %swap3A_937 = arith.constant 1 : i32
      %swap3A_938 = arith.index_cast %swap3A_937 : i32 to index
      %swap3A_939 = arith.constant 64 : index
      %swap3A_940 = tpu.vector_load %arg12[%swap3A_938, %swap3A_939] {strides = array<i32>} : memref<8x128xf32, #tpu.memory_space<vmem>>, vector<16xf32>,
      tpu.vector_store %arg12[%swap3A_938, %swap3A_939], %add3A_936 {strides = array<i32>} : memref<8x128xf32, #tpu.memory_space<vmem>>, vector<16xf32>,
      %add3A_941 = arith.constant 80 : i32
      %add3A_942 = vector.broadcast %add3A_941 : i32 to vector<16xi32>
      %add3A_943 = arith.addi %iota3A, %add3A_942 : vector<16xi32>
      %gather3A_944 = tpu.vector_load_idx %arg8[%add3A_943, %broadcast_in_dim3A_888] : memref<128x16xf32, #tpu.memory_space<vmem>>[vector<16xi32>, vector<16xi32>], vector<16xf32>,
      %gather3A_945 = tpu.vector_load_idx %arg10[%add3A_943, %broadcast_in_dim3A_890] : memref<128x16xf32, #tpu.memory_space<vmem>>[vector<16xi32>, vector<16xi32>], vector<16xf32>,
      %add3A_946 = arith.addf %gather3A_944, %gather3A_945 : vector<16xf32>
      %swap3A_947 = arith.constant 1 : i32
      %swap3A_948 = arith.index_cast %swap3A_947 : i32 to index
      %swap3A_949 = arith.constant 80 : index
      %swap3A_950 = tpu.vector_load %arg12[%swap3A_948, %swap3A_949] {strides = array<i32>} : memref<8x128xf32, #tpu.memory_space<vmem>>, vector<16xf32>,
      tpu.vector_store %arg12[%swap3A_948, %swap3A_949], %add3A_946 {strides = array<i32>} : memref<8x128xf32, #tpu.memory_space<vmem>>, vector<16xf32>,
      %add3A_951 = arith.constant 96 : i32
      %add3A_952 = vector.broadcast %add3A_951 : i32 to vector<16xi32>
      %add3A_953 = arith.addi %iota3A, %add3A_952 : vector<16xi32>
      %gather3A_954 = tpu.vector_load_idx %arg8[%add3A_953, %broadcast_in_dim3A_888] : memref<128x16xf32, #tpu.memory_space<vmem>>[vector<16xi32>, vector<16xi32>], vector<16xf32>,
      %gather3A_955 = tpu.vector_load_idx %arg10[%add3A_953, %broadcast_in_dim3A_890] : memref<128x16xf32, #tpu.memory_space<vmem>>[vector<16xi32>, vector<16xi32>], vector<16xf32>,
      %add3A_956 = arith.addf %gather3A_954, %gather3A_955 : vector<16xf32>
      %swap3A_957 = arith.constant 1 : i32
      %swap3A_958 = arith.index_cast %swap3A_957 : i32 to index
      %swap3A_959 = arith.constant 96 : index
      %swap3A_960 = tpu.vector_load %arg12[%swap3A_958, %swap3A_959] {strides = array<i32>} : memref<8x128xf32, #tpu.memory_space<vmem>>, vector<16xf32>,
      tpu.vector_store %arg12[%swap3A_958, %swap3A_959], %add3A_956 {strides = array<i32>} : memref<8x128xf32, #tpu.memory_space<vmem>>, vector<16xf32>,
      %add3A_961 = arith.constant 112 : i32
      %add3A_962 = vector.broadcast %add3A_961 : i32 to vector<16xi32>
      %add3A_963 = arith.addi %iota3A, %add3A_962 : vector<16xi32>
      %gather3A_964 = tpu.vector_load_idx %arg8[%add3A_963, %broadcast_in_dim3A_888] : memref<128x16xf32, #tpu.memory_space<vmem>>[vector<16xi32>, vector<16xi32>], vector<16xf32>,
      %gather3A_965 = tpu.vector_load_idx %arg10[%add3A_963, %broadcast_in_dim3A_890] : memref<128x16xf32, #tpu.memory_space<vmem>>[vector<16xi32>, vector<16xi32>], vector<16xf32>,
      %add3A_966 = arith.addf %gather3A_964, %gather3A_965 : vector<16xf32>
      %swap3A_967 = arith.constant 1 : i32
      %swap3A_968 = arith.index_cast %swap3A_967 : i32 to index
      %swap3A_969 = arith.constant 112 : index
      %swap3A_970 = tpu.vector_load %arg12[%swap3A_968, %swap3A_969] {strides = array<i32>} : memref<8x128xf32, #tpu.memory_space<vmem>>, vector<16xf32>,
      tpu.vector_store %arg12[%swap3A_968, %swap3A_969], %add3A_966 {strides = array<i32>} : memref<8x128xf32, #tpu.memory_space<vmem>>, vector<16xf32>,
      %broadcast_in_dim3A_971 = arith.constant 2 : i32
      %broadcast_in_dim3A_972 = vector.broadcast %broadcast_in_dim3A_971 : i32 to vector<16xi32>
      %broadcast_in_dim3A_973 = arith.constant 10 : i32
      %broadcast_in_dim3A_974 = vector.broadcast %broadcast_in_dim3A_973 : i32 to vector<16xi32>
      %add3A_975 = arith.constant 0 : i32
      %add3A_976 = vector.broadcast %add3A_975 : i32 to vector<16xi32>
      %add3A_977 = arith.addi %iota3A, %add3A_976 : vector<16xi32>
      %gather3A_978 = tpu.vector_load_idx %arg8[%add3A_977, %broadcast_in_dim3A_972] : memref<128x16xf32, #tpu.memory_space<vmem>>[vector<16xi32>, vector<16xi32>], vector<16xf32>,
      %gather3A_979 = tpu.vector_load_idx %arg10[%add3A_977, %broadcast_in_dim3A_974] : memref<128x16xf32, #tpu.memory_space<vmem>>[vector<16xi32>, vector<16xi32>], vector<16xf32>,
      %add3A_980 = arith.addf %gather3A_978, %gather3A_979 : vector<16xf32>
      %swap3A_981 = arith.constant 2 : i32
      %swap3A_982 = arith.index_cast %swap3A_981 : i32 to index
      %swap3A_983 = arith.constant 0 : index
      %swap3A_984 = tpu.vector_load %arg12[%swap3A_982, %swap3A_983] {strides = array<i32>} : memref<8x128xf32, #tpu.memory_space<vmem>>, vector<16xf32>,
      tpu.vector_store %arg12[%swap3A_982, %swap3A_983], %add3A_980 {strides = array<i32>} : memref<8x128xf32, #tpu.memory_space<vmem>>, vector<16xf32>,
      %add3A_985 = arith.constant 16 : i32
      %add3A_986 = vector.broadcast %add3A_985 : i32 to vector<16xi32>
      %add3A_987 = arith.addi %iota3A, %add3A_986 : vector<16xi32>
      %gather3A_988 = tpu.vector_load_idx %arg8[%add3A_987, %broadcast_in_dim3A_972] : memref<128x16xf32, #tpu.memory_space<vmem>>[vector<16xi32>, vector<16xi32>], vector<16xf32>,
      %gather3A_989 = tpu.vector_load_idx %arg10[%add3A_987, %broadcast_in_dim3A_974] : memref<128x16xf32, #tpu.memory_space<vmem>>[vector<16xi32>, vector<16xi32>], vector<16xf32>,
      %add3A_990 = arith.addf %gather3A_988, %gather3A_989 : vector<16xf32>
      %swap3A_991 = arith.constant 2 : i32
      %swap3A_992 = arith.index_cast %swap3A_991 : i32 to index
      %swap3A_993 = arith.constant 16 : index
      %swap3A_994 = tpu.vector_load %arg12[%swap3A_992, %swap3A_993] {strides = array<i32>} : memref<8x128xf32, #tpu.memory_space<vmem>>, vector<16xf32>,
      tpu.vector_store %arg12[%swap3A_992, %swap3A_993], %add3A_990 {strides = array<i32>} : memref<8x128xf32, #tpu.memory_space<vmem>>, vector<16xf32>,
      %add3A_995 = arith.constant 32 : i32
      %add3A_996 = vector.broadcast %add3A_995 : i32 to vector<16xi32>
      %add3A_997 = arith.addi %iota3A, %add3A_996 : vector<16xi32>
      %gather3A_998 = tpu.vector_load_idx %arg8[%add3A_997, %broadcast_in_dim3A_972] : memref<128x16xf32, #tpu.memory_space<vmem>>[vector<16xi32>, vector<16xi32>], vector<16xf32>,
      %gather3A_999 = tpu.vector_load_idx %arg10[%add3A_997, %broadcast_in_dim3A_974] : memref<128x16xf32, #tpu.memory_space<vmem>>[vector<16xi32>, vector<16xi32>], vector<16xf32>,
      %add3A_1000 = arith.addf %gather3A_998, %gather3A_999 : vector<16xf32>
      %swap3A_1001 = arith.constant 2 : i32
      %swap3A_1002 = arith.index_cast %swap3A_1001 : i32 to index
      %swap3A_1003 = arith.constant 32 : index
      %swap3A_1004 = tpu.vector_load %arg12[%swap3A_1002, %swap3A_1003] {strides = array<i32>} : memref<8x128xf32, #tpu.memory_space<vmem>>, vector<16xf32>,
      tpu.vector_store %arg12[%swap3A_1002, %swap3A_1003], %add3A_1000 {strides = array<i32>} : memref<8x128xf32, #tpu.memory_space<vmem>>, vector<16xf32>,
      %add3A_1005 = arith.constant 48 : i32
      %add3A_1006 = vector.broadcast %add3A_1005 : i32 to vector<16xi32>
      %add3A_1007 = arith.addi %iota3A, %add3A_1006 : vector<16xi32>
      %gather3A_1008 = tpu.vector_load_idx %arg8[%add3A_1007, %broadcast_in_dim3A_972] : memref<128x16xf32, #tpu.memory_space<vmem>>[vector<16xi32>, vector<16xi32>], vector<16xf32>,
      %gather3A_1009 = tpu.vector_load_idx %arg10[%add3A_1007, %broadcast_in_dim3A_974] : memref<128x16xf32, #tpu.memory_space<vmem>>[vector<16xi32>, vector<16xi32>], vector<16xf32>,
      %add3A_1010 = arith.addf %gather3A_1008, %gather3A_1009 : vector<16xf32>
      %swap3A_1011 = arith.constant 2 : i32
      %swap3A_1012 = arith.index_cast %swap3A_1011 : i32 to index
      %swap3A_1013 = arith.constant 48 : index
      %swap3A_1014 = tpu.vector_load %arg12[%swap3A_1012, %swap3A_1013] {strides = array<i32>} : memref<8x128xf32, #tpu.memory_space<vmem>>, vector<16xf32>,
      tpu.vector_store %arg12[%swap3A_1012, %swap3A_1013], %add3A_1010 {strides = array<i32>} : memref<8x128xf32, #tpu.memory_space<vmem>>, vector<16xf32>,
      %add3A_1015 = arith.constant 64 : i32
      %add3A_1016 = vector.broadcast %add3A_1015 : i32 to vector<16xi32>
      %add3A_1017 = arith.addi %iota3A, %add3A_1016 : vector<16xi32>
      %gather3A_1018 = tpu.vector_load_idx %arg8[%add3A_1017, %broadcast_in_dim3A_972] : memref<128x16xf32, #tpu.memory_space<vmem>>[vector<16xi32>, vector<16xi32>], vector<16xf32>,
      %gather3A_1019 = tpu.vector_load_idx %arg10[%add3A_1017, %broadcast_in_dim3A_974] : memref<128x16xf32, #tpu.memory_space<vmem>>[vector<16xi32>, vector<16xi32>], vector<16xf32>,
      %add3A_1020 = arith.addf %gather3A_1018, %gather3A_1019 : vector<16xf32>
      %swap3A_1021 = arith.constant 2 : i32
      %swap3A_1022 = arith.index_cast %swap3A_1021 : i32 to index
      %swap3A_1023 = arith.constant 64 : index
      %swap3A_1024 = tpu.vector_load %arg12[%swap3A_1022, %swap3A_1023] {strides = array<i32>} : memref<8x128xf32, #tpu.memory_space<vmem>>, vector<16xf32>,
      tpu.vector_store %arg12[%swap3A_1022, %swap3A_1023], %add3A_1020 {strides = array<i32>} : memref<8x128xf32, #tpu.memory_space<vmem>>, vector<16xf32>,
      %add3A_1025 = arith.constant 80 : i32
      %add3A_1026 = vector.broadcast %add3A_1025 : i32 to vector<16xi32>
      %add3A_1027 = arith.addi %iota3A, %add3A_1026 : vector<16xi32>
      %gather3A_1028 = tpu.vector_load_idx %arg8[%add3A_1027, %broadcast_in_dim3A_972] : memref<128x16xf32, #tpu.memory_space<vmem>>[vector<16xi32>, vector<16xi32>], vector<16xf32>,
      %gather3A_1029 = tpu.vector_load_idx %arg10[%add3A_1027, %broadcast_in_dim3A_974] : memref<128x16xf32, #tpu.memory_space<vmem>>[vector<16xi32>, vector<16xi32>], vector<16xf32>,
      %add3A_1030 = arith.addf %gather3A_1028, %gather3A_1029 : vector<16xf32>
      %swap3A_1031 = arith.constant 2 : i32
      %swap3A_1032 = arith.index_cast %swap3A_1031 : i32 to index
      %swap3A_1033 = arith.constant 80 : index
      %swap3A_1034 = tpu.vector_load %arg12[%swap3A_1032, %swap3A_1033] {strides = array<i32>} : memref<8x128xf32, #tpu.memory_space<vmem>>, vector<16xf32>,
      tpu.vector_store %arg12[%swap3A_1032, %swap3A_1033], %add3A_1030 {strides = array<i32>} : memref<8x128xf32, #tpu.memory_space<vmem>>, vector<16xf32>,
      %add3A_1035 = arith.constant 96 : i32
      %add3A_1036 = vector.broadcast %add3A_1035 : i32 to vector<16xi32>
      %add3A_1037 = arith.addi %iota3A, %add3A_1036 : vector<16xi32>
      %gather3A_1038 = tpu.vector_load_idx %arg8[%add3A_1037, %broadcast_in_dim3A_972] : memref<128x16xf32, #tpu.memory_space<vmem>>[vector<16xi32>, vector<16xi32>], vector<16xf32>,
      %gather3A_1039 = tpu.vector_load_idx %arg10[%add3A_1037, %broadcast_in_dim3A_974] : memref<128x16xf32, #tpu.memory_space<vmem>>[vector<16xi32>, vector<16xi32>], vector<16xf32>,
      %add3A_1040 = arith.addf %gather3A_1038, %gather3A_1039 : vector<16xf32>
      %swap3A_1041 = arith.constant 2 : i32
      %swap3A_1042 = arith.index_cast %swap3A_1041 : i32 to index
      %swap3A_1043 = arith.constant 96 : index
      %swap3A_1044 = tpu.vector_load %arg12[%swap3A_1042, %swap3A_1043] {strides = array<i32>} : memref<8x128xf32, #tpu.memory_space<vmem>>, vector<16xf32>,
      tpu.vector_store %arg12[%swap3A_1042, %swap3A_1043], %add3A_1040 {strides = array<i32>} : memref<8x128xf32, #tpu.memory_space<vmem>>, vector<16xf32>,
      %add3A_1045 = arith.constant 112 : i32
      %add3A_1046 = vector.broadcast %add3A_1045 : i32 to vector<16xi32>
      %add3A_1047 = arith.addi %iota3A, %add3A_1046 : vector<16xi32>
      %gather3A_1048 = tpu.vector_load_idx %arg8[%add3A_1047, %broadcast_in_dim3A_972] : memref<128x16xf32, #tpu.memory_space<vmem>>[vector<16xi32>, vector<16xi32>], vector<16xf32>,
      %gather3A_1049 = tpu.vector_load_idx %arg10[%add3A_1047, %broadcast_in_dim3A_974] : memref<128x16xf32, #tpu.memory_space<vmem>>[vector<16xi32>, vector<16xi32>], vector<16xf32>,
      %add3A_1050 = arith.addf %gather3A_1048, %gather3A_1049 : vector<16xf32>
      %swap3A_1051 = arith.constant 2 : i32
      %swap3A_1052 = arith.index_cast %swap3A_1051 : i32 to index
      %swap3A_1053 = arith.constant 112 : index
      %swap3A_1054 = tpu.vector_load %arg12[%swap3A_1052, %swap3A_1053] {strides = array<i32>} : memref<8x128xf32, #tpu.memory_space<vmem>>, vector<16xf32>,
      tpu.vector_store %arg12[%swap3A_1052, %swap3A_1053], %add3A_1050 {strides = array<i32>} : memref<8x128xf32, #tpu.memory_space<vmem>>, vector<16xf32>,
      %broadcast_in_dim3A_1055 = arith.constant 3 : i32
      %broadcast_in_dim3A_1056 = vector.broadcast %broadcast_in_dim3A_1055 : i32 to vector<16xi32>
      %broadcast_in_dim3A_1057 = arith.constant 11 : i32
      %broadcast_in_dim3A_1058 = vector.broadcast %broadcast_in_dim3A_1057 : i32 to vector<16xi32>
      %add3A_1059 = arith.constant 0 : i32
      %add3A_1060 = vector.broadcast %add3A_1059 : i32 to vector<16xi32>
      %add3A_1061 = arith.addi %iota3A, %add3A_1060 : vector<16xi32>
      %gather3A_1062 = tpu.vector_load_idx %arg8[%add3A_1061, %broadcast_in_dim3A_1056] : memref<128x16xf32, #tpu.memory_space<vmem>>[vector<16xi32>, vector<16xi32>], vector<16xf32>,
      %gather3A_1063 = tpu.vector_load_idx %arg10[%add3A_1061, %broadcast_in_dim3A_1058] : memref<128x16xf32, #tpu.memory_space<vmem>>[vector<16xi32>, vector<16xi32>], vector<16xf32>,
      %add3A_1064 = arith.addf %gather3A_1062, %gather3A_1063 : vector<16xf32>
      %swap3A_1065 = arith.constant 3 : i32
      %swap3A_1066 = arith.index_cast %swap3A_1065 : i32 to index
      %swap3A_1067 = arith.constant 0 : index
      %swap3A_1068 = tpu.vector_load %arg12[%swap3A_1066, %swap3A_1067] {strides = array<i32>} : memref<8x128xf32, #tpu.memory_space<vmem>>, vector<16xf32>,
      tpu.vector_store %arg12[%swap3A_1066, %swap3A_1067], %add3A_1064 {strides = array<i32>} : memref<8x128xf32, #tpu.memory_space<vmem>>, vector<16xf32>,
      %add3A_1069 = arith.constant 16 : i32
      %add3A_1070 = vector.broadcast %add3A_1069 : i32 to vector<16xi32>
      %add3A_1071 = arith.addi %iota3A, %add3A_1070 : vector<16xi32>
      %gather3A_1072 = tpu.vector_load_idx %arg8[%add3A_1071, %broadcast_in_dim3A_1056] : memref<128x16xf32, #tpu.memory_space<vmem>>[vector<16xi32>, vector<16xi32>], vector<16xf32>,
      %gather3A_1073 = tpu.vector_load_idx %arg10[%add3A_1071, %broadcast_in_dim3A_1058] : memref<128x16xf32, #tpu.memory_space<vmem>>[vector<16xi32>, vector<16xi32>], vector<16xf32>,
      %add3A_1074 = arith.addf %gather3A_1072, %gather3A_1073 : vector<16xf32>
      %swap3A_1075 = arith.constant 3 : i32
      %swap3A_1076 = arith.index_cast %swap3A_1075 : i32 to index
      %swap3A_1077 = arith.constant 16 : index
      %swap3A_1078 = tpu.vector_load %arg12[%swap3A_1076, %swap3A_1077] {strides = array<i32>} : memref<8x128xf32, #tpu.memory_space<vmem>>, vector<16xf32>,
      tpu.vector_store %arg12[%swap3A_1076, %swap3A_1077], %add3A_1074 {strides = array<i32>} : memref<8x128xf32, #tpu.memory_space<vmem>>, vector<16xf32>,
      %add3A_1079 = arith.constant 32 : i32
      %add3A_1080 = vector.broadcast %add3A_1079 : i32 to vector<16xi32>
      %add3A_1081 = arith.addi %iota3A, %add3A_1080 : vector<16xi32>
      %gather3A_1082 = tpu.vector_load_idx %arg8[%add3A_1081, %broadcast_in_dim3A_1056] : memref<128x16xf32, #tpu.memory_space<vmem>>[vector<16xi32>, vector<16xi32>], vector<16xf32>,
      %gather3A_1083 = tpu.vector_load_idx %arg10[%add3A_1081, %broadcast_in_dim3A_1058] : memref<128x16xf32, #tpu.memory_space<vmem>>[vector<16xi32>, vector<16xi32>], vector<16xf32>,
      %add3A_1084 = arith.addf %gather3A_1082, %gather3A_1083 : vector<16xf32>
      %swap3A_1085 = arith.constant 3 : i32
      %swap3A_1086 = arith.index_cast %swap3A_1085 : i32 to index
      %swap3A_1087 = arith.constant 32 : index
      %swap3A_1088 = tpu.vector_load %arg12[%swap3A_1086, %swap3A_1087] {strides = array<i32>} : memref<8x128xf32, #tpu.memory_space<vmem>>, vector<16xf32>,
      tpu.vector_store %arg12[%swap3A_1086, %swap3A_1087], %add3A_1084 {strides = array<i32>} : memref<8x128xf32, #tpu.memory_space<vmem>>, vector<16xf32>,
      %add3A_1089 = arith.constant 48 : i32
      %add3A_1090 = vector.broadcast %add3A_1089 : i32 to vector<16xi32>
      %add3A_1091 = arith.addi %iota3A, %add3A_1090 : vector<16xi32>
      %gather3A_1092 = tpu.vector_load_idx %arg8[%add3A_1091, %broadcast_in_dim3A_1056] : memref<128x16xf32, #tpu.memory_space<vmem>>[vector<16xi32>, vector<16xi32>], vector<16xf32>,
      %gather3A_1093 = tpu.vector_load_idx %arg10[%add3A_1091, %broadcast_in_dim3A_1058] : memref<128x16xf32, #tpu.memory_space<vmem>>[vector<16xi32>, vector<16xi32>], vector<16xf32>,
      %add3A_1094 = arith.addf %gather3A_1092, %gather3A_1093 : vector<16xf32>
      %swap3A_1095 = arith.constant 3 : i32
      %swap3A_1096 = arith.index_cast %swap3A_1095 : i32 to index
      %swap3A_1097 = arith.constant 48 : index
      %swap3A_1098 = tpu.vector_load %arg12[%swap3A_1096, %swap3A_1097] {strides = array<i32>} : memref<8x128xf32, #tpu.memory_space<vmem>>, vector<16xf32>,
      tpu.vector_store %arg12[%swap3A_1096, %swap3A_1097], %add3A_1094 {strides = array<i32>} : memref<8x128xf32, #tpu.memory_space<vmem>>, vector<16xf32>,
      %add3A_1099 = arith.constant 64 : i32
      %add3A_1100 = vector.broadcast %add3A_1099 : i32 to vector<16xi32>
      %add3A_1101 = arith.addi %iota3A, %add3A_1100 : vector<16xi32>
      %gather3A_1102 = tpu.vector_load_idx %arg8[%add3A_1101, %broadcast_in_dim3A_1056] : memref<128x16xf32, #tpu.memory_space<vmem>>[vector<16xi32>, vector<16xi32>], vector<16xf32>,
      %gather3A_1103 = tpu.vector_load_idx %arg10[%add3A_1101, %broadcast_in_dim3A_1058] : memref<128x16xf32, #tpu.memory_space<vmem>>[vector<16xi32>, vector<16xi32>], vector<16xf32>,
      %add3A_1104 = arith.addf %gather3A_1102, %gather3A_1103 : vector<16xf32>
      %swap3A_1105 = arith.constant 3 : i32
      %swap3A_1106 = arith.index_cast %swap3A_1105 : i32 to index
      %swap3A_1107 = arith.constant 64 : index
      %swap3A_1108 = tpu.vector_load %arg12[%swap3A_1106, %swap3A_1107] {strides = array<i32>} : memref<8x128xf32, #tpu.memory_space<vmem>>, vector<16xf32>,
      tpu.vector_store %arg12[%swap3A_1106, %swap3A_1107], %add3A_1104 {strides = array<i32>} : memref<8x128xf32, #tpu.memory_space<vmem>>, vector<16xf32>,
      %add3A_1109 = arith.constant 80 : i32
      %add3A_1110 = vector.broadcast %add3A_1109 : i32 to vector<16xi32>
      %add3A_1111 = arith.addi %iota3A, %add3A_1110 : vector<16xi32>
      %gather3A_1112 = tpu.vector_load_idx %arg8[%add3A_1111, %broadcast_in_dim3A_1056] : memref<128x16xf32, #tpu.memory_space<vmem>>[vector<16xi32>, vector<16xi32>], vector<16xf32>,
      %gather3A_1113 = tpu.vector_load_idx %arg10[%add3A_1111, %broadcast_in_dim3A_1058] : memref<128x16xf32, #tpu.memory_space<vmem>>[vector<16xi32>, vector<16xi32>], vector<16xf32>,
      %add3A_1114 = arith.addf %gather3A_1112, %gather3A_1113 : vector<16xf32>
      %swap3A_1115 = arith.constant 3 : i32
      %swap3A_1116 = arith.index_cast %swap3A_1115 : i32 to index
      %swap3A_1117 = arith.constant 80 : index
      %swap3A_1118 = tpu.vector_load %arg12[%swap3A_1116, %swap3A_1117] {strides = array<i32>} : memref<8x128xf32, #tpu.memory_space<vmem>>, vector<16xf32>,
      tpu.vector_store %arg12[%swap3A_1116, %swap3A_1117], %add3A_1114 {strides = array<i32>} : memref<8x128xf32, #tpu.memory_space<vmem>>, vector<16xf32>,
      %add3A_1119 = arith.constant 96 : i32
      %add3A_1120 = vector.broadcast %add3A_1119 : i32 to vector<16xi32>
      %add3A_1121 = arith.addi %iota3A, %add3A_1120 : vector<16xi32>
      %gather3A_1122 = tpu.vector_load_idx %arg8[%add3A_1121, %broadcast_in_dim3A_1056] : memref<128x16xf32, #tpu.memory_space<vmem>>[vector<16xi32>, vector<16xi32>], vector<16xf32>,
      %gather3A_1123 = tpu.vector_load_idx %arg10[%add3A_1121, %broadcast_in_dim3A_1058] : memref<128x16xf32, #tpu.memory_space<vmem>>[vector<16xi32>, vector<16xi32>], vector<16xf32>,
      %add3A_1124 = arith.addf %gather3A_1122, %gather3A_1123 : vector<16xf32>
      %swap3A_1125 = arith.constant 3 : i32
      %swap3A_1126 = arith.index_cast %swap3A_1125 : i32 to index
      %swap3A_1127 = arith.constant 96 : index
      %swap3A_1128 = tpu.vector_load %arg12[%swap3A_1126, %swap3A_1127] {strides = array<i32>} : memref<8x128xf32, #tpu.memory_space<vmem>>, vector<16xf32>,
      tpu.vector_store %arg12[%swap3A_1126, %swap3A_1127], %add3A_1124 {strides = array<i32>} : memref<8x128xf32, #tpu.memory_space<vmem>>, vector<16xf32>,
      %add3A_1129 = arith.constant 112 : i32
      %add3A_1130 = vector.broadcast %add3A_1129 : i32 to vector<16xi32>
      %add3A_1131 = arith.addi %iota3A, %add3A_1130 : vector<16xi32>
      %gather3A_1132 = tpu.vector_load_idx %arg8[%add3A_1131, %broadcast_in_dim3A_1056] : memref<128x16xf32, #tpu.memory_space<vmem>>[vector<16xi32>, vector<16xi32>], vector<16xf32>,
      %gather3A_1133 = tpu.vector_load_idx %arg10[%add3A_1131, %broadcast_in_dim3A_1058] : memref<128x16xf32, #tpu.memory_space<vmem>>[vector<16xi32>, vector<16xi32>], vector<16xf32>,
      %add3A_1134 = arith.addf %gather3A_1132, %gather3A_1133 : vector<16xf32>
      %swap3A_1135 = arith.constant 3 : i32
      %swap3A_1136 = arith.index_cast %swap3A_1135 : i32 to index
      %swap3A_1137 = arith.constant 112 : index
      %swap3A_1138 = tpu.vector_load %arg12[%swap3A_1136, %swap3A_1137] {strides = array<i32>} : memref<8x128xf32, #tpu.memory_space<vmem>>, vector<16xf32>,
      tpu.vector_store %arg12[%swap3A_1136, %swap3A_1137], %add3A_1134 {strides = array<i32>} : memref<8x128xf32, #tpu.memory_space<vmem>>, vector<16xf32>,
      %broadcast_in_dim3A_1139 = arith.constant 4 : i32
      %broadcast_in_dim3A_1140 = vector.broadcast %broadcast_in_dim3A_1139 : i32 to vector<16xi32>
      %broadcast_in_dim3A_1141 = arith.constant 12 : i32
      %broadcast_in_dim3A_1142 = vector.broadcast %broadcast_in_dim3A_1141 : i32 to vector<16xi32>
      %add3A_1143 = arith.constant 0 : i32
      %add3A_1144 = vector.broadcast %add3A_1143 : i32 to vector<16xi32>
      %add3A_1145 = arith.addi %iota3A, %add3A_1144 : vector<16xi32>
      %gather3A_1146 = tpu.vector_load_idx %arg8[%add3A_1145, %broadcast_in_dim3A_1140] : memref<128x16xf32, #tpu.memory_space<vmem>>[vector<16xi32>, vector<16xi32>], vector<16xf32>,
      %gather3A_1147 = tpu.vector_load_idx %arg10[%add3A_1145, %broadcast_in_dim3A_1142] : memref<128x16xf32, #tpu.memory_space<vmem>>[vector<16xi32>, vector<16xi32>], vector<16xf32>,
      %add3A_1148 = arith.addf %gather3A_1146, %gather3A_1147 : vector<16xf32>
      %swap3A_1149 = arith.constant 4 : i32
      %swap3A_1150 = arith.index_cast %swap3A_1149 : i32 to index
      %swap3A_1151 = arith.constant 0 : index
      %swap3A_1152 = tpu.vector_load %arg12[%swap3A_1150, %swap3A_1151] {strides = array<i32>} : memref<8x128xf32, #tpu.memory_space<vmem>>, vector<16xf32>,
      tpu.vector_store %arg12[%swap3A_1150, %swap3A_1151], %add3A_1148 {strides = array<i32>} : memref<8x128xf32, #tpu.memory_space<vmem>>, vector<16xf32>,
      %add3A_1153 = arith.constant 16 : i32
      %add3A_1154 = vector.broadcast %add3A_1153 : i32 to vector<16xi32>
      %add3A_1155 = arith.addi %iota3A, %add3A_1154 : vector<16xi32>
      %gather3A_1156 = tpu.vector_load_idx %arg8[%add3A_1155, %broadcast_in_dim3A_1140] : memref<128x16xf32, #tpu.memory_space<vmem>>[vector<16xi32>, vector<16xi32>], vector<16xf32>,
      %gather3A_1157 = tpu.vector_load_idx %arg10[%add3A_1155, %broadcast_in_dim3A_1142] : memref<128x16xf32, #tpu.memory_space<vmem>>[vector<16xi32>, vector<16xi32>], vector<16xf32>,
      %add3A_1158 = arith.addf %gather3A_1156, %gather3A_1157 : vector<16xf32>
      %swap3A_1159 = arith.constant 4 : i32
      %swap3A_1160 = arith.index_cast %swap3A_1159 : i32 to index
      %swap3A_1161 = arith.constant 16 : index
      %swap3A_1162 = tpu.vector_load %arg12[%swap3A_1160, %swap3A_1161] {strides = array<i32>} : memref<8x128xf32, #tpu.memory_space<vmem>>, vector<16xf32>,
      tpu.vector_store %arg12[%swap3A_1160, %swap3A_1161], %add3A_1158 {strides = array<i32>} : memref<8x128xf32, #tpu.memory_space<vmem>>, vector<16xf32>,
      %add3A_1163 = arith.constant 32 : i32
      %add3A_1164 = vector.broadcast %add3A_1163 : i32 to vector<16xi32>
      %add3A_1165 = arith.addi %iota3A, %add3A_1164 : vector<16xi32>
      %gather3A_1166 = tpu.vector_load_idx %arg8[%add3A_1165, %broadcast_in_dim3A_1140] : memref<128x16xf32, #tpu.memory_space<vmem>>[vector<16xi32>, vector<16xi32>], vector<16xf32>,
      %gather3A_1167 = tpu.vector_load_idx %arg10[%add3A_1165, %broadcast_in_dim3A_1142] : memref<128x16xf32, #tpu.memory_space<vmem>>[vector<16xi32>, vector<16xi32>], vector<16xf32>,
      %add3A_1168 = arith.addf %gather3A_1166, %gather3A_1167 : vector<16xf32>
      %swap3A_1169 = arith.constant 4 : i32
      %swap3A_1170 = arith.index_cast %swap3A_1169 : i32 to index
      %swap3A_1171 = arith.constant 32 : index
      %swap3A_1172 = tpu.vector_load %arg12[%swap3A_1170, %swap3A_1171] {strides = array<i32>} : memref<8x128xf32, #tpu.memory_space<vmem>>, vector<16xf32>,
      tpu.vector_store %arg12[%swap3A_1170, %swap3A_1171], %add3A_1168 {strides = array<i32>} : memref<8x128xf32, #tpu.memory_space<vmem>>, vector<16xf32>,
      %add3A_1173 = arith.constant 48 : i32
      %add3A_1174 = vector.broadcast %add3A_1173 : i32 to vector<16xi32>
      %add3A_1175 = arith.addi %iota3A, %add3A_1174 : vector<16xi32>
      %gather3A_1176 = tpu.vector_load_idx %arg8[%add3A_1175, %broadcast_in_dim3A_1140] : memref<128x16xf32, #tpu.memory_space<vmem>>[vector<16xi32>, vector<16xi32>], vector<16xf32>,
      %gather3A_1177 = tpu.vector_load_idx %arg10[%add3A_1175, %broadcast_in_dim3A_1142] : memref<128x16xf32, #tpu.memory_space<vmem>>[vector<16xi32>, vector<16xi32>], vector<16xf32>,
      %add3A_1178 = arith.addf %gather3A_1176, %gather3A_1177 : vector<16xf32>
      %swap3A_1179 = arith.constant 4 : i32
      %swap3A_1180 = arith.index_cast %swap3A_1179 : i32 to index
      %swap3A_1181 = arith.constant 48 : index
      %swap3A_1182 = tpu.vector_load %arg12[%swap3A_1180, %swap3A_1181] {strides = array<i32>} : memref<8x128xf32, #tpu.memory_space<vmem>>, vector<16xf32>,
      tpu.vector_store %arg12[%swap3A_1180, %swap3A_1181], %add3A_1178 {strides = array<i32>} : memref<8x128xf32, #tpu.memory_space<vmem>>, vector<16xf32>,
      %add3A_1183 = arith.constant 64 : i32
      %add3A_1184 = vector.broadcast %add3A_1183 : i32 to vector<16xi32>
      %add3A_1185 = arith.addi %iota3A, %add3A_1184 : vector<16xi32>
      %gather3A_1186 = tpu.vector_load_idx %arg8[%add3A_1185, %broadcast_in_dim3A_1140] : memref<128x16xf32, #tpu.memory_space<vmem>>[vector<16xi32>, vector<16xi32>], vector<16xf32>,
      %gather3A_1187 = tpu.vector_load_idx %arg10[%add3A_1185, %broadcast_in_dim3A_1142] : memref<128x16xf32, #tpu.memory_space<vmem>>[vector<16xi32>, vector<16xi32>], vector<16xf32>,
      %add3A_1188 = arith.addf %gather3A_1186, %gather3A_1187 : vector<16xf32>
      %swap3A_1189 = arith.constant 4 : i32
      %swap3A_1190 = arith.index_cast %swap3A_1189 : i32 to index
      %swap3A_1191 = arith.constant 64 : index
      %swap3A_1192 = tpu.vector_load %arg12[%swap3A_1190, %swap3A_1191] {strides = array<i32>} : memref<8x128xf32, #tpu.memory_space<vmem>>, vector<16xf32>,
      tpu.vector_store %arg12[%swap3A_1190, %swap3A_1191], %add3A_1188 {strides = array<i32>} : memref<8x128xf32, #tpu.memory_space<vmem>>, vector<16xf32>,
      %add3A_1193 = arith.constant 80 : i32
      %add3A_1194 = vector.broadcast %add3A_1193 : i32 to vector<16xi32>
      %add3A_1195 = arith.addi %iota3A, %add3A_1194 : vector<16xi32>
      %gather3A_1196 = tpu.vector_load_idx %arg8[%add3A_1195, %broadcast_in_dim3A_1140] : memref<128x16xf32, #tpu.memory_space<vmem>>[vector<16xi32>, vector<16xi32>], vector<16xf32>,
      %gather3A_1197 = tpu.vector_load_idx %arg10[%add3A_1195, %broadcast_in_dim3A_1142] : memref<128x16xf32, #tpu.memory_space<vmem>>[vector<16xi32>, vector<16xi32>], vector<16xf32>,
      %add3A_1198 = arith.addf %gather3A_1196, %gather3A_1197 : vector<16xf32>
      %swap3A_1199 = arith.constant 4 : i32
      %swap3A_1200 = arith.index_cast %swap3A_1199 : i32 to index
      %swap3A_1201 = arith.constant 80 : index
      %swap3A_1202 = tpu.vector_load %arg12[%swap3A_1200, %swap3A_1201] {strides = array<i32>} : memref<8x128xf32, #tpu.memory_space<vmem>>, vector<16xf32>,
      tpu.vector_store %arg12[%swap3A_1200, %swap3A_1201], %add3A_1198 {strides = array<i32>} : memref<8x128xf32, #tpu.memory_space<vmem>>, vector<16xf32>,
      %add3A_1203 = arith.constant 96 : i32
      %add3A_1204 = vector.broadcast %add3A_1203 : i32 to vector<16xi32>
      %add3A_1205 = arith.addi %iota3A, %add3A_1204 : vector<16xi32>
      %gather3A_1206 = tpu.vector_load_idx %arg8[%add3A_1205, %broadcast_in_dim3A_1140] : memref<128x16xf32, #tpu.memory_space<vmem>>[vector<16xi32>, vector<16xi32>], vector<16xf32>,
      %gather3A_1207 = tpu.vector_load_idx %arg10[%add3A_1205, %broadcast_in_dim3A_1142] : memref<128x16xf32, #tpu.memory_space<vmem>>[vector<16xi32>, vector<16xi32>], vector<16xf32>,
      %add3A_1208 = arith.addf %gather3A_1206, %gather3A_1207 : vector<16xf32>
      %swap3A_1209 = arith.constant 4 : i32
      %swap3A_1210 = arith.index_cast %swap3A_1209 : i32 to index
      %swap3A_1211 = arith.constant 96 : index
      %swap3A_1212 = tpu.vector_load %arg12[%swap3A_1210, %swap3A_1211] {strides = array<i32>} : memref<8x128xf32, #tpu.memory_space<vmem>>, vector<16xf32>,
      tpu.vector_store %arg12[%swap3A_1210, %swap3A_1211], %add3A_1208 {strides = array<i32>} : memref<8x128xf32, #tpu.memory_space<vmem>>, vector<16xf32>,
      %add3A_1213 = arith.constant 112 : i32
      %add3A_1214 = vector.broadcast %add3A_1213 : i32 to vector<16xi32>
      %add3A_1215 = arith.addi %iota3A, %add3A_1214 : vector<16xi32>
      %gather3A_1216 = tpu.vector_load_idx %arg8[%add3A_1215, %broadcast_in_dim3A_1140] : memref<128x16xf32, #tpu.memory_space<vmem>>[vector<16xi32>, vector<16xi32>], vector<16xf32>,
      %gather3A_1217 = tpu.vector_load_idx %arg10[%add3A_1215, %broadcast_in_dim3A_1142] : memref<128x16xf32, #tpu.memory_space<vmem>>[vector<16xi32>, vector<16xi32>], vector<16xf32>,
      %add3A_1218 = arith.addf %gather3A_1216, %gather3A_1217 : vector<16xf32>
      %swap3A_1219 = arith.constant 4 : i32
      %swap3A_1220 = arith.index_cast %swap3A_1219 : i32 to index
      %swap3A_1221 = arith.constant 112 : index
      %swap3A_1222 = tpu.vector_load %arg12[%swap3A_1220, %swap3A_1221] {strides = array<i32>} : memref<8x128xf32, #tpu.memory_space<vmem>>, vector<16xf32>,
      tpu.vector_store %arg12[%swap3A_1220, %swap3A_1221], %add3A_1218 {strides = array<i32>} : memref<8x128xf32, #tpu.memory_space<vmem>>, vector<16xf32>,
      %broadcast_in_dim3A_1223 = arith.constant 5 : i32
      %broadcast_in_dim3A_1224 = vector.broadcast %broadcast_in_dim3A_1223 : i32 to vector<16xi32>
      %broadcast_in_dim3A_1225 = arith.constant 13 : i32
      %broadcast_in_dim3A_1226 = vector.broadcast %broadcast_in_dim3A_1225 : i32 to vector<16xi32>
      %add3A_1227 = arith.constant 0 : i32
      %add3A_1228 = vector.broadcast %add3A_1227 : i32 to vector<16xi32>
      %add3A_1229 = arith.addi %iota3A, %add3A_1228 : vector<16xi32>
      %gather3A_1230 = tpu.vector_load_idx %arg8[%add3A_1229, %broadcast_in_dim3A_1224] : memref<128x16xf32, #tpu.memory_space<vmem>>[vector<16xi32>, vector<16xi32>], vector<16xf32>,
      %gather3A_1231 = tpu.vector_load_idx %arg10[%add3A_1229, %broadcast_in_dim3A_1226] : memref<128x16xf32, #tpu.memory_space<vmem>>[vector<16xi32>, vector<16xi32>], vector<16xf32>,
      %add3A_1232 = arith.addf %gather3A_1230, %gather3A_1231 : vector<16xf32>
      %swap3A_1233 = arith.constant 5 : i32
      %swap3A_1234 = arith.index_cast %swap3A_1233 : i32 to index
      %swap3A_1235 = arith.constant 0 : index
      %swap3A_1236 = tpu.vector_load %arg12[%swap3A_1234, %swap3A_1235] {strides = array<i32>} : memref<8x128xf32, #tpu.memory_space<vmem>>, vector<16xf32>,
      tpu.vector_store %arg12[%swap3A_1234, %swap3A_1235], %add3A_1232 {strides = array<i32>} : memref<8x128xf32, #tpu.memory_space<vmem>>, vector<16xf32>,
      %add3A_1237 = arith.constant 16 : i32
      %add3A_1238 = vector.broadcast %add3A_1237 : i32 to vector<16xi32>
      %add3A_1239 = arith.addi %iota3A, %add3A_1238 : vector<16xi32>
      %gather3A_1240 = tpu.vector_load_idx %arg8[%add3A_1239, %broadcast_in_dim3A_1224] : memref<128x16xf32, #tpu.memory_space<vmem>>[vector<16xi32>, vector<16xi32>], vector<16xf32>,
      %gather3A_1241 = tpu.vector_load_idx %arg10[%add3A_1239, %broadcast_in_dim3A_1226] : memref<128x16xf32, #tpu.memory_space<vmem>>[vector<16xi32>, vector<16xi32>], vector<16xf32>,
      %add3A_1242 = arith.addf %gather3A_1240, %gather3A_1241 : vector<16xf32>
      %swap3A_1243 = arith.constant 5 : i32
      %swap3A_1244 = arith.index_cast %swap3A_1243 : i32 to index
      %swap3A_1245 = arith.constant 16 : index
      %swap3A_1246 = tpu.vector_load %arg12[%swap3A_1244, %swap3A_1245] {strides = array<i32>} : memref<8x128xf32, #tpu.memory_space<vmem>>, vector<16xf32>,
      tpu.vector_store %arg12[%swap3A_1244, %swap3A_1245], %add3A_1242 {strides = array<i32>} : memref<8x128xf32, #tpu.memory_space<vmem>>, vector<16xf32>,
      %add3A_1247 = arith.constant 32 : i32
      %add3A_1248 = vector.broadcast %add3A_1247 : i32 to vector<16xi32>
      %add3A_1249 = arith.addi %iota3A, %add3A_1248 : vector<16xi32>
      %gather3A_1250 = tpu.vector_load_idx %arg8[%add3A_1249, %broadcast_in_dim3A_1224] : memref<128x16xf32, #tpu.memory_space<vmem>>[vector<16xi32>, vector<16xi32>], vector<16xf32>,
      %gather3A_1251 = tpu.vector_load_idx %arg10[%add3A_1249, %broadcast_in_dim3A_1226] : memref<128x16xf32, #tpu.memory_space<vmem>>[vector<16xi32>, vector<16xi32>], vector<16xf32>,
      %add3A_1252 = arith.addf %gather3A_1250, %gather3A_1251 : vector<16xf32>
      %swap3A_1253 = arith.constant 5 : i32
      %swap3A_1254 = arith.index_cast %swap3A_1253 : i32 to index
      %swap3A_1255 = arith.constant 32 : index
      %swap3A_1256 = tpu.vector_load %arg12[%swap3A_1254, %swap3A_1255] {strides = array<i32>} : memref<8x128xf32, #tpu.memory_space<vmem>>, vector<16xf32>,
      tpu.vector_store %arg12[%swap3A_1254, %swap3A_1255], %add3A_1252 {strides = array<i32>} : memref<8x128xf32, #tpu.memory_space<vmem>>, vector<16xf32>,
      %add3A_1257 = arith.constant 48 : i32
      %add3A_1258 = vector.broadcast %add3A_1257 : i32 to vector<16xi32>
      %add3A_1259 = arith.addi %iota3A, %add3A_1258 : vector<16xi32>
      %gather3A_1260 = tpu.vector_load_idx %arg8[%add3A_1259, %broadcast_in_dim3A_1224] : memref<128x16xf32, #tpu.memory_space<vmem>>[vector<16xi32>, vector<16xi32>], vector<16xf32>,
      %gather3A_1261 = tpu.vector_load_idx %arg10[%add3A_1259, %broadcast_in_dim3A_1226] : memref<128x16xf32, #tpu.memory_space<vmem>>[vector<16xi32>, vector<16xi32>], vector<16xf32>,
      %add3A_1262 = arith.addf %gather3A_1260, %gather3A_1261 : vector<16xf32>
      %swap3A_1263 = arith.constant 5 : i32
      %swap3A_1264 = arith.index_cast %swap3A_1263 : i32 to index
      %swap3A_1265 = arith.constant 48 : index
      %swap3A_1266 = tpu.vector_load %arg12[%swap3A_1264, %swap3A_1265] {strides = array<i32>} : memref<8x128xf32, #tpu.memory_space<vmem>>, vector<16xf32>,
      tpu.vector_store %arg12[%swap3A_1264, %swap3A_1265], %add3A_1262 {strides = array<i32>} : memref<8x128xf32, #tpu.memory_space<vmem>>, vector<16xf32>,
      %add3A_1267 = arith.constant 64 : i32
      %add3A_1268 = vector.broadcast %add3A_1267 : i32 to vector<16xi32>
      %add3A_1269 = arith.addi %iota3A, %add3A_1268 : vector<16xi32>
      %gather3A_1270 = tpu.vector_load_idx %arg8[%add3A_1269, %broadcast_in_dim3A_1224] : memref<128x16xf32, #tpu.memory_space<vmem>>[vector<16xi32>, vector<16xi32>], vector<16xf32>,
      %gather3A_1271 = tpu.vector_load_idx %arg10[%add3A_1269, %broadcast_in_dim3A_1226] : memref<128x16xf32, #tpu.memory_space<vmem>>[vector<16xi32>, vector<16xi32>], vector<16xf32>,
      %add3A_1272 = arith.addf %gather3A_1270, %gather3A_1271 : vector<16xf32>
      %swap3A_1273 = arith.constant 5 : i32
      %swap3A_1274 = arith.index_cast %swap3A_1273 : i32 to index
      %swap3A_1275 = arith.constant 64 : index
      %swap3A_1276 = tpu.vector_load %arg12[%swap3A_1274, %swap3A_1275] {strides = array<i32>} : memref<8x128xf32, #tpu.memory_space<vmem>>, vector<16xf32>,
      tpu.vector_store %arg12[%swap3A_1274, %swap3A_1275], %add3A_1272 {strides = array<i32>} : memref<8x128xf32, #tpu.memory_space<vmem>>, vector<16xf32>,
      %add3A_1277 = arith.constant 80 : i32
      %add3A_1278 = vector.broadcast %add3A_1277 : i32 to vector<16xi32>
      %add3A_1279 = arith.addi %iota3A, %add3A_1278 : vector<16xi32>
      %gather3A_1280 = tpu.vector_load_idx %arg8[%add3A_1279, %broadcast_in_dim3A_1224] : memref<128x16xf32, #tpu.memory_space<vmem>>[vector<16xi32>, vector<16xi32>], vector<16xf32>,
      %gather3A_1281 = tpu.vector_load_idx %arg10[%add3A_1279, %broadcast_in_dim3A_1226] : memref<128x16xf32, #tpu.memory_space<vmem>>[vector<16xi32>, vector<16xi32>], vector<16xf32>,
      %add3A_1282 = arith.addf %gather3A_1280, %gather3A_1281 : vector<16xf32>
      %swap3A_1283 = arith.constant 5 : i32
      %swap3A_1284 = arith.index_cast %swap3A_1283 : i32 to index
      %swap3A_1285 = arith.constant 80 : index
      %swap3A_1286 = tpu.vector_load %arg12[%swap3A_1284, %swap3A_1285] {strides = array<i32>} : memref<8x128xf32, #tpu.memory_space<vmem>>, vector<16xf32>,
      tpu.vector_store %arg12[%swap3A_1284, %swap3A_1285], %add3A_1282 {strides = array<i32>} : memref<8x128xf32, #tpu.memory_space<vmem>>, vector<16xf32>,
      %add3A_1287 = arith.constant 96 : i32
      %add3A_1288 = vector.broadcast %add3A_1287 : i32 to vector<16xi32>
      %add3A_1289 = arith.addi %iota3A, %add3A_1288 : vector<16xi32>
      %gather3A_1290 = tpu.vector_load_idx %arg8[%add3A_1289, %broadcast_in_dim3A_1224] : memref<128x16xf32, #tpu.memory_space<vmem>>[vector<16xi32>, vector<16xi32>], vector<16xf32>,
      %gather3A_1291 = tpu.vector_load_idx %arg10[%add3A_1289, %broadcast_in_dim3A_1226] : memref<128x16xf32, #tpu.memory_space<vmem>>[vector<16xi32>, vector<16xi32>], vector<16xf32>,
      %add3A_1292 = arith.addf %gather3A_1290, %gather3A_1291 : vector<16xf32>
      %swap3A_1293 = arith.constant 5 : i32
      %swap3A_1294 = arith.index_cast %swap3A_1293 : i32 to index
      %swap3A_1295 = arith.constant 96 : index
      %swap3A_1296 = tpu.vector_load %arg12[%swap3A_1294, %swap3A_1295] {strides = array<i32>} : memref<8x128xf32, #tpu.memory_space<vmem>>, vector<16xf32>,
      tpu.vector_store %arg12[%swap3A_1294, %swap3A_1295], %add3A_1292 {strides = array<i32>} : memref<8x128xf32, #tpu.memory_space<vmem>>, vector<16xf32>,
      %add3A_1297 = arith.constant 112 : i32
      %add3A_1298 = vector.broadcast %add3A_1297 : i32 to vector<16xi32>
      %add3A_1299 = arith.addi %iota3A, %add3A_1298 : vector<16xi32>
      %gather3A_1300 = tpu.vector_load_idx %arg8[%add3A_1299, %broadcast_in_dim3A_1224] : memref<128x16xf32, #tpu.memory_space<vmem>>[vector<16xi32>, vector<16xi32>], vector<16xf32>,
      %gather3A_1301 = tpu.vector_load_idx %arg10[%add3A_1299, %broadcast_in_dim3A_1226] : memref<128x16xf32, #tpu.memory_space<vmem>>[vector<16xi32>, vector<16xi32>], vector<16xf32>,
      %add3A_1302 = arith.addf %gather3A_1300, %gather3A_1301 : vector<16xf32>
      %swap3A_1303 = arith.constant 5 : i32
      %swap3A_1304 = arith.index_cast %swap3A_1303 : i32 to index
      %swap3A_1305 = arith.constant 112 : index
      %swap3A_1306 = tpu.vector_load %arg12[%swap3A_1304, %swap3A_1305] {strides = array<i32>} : memref<8x128xf32, #tpu.memory_space<vmem>>, vector<16xf32>,
      tpu.vector_store %arg12[%swap3A_1304, %swap3A_1305], %add3A_1302 {strides = array<i32>} : memref<8x128xf32, #tpu.memory_space<vmem>>, vector<16xf32>,
      %broadcast_in_dim3A_1307 = arith.constant 6 : i32
      %broadcast_in_dim3A_1308 = vector.broadcast %broadcast_in_dim3A_1307 : i32 to vector<16xi32>
      %broadcast_in_dim3A_1309 = arith.constant 14 : i32
      %broadcast_in_dim3A_1310 = vector.broadcast %broadcast_in_dim3A_1309 : i32 to vector<16xi32>
      %add3A_1311 = arith.constant 0 : i32
      %add3A_1312 = vector.broadcast %add3A_1311 : i32 to vector<16xi32>
      %add3A_1313 = arith.addi %iota3A, %add3A_1312 : vector<16xi32>
      %gather3A_1314 = tpu.vector_load_idx %arg8[%add3A_1313, %broadcast_in_dim3A_1308] : memref<128x16xf32, #tpu.memory_space<vmem>>[vector<16xi32>, vector<16xi32>], vector<16xf32>,
      %gather3A_1315 = tpu.vector_load_idx %arg10[%add3A_1313, %broadcast_in_dim3A_1310] : memref<128x16xf32, #tpu.memory_space<vmem>>[vector<16xi32>, vector<16xi32>], vector<16xf32>,
      %add3A_1316 = arith.addf %gather3A_1314, %gather3A_1315 : vector<16xf32>
      %swap3A_1317 = arith.constant 6 : i32
      %swap3A_1318 = arith.index_cast %swap3A_1317 : i32 to index
      %swap3A_1319 = arith.constant 0 : index
      %swap3A_1320 = tpu.vector_load %arg12[%swap3A_1318, %swap3A_1319] {strides = array<i32>} : memref<8x128xf32, #tpu.memory_space<vmem>>, vector<16xf32>,
      tpu.vector_store %arg12[%swap3A_1318, %swap3A_1319], %add3A_1316 {strides = array<i32>} : memref<8x128xf32, #tpu.memory_space<vmem>>, vector<16xf32>,
      %add3A_1321 = arith.constant 16 : i32
      %add3A_1322 = vector.broadcast %add3A_1321 : i32 to vector<16xi32>
      %add3A_1323 = arith.addi %iota3A, %add3A_1322 : vector<16xi32>
      %gather3A_1324 = tpu.vector_load_idx %arg8[%add3A_1323, %broadcast_in_dim3A_1308] : memref<128x16xf32, #tpu.memory_space<vmem>>[vector<16xi32>, vector<16xi32>], vector<16xf32>,
      %gather3A_1325 = tpu.vector_load_idx %arg10[%add3A_1323, %broadcast_in_dim3A_1310] : memref<128x16xf32, #tpu.memory_space<vmem>>[vector<16xi32>, vector<16xi32>], vector<16xf32>,
      %add3A_1326 = arith.addf %gather3A_1324, %gather3A_1325 : vector<16xf32>
      %swap3A_1327 = arith.constant 6 : i32
      %swap3A_1328 = arith.index_cast %swap3A_1327 : i32 to index
      %swap3A_1329 = arith.constant 16 : index
      %swap3A_1330 = tpu.vector_load %arg12[%swap3A_1328, %swap3A_1329] {strides = array<i32>} : memref<8x128xf32, #tpu.memory_space<vmem>>, vector<16xf32>,
      tpu.vector_store %arg12[%swap3A_1328, %swap3A_1329], %add3A_1326 {strides = array<i32>} : memref<8x128xf32, #tpu.memory_space<vmem>>, vector<16xf32>,
      %add3A_1331 = arith.constant 32 : i32
      %add3A_1332 = vector.broadcast %add3A_1331 : i32 to vector<16xi32>
      %add3A_1333 = arith.addi %iota3A, %add3A_1332 : vector<16xi32>
      %gather3A_1334 = tpu.vector_load_idx %arg8[%add3A_1333, %broadcast_in_dim3A_1308] : memref<128x16xf32, #tpu.memory_space<vmem>>[vector<16xi32>, vector<16xi32>], vector<16xf32>,
      %gather3A_1335 = tpu.vector_load_idx %arg10[%add3A_1333, %broadcast_in_dim3A_1310] : memref<128x16xf32, #tpu.memory_space<vmem>>[vector<16xi32>, vector<16xi32>], vector<16xf32>,
      %add3A_1336 = arith.addf %gather3A_1334, %gather3A_1335 : vector<16xf32>
      %swap3A_1337 = arith.constant 6 : i32
      %swap3A_1338 = arith.index_cast %swap3A_1337 : i32 to index
      %swap3A_1339 = arith.constant 32 : index
      %swap3A_1340 = tpu.vector_load %arg12[%swap3A_1338, %swap3A_1339] {strides = array<i32>} : memref<8x128xf32, #tpu.memory_space<vmem>>, vector<16xf32>,
      tpu.vector_store %arg12[%swap3A_1338, %swap3A_1339], %add3A_1336 {strides = array<i32>} : memref<8x128xf32, #tpu.memory_space<vmem>>, vector<16xf32>,
      %add3A_1341 = arith.constant 48 : i32
      %add3A_1342 = vector.broadcast %add3A_1341 : i32 to vector<16xi32>
      %add3A_1343 = arith.addi %iota3A, %add3A_1342 : vector<16xi32>
      %gather3A_1344 = tpu.vector_load_idx %arg8[%add3A_1343, %broadcast_in_dim3A_1308] : memref<128x16xf32, #tpu.memory_space<vmem>>[vector<16xi32>, vector<16xi32>], vector<16xf32>,
      %gather3A_1345 = tpu.vector_load_idx %arg10[%add3A_1343, %broadcast_in_dim3A_1310] : memref<128x16xf32, #tpu.memory_space<vmem>>[vector<16xi32>, vector<16xi32>], vector<16xf32>,
      %add3A_1346 = arith.addf %gather3A_1344, %gather3A_1345 : vector<16xf32>
      %swap3A_1347 = arith.constant 6 : i32
      %swap3A_1348 = arith.index_cast %swap3A_1347 : i32 to index
      %swap3A_1349 = arith.constant 48 : index
      %swap3A_1350 = tpu.vector_load %arg12[%swap3A_1348, %swap3A_1349] {strides = array<i32>} : memref<8x128xf32, #tpu.memory_space<vmem>>, vector<16xf32>,
      tpu.vector_store %arg12[%swap3A_1348, %swap3A_1349], %add3A_1346 {strides = array<i32>} : memref<8x128xf32, #tpu.memory_space<vmem>>, vector<16xf32>,
      %add3A_1351 = arith.constant 64 : i32
      %add3A_1352 = vector.broadcast %add3A_1351 : i32 to vector<16xi32>
      %add3A_1353 = arith.addi %iota3A, %add3A_1352 : vector<16xi32>
      %gather3A_1354 = tpu.vector_load_idx %arg8[%add3A_1353, %broadcast_in_dim3A_1308] : memref<128x16xf32, #tpu.memory_space<vmem>>[vector<16xi32>, vector<16xi32>], vector<16xf32>,
      %gather3A_1355 = tpu.vector_load_idx %arg10[%add3A_1353, %broadcast_in_dim3A_1310] : memref<128x16xf32, #tpu.memory_space<vmem>>[vector<16xi32>, vector<16xi32>], vector<16xf32>,
      %add3A_1356 = arith.addf %gather3A_1354, %gather3A_1355 : vector<16xf32>
      %swap3A_1357 = arith.constant 6 : i32
      %swap3A_1358 = arith.index_cast %swap3A_1357 : i32 to index
      %swap3A_1359 = arith.constant 64 : index
      %swap3A_1360 = tpu.vector_load %arg12[%swap3A_1358, %swap3A_1359] {strides = array<i32>} : memref<8x128xf32, #tpu.memory_space<vmem>>, vector<16xf32>,
      tpu.vector_store %arg12[%swap3A_1358, %swap3A_1359], %add3A_1356 {strides = array<i32>} : memref<8x128xf32, #tpu.memory_space<vmem>>, vector<16xf32>,
      %add3A_1361 = arith.constant 80 : i32
      %add3A_1362 = vector.broadcast %add3A_1361 : i32 to vector<16xi32>
      %add3A_1363 = arith.addi %iota3A, %add3A_1362 : vector<16xi32>
      %gather3A_1364 = tpu.vector_load_idx %arg8[%add3A_1363, %broadcast_in_dim3A_1308] : memref<128x16xf32, #tpu.memory_space<vmem>>[vector<16xi32>, vector<16xi32>], vector<16xf32>,
      %gather3A_1365 = tpu.vector_load_idx %arg10[%add3A_1363, %broadcast_in_dim3A_1310] : memref<128x16xf32, #tpu.memory_space<vmem>>[vector<16xi32>, vector<16xi32>], vector<16xf32>,
      %add3A_1366 = arith.addf %gather3A_1364, %gather3A_1365 : vector<16xf32>
      %swap3A_1367 = arith.constant 6 : i32
      %swap3A_1368 = arith.index_cast %swap3A_1367 : i32 to index
      %swap3A_1369 = arith.constant 80 : index
      %swap3A_1370 = tpu.vector_load %arg12[%swap3A_1368, %swap3A_1369] {strides = array<i32>} : memref<8x128xf32, #tpu.memory_space<vmem>>, vector<16xf32>,
      tpu.vector_store %arg12[%swap3A_1368, %swap3A_1369], %add3A_1366 {strides = array<i32>} : memref<8x128xf32, #tpu.memory_space<vmem>>, vector<16xf32>,
      %add3A_1371 = arith.constant 96 : i32
      %add3A_1372 = vector.broadcast %add3A_1371 : i32 to vector<16xi32>
      %add3A_1373 = arith.addi %iota3A, %add3A_1372 : vector<16xi32>
      %gather3A_1374 = tpu.vector_load_idx %arg8[%add3A_1373, %broadcast_in_dim3A_1308] : memref<128x16xf32, #tpu.memory_space<vmem>>[vector<16xi32>, vector<16xi32>], vector<16xf32>,
      %gather3A_1375 = tpu.vector_load_idx %arg10[%add3A_1373, %broadcast_in_dim3A_1310] : memref<128x16xf32, #tpu.memory_space<vmem>>[vector<16xi32>, vector<16xi32>], vector<16xf32>,
      %add3A_1376 = arith.addf %gather3A_1374, %gather3A_1375 : vector<16xf32>
      %swap3A_1377 = arith.constant 6 : i32
      %swap3A_1378 = arith.index_cast %swap3A_1377 : i32 to index
      %swap3A_1379 = arith.constant 96 : index
      %swap3A_1380 = tpu.vector_load %arg12[%swap3A_1378, %swap3A_1379] {strides = array<i32>} : memref<8x128xf32, #tpu.memory_space<vmem>>, vector<16xf32>,
      tpu.vector_store %arg12[%swap3A_1378, %swap3A_1379], %add3A_1376 {strides = array<i32>} : memref<8x128xf32, #tpu.memory_space<vmem>>, vector<16xf32>,
      %add3A_1381 = arith.constant 112 : i32
      %add3A_1382 = vector.broadcast %add3A_1381 : i32 to vector<16xi32>
      %add3A_1383 = arith.addi %iota3A, %add3A_1382 : vector<16xi32>
      %gather3A_1384 = tpu.vector_load_idx %arg8[%add3A_1383, %broadcast_in_dim3A_1308] : memref<128x16xf32, #tpu.memory_space<vmem>>[vector<16xi32>, vector<16xi32>], vector<16xf32>,
      %gather3A_1385 = tpu.vector_load_idx %arg10[%add3A_1383, %broadcast_in_dim3A_1310] : memref<128x16xf32, #tpu.memory_space<vmem>>[vector<16xi32>, vector<16xi32>], vector<16xf32>,
      %add3A_1386 = arith.addf %gather3A_1384, %gather3A_1385 : vector<16xf32>
      %swap3A_1387 = arith.constant 6 : i32
      %swap3A_1388 = arith.index_cast %swap3A_1387 : i32 to index
      %swap3A_1389 = arith.constant 112 : index
      %swap3A_1390 = tpu.vector_load %arg12[%swap3A_1388, %swap3A_1389] {strides = array<i32>} : memref<8x128xf32, #tpu.memory_space<vmem>>, vector<16xf32>,
      tpu.vector_store %arg12[%swap3A_1388, %swap3A_1389], %add3A_1386 {strides = array<i32>} : memref<8x128xf32, #tpu.memory_space<vmem>>, vector<16xf32>,
      %broadcast_in_dim3A_1391 = arith.constant 7 : i32
      %broadcast_in_dim3A_1392 = vector.broadcast %broadcast_in_dim3A_1391 : i32 to vector<16xi32>
      %broadcast_in_dim3A_1393 = arith.constant 15 : i32
      %broadcast_in_dim3A_1394 = vector.broadcast %broadcast_in_dim3A_1393 : i32 to vector<16xi32>
      %add3A_1395 = arith.constant 0 : i32
      %add3A_1396 = vector.broadcast %add3A_1395 : i32 to vector<16xi32>
      %add3A_1397 = arith.addi %iota3A, %add3A_1396 : vector<16xi32>
      %gather3A_1398 = tpu.vector_load_idx %arg8[%add3A_1397, %broadcast_in_dim3A_1392] : memref<128x16xf32, #tpu.memory_space<vmem>>[vector<16xi32>, vector<16xi32>], vector<16xf32>,
      %gather3A_1399 = tpu.vector_load_idx %arg10[%add3A_1397, %broadcast_in_dim3A_1394] : memref<128x16xf32, #tpu.memory_space<vmem>>[vector<16xi32>, vector<16xi32>], vector<16xf32>,
      %add3A_1400 = arith.addf %gather3A_1398, %gather3A_1399 : vector<16xf32>
      %swap3A_1401 = arith.constant 7 : i32
      %swap3A_1402 = arith.index_cast %swap3A_1401 : i32 to index
      %swap3A_1403 = arith.constant 0 : index
      %swap3A_1404 = tpu.vector_load %arg12[%swap3A_1402, %swap3A_1403] {strides = array<i32>} : memref<8x128xf32, #tpu.memory_space<vmem>>, vector<16xf32>,
      tpu.vector_store %arg12[%swap3A_1402, %swap3A_1403], %add3A_1400 {strides = array<i32>} : memref<8x128xf32, #tpu.memory_space<vmem>>, vector<16xf32>,
      %add3A_1405 = arith.constant 16 : i32
      %add3A_1406 = vector.broadcast %add3A_1405 : i32 to vector<16xi32>
      %add3A_1407 = arith.addi %iota3A, %add3A_1406 : vector<16xi32>
      %gather3A_1408 = tpu.vector_load_idx %arg8[%add3A_1407, %broadcast_in_dim3A_1392] : memref<128x16xf32, #tpu.memory_space<vmem>>[vector<16xi32>, vector<16xi32>], vector<16xf32>,
      %gather3A_1409 = tpu.vector_load_idx %arg10[%add3A_1407, %broadcast_in_dim3A_1394] : memref<128x16xf32, #tpu.memory_space<vmem>>[vector<16xi32>, vector<16xi32>], vector<16xf32>,
      %add3A_1410 = arith.addf %gather3A_1408, %gather3A_1409 : vector<16xf32>
      %swap3A_1411 = arith.constant 7 : i32
      %swap3A_1412 = arith.index_cast %swap3A_1411 : i32 to index
      %swap3A_1413 = arith.constant 16 : index
      %swap3A_1414 = tpu.vector_load %arg12[%swap3A_1412, %swap3A_1413] {strides = array<i32>} : memref<8x128xf32, #tpu.memory_space<vmem>>, vector<16xf32>,
      tpu.vector_store %arg12[%swap3A_1412, %swap3A_1413], %add3A_1410 {strides = array<i32>} : memref<8x128xf32, #tpu.memory_space<vmem>>, vector<16xf32>,
      %add3A_1415 = arith.constant 32 : i32
      %add3A_1416 = vector.broadcast %add3A_1415 : i32 to vector<16xi32>
      %add3A_1417 = arith.addi %iota3A, %add3A_1416 : vector<16xi32>
      %gather3A_1418 = tpu.vector_load_idx %arg8[%add3A_1417, %broadcast_in_dim3A_1392] : memref<128x16xf32, #tpu.memory_space<vmem>>[vector<16xi32>, vector<16xi32>], vector<16xf32>,
      %gather3A_1419 = tpu.vector_load_idx %arg10[%add3A_1417, %broadcast_in_dim3A_1394] : memref<128x16xf32, #tpu.memory_space<vmem>>[vector<16xi32>, vector<16xi32>], vector<16xf32>,
      %add3A_1420 = arith.addf %gather3A_1418, %gather3A_1419 : vector<16xf32>
      %swap3A_1421 = arith.constant 7 : i32
      %swap3A_1422 = arith.index_cast %swap3A_1421 : i32 to index
      %swap3A_1423 = arith.constant 32 : index
      %swap3A_1424 = tpu.vector_load %arg12[%swap3A_1422, %swap3A_1423] {strides = array<i32>} : memref<8x128xf32, #tpu.memory_space<vmem>>, vector<16xf32>,
      tpu.vector_store %arg12[%swap3A_1422, %swap3A_1423], %add3A_1420 {strides = array<i32>} : memref<8x128xf32, #tpu.memory_space<vmem>>, vector<16xf32>,
      %add3A_1425 = arith.constant 48 : i32
      %add3A_1426 = vector.broadcast %add3A_1425 : i32 to vector<16xi32>
      %add3A_1427 = arith.addi %iota3A, %add3A_1426 : vector<16xi32>
      %gather3A_1428 = tpu.vector_load_idx %arg8[%add3A_1427, %broadcast_in_dim3A_1392] : memref<128x16xf32, #tpu.memory_space<vmem>>[vector<16xi32>, vector<16xi32>], vector<16xf32>,
      %gather3A_1429 = tpu.vector_load_idx %arg10[%add3A_1427, %broadcast_in_dim3A_1394] : memref<128x16xf32, #tpu.memory_space<vmem>>[vector<16xi32>, vector<16xi32>], vector<16xf32>,
      %add3A_1430 = arith.addf %gather3A_1428, %gather3A_1429 : vector<16xf32>
      %swap3A_1431 = arith.constant 7 : i32
      %swap3A_1432 = arith.index_cast %swap3A_1431 : i32 to index
      %swap3A_1433 = arith.constant 48 : index
      %swap3A_1434 = tpu.vector_load %arg12[%swap3A_1432, %swap3A_1433] {strides = array<i32>} : memref<8x128xf32, #tpu.memory_space<vmem>>, vector<16xf32>,
      tpu.vector_store %arg12[%swap3A_1432, %swap3A_1433], %add3A_1430 {strides = array<i32>} : memref<8x128xf32, #tpu.memory_space<vmem>>, vector<16xf32>,
      %add3A_1435 = arith.constant 64 : i32
      %add3A_1436 = vector.broadcast %add3A_1435 : i32 to vector<16xi32>
      %add3A_1437 = arith.addi %iota3A, %add3A_1436 : vector<16xi32>
      %gather3A_1438 = tpu.vector_load_idx %arg8[%add3A_1437, %broadcast_in_dim3A_1392] : memref<128x16xf32, #tpu.memory_space<vmem>>[vector<16xi32>, vector<16xi32>], vector<16xf32>,
      %gather3A_1439 = tpu.vector_load_idx %arg10[%add3A_1437, %broadcast_in_dim3A_1394] : memref<128x16xf32, #tpu.memory_space<vmem>>[vector<16xi32>, vector<16xi32>], vector<16xf32>,
      %add3A_1440 = arith.addf %gather3A_1438, %gather3A_1439 : vector<16xf32>
      %swap3A_1441 = arith.constant 7 : i32
      %swap3A_1442 = arith.index_cast %swap3A_1441 : i32 to index
      %swap3A_1443 = arith.constant 64 : index
      %swap3A_1444 = tpu.vector_load %arg12[%swap3A_1442, %swap3A_1443] {strides = array<i32>} : memref<8x128xf32, #tpu.memory_space<vmem>>, vector<16xf32>,
      tpu.vector_store %arg12[%swap3A_1442, %swap3A_1443], %add3A_1440 {strides = array<i32>} : memref<8x128xf32, #tpu.memory_space<vmem>>, vector<16xf32>,
      %add3A_1445 = arith.constant 80 : i32
      %add3A_1446 = vector.broadcast %add3A_1445 : i32 to vector<16xi32>
      %add3A_1447 = arith.addi %iota3A, %add3A_1446 : vector<16xi32>
      %gather3A_1448 = tpu.vector_load_idx %arg8[%add3A_1447, %broadcast_in_dim3A_1392] : memref<128x16xf32, #tpu.memory_space<vmem>>[vector<16xi32>, vector<16xi32>], vector<16xf32>,
      %gather3A_1449 = tpu.vector_load_idx %arg10[%add3A_1447, %broadcast_in_dim3A_1394] : memref<128x16xf32, #tpu.memory_space<vmem>>[vector<16xi32>, vector<16xi32>], vector<16xf32>,
      %add3A_1450 = arith.addf %gather3A_1448, %gather3A_1449 : vector<16xf32>
      %swap3A_1451 = arith.constant 7 : i32
      %swap3A_1452 = arith.index_cast %swap3A_1451 : i32 to index
      %swap3A_1453 = arith.constant 80 : index
      %swap3A_1454 = tpu.vector_load %arg12[%swap3A_1452, %swap3A_1453] {strides = array<i32>} : memref<8x128xf32, #tpu.memory_space<vmem>>, vector<16xf32>,
      tpu.vector_store %arg12[%swap3A_1452, %swap3A_1453], %add3A_1450 {strides = array<i32>} : memref<8x128xf32, #tpu.memory_space<vmem>>, vector<16xf32>,
      %add3A_1455 = arith.constant 96 : i32
      %add3A_1456 = vector.broadcast %add3A_1455 : i32 to vector<16xi32>
      %add3A_1457 = arith.addi %iota3A, %add3A_1456 : vector<16xi32>
      %gather3A_1458 = tpu.vector_load_idx %arg8[%add3A_1457, %broadcast_in_dim3A_1392] : memref<128x16xf32, #tpu.memory_space<vmem>>[vector<16xi32>, vector<16xi32>], vector<16xf32>,
      %gather3A_1459 = tpu.vector_load_idx %arg10[%add3A_1457, %broadcast_in_dim3A_1394] : memref<128x16xf32, #tpu.memory_space<vmem>>[vector<16xi32>, vector<16xi32>], vector<16xf32>,
      %add3A_1460 = arith.addf %gather3A_1458, %gather3A_1459 : vector<16xf32>
      %swap3A_1461 = arith.constant 7 : i32
      %swap3A_1462 = arith.index_cast %swap3A_1461 : i32 to index
      %swap3A_1463 = arith.constant 96 : index
      %swap3A_1464 = tpu.vector_load %arg12[%swap3A_1462, %swap3A_1463] {strides = array<i32>} : memref<8x128xf32, #tpu.memory_space<vmem>>, vector<16xf32>,
      tpu.vector_store %arg12[%swap3A_1462, %swap3A_1463], %add3A_1460 {strides = array<i32>} : memref<8x128xf32, #tpu.memory_space<vmem>>, vector<16xf32>,
      %add3A_1465 = arith.constant 112 : i32
      %add3A_1466 = vector.broadcast %add3A_1465 : i32 to vector<16xi32>
      %add3A_1467 = arith.addi %iota3A, %add3A_1466 : vector<16xi32>
      %gather3A_1468 = tpu.vector_load_idx %arg8[%add3A_1467, %broadcast_in_dim3A_1392] : memref<128x16xf32, #tpu.memory_space<vmem>>[vector<16xi32>, vector<16xi32>], vector<16xf32>,
      %gather3A_1469 = tpu.vector_load_idx %arg10[%add3A_1467, %broadcast_in_dim3A_1394] : memref<128x16xf32, #tpu.memory_space<vmem>>[vector<16xi32>, vector<16xi32>], vector<16xf32>,
      %add3A_1470 = arith.addf %gather3A_1468, %gather3A_1469 : vector<16xf32>
      %swap3A_1471 = arith.constant 7 : i32
      %swap3A_1472 = arith.index_cast %swap3A_1471 : i32 to index
      %swap3A_1473 = arith.constant 112 : index
      %swap3A_1474 = tpu.vector_load %arg12[%swap3A_1472, %swap3A_1473] {strides = array<i32>} : memref<8x128xf32, #tpu.memory_space<vmem>>, vector<16xf32>,
      tpu.vector_store %arg12[%swap3A_1472, %swap3A_1473], %add3A_1470 {strides = array<i32>} : memref<8x128xf32, #tpu.memory_space<vmem>>, vector<16xf32>,
      %add3A_1475 = arith.addi %mul3A_2, %add3A_783 : i32
      %mul3A_1476 = arith.constant 8 : i32
      %mul3A_1477 = arith.muli %add3A_1475, %mul3A_1476 : i32
      %multiple_of3A_1478 = tpu.assume_multiple %mul3A_1477, 8 : i32
      %dma_start3A_1479 = arith.constant 0 : i32
      %dma_start3A_1480 = tpu.memref_slice %arg4[%multiple_of3A_1478, %dma_start3A_1479] : memref<10000x128xf32, #tpu.memory_space<hbm>> -> memref<8x128xf32, #tpu.memory_space<hbm>>
      %dma_start3A_1481 = arith.constant 0 : i32
      %dma_start3A_1482 = tpu.memref_slice %arg4[%multiple_of3A_1478, %dma_start3A_1481] : memref<10000x128xf32, #tpu.memory_space<hbm>> -> memref<8x128xf32, #tpu.memory_space<hbm>>
      tpu.enqueue_dma source(%arg12 : memref<8x128xf32, #tpu.memory_space<vmem>>) target(%dma_start3A_1482 : memref<8x128xf32, #tpu.memory_space<hbm>>) target_semaphore(%arg18 : memref<!tpu.dma_semaphore, #tpu.memory_space<semaphore_mem>>)
      %add3A_1483 = arith.constant 2 : i32
      %add3A_1484 = arith.addi %add3A_783, %add3A_1483 : i32
      %lt3A_1485 = arith.cmpi slt, %add3A_1484, %select_n3A : i32
      %convert_element_type3A_1486 = arith.extui %lt3A_1485 : i1 to i32
      %cond3A_1487 = arith.constant 0 : i32
      %cond3A_1488 = arith.cmpi ne, %convert_element_type3A_1486, %cond3A_1487 : i32
      scf.if %cond3A_1488 {
        %add3A_1490 = arith.constant 2 : i32
        %add3A_1491 = arith.addi %add3A_783, %add3A_1490 : i32
        %dma_start3A_1492 = arith.constant 0 : i32
        %dma_start3A_1493 = tpu.memref_slice %arg5[%add3A_1491, %dma_start3A_1492] : memref<40x128xi32, #tpu.memory_space<vmem>> -> memref<1x128xi32, #tpu.memory_space<vmem>>
        %dma_start3A_1494 = tpu.memref_squeeze %dma_start3A_1493 : memref<1x128xi32, #tpu.memory_space<vmem>> -> memref<128xi32, #tpu.memory_space<vmem>>
        %dma_start3A_1495 = arith.constant 0 : i32
        %dma_start3A_1496 = arith.constant 0 : i32
        %dma_start3A_1497 = tpu.memref_slice %arg2[%dma_start3A_1495, %dma_start3A_1496] : memref<10000x16xf32, #tpu.memory_space<hbm>> -> memref<10000x16xf32, #tpu.memory_space<hbm>>
        tpu.enqueue_indirect_dma source(%dma_start3A_1497 : memref<10000x16xf32, #tpu.memory_space<hbm>>) target(%arg8 : memref<128x16xf32, #tpu.memory_space<vmem>>) offsets(%dma_start3A_1494 : memref<128xi32, #tpu.memory_space<vmem>>) semaphore(%arg14 : memref<!tpu.dma_semaphore, #tpu.memory_space<semaphore_mem>>)
        %dma_start3A_1498 = arith.constant 0 : i32
        %dma_start3A_1499 = tpu.memref_slice %arg6[%add3A_1491, %dma_start3A_1498] : memref<40x128xi32, #tpu.memory_space<vmem>> -> memref<1x128xi32, #tpu.memory_space<vmem>>
        %dma_start3A_1500 = tpu.memref_squeeze %dma_start3A_1499 : memref<1x128xi32, #tpu.memory_space<vmem>> -> memref<128xi32, #tpu.memory_space<vmem>>
        %dma_start3A_1501 = arith.constant 0 : i32
        %dma_start3A_1502 = arith.constant 0 : i32
        %dma_start3A_1503 = tpu.memref_slice %arg2[%dma_start3A_1501, %dma_start3A_1502] : memref<10000x16xf32, #tpu.memory_space<hbm>> -> memref<10000x16xf32, #tpu.memory_space<hbm>>
        tpu.enqueue_indirect_dma source(%dma_start3A_1503 : memref<10000x16xf32, #tpu.memory_space<hbm>>) target(%arg10 : memref<128x16xf32, #tpu.memory_space<vmem>>) offsets(%dma_start3A_1500 : memref<128xi32, #tpu.memory_space<vmem>>) semaphore(%arg16 : memref<!tpu.dma_semaphore, #tpu.memory_space<semaphore_mem>>)
      } else {
      }
      %while3A_1489 = arith.constant 0 : i32
      scf.yield %while3A_1489 : i32
    }
    %dma_wait3A = arith.constant 0 : i32
    %dma_wait3A_66 = arith.constant 0 : i32
    %dma_wait3A_67 = tpu.memref_slice %arg4[%dma_wait3A, %dma_wait3A_66] : memref<10000x128xf32, #tpu.memory_space<hbm>> -> memref<8x128xf32, #tpu.memory_space<hbm>>
    %dma_wait3A_68 = arith.constant 0 : i32
    %dma_wait3A_69 = arith.constant 0 : i32
    %dma_wait3A_70 = tpu.memref_slice %arg4[%dma_wait3A_68, %dma_wait3A_69] : memref<10000x128xf32, #tpu.memory_space<hbm>> -> memref<8x128xf32, #tpu.memory_space<hbm>>
    tpu.wait_dma2 semaphore(%arg17 : memref<!tpu.dma_semaphore, #tpu.memory_space<semaphore_mem>>) src(%arg11 : memref<8x128xf32, #tpu.memory_space<vmem>>) dst(%dma_wait3A_70 : memref<8x128xf32, #tpu.memory_space<hbm>>)
    %dma_wait3A_71 = arith.constant 0 : i32
    %dma_wait3A_72 = arith.constant 0 : i32
    %dma_wait3A_73 = tpu.memref_slice %arg4[%dma_wait3A_71, %dma_wait3A_72] : memref<10000x128xf32, #tpu.memory_space<hbm>> -> memref<8x128xf32, #tpu.memory_space<hbm>>
    %dma_wait3A_74 = arith.constant 0 : i32
    %dma_wait3A_75 = arith.constant 0 : i32
    %dma_wait3A_76 = tpu.memref_slice %arg4[%dma_wait3A_74, %dma_wait3A_75] : memref<10000x128xf32, #tpu.memory_space<hbm>> -> memref<8x128xf32, #tpu.memory_space<hbm>>
    tpu.wait_dma2 semaphore(%arg18 : memref<!tpu.dma_semaphore, #tpu.memory_space<semaphore_mem>>) src(%arg12 : memref<8x128xf32, #tpu.memory_space<vmem>>) dst(%dma_wait3A_76 : memref<8x128xf32, #tpu.memory_space<hbm>>)
    return
  }
}

module attributes {stable_mosaic.version = 14 : i64} {
  func.func @body(%arg0: i32, %arg1: memref<2000x256xf32, #tpu.memory_space<vmem>>, %arg2: memref<256x16xf32, #tpu.memory_space<vmem>>, %arg3: memref<1x16xf32, #tpu.memory_space<vmem>>, %arg4: memref<2000x16xf32, #tpu.memory_space<vmem>>) attributes {dimension_semantics = [#tpu.dimension_semantics<arbitrary>], iteration_bounds = array<i64: 5>, scalar_prefetch = 0 : i64, scratch_operands = 0 : i64, tpu.core_type = #tpu.core_type<tc>, window_params = [{transform_indices = @transform_0, window_bounds = array<i64: 2000, 256>}, {pipeline_mode = #tpu.pipeline_mode<synchronous>, transform_indices = @transform_1, window_bounds = array<i64: 256, 16>}, {pipeline_mode = #tpu.pipeline_mode<synchronous>, transform_indices = @transform_2, window_bounds = array<i64: 1, 16>}, {transform_indices = @transform_3, window_bounds = array<i64: 2000, 16>}]} {
    %get3A = arith.constant 0 : index
    %get3A_0 = arith.constant 0 : index
    %get3A_1 = vector.load %arg1[%get3A, %get3A_0] : memref<2000x256xf32, #tpu.memory_space<vmem>>, vector<2000x256xf32>
    %get3A_2 = arith.constant 0 : index
    %get3A_3 = arith.constant 0 : index
    %get3A_4 = vector.load %arg2[%get3A_2, %get3A_3] : memref<256x16xf32, #tpu.memory_space<vmem>>, vector<256x16xf32>
    %dot_general3A = arith.constant dense<0.000000e+00> : vector<2000x16xf32>
    %dot_general3A_5 = tpu.matmul %get3A_1, %get3A_4, %dot_general3A {dimension_numbers = #tpu.dot_dimension_numbers<[1], [0], [0], [1], [0, 0, 1, 1], [], []>, transpose_lhs_hint = false} : vector<2000x256xf32>, vector<256x16xf32>, vector<2000x16xf32> -> vector<2000x16xf32>
    %get3A_6 = arith.constant 0 : index
    %get3A_7 = arith.constant 0 : index
    %get3A_8 = vector.load %arg3[%get3A_6, %get3A_7] : memref<1x16xf32, #tpu.memory_space<vmem>>, vector<1x16xf32>
    %add3A = vector.broadcast %get3A_8 : vector<1x16xf32> to vector<2000x16xf32>
    %add3A_9 = arith.addf %dot_general3A_5, %add3A : vector<2000x16xf32>
    %swap3A = arith.constant 0 : index
    %swap3A_10 = arith.constant 0 : index
    %swap3A_11 = vector.load %arg4[%swap3A, %swap3A_10] : memref<2000x16xf32, #tpu.memory_space<vmem>>, vector<2000x16xf32>
    tpu.vector_store %arg4[%swap3A, %swap3A_10], %add3A_9 {strides = array<i32>} : memref<2000x16xf32, #tpu.memory_space<vmem>>, vector<2000x16xf32>,
    return
  }
  func.func @transform_0(%arg0: i32) -> (i32, i32) {
    %c0_i32 = arith.constant 0 : i32
    %c0_i32_0 = arith.constant 0 : i32
    return %arg0, %c0_i32 : i32, i32
  }
  func.func @transform_1(%arg0: i32) -> (i32, i32) {
    %c0_i32 = arith.constant 0 : i32
    %c0_i32_0 = arith.constant 0 : i32
    %c0_i32_1 = arith.constant 0 : i32
    return %c0_i32, %c0_i32_0 : i32, i32
  }
  func.func @transform_2(%arg0: i32) -> (i32, i32) {
    %c0_i32 = arith.constant 0 : i32
    %c0_i32_0 = arith.constant 0 : i32
    %c0_i32_1 = arith.constant 0 : i32
    return %c0_i32, %c0_i32_0 : i32, i32
  }
  func.func @transform_3(%arg0: i32) -> (i32, i32) {
    %c0_i32 = arith.constant 0 : i32
    %c0_i32_0 = arith.constant 0 : i32
    return %arg0, %c0_i32 : i32, i32
  }
}

</mosaic_0001>

<sc_bundles>
// kernel: kernel.4.cloned.1.call-start
scs
__scs_entry_jumppad:
0x0: {  	(pc) =	sbr.rel $0x88, $3  }
0x1: {  	(tag) =	ssettag $0x0;
	lr =	simm.s32 $0x1  }
0x2: {  	[smem:$0x3F9D] =	sst lr;
	_ =	strace $0xD0000000  }
0x3: {  	_ = 	snop  }
0x4: {  	_ = 	snop  }
0x5: {  	_ = 	snop  }
0x6: {  	_ = 	snop  }
0x7: {  	_ = 	snop  }
__scs_overlays_trampoline_lowered:
0x8: {  	[smem:$0x3FAC] =	sst s0  }
0x9: {  	[smem:$0x3FAD] =	sst s1  }
0xa: {  	[smem:$0x3FAE] =	sst s2  }
0xb: {  	[smem:$0x3FAF] =	sst s3  }
0xc: {  	[smem:$0x3FB0] =	sst s4  }
0xd: {  	[smem:$0x3FB1] =	sst s5  }
0xe: {  	[smem:$0x3FB2] =	sst s6  }
0xf: {  	[smem:$0x3FB3] =	sst s7  }
0x10: {  	[smem:$0x3FB4] =	sst s8  }
0x11: {  	[smem:$0x3FB5] =	sst s9;
	s0 =	simm.s32 @!p0 $0x0  }
0x12: {  	s1 =	sld [smem:$0x3F9B];
	s0 =	simm.s32 @p0 $0x1  }
0x13: {  	[smem:$0x3FB6] =	sst s0;
	s0 =	simm.s32 @!p1 $0x0  }
0x14: {  	s2 =	sld [smem:$0x3F9A];
	s0 =	simm.s32 @p1 $0x1  }
0x15: {  	[smem:$0x3FB7] =	sst s0;
	s0 =	simm.s32 @!p2 $0x0  }
0x16: {  	s3 =	sld [smem:$0x3FDB];
	s0 =	simm.s32 @p2 $0x1  }
0x17: {  	s4 =	simm.s32 $0x1BF5;
	[smem:$0x3FB9] =	sst s0  }
0x18: {  	s0 =	sld [smem:$0x3F9C];
	_ =	swait.ge [sflag:s4], $0x0  }
0x19: {  	s7 =	sld [smem:$0x3F9D]  }
0x1a: {  	s8 =	sadd.s32 $0xFFFFE003, lr  }
0x1b: {  	s9 =	sadd.s32 $0xFFFFFEF7, lr;
	s5 =	simm.s32 $0xFFFFFFFF;
	p2 =	slt.u32 s8, $0xFFFFF086  }
0x1c: {  	p1 =	slt.u32 s9, $0xF7A;
	s5 =	simm.s32 @!p2 $0x0  }
0x1d: {  	s5 =	simm.s32 @p1 $0x1;
	p0 =	seq.s32 s7, s2  }
0x1e: {  	s7 =	smul.u32 @!p0 $0xF7A, s2;
	p2 =	seq.s32 @!p0 s5, $0x0  }
0x1f: {  	s9 =	smul.u32 $0xF7A, s1;
	s8 =	simm.s32 @!p0 $0x1BF5;
	p2 =	por !p2, p0  }
0x20: {  	[sflag:s8] =	ssyncset.s32 @!p0 $0xFFFFF086;
	s6 =	sadd.s32 @!p0 s3, s7;
	s7 =	simm.s32 @!p0 $0x108  }
0x21: {  	s3 =	sadd.s32 s3, s9;
	s6 =	sadd.s32 @!p0 $0x88, s6;
	s7 =	simm.s32 @p2 $0x1082  }
0x22: {  	[simem:s7], [sflag:s8] =	dma.local @!p0 [hbm:s6], $0xF7A  }
0x23: {  	s9 =	sor.u32 $0xD0000000, s2;
	s6 =	simm.s32 $0x108;
	_ =	swait.ge @!p0 [sflag:s8], $0x0  }
0x24: {  	s3 =	sadd.s32 $0x88, s3;
	s6 =	simm.s32 @!p1 $0x1082;
	[sflag:s4] =	ssyncset.s32 $0xFFFFF086  }
0x25: {  	[simem:s6], [sflag:s4] =	dma.local [hbm:s3], $0xF7A  }
0x26: {  	[smem:$0x3F9D] =	sst s1;
	(tag) =	ssettag s2;
	_ =	strace s9  }
0x27: {  	s1 =	sld [smem:$0x3FAD]  }
0x28: {  	s2 =	sld [smem:$0x3FAE]  }
0x29: {  	s4 =	sld [smem:$0x3FB0]  }
0x2a: {  	p0 =	seq.s32 s5, $0x0;
	s5 =	sld [smem:$0x3FB1]  }
0x2b: {  	s6 =	sld [smem:$0x3FB2]  }
0x2c: {  	s7 =	sld [smem:$0x3FB3]  }
0x2d: {  	s3 =	simm.s32 $0x108;
	s8 =	sld [smem:$0x3FB4]  }
0x2e: {  	s3 =	simm.s32 @!p0 $0x1082;
	s9 =	sld [smem:$0x3FB5]  }
0x2f: {  	lr =	sadd.s32 s0, s3;
	s0 =	sld [smem:$0x3FAC]  }
0x30: {  	s3 =	sld [smem:$0x3FAF]  }
0x31: {  	[smem:$0x3FB8] =	sst s10  }
0x32: {  	s10 =	sld [smem:$0x3FB6];
	_ =	sdelay $0x3  }
0x33: {  	p0 =	seq.s32 s10, $0x1;
	s10 =	sld [smem:$0x3FB8];
	_ =	sdelay $0x3  }
0x34: {  	[smem:$0x3FB8] =	sst s10  }
0x35: {  	s10 =	sld [smem:$0x3FB7];
	_ =	sdelay $0x3  }
0x36: {  	p1 =	seq.s32 s10, $0x1;
	s10 =	sld [smem:$0x3FB8];
	_ =	sdelay $0x3  }
0x37: {  	[smem:$0x3FB8] =	sst s10  }
0x38: {  	s10 =	sld [smem:$0x3FB9]  }
0x39: {  	_ = 	snop;
	(pc) =	sbr.ind lr, $3  }
0x3a: {  	_ = 	snop  }
0x3b: {  	_ = 	snop  }
0x3c: {  	p2 =	seq.s32 s10, $0x1;
	s10 =	sld [smem:$0x3FB8]  }
0x3d: {  	_ =	shalt  }
0x3e: {  	_ =	shalt  }
0x3f: {  	_ =	shalt  }
0x40: {  	_ =	shalt  }
0x41: {  	_ =	shalt  }
0x42: {  	_ =	shalt  }
0x43: {  	_ =	shalt  }
0x44: {  	_ =	shalt  }
0x45: {  	_ =	shalt  }
0x46: {  	_ =	shalt  }
0x47: {  	_ =	shalt  }
0x48: {  	_ =	shalt  }
0x49: {  	_ =	shalt  }
0x4a: {  	_ =	shalt  }
0x4b: {  	_ =	shalt  }
0x4c: {  	_ =	shalt  }
0x4d: {  	_ =	shalt  }
0x4e: {  	_ =	shalt  }
0x4f: {  	_ =	shalt  }
0x50: {  	_ =	shalt  }
0x51: {  	_ =	shalt  }
0x52: {  	_ =	shalt  }
0x53: {  	_ =	shalt  }
0x54: {  	_ =	shalt  }
0x55: {  	_ =	shalt  }
0x56: {  	_ =	shalt  }
0x57: {  	_ =	shalt  }
0x58: {  	_ =	shalt  }
0x59: {  	_ =	shalt  }
0x5a: {  	_ =	shalt  }
0x5b: {  	_ =	shalt  }
0x5c: {  	_ =	shalt  }
0x5d: {  	_ =	shalt  }
0x5e: {  	_ =	shalt  }
0x5f: {  	_ =	shalt  }
0x60: {  	_ =	shalt  }
0x61: {  	_ =	shalt  }
0x62: {  	_ =	shalt  }
0x63: {  	_ =	shalt  }
0x64: {  	_ =	shalt  }
0x65: {  	_ =	shalt  }
0x66: {  	_ =	shalt  }
0x67: {  	_ =	shalt  }
0x68: {  	_ =	shalt  }
0x69: {  	_ =	shalt  }
0x6a: {  	_ =	shalt  }
0x6b: {  	_ =	shalt  }
0x6c: {  	_ =	shalt  }
0x6d: {  	_ =	shalt  }
0x6e: {  	_ =	shalt  }
0x6f: {  	_ =	shalt  }
0x70: {  	_ =	shalt  }
0x71: {  	_ =	shalt  }
0x72: {  	_ =	shalt  }
0x73: {  	_ =	shalt  }
0x74: {  	_ =	shalt  }
0x75: {  	_ =	shalt  }
0x76: {  	_ =	shalt  }
0x77: {  	_ =	shalt  }
0x78: {  	_ =	shalt  }
0x79: {  	_ =	shalt  }
0x7a: {  	_ =	shalt  }
0x7b: {  	_ =	shalt  }
0x7c: {  	_ =	shalt  }
0x7d: {  	_ =	shalt  }
0x7e: {  	_ =	shalt  }
0x7f: {  	_ =	shalt  }
0x80: {  	_ =	shalt  }
0x81: {  	_ =	shalt  }
0x82: {  	_ =	shalt  }
0x83: {  	_ =	shalt  }
0x84: {  	_ =	shalt  }
0x85: {  	_ =	shalt  }
0x86: {  	_ =	shalt  }
0x87: {  	_ =	shalt  }
.Lfunc_end0:
.L_simem_size_0:
called_computation_lowered:
.L_overlay_start_0:
0x88: {  	s2 =	sld [smem:$0x3FD9]  }
0x89: {  	s3 =	sld [smem:$0x3FFE];
	_ =	sdelay $0x1  }
0x8a: {  	s1 =	srdreg.scid  }
0x8b: {  	s0 =	sand.u32 $0x1, s1  }
0x8c: {  	s17 =	sshll.u32 s0, $0xA;
	s2 =	sadd.s32 s3, s2  }
0x8d: {  	s2 =	sadd.s32 s2, s17  }
0x8e: {  	[smem:$0x3FC4] =	sst s2  }
0x8f: {  	_ = 	snop  }
0x90: {  	s2 =	sld [smem:$0x3FD0];
	(tm) =	ssettm $0x1  }
0x91: {  	s18 =	sld [smem:$0x3FFB];
	_ =	sdelay $0x3  }
0x92: {  	_ =	strace s18  }
0x93: {  	s3 =	sld [smem:$0x3FFC];
	_ =	sdelay $0x3  }
0x94: {  	_ =	strace s3  }
0x95: {  	s3 =	sld [smem:$0x3FFD];
	_ =	sdelay $0x3  }
0x96: {  	_ =	strace s3  }
0x97: {  	_ =	strace $0x8FFFFFFF  }
0x98: {  	s19 =	sld [smem:$0x3FDB];
	_ =	sdelay $0x1  }
0x99: {  	s4 =	simm.s32 $_scs_section_size  }
0x9a: {  	s5 =	simm.s32 $_size__tile_overlayer_lowered;
	s6 =	simm.s32 $_tile_overlayer_lowered  }
0x9b: {  	s22 =	simm.s32 $0x1BFF;
	s21 =	sshll.u32 s6, $0x1;
	s3 =	sadd.s32 s4, s19  }
0x9c: {  	s7 =	simm.s32 $0x0;
	s20 =	sshll.u32 s5, $0x1;
	s5 =	sadd.s32 s21, s3  }
0x9d: {  	[timem:s7], [sflag:s22] =	dma.local [hbm:s5], s20  }
0x9e: {  	_ =	swait.ge [sflag:s22], s20  }
0x9f: {  	s4 =	ssub.s32 $0x0, s20;
	[sflag:s22] =	ssyncset.done $0x0  }
0xa0: {  	[sflag:s22] =	ssyncadd.s32 s4;
	_ =	sdelay $0x1  }
0xa1: {  	s23 =	simm.s32 $0x1B8B  }
0xa2: {  	_ =	swait.ge [sflag:s23], $0x1  }
0xa3: {  	[sflag:s23] =	ssyncset.done $0x0  }
0xa4: {  	s25 =	simm.s32 $0x1B8E;
	s24 =	sld [smem:$0x3FFE];
	[sflag:s23] =	ssyncadd.s32 $0xFFFFFFFF  }
0xa5: {  	s26 =	simm.s32 $execute0_lowered;
	[smem:$0x3FD2] =	sst s25  }
0xa6: {  	s5 =	sshll.u32 s26, $0x1;
	_ =	strace $0x80000046;
	[dreg:$0x1] =	wrdreg $0xFFFFFFFF  }
0xa7: {  	s28 =	simm.s32 $_size_execute0_lowered;
	s3 =	sadd.s32 s3, s5;
	[dreg:$0x0] =	wrdreg $0x0  }
0xa8: {  	s5 =	sshll.u32 s28, $0x1;
	[dreg:$0x2] =	wrdreg s3  }
0xa9: {  	[dreg:$0x3] =	wrdreg s5  }
0xaa: {  	[dreg:$0x4] =	wrdreg $0xC0  }
0xab: {  	_ =	task [dreg:s7], $0x5FFFF  }
0xac: {  	[dreg:$0x1] =	wrdreg $0xFFFFFFFF  }
0xad: {  	[dreg:$0x0] =	wrdreg $0x60  }
0xae: {  	[dreg:$0x2] =	wrdreg s24  }
0xaf: {  	[dreg:$0x3] =	wrdreg s2  }
0xb0: {  	[dreg:$0x4] =	wrdreg $0x9  }
0xb1: {  	_ =	task.clear_ibuf [dreg:s7], $0x5FFFF;
	_ =	strace $0x90000046  }
0xb2: {  	s29 =	simm.s32 $0x9;
	_ =	strace $0x80000048  }
0xb3: {  	_ =	swait.ge [sflag:s29], $0x1  }
0xb4: {  	[sflag:s29] =	ssyncadd.s32 $0xFFFFFFFF  }
0xb5: {  	_ =	strace $0x90000048  }
0xb6: {  	_ =	sfence  }
0xb7: {  	s30 =	sld [smem:$0x0];
	_ =	sdelay $0x2  }
0xb8: {  	s31 =	sshll.u32 s1, $0xD;
	s1 =	sshrl.u32 s1, $0x2  }
0xb9: {  	s3 =	sand.u32 $0x4000, s31;
	s1 =	sadd.s32 s1, s30  }
0xba: {  	s0 =	sor.u32 s3, s0;
	s1 =	sshll.u32 s1, $0x11  }
0xbb: {  	s0 =	sor.u32 s1, s0  }
0xbc: {  	s0 =	sadd.s32 $0x8F2B, s0  }
0xbd: {  	[sflag:s0] =	ssyncadd.remote.s32 $0x1  }
0xbe: {  	_ =	sfence.sel $0xFFFF  }
0xbf: {  	[dreg:$0x0] =	wrdreg $0xFFFFFFFF;
	(pc) =	sbr.abs _section_cstart, $3  }
0xc0: {  	[dreg:$0x1] =	wrdreg $0xFFFFFFFF  }
0xc1: {  	_ =	task.clear_ibuf [dreg:s7], $0x2FFFF;
	_ =	strace $0x9FFFFFFF  }
0xc2: {  	(tm) =	ssettm $0x7FFFFFFF  }
0xc3: {  	_ =	shalt  }
tec
execute0_lowered:
.L_overlay_start_1:
0x0: {  	(tag) =	ssettag $0x1  }
0x1: {  	v0 =	vlaneseq.u32  }
0x2: {  	v0 =	vmul.u32 $0x10, v0  }
0x3: {  	s8 =	rddreg [dreg:$0x0];
	s1 =	simm.s32 $0x0  }
0x4: {  	[smem:$0x7FF] =	sst s1;
	v1 =	vor.u32 $0x70B, v0  }
0x5: {  	s10 =	rddreg [dreg:$0x1];
	_ =	strace $0x80000047;
	v2 =	vor.u32 $0x8, v0;
	[tilespmem:$0x1FDF0] =	vst v1  }
0x6: {  	v3 =	vor.u32 $0x100, v0;
	[tilespmem:$0x1FE00] =	vst v2  }
0x7: {  	v5 =	vor.u32 $0x200, v0;
	[tilespmem:$0x1FE10] =	vst v3  }
0x8: {  	v7 =	vor.u32 $0x300, v0;
	[tilespmem:$0x1FE20] =	vst v5  }
0x9: {  	v9 =	vor.u32 $0x400, v0;
	[tilespmem:$0x1FE30] =	vst v7  }
0xa: {  	v11 =	vor.u32 $0x500, v0;
	[tilespmem:$0x1FE40] =	vst v9  }
0xb: {  	v13 =	vor.u32 $0x600, v0;
	[tilespmem:$0x1FE50] =	vst v11  }
0xc: {  	v15 =	vor.u32 $0x700, v0;
	[tilespmem:$0x1FE60] =	vst v13  }
0xd: {  	v17 =	vor.u32 $0x1, v0;
	[tilespmem:$0x1FE70] =	vst v15  }
0xe: {  	v19 =	vor.u32 $0x101, v0;
	[tilespmem:$0x1FE80] =	vst v17  }
0xf: {  	v21 =	vor.u32 $0x201, v0;
	[tilespmem:$0x1FE90] =	vst v19  }
0x10: {  	v23 =	vor.u32 $0x301, v0;
	[tilespmem:$0x1FEA0] =	vst v21  }
0x11: {  	v25 =	vor.u32 $0x401, v0;
	[tilespmem:$0x1FEB0] =	vst v23  }
0x12: {  	v27 =	vor.u32 $0x501, v0;
	[tilespmem:$0x1FEC0] =	vst v25  }
0x13: {  	v29 =	vor.u32 $0x601, v0;
	[tilespmem:$0x1FED0] =	vst v27  }
0x14: {  	v31 =	vor.u32 $0x701, v0;
	[tilespmem:$0x1FEE0] =	vst v29  }
0x15: {  	s3 =	srdreg.scid;
	s0 =	stileid.u32;
	s15 =	simm.s32 $0x3800;
	v33 =	vor.u32 $0x2, v0;
	[tilespmem:$0x1FEF0] =	vst v31  }
0x16: {  	s16 =	simm.s32 $0x3000;
	s17 =	simm.s32 $0x1480;
	s18 =	simm.s32 $0x4000;
	v35 =	vor.u32 $0x102, v0;
	[tilespmem:$0x1FF00] =	vst v33  }
0x17: {  	s19 =	simm.s32 $0x1;
	s21 =	simm.s32 $0x4800;
	s20 =	simm.s32 $0x3;
	v4 =	vor.u32 $0x108, v0;
	v37 =	vor.u32 $0x202, v0;
	[tilespmem:$0x1FF10] =	vst v35  }
0x18: {  	s23 =	simm.s32 $0x4C00;
	s22 =	simm.s32 $0x4;
	s24 =	simm.s32 $0x6;
	v6 =	vor.u32 $0x208, v0;
	v8 =	vor.u32 $0x308, v0;
	v39 =	vor.u32 $0x302, v0;
	[tilespmem:$0x1FF20] =	vst v37  }
0x19: {  	s25 =	simm.s32 $0x0;
	s11 =	sand.u32 $0x1, s3;
	s29 =	smul.u32 $0x50, s0;
	v10 =	vor.u32 $0x408, v0;
	v12 =	vor.u32 $0x508, v0;
	v41 =	vor.u32 $0x402, v0;
	[tilespmem:$0x1FF30] =	vst v39  }
0x1a: {  	s4 =	sshll.u32 s0, $0x1;
	s3 =	sadd.s32 $0xA600, s8;
	s14 =	smul.u32 $0x2800, s0;
	v14 =	vor.u32 $0x608, v0;
	v16 =	vor.u32 $0x708, v0;
	v43 =	vor.u32 $0x502, v0;
	[tilespmem:$0x1FF40] =	vst v41  }
0x1b: {  	s6 =	sadd.s32 $0x800, s8;
	s5 =	ssub.s32 $0x2, s11;
	s13 =	smul.u32 $0x28, s11;
	v18 =	vor.u32 $0x9, v0;
	v20 =	vor.u32 $0x109, v0;
	v45 =	vor.u32 $0x602, v0;
	[tilespmem:$0x1FF50] =	vst v43  }
0x1c: {  	s4 =	sor.u32 s11, s4;
	s11 =	smul.u32 $0x1400, s11;
	[dreg:$0x3] =	wrdreg s21;
	v22 =	vor.u32 $0x209, v0;
	v24 =	vor.u32 $0x309, v0;
	v47 =	vor.u32 $0x702, v0;
	[tilespmem:$0x1FF60] =	vst v45  }
0x1d: {  	s21 =	simm.s32 $0x2;
	[dreg:$0x4] =	wrdreg s23;
	s23 =	simm.s32 $0x5;
	v26 =	vor.u32 $0x409, v0;
	v28 =	vor.u32 $0x509, v0;
	v49 =	vor.u32 $0x3, v0;
	[tilespmem:$0x1FF70] =	vst v47  }
0x1e: {  	s7 =	sshrl.u32 s5, $0x1;
	s9 =	smul.u32 $0x1400, s4;
	p0 =	seq.s32 s4, $0x1F;
	v30 =	vor.u32 $0x609, v0;
	v32 =	vor.u32 $0x709, v0;
	v51 =	vor.u32 $0x103, v0;
	[tilespmem:$0x1FF80] =	vst v49  }
0x1f: {  	s26 =	smul.u32 $0x280, s4;
	s4 =	simm.s32 $0xA;
	v34 =	vor.u32 $0xA, v0;
	v36 =	vor.u32 $0x10A, v0;
	s14 =	sadd.s32 s14, s10;
	v53 =	vor.u32 $0x203, v0;
	[tilespmem:$0x1FF90] =	vst v51  }
0x20: {  	v38 =	vor.u32 $0x20A, v0;
	v40 =	vor.u32 $0x30A, v0;
	v55 =	vor.u32 $0x303, v0;
	s12 =	ssub.s32 s5, s7;
	s4 =	simm.s32 @!p0 $0x28;
	s13 =	sadd.s32 s13, s29;
	[tilespmem:$0x1FFA0] =	vst v53  }
0x21: {  	v42 =	vor.u32 $0x40A, v0;
	v44 =	vor.u32 $0x50A, v0;
	v57 =	vor.u32 $0x403, v0;
	s11 =	sadd.s32 s11, s14;
	[tilespmem:$0x1FFB0] =	vst v55;
	s28 =	sshrl.u32 s9, $0x3;
	s5 =	sadd.s32 s6, s26  }
0x22: {  	v46 =	vor.u32 $0x60A, v0;
	v48 =	vor.u32 $0x70A, v0;
	v59 =	vor.u32 $0x503, v0;
	[tilespmem:$0x1FFC0] =	vst v57;
	s9 =	smax.u32 s12, $0x1;
	s30 =	sshll.u32 s13, $0x7;
	s31 =	sshll.u32 s4, $0x9  }
0x23: {  	v50 =	vor.u32 $0xB, v0;
	v52 =	vor.u32 $0x10B, v0;
	v61 =	vor.u32 $0x603, v0;
	[tilespmem:$0x1FFD0] =	vst v59;
	s13 =	simm.s32 $0x2800;
	s7 =	sadd.s32 s6, s28;
	s12 =	sadd.s32 s30, s10  }
0x24: {  	v54 =	vor.u32 $0x20B, v0;
	v56 =	vor.u32 $0x30B, v0;
	v63 =	vor.u32 $0x703, v0;
	[tilespmem:$0x1FFE0] =	vst v61;
	[dreg:$0x5] =	wrdreg s31;
	s6 =	sadd.s32 $0x4E20, s7;
	s7 =	sadd.s32 $0x5580, s8  }
0x25: {  	v58 =	vor.u32 $0x40B, v0;
	v60 =	vor.u32 $0x50B, v0;
	v62 =	vor.u32 $0x60B, v0;
	[tilespmem:$0x1FFF0] =	vst v63;
	s8 =	sadd.s32 $0xA3A0, s8;
	s10 =	sadd.s32 $0x80, s12;
	s12 =	simm.s32 $0x80  }
.LBB2_1:
0x26: {  	s26 =	simm.s32 @p0 $0x0;
	s28 =	simm.s32 @p0 $0x7  }
0x27: {  	[tilespmem:s26], [sflag:$0x7] =	stream.linear.gather @p0 [hbm4b:s7+s26], $0x500, $0x38;
	[tilespmem:$0x5000] =	vst v63  }
0x28: {  	_ =	swait.ge @p0 [sflag:s28], $0x500  }
0x29: {  	[sflag:s28] =	ssyncset.done @p0 $0x0  }
0x2a: {  	s29 =	simm.s32 @p0 $0x1400;
	[sflag:s28] =	ssyncadd.s32 @p0 $0xFFFFFB00  }
0x2b: {  	[tilespmem:s29], [sflag:$0x7] =	stream.linear.gather @p0 [hbm4b:s8+s26], $0x500, $0x38;
	[tilespmem:$0x5000] =	vst v63  }
0x2c: {  	_ =	swait.ge @p0 [sflag:s28], $0x500  }
0x2d: {  	[sflag:s28] =	ssyncset.done @p0 $0x0  }
0x2e: {  	s26 =	simm.s32 @!p0 $0x0;
	[sflag:s28] =	ssyncadd.s32 @p0 $0xFFFFFB00;
	s28 =	simm.s32 @!p0 $0x7  }
0x2f: {  	[tilespmem:s26], [sflag:$0x7] =	stream.linear.gather @!p0 [hbm4b:s5+s26], $0x1400, $0x38;
	[tilespmem:$0x5000] =	vst v63  }
0x30: {  	_ =	swait.ge @!p0 [sflag:s28], $0x1400  }
0x31: {  	[sflag:s28] =	ssyncset.done @!p0 $0x0  }
0x32: {  	s29 =	simm.s32 @!p0 $0x1400;
	[sflag:s28] =	ssyncadd.s32 @!p0 $0xFFFFEC00  }
0x33: {  	[tilespmem:s29], [sflag:$0x7] =	stream.linear.gather @!p0 [hbm4b:s6+s26], $0x1400, $0x38;
	[tilespmem:$0x5000] =	vst v63  }
0x34: {  	_ =	swait.ge @!p0 [sflag:s28], $0x1400  }
0x35: {  	[sflag:s28] =	ssyncset.done @!p0 $0x0  }
0x36: {  	[sflag:s28] =	ssyncadd.s32 @!p0 $0xFFFFEC00  }
0x37: {  	[tilespmem:s13], [sflag:$0x1] =	stream.indirect.gather [hbm4b:s3+s12], $0x10, s1, s12, $0xb8;
	[tilespmem:$0x5000] =	vst v63  }
0x38: {  	s0 =	simm.s32 $0x1400  }
0x39: {  	[tilespmem:s15], [sflag:$0x3] =	stream.indirect.gather [hbm4b:s3+s12], $0x10, s0, s12, $0xb8;
	[tilespmem:$0x5000] =	vst v63  }
0x3a: {  	s30 =	simm.s32 $0x0  }
0x3b: {  	[tilespmem:s16], [sflag:$0x2] =	stream.indirect.gather [hbm4b:s3+s12], $0x10, s12, s12, $0xb8;
	[tilespmem:$0x5000] =	vst v63  }
0x3c: {  	s26 =	simm.s32 $0x2;
	s29 =	smov.u32 s10;
	s28 =	smov.u32 s11  }
0x3d: {  	[tilespmem:s18], [sflag:$0x4] =	stream.indirect.gather [hbm4b:s3+s12], $0x10, s17, s12, $0xb8;
	[tilespmem:$0x5000] =	vst v63  }
.LBB2_2:
0x3e: {  	_ =	swait.ge [sflag:s19], $0x800  }
0x3f: {  	[sflag:s19] =	ssyncset.done $0x0  }
0x40: {  	[sflag:s19] =	ssyncadd.s32 $0xFFFFF800  }
0x41: {  	_ =	swait.ge [sflag:s20], $0x800  }
0x42: {  	p1 =	seq.s32 s30, $0x0;
	[sflag:s20] =	ssyncset.done $0x0  }
0x43: {  	s31 =	simm.s32 @!p1 $0x5;
	[sflag:s20] =	ssyncadd.s32 $0xFFFFF800  }
0x44: {  	_ =	swait.ge @!p1 [sflag:s31], $0x400  }
0x45: {  	v2 =	vld [tilespmem:$0x1FE00];
	_ =	sdelay $0x4  }
0x46: {  	[sflag:s31] =	ssyncset.done @!p1 $0x0  }
0x47: {  	[sflag:s31] =	ssyncadd.s32 @!p1 $0xFFFFFC00  }
0x48: {  	v1 =	vld.idx.msk [tilespmem:v0+s13+$0x0], $0xffff  }
0x49: {  	v2 =	vld.idx.msk [tilespmem:v2+s15+$0x0], $0xffff;
	_ =	sdelay $0x4  }
0x4a: {  	v1 =	vadd.f32 v2, v1;
	_ =	sdelay $0x1  }
0x4b: {  	[tilespmem:$0x4800] =	vst v1  }
0x4c: {  	v1 =	vld.idx.msk [tilespmem:v3+s13+$0x0], $0xffff  }
0x4d: {  	v2 =	vld.idx.msk [tilespmem:v4+s15+$0x0], $0xffff;
	_ =	sdelay $0x4  }
0x4e: {  	v1 =	vadd.f32 v2, v1;
	_ =	sdelay $0x1  }
0x4f: {  	[tilespmem:$0x4810] =	vst v1  }
0x50: {  	v1 =	vld.idx.msk [tilespmem:v5+s13+$0x0], $0xffff  }
0x51: {  	v2 =	vld.idx.msk [tilespmem:v6+s15+$0x0], $0xffff;
	_ =	sdelay $0x4  }
0x52: {  	v1 =	vadd.f32 v2, v1;
	_ =	sdelay $0x1  }
0x53: {  	[tilespmem:$0x4820] =	vst v1  }
0x54: {  	v1 =	vld.idx.msk [tilespmem:v7+s13+$0x0], $0xffff  }
0x55: {  	v2 =	vld.idx.msk [tilespmem:v8+s15+$0x0], $0xffff;
	_ =	sdelay $0x4  }
0x56: {  	v1 =	vadd.f32 v2, v1;
	_ =	sdelay $0x1  }
0x57: {  	[tilespmem:$0x4830] =	vst v1  }
0x58: {  	v1 =	vld.idx.msk [tilespmem:v9+s13+$0x0], $0xffff  }
0x59: {  	v2 =	vld.idx.msk [tilespmem:v10+s15+$0x0], $0xffff;
	_ =	sdelay $0x4  }
0x5a: {  	v1 =	vadd.f32 v2, v1;
	_ =	sdelay $0x1  }
0x5b: {  	[tilespmem:$0x4840] =	vst v1  }
0x5c: {  	v1 =	vld.idx.msk [tilespmem:v11+s13+$0x0], $0xffff  }
0x5d: {  	v2 =	vld.idx.msk [tilespmem:v12+s15+$0x0], $0xffff;
	_ =	sdelay $0x4  }
0x5e: {  	v1 =	vadd.f32 v2, v1;
	_ =	sdelay $0x1  }
0x5f: {  	[tilespmem:$0x4850] =	vst v1  }
0x60: {  	v1 =	vld.idx.msk [tilespmem:v13+s13+$0x0], $0xffff  }
0x61: {  	v2 =	vld.idx.msk [tilespmem:v14+s15+$0x0], $0xffff;
	_ =	sdelay $0x4  }
0x62: {  	v1 =	vadd.f32 v2, v1;
	_ =	sdelay $0x1  }
0x63: {  	[tilespmem:$0x4860] =	vst v1  }
0x64: {  	v1 =	vld.idx.msk [tilespmem:v15+s13+$0x0], $0xffff  }
0x65: {  	v2 =	vld.idx.msk [tilespmem:v16+s15+$0x0], $0xffff;
	_ =	sdelay $0x4  }
0x66: {  	v1 =	vadd.f32 v2, v1;
	_ =	sdelay $0x1  }
0x67: {  	[tilespmem:$0x4870] =	vst v1  }
0x68: {  	v1 =	vld.idx.msk [tilespmem:v17+s13+$0x0], $0xffff  }
0x69: {  	v2 =	vld.idx.msk [tilespmem:v18+s15+$0x0], $0xffff;
	_ =	sdelay $0x4  }
0x6a: {  	v1 =	vadd.f32 v2, v1;
	_ =	sdelay $0x1  }
0x6b: {  	[tilespmem:$0x4880] =	vst v1  }
0x6c: {  	v1 =	vld.idx.msk [tilespmem:v19+s13+$0x0], $0xffff  }
0x6d: {  	v2 =	vld.idx.msk [tilespmem:v20+s15+$0x0], $0xffff;
	_ =	sdelay $0x4  }
0x6e: {  	v1 =	vadd.f32 v2, v1;
	_ =	sdelay $0x1  }
0x6f: {  	[tilespmem:$0x4890] =	vst v1  }
0x70: {  	v1 =	vld.idx.msk [tilespmem:v21+s13+$0x0], $0xffff  }
0x71: {  	v2 =	vld.idx.msk [tilespmem:v22+s15+$0x0], $0xffff;
	_ =	sdelay $0x4  }
0x72: {  	v1 =	vadd.f32 v2, v1;
	_ =	sdelay $0x1  }
0x73: {  	[tilespmem:$0x48A0] =	vst v1  }
0x74: {  	v1 =	vld.idx.msk [tilespmem:v23+s13+$0x0], $0xffff  }
0x75: {  	v2 =	vld.idx.msk [tilespmem:v24+s15+$0x0], $0xffff;
	_ =	sdelay $0x4  }
0x76: {  	v1 =	vadd.f32 v2, v1;
	_ =	sdelay $0x1  }
0x77: {  	[tilespmem:$0x48B0] =	vst v1  }
0x78: {  	v1 =	vld.idx.msk [tilespmem:v25+s13+$0x0], $0xffff  }
0x79: {  	v2 =	vld.idx.msk [tilespmem:v26+s15+$0x0], $0xffff;
	_ =	sdelay $0x4  }
0x7a: {  	v1 =	vadd.f32 v2, v1;
	_ =	sdelay $0x1  }
0x7b: {  	[tilespmem:$0x48C0] =	vst v1  }
0x7c: {  	v1 =	vld.idx.msk [tilespmem:v27+s13+$0x0], $0xffff  }
0x7d: {  	v2 =	vld.idx.msk [tilespmem:v28+s15+$0x0], $0xffff;
	_ =	sdelay $0x4  }
0x7e: {  	v1 =	vadd.f32 v2, v1;
	_ =	sdelay $0x1  }
0x7f: {  	[tilespmem:$0x48D0] =	vst v1  }
0x80: {  	v1 =	vld.idx.msk [tilespmem:v29+s13+$0x0], $0xffff  }
0x81: {  	v2 =	vld.idx.msk [tilespmem:v30+s15+$0x0], $0xffff;
	_ =	sdelay $0x4  }
0x82: {  	v1 =	vadd.f32 v2, v1;
	_ =	sdelay $0x1  }
0x83: {  	[tilespmem:$0x48E0] =	vst v1  }
0x84: {  	v1 =	vld.idx.msk [tilespmem:v31+s13+$0x0], $0xffff  }
0x85: {  	v2 =	vld.idx.msk [tilespmem:v32+s15+$0x0], $0xffff;
	_ =	sdelay $0x4  }
0x86: {  	v1 =	vadd.f32 v2, v1;
	_ =	sdelay $0x1  }
0x87: {  	[tilespmem:$0x48F0] =	vst v1  }
0x88: {  	v1 =	vld.idx.msk [tilespmem:v33+s13+$0x0], $0xffff  }
0x89: {  	v2 =	vld.idx.msk [tilespmem:v34+s15+$0x0], $0xffff;
	_ =	sdelay $0x4  }
0x8a: {  	v1 =	vadd.f32 v2, v1;
	_ =	sdelay $0x1  }
0x8b: {  	[tilespmem:$0x4900] =	vst v1  }
0x8c: {  	v1 =	vld.idx.msk [tilespmem:v35+s13+$0x0], $0xffff  }
0x8d: {  	v2 =	vld.idx.msk [tilespmem:v36+s15+$0x0], $0xffff;
	_ =	sdelay $0x4  }
0x8e: {  	v1 =	vadd.f32 v2, v1;
	_ =	sdelay $0x1  }
0x8f: {  	[tilespmem:$0x4910] =	vst v1  }
0x90: {  	v1 =	vld.idx.msk [tilespmem:v37+s13+$0x0], $0xffff  }
0x91: {  	v2 =	vld.idx.msk [tilespmem:v38+s15+$0x0], $0xffff;
	_ =	sdelay $0x4  }
0x92: {  	v1 =	vadd.f32 v2, v1;
	_ =	sdelay $0x1  }
0x93: {  	[tilespmem:$0x4920] =	vst v1  }
0x94: {  	v1 =	vld.idx.msk [tilespmem:v39+s13+$0x0], $0xffff  }
0x95: {  	v2 =	vld.idx.msk [tilespmem:v40+s15+$0x0], $0xffff;
	_ =	sdelay $0x4  }
0x96: {  	v1 =	vadd.f32 v2, v1;
	_ =	sdelay $0x1  }
0x97: {  	[tilespmem:$0x4930] =	vst v1  }
0x98: {  	v1 =	vld.idx.msk [tilespmem:v41+s13+$0x0], $0xffff  }
0x99: {  	v2 =	vld.idx.msk [tilespmem:v42+s15+$0x0], $0xffff;
	_ =	sdelay $0x4  }
0x9a: {  	v1 =	vadd.f32 v2, v1;
	_ =	sdelay $0x1  }
0x9b: {  	[tilespmem:$0x4940] =	vst v1  }
0x9c: {  	v1 =	vld.idx.msk [tilespmem:v43+s13+$0x0], $0xffff  }
0x9d: {  	v2 =	vld.idx.msk [tilespmem:v44+s15+$0x0], $0xffff;
	_ =	sdelay $0x4  }
0x9e: {  	v1 =	vadd.f32 v2, v1;
	_ =	sdelay $0x1  }
0x9f: {  	[tilespmem:$0x4950] =	vst v1  }
0xa0: {  	v1 =	vld.idx.msk [tilespmem:v45+s13+$0x0], $0xffff  }
0xa1: {  	v2 =	vld.idx.msk [tilespmem:v46+s15+$0x0], $0xffff;
	_ =	sdelay $0x4  }
0xa2: {  	v1 =	vadd.f32 v2, v1;
	_ =	sdelay $0x1  }
0xa3: {  	[tilespmem:$0x4960] =	vst v1  }
0xa4: {  	v1 =	vld.idx.msk [tilespmem:v47+s13+$0x0], $0xffff  }
0xa5: {  	v2 =	vld.idx.msk [tilespmem:v48+s15+$0x0], $0xffff;
	_ =	sdelay $0x4  }
0xa6: {  	v1 =	vadd.f32 v2, v1;
	_ =	sdelay $0x1  }
0xa7: {  	[tilespmem:$0x4970] =	vst v1  }
0xa8: {  	v1 =	vld.idx.msk [tilespmem:v49+s13+$0x0], $0xffff  }
0xa9: {  	v2 =	vld.idx.msk [tilespmem:v50+s15+$0x0], $0xffff;
	_ =	sdelay $0x4  }
0xaa: {  	v1 =	vadd.f32 v2, v1;
	_ =	sdelay $0x1  }
0xab: {  	[tilespmem:$0x4980] =	vst v1  }
0xac: {  	v1 =	vld.idx.msk [tilespmem:v51+s13+$0x0], $0xffff  }
0xad: {  	v2 =	vld.idx.msk [tilespmem:v52+s15+$0x0], $0xffff;
	_ =	sdelay $0x4  }
0xae: {  	v1 =	vadd.f32 v2, v1;
	_ =	sdelay $0x1  }
0xaf: {  	[tilespmem:$0x4990] =	vst v1  }
0xb0: {  	v1 =	vld.idx.msk [tilespmem:v53+s13+$0x0], $0xffff  }
0xb1: {  	v2 =	vld.idx.msk [tilespmem:v54+s15+$0x0], $0xffff;
	_ =	sdelay $0x4  }
0xb2: {  	v1 =	vadd.f32 v2, v1;
	_ =	sdelay $0x1  }
0xb3: {  	[tilespmem:$0x49A0] =	vst v1  }
0xb4: {  	v1 =	vld.idx.msk [tilespmem:v55+s13+$0x0], $0xffff  }
0xb5: {  	v2 =	vld.idx.msk [tilespmem:v56+s15+$0x0], $0xffff;
	_ =	sdelay $0x4  }
0xb6: {  	v1 =	vadd.f32 v2, v1;
	_ =	sdelay $0x1  }
0xb7: {  	[tilespmem:$0x49B0] =	vst v1  }
0xb8: {  	v1 =	vld.idx.msk [tilespmem:v57+s13+$0x0], $0xffff  }
0xb9: {  	v2 =	vld.idx.msk [tilespmem:v58+s15+$0x0], $0xffff;
	_ =	sdelay $0x4  }
0xba: {  	v1 =	vadd.f32 v2, v1;
	_ =	sdelay $0x1  }
0xbb: {  	[tilespmem:$0x49C0] =	vst v1  }
0xbc: {  	v1 =	vld.idx.msk [tilespmem:v59+s13+$0x0], $0xffff  }
0xbd: {  	v2 =	vld.idx.msk [tilespmem:v60+s15+$0x0], $0xffff;
	_ =	sdelay $0x4  }
0xbe: {  	v1 =	vadd.f32 v2, v1;
	_ =	sdelay $0x1  }
0xbf: {  	[tilespmem:$0x49D0] =	vst v1  }
0xc0: {  	v1 =	vld.idx.msk [tilespmem:v61+s13+$0x0], $0xffff  }
0xc1: {  	v2 =	vld.idx.msk [tilespmem:v62+s15+$0x0], $0xffff;
	_ =	sdelay $0x4  }
0xc2: {  	v1 =	vadd.f32 v2, v1;
	v2 =	vld [tilespmem:$0x1FDF0];
	_ =	sdelay $0x5  }
0xc3: {  	[tilespmem:$0x49E0] =	vst v1  }
0xc4: {  	v1 =	vld.idx.msk [tilespmem:v63+s13+$0x0], $0xffff  }
0xc5: {  	v3 =	vld.idx.msk [tilespmem:v2+s15+$0x0], $0xffff;
	_ =	sdelay $0x2  }
0xc6: {  	v2 =	vor.u32 $0x4, v0  }
0xc7: {  	v5 =	vor.u32 $0xC, v0  }
0xc8: {  	v1 =	vadd.f32 v3, v1;
	_ =	sdelay $0x1  }
0xc9: {  	[tilespmem:$0x49F0] =	vst v1  }
0xca: {  	v1 =	vld.idx.msk [tilespmem:v2+s13+$0x0], $0xffff  }
0xcb: {  	[tilespmem:$0x1FBF0] =	vst v5;
	v5 =	vld.idx.msk [tilespmem:v5+s15+$0x0], $0xffff;
	_ =	sdelay $0x2  }
0xcc: {  	[tilespmem:$0x1FBE0] =	vst v2;
	v2 =	vor.u32 $0x104, v0  }
0xcd: {  	v3 =	vor.u32 $0x10C, v0  }
0xce: {  	v1 =	vadd.f32 v5, v1;
	_ =	sdelay $0x1  }
0xcf: {  	[tilespmem:$0x4A00] =	vst v1  }
0xd0: {  	v1 =	vld.idx.msk [tilespmem:v2+s13+$0x0], $0xffff  }
0xd1: {  	v7 =	vld.idx.msk [tilespmem:v3+s15+$0x0], $0xffff;
	_ =	sdelay $0x2  }
0xd2: {  	v5 =	vor.u32 $0x204, v0  }
0xd3: {  	[tilespmem:$0x1FC00] =	vst v2;
	v2 =	vor.u32 $0x20C, v0  }
0xd4: {  	v1 =	vadd.f32 v7, v1;
	_ =	sdelay $0x1  }
0xd5: {  	[tilespmem:$0x4A10] =	vst v1  }
0xd6: {  	v1 =	vld.idx.msk [tilespmem:v5+s13+$0x0], $0xffff  }
0xd7: {  	v9 =	vld.idx.msk [tilespmem:v2+s15+$0x0], $0xffff;
	_ =	sdelay $0x2  }
0xd8: {  	v7 =	vor.u32 $0x304, v0  }
0xd9: {  	[tilespmem:$0x1FC20] =	vst v2;
	v2 =	vor.u32 $0x30C, v0  }
0xda: {  	v1 =	vadd.f32 v9, v1;
	_ =	sdelay $0x1  }
0xdb: {  	[tilespmem:$0x4A20] =	vst v1  }
0xdc: {  	v1 =	vld.idx.msk [tilespmem:v7+s13+$0x0], $0xffff  }
0xdd: {  	v11 =	vld.idx.msk [tilespmem:v2+s15+$0x0], $0xffff;
	_ =	sdelay $0x2  }
0xde: {  	v9 =	vor.u32 $0x404, v0  }
0xdf: {  	[tilespmem:$0x1FC30] =	vst v2;
	v2 =	vor.u32 $0x40C, v0  }
0xe0: {  	v1 =	vadd.f32 v11, v1;
	_ =	sdelay $0x1  }
0xe1: {  	[tilespmem:$0x4A30] =	vst v1  }
0xe2: {  	v1 =	vld.idx.msk [tilespmem:v9+s13+$0x0], $0xffff  }
0xe3: {  	v13 =	vld.idx.msk [tilespmem:v2+s15+$0x0], $0xffff;
	_ =	sdelay $0x2  }
0xe4: {  	v11 =	vor.u32 $0x504, v0  }
0xe5: {  	[tilespmem:$0x1FC40] =	vst v2;
	v2 =	vor.u32 $0x50C, v0  }
0xe6: {  	v1 =	vadd.f32 v13, v1;
	_ =	sdelay $0x1  }
0xe7: {  	[tilespmem:$0x4A40] =	vst v1  }
0xe8: {  	v1 =	vld.idx.msk [tilespmem:v11+s13+$0x0], $0xffff  }
0xe9: {  	v15 =	vld.idx.msk [tilespmem:v2+s15+$0x0], $0xffff;
	_ =	sdelay $0x2  }
0xea: {  	v13 =	vor.u32 $0x604, v0  }
0xeb: {  	[tilespmem:$0x1FC50] =	vst v2;
	v2 =	vor.u32 $0x60C, v0  }
0xec: {  	v1 =	vadd.f32 v15, v1;
	_ =	sdelay $0x1  }
0xed: {  	[tilespmem:$0x4A50] =	vst v1  }
0xee: {  	v1 =	vld.idx.msk [tilespmem:v13+s13+$0x0], $0xffff  }
0xef: {  	v17 =	vld.idx.msk [tilespmem:v2+s15+$0x0], $0xffff;
	_ =	sdelay $0x2  }
0xf0: {  	v15 =	vor.u32 $0x704, v0  }
0xf1: {  	[tilespmem:$0x1FC60] =	vst v2;
	v2 =	vor.u32 $0x70C, v0  }
0xf2: {  	v1 =	vadd.f32 v17, v1;
	_ =	sdelay $0x1  }
0xf3: {  	[tilespmem:$0x4A60] =	vst v1  }
0xf4: {  	v1 =	vld.idx.msk [tilespmem:v15+s13+$0x0], $0xffff  }
0xf5: {  	v19 =	vld.idx.msk [tilespmem:v2+s15+$0x0], $0xffff;
	_ =	sdelay $0x2  }
0xf6: {  	v17 =	vor.u32 $0x5, v0  }
0xf7: {  	[tilespmem:$0x1FC70] =	vst v2;
	v2 =	vor.u32 $0xD, v0  }
0xf8: {  	v1 =	vadd.f32 v19, v1;
	_ =	sdelay $0x1  }
0xf9: {  	[tilespmem:$0x4A70] =	vst v1  }
0xfa: {  	v1 =	vld.idx.msk [tilespmem:v17+s13+$0x0], $0xffff  }
0xfb: {  	v21 =	vld.idx.msk [tilespmem:v2+s15+$0x0], $0xffff;
	_ =	sdelay $0x2  }
0xfc: {  	v19 =	vor.u32 $0x105, v0  }
0xfd: {  	[tilespmem:$0x1FC80] =	vst v2;
	v2 =	vor.u32 $0x10D, v0  }
0xfe: {  	v1 =	vadd.f32 v21, v1;
	_ =	sdelay $0x1  }
0xff: {  	[tilespmem:$0x4A80] =	vst v1  }
0x100: {  	v1 =	vld.idx.msk [tilespmem:v19+s13+$0x0], $0xffff  }
0x101: {  	v23 =	vld.idx.msk [tilespmem:v2+s15+$0x0], $0xffff;
	_ =	sdelay $0x2  }
0x102: {  	v21 =	vor.u32 $0x205, v0  }
0x103: {  	[tilespmem:$0x1FC90] =	vst v2;
	v2 =	vor.u32 $0x20D, v0  }
0x104: {  	v1 =	vadd.f32 v23, v1;
	_ =	sdelay $0x1  }
0x105: {  	[tilespmem:$0x4A90] =	vst v1  }
0x106: {  	v1 =	vld.idx.msk [tilespmem:v21+s13+$0x0], $0xffff  }
0x107: {  	v25 =	vld.idx.msk [tilespmem:v2+s15+$0x0], $0xffff;
	_ =	sdelay $0x2  }
0x108: {  	v23 =	vor.u32 $0x305, v0  }
0x109: {  	[tilespmem:$0x1FCA0] =	vst v2;
	v2 =	vor.u32 $0x30D, v0  }
0x10a: {  	v1 =	vadd.f32 v25, v1;
	_ =	sdelay $0x1  }
0x10b: {  	[tilespmem:$0x4AA0] =	vst v1  }
0x10c: {  	v1 =	vld.idx.msk [tilespmem:v23+s13+$0x0], $0xffff  }
0x10d: {  	v27 =	vld.idx.msk [tilespmem:v2+s15+$0x0], $0xffff;
	_ =	sdelay $0x2  }
0x10e: {  	v25 =	vor.u32 $0x405, v0  }
0x10f: {  	[tilespmem:$0x1FCB0] =	vst v2;
	v2 =	vor.u32 $0x40D, v0  }
0x110: {  	v1 =	vadd.f32 v27, v1;
	_ =	sdelay $0x1  }
0x111: {  	[tilespmem:$0x4AB0] =	vst v1  }
0x112: {  	v1 =	vld.idx.msk [tilespmem:v25+s13+$0x0], $0xffff  }
0x113: {  	v29 =	vld.idx.msk [tilespmem:v2+s15+$0x0], $0xffff;
	_ =	sdelay $0x2  }
0x114: {  	v27 =	vor.u32 $0x505, v0  }
0x115: {  	[tilespmem:$0x1FCC0] =	vst v2;
	v2 =	vor.u32 $0x50D, v0  }
0x116: {  	v1 =	vadd.f32 v29, v1;
	_ =	sdelay $0x1  }
0x117: {  	[tilespmem:$0x4AC0] =	vst v1  }
0x118: {  	v1 =	vld.idx.msk [tilespmem:v27+s13+$0x0], $0xffff  }
0x119: {  	v31 =	vld.idx.msk [tilespmem:v2+s15+$0x0], $0xffff;
	_ =	sdelay $0x2  }
0x11a: {  	v29 =	vor.u32 $0x605, v0  }
0x11b: {  	[tilespmem:$0x1FCD0] =	vst v2;
	v2 =	vor.u32 $0x60D, v0  }
0x11c: {  	v1 =	vadd.f32 v31, v1;
	_ =	sdelay $0x1  }
0x11d: {  	[tilespmem:$0x4AD0] =	vst v1  }
0x11e: {  	v1 =	vld.idx.msk [tilespmem:v29+s13+$0x0], $0xffff  }
0x11f: {  	v37 =	vld.idx.msk [tilespmem:v2+s15+$0x0], $0xffff;
	_ =	sdelay $0x2  }
0x120: {  	v31 =	vor.u32 $0x705, v0  }
0x121: {  	[tilespmem:$0x1FCE0] =	vst v2;
	v2 =	vor.u32 $0x70D, v0  }
0x122: {  	v1 =	vadd.f32 v37, v1;
	_ =	sdelay $0x1  }
0x123: {  	[tilespmem:$0x4AE0] =	vst v1  }
0x124: {  	v1 =	vld.idx.msk [tilespmem:v31+s13+$0x0], $0xffff  }
0x125: {  	v39 =	vld.idx.msk [tilespmem:v2+s15+$0x0], $0xffff;
	_ =	sdelay $0x2  }
0x126: {  	v33 =	vor.u32 $0x6, v0  }
0x127: {  	[tilespmem:$0x1FCF0] =	vst v2;
	v2 =	vor.u32 $0xE, v0  }
0x128: {  	v1 =	vadd.f32 v39, v1;
	_ =	sdelay $0x1  }
0x129: {  	[tilespmem:$0x4AF0] =	vst v1  }
0x12a: {  	v1 =	vld.idx.msk [tilespmem:v33+s13+$0x0], $0xffff  }
0x12b: {  	v41 =	vld.idx.msk [tilespmem:v2+s15+$0x0], $0xffff;
	_ =	sdelay $0x2  }
0x12c: {  	v35 =	vor.u32 $0x106, v0  }
0x12d: {  	[tilespmem:$0x1FD00] =	vst v2;
	v2 =	vor.u32 $0x10E, v0  }
0x12e: {  	v1 =	vadd.f32 v41, v1;
	_ =	sdelay $0x1  }
0x12f: {  	[tilespmem:$0x4B00] =	vst v1  }
0x130: {  	v1 =	vld.idx.msk [tilespmem:v35+s13+$0x0], $0xffff  }
0x131: {  	v43 =	vld.idx.msk [tilespmem:v2+s15+$0x0], $0xffff;
	_ =	sdelay $0x2  }
0x132: {  	v37 =	vor.u32 $0x206, v0  }
0x133: {  	[tilespmem:$0x1FD10] =	vst v2;
	v2 =	vor.u32 $0x20E, v0  }
0x134: {  	v1 =	vadd.f32 v43, v1;
	_ =	sdelay $0x1  }
0x135: {  	[tilespmem:$0x4B10] =	vst v1  }
0x136: {  	v1 =	vld.idx.msk [tilespmem:v37+s13+$0x0], $0xffff  }
0x137: {  	v45 =	vld.idx.msk [tilespmem:v2+s15+$0x0], $0xffff;
	_ =	sdelay $0x2  }
0x138: {  	v39 =	vor.u32 $0x306, v0  }
0x139: {  	[tilespmem:$0x1FD20] =	vst v2;
	v2 =	vor.u32 $0x30E, v0  }
0x13a: {  	v1 =	vadd.f32 v45, v1;
	_ =	sdelay $0x1  }
0x13b: {  	[tilespmem:$0x4B20] =	vst v1  }
0x13c: {  	v1 =	vld.idx.msk [tilespmem:v39+s13+$0x0], $0xffff  }
0x13d: {  	v47 =	vld.idx.msk [tilespmem:v2+s15+$0x0], $0xffff;
	_ =	sdelay $0x2  }
0x13e: {  	v41 =	vor.u32 $0x406, v0  }
0x13f: {  	[tilespmem:$0x1FD30] =	vst v2;
	v2 =	vor.u32 $0x40E, v0  }
0x140: {  	v1 =	vadd.f32 v47, v1;
	_ =	sdelay $0x1  }
0x141: {  	[tilespmem:$0x4B30] =	vst v1  }
0x142: {  	v1 =	vld.idx.msk [tilespmem:v41+s13+$0x0], $0xffff  }
0x143: {  	v49 =	vld.idx.msk [tilespmem:v2+s15+$0x0], $0xffff;
	_ =	sdelay $0x2  }
0x144: {  	v43 =	vor.u32 $0x506, v0  }
0x145: {  	[tilespmem:$0x1FD40] =	vst v2;
	v2 =	vor.u32 $0x50E, v0  }
0x146: {  	v1 =	vadd.f32 v49, v1;
	_ =	sdelay $0x1  }
0x147: {  	[tilespmem:$0x4B40] =	vst v1  }
0x148: {  	v1 =	vld.idx.msk [tilespmem:v43+s13+$0x0], $0xffff  }
0x149: {  	v51 =	vld.idx.msk [tilespmem:v2+s15+$0x0], $0xffff;
	_ =	sdelay $0x2  }
0x14a: {  	v45 =	vor.u32 $0x606, v0  }
0x14b: {  	[tilespmem:$0x1FD50] =	vst v2;
	v2 =	vor.u32 $0x60E, v0  }
0x14c: {  	v1 =	vadd.f32 v51, v1;
	_ =	sdelay $0x1  }
0x14d: {  	[tilespmem:$0x4B50] =	vst v1  }
0x14e: {  	v1 =	vld.idx.msk [tilespmem:v45+s13+$0x0], $0xffff  }
0x14f: {  	v53 =	vld.idx.msk [tilespmem:v2+s15+$0x0], $0xffff;
	_ =	sdelay $0x2  }
0x150: {  	v47 =	vor.u32 $0x706, v0  }
0x151: {  	[tilespmem:$0x1FD60] =	vst v2;
	v2 =	vor.u32 $0x70E, v0  }
0x152: {  	v1 =	vadd.f32 v53, v1;
	_ =	sdelay $0x1  }
0x153: {  	[tilespmem:$0x4B60] =	vst v1  }
0x154: {  	v1 =	vld.idx.msk [tilespmem:v47+s13+$0x0], $0xffff  }
0x155: {  	v55 =	vld.idx.msk [tilespmem:v2+s15+$0x0], $0xffff;
	_ =	sdelay $0x2  }
0x156: {  	v49 =	vor.u32 $0x7, v0  }
0x157: {  	[tilespmem:$0x1FD70] =	vst v2;
	v2 =	vor.u32 $0xF, v0  }
0x158: {  	v1 =	vadd.f32 v55, v1;
	_ =	sdelay $0x1  }
0x159: {  	[tilespmem:$0x4B70] =	vst v1  }
0x15a: {  	v1 =	vld.idx.msk [tilespmem:v49+s13+$0x0], $0xffff  }
0x15b: {  	v57 =	vld.idx.msk [tilespmem:v2+s15+$0x0], $0xffff;
	_ =	sdelay $0x2  }
0x15c: {  	v51 =	vor.u32 $0x107, v0  }
0x15d: {  	[tilespmem:$0x1FD80] =	vst v2;
	v2 =	vor.u32 $0x10F, v0  }
0x15e: {  	v1 =	vadd.f32 v57, v1;
	_ =	sdelay $0x1  }
0x15f: {  	[tilespmem:$0x4B80] =	vst v1  }
0x160: {  	v1 =	vld.idx.msk [tilespmem:v51+s13+$0x0], $0xffff  }
0x161: {  	v59 =	vld.idx.msk [tilespmem:v2+s15+$0x0], $0xffff;
	_ =	sdelay $0x2  }
0x162: {  	v53 =	vor.u32 $0x207, v0  }
0x163: {  	[tilespmem:$0x1FD90] =	vst v2;
	v2 =	vor.u32 $0x20F, v0  }
0x164: {  	v1 =	vadd.f32 v59, v1;
	_ =	sdelay $0x1  }
0x165: {  	[tilespmem:$0x4B90] =	vst v1  }
0x166: {  	v1 =	vld.idx.msk [tilespmem:v53+s13+$0x0], $0xffff  }
0x167: {  	v61 =	vld.idx.msk [tilespmem:v2+s15+$0x0], $0xffff;
	_ =	sdelay $0x2  }
0x168: {  	v55 =	vor.u32 $0x307, v0  }
0x169: {  	[tilespmem:$0x1FDA0] =	vst v2;
	v2 =	vor.u32 $0x30F, v0  }
0x16a: {  	v1 =	vadd.f32 v61, v1;
	_ =	sdelay $0x1  }
0x16b: {  	[tilespmem:$0x4BA0] =	vst v1  }
0x16c: {  	v1 =	vld.idx.msk [tilespmem:v55+s13+$0x0], $0xffff  }
0x16d: {  	v63 =	vld.idx.msk [tilespmem:v2+s15+$0x0], $0xffff;
	_ =	sdelay $0x2  }
0x16e: {  	v57 =	vor.u32 $0x407, v0  }
0x16f: {  	[tilespmem:$0x1FDB0] =	vst v2;
	v2 =	vor.u32 $0x40F, v0  }
0x170: {  	v1 =	vadd.f32 v63, v1;
	_ =	sdelay $0x1  }
0x171: {  	[tilespmem:$0x4BB0] =	vst v1  }
0x172: {  	v1 =	vld.idx.msk [tilespmem:v57+s13+$0x0], $0xffff  }
0x173: {  	v61 =	vld.idx.msk [tilespmem:v2+s15+$0x0], $0xffff;
	_ =	sdelay $0x2  }
0x174: {  	v59 =	vor.u32 $0x507, v0  }
0x175: {  	[tilespmem:$0x1FDC0] =	vst v2;
	v2 =	vor.u32 $0x50F, v0  }
0x176: {  	v1 =	vadd.f32 v61, v1;
	_ =	sdelay $0x1  }
0x177: {  	[tilespmem:$0x4BC0] =	vst v1  }
0x178: {  	v1 =	vld.idx.msk [tilespmem:v59+s13+$0x0], $0xffff  }
0x179: {  	v63 =	vld.idx.msk [tilespmem:v2+s15+$0x0], $0xffff;
	_ =	sdelay $0x2  }
0x17a: {  	v61 =	vor.u32 $0x607, v0  }
0x17b: {  	[tilespmem:$0x1FC10] =	vst v3;
	v3 =	vor.u32 $0x60F, v0  }
0x17c: {  	v1 =	vadd.f32 v63, v1;
	_ =	sdelay $0x1  }
0x17d: {  	[tilespmem:$0x4BD0] =	vst v1  }
0x17e: {  	[tilespmem:$0x1FDD0] =	vst v2;
	v2 =	vld.idx.msk [tilespmem:v61+s13+$0x0], $0xffff  }
0x17f: {  	v1 =	vld.idx.msk [tilespmem:v3+s15+$0x0], $0xffff;
	_ =	sdelay $0x2  }
0x180: {  	v63 =	vor.u32 $0x707, v0  }
0x181: {  	[tilespmem:$0x1FDE0] =	vst v3;
	v3 =	vor.u32 $0x70F, v0  }
0x182: {  	v1 =	vadd.f32 v1, v2;
	_ =	sdelay $0x1  }
0x183: {  	[tilespmem:$0x4BE0] =	vst v1  }
0x184: {  	v1 =	vld.idx.msk [tilespmem:v63+s13+$0x0], $0xffff  }
0x185: {  	v2 =	vld.idx.msk [tilespmem:v3+s15+$0x0], $0xffff;
	_ =	sdelay $0x4  }
0x186: {  	v1 =	vadd.f32 v2, v1  }
0x187: {  	p2 =	sge.u32 s26, s4  }
0x188: {  	s31 =	sshra.s32 @!p2 s30, $0x2;
	s2 =	rddreg [dreg:$0x3];
	[tilespmem:$0x4BF0] =	vst v1  }
0x189: {  	[hbm4b:s28+s1] =	stream.linear.scatter [tilespmem:s2], [sflag:$0x5], $0x400, $0x38;
	[tilespmem:$0x5000] =	vst v63  }
0x18a: {  	s14 =	simm.s32 @!p2 $0x2800;
	s0 =	sadd.s32 @!p2 $0x100, s31;
	s2 =	simm.s32 @!p2 $0x80  }
0x18b: {  	[tilespmem:s14], [sflag:$0x1] =	stream.indirect.gather @!p2 [hbm4b:s3+s2], $0x10, s0, s2, $0xb8;
	[tilespmem:$0x5000] =	vst v63  }
0x18c: {  	s0 =	sadd.s32 @!p2 $0x1500, s31;
	s14 =	simm.s32 @!p2 $0x3800  }
0x18d: {  	[tilespmem:s14], [sflag:$0x3] =	stream.indirect.gather @!p2 [hbm4b:s3+s2], $0x10, s0, s2, $0xb8;
	[tilespmem:$0x5000] =	vst v63  }
0x18e: {  	_ =	swait.ge [sflag:s21], $0x800  }
0x18f: {  	[sflag:s21] =	ssyncset.done $0x0  }
0x190: {  	[sflag:s21] =	ssyncadd.s32 $0xFFFFF800  }
0x191: {  	_ =	swait.ge [sflag:s22], $0x800  }
0x192: {  	[sflag:s22] =	ssyncset.done $0x0  }
0x193: {  	s0 =	simm.s32 @!p1 $0x6;
	[sflag:s22] =	ssyncadd.s32 $0xFFFFF800  }
0x194: {  	_ =	swait.ge @!p1 [sflag:s0], $0x400  }
0x195: {  	v2 =	vld [tilespmem:$0x1FE00];
	_ =	sdelay $0x4  }
0x196: {  	[sflag:s0] =	ssyncset.done @!p1 $0x0  }
0x197: {  	[sflag:s0] =	ssyncadd.s32 @!p1 $0xFFFFFC00  }
0x198: {  	v1 =	vld.idx.msk [tilespmem:v0+s16+$0x0], $0xffff  }
0x199: {  	v2 =	vld.idx.msk [tilespmem:v2+s18+$0x0], $0xffff;
	_ =	sdelay $0x4  }
0x19a: {  	v1 =	vadd.f32 v2, v1;
	_ =	sdelay $0x1  }
0x19b: {  	[tilespmem:$0x4C00] =	vst v1;
	v1 =	vld [tilespmem:$0x1FE10];
	_ =	sdelay $0x6  }
0x19c: {  	v2 =	vld.idx.msk [tilespmem:v4+s18+$0x0], $0xffff  }
0x19d: {  	v1 =	vld.idx.msk [tilespmem:v1+s16+$0x0], $0xffff;
	_ =	sdelay $0x4  }
0x19e: {  	v1 =	vadd.f32 v2, v1;
	_ =	sdelay $0x1  }
0x19f: {  	[tilespmem:$0x4C10] =	vst v1;
	v1 =	vld [tilespmem:$0x1FE20];
	_ =	sdelay $0x6  }
0x1a0: {  	v2 =	vld.idx.msk [tilespmem:v6+s18+$0x0], $0xffff  }
0x1a1: {  	v1 =	vld.idx.msk [tilespmem:v1+s16+$0x0], $0xffff;
	_ =	sdelay $0x4  }
0x1a2: {  	v1 =	vadd.f32 v2, v1;
	_ =	sdelay $0x1  }
0x1a3: {  	[tilespmem:$0x4C20] =	vst v1;
	v1 =	vld [tilespmem:$0x1FE30];
	_ =	sdelay $0x6  }
0x1a4: {  	v2 =	vld.idx.msk [tilespmem:v8+s18+$0x0], $0xffff  }
0x1a5: {  	v1 =	vld.idx.msk [tilespmem:v1+s16+$0x0], $0xffff;
	_ =	sdelay $0x4  }
0x1a6: {  	v1 =	vadd.f32 v2, v1;
	_ =	sdelay $0x1  }
0x1a7: {  	[tilespmem:$0x4C30] =	vst v1;
	v1 =	vld [tilespmem:$0x1FE40];
	_ =	sdelay $0x6  }
0x1a8: {  	v2 =	vld.idx.msk [tilespmem:v10+s18+$0x0], $0xffff  }
0x1a9: {  	v1 =	vld.idx.msk [tilespmem:v1+s16+$0x0], $0xffff;
	_ =	sdelay $0x4  }
0x1aa: {  	v1 =	vadd.f32 v2, v1;
	_ =	sdelay $0x1  }
0x1ab: {  	[tilespmem:$0x4C40] =	vst v1;
	v1 =	vld [tilespmem:$0x1FE50];
	_ =	sdelay $0x6  }
0x1ac: {  	v2 =	vld.idx.msk [tilespmem:v12+s18+$0x0], $0xffff  }
0x1ad: {  	v1 =	vld.idx.msk [tilespmem:v1+s16+$0x0], $0xffff;
	_ =	sdelay $0x4  }
0x1ae: {  	v1 =	vadd.f32 v2, v1;
	_ =	sdelay $0x1  }
0x1af: {  	[tilespmem:$0x4C50] =	vst v1;
	v1 =	vld [tilespmem:$0x1FE60];
	_ =	sdelay $0x6  }
0x1b0: {  	v2 =	vld.idx.msk [tilespmem:v14+s18+$0x0], $0xffff  }
0x1b1: {  	v1 =	vld.idx.msk [tilespmem:v1+s16+$0x0], $0xffff;
	_ =	sdelay $0x4  }
0x1b2: {  	v1 =	vadd.f32 v2, v1;
	_ =	sdelay $0x1  }
0x1b3: {  	[tilespmem:$0x4C60] =	vst v1;
	v1 =	vld [tilespmem:$0x1FE70];
	_ =	sdelay $0x6  }
0x1b4: {  	v2 =	vld.idx.msk [tilespmem:v16+s18+$0x0], $0xffff  }
0x1b5: {  	v1 =	vld.idx.msk [tilespmem:v1+s16+$0x0], $0xffff;
	_ =	sdelay $0x4  }
0x1b6: {  	v1 =	vadd.f32 v2, v1;
	_ =	sdelay $0x1  }
0x1b7: {  	[tilespmem:$0x4C70] =	vst v1;
	v1 =	vld [tilespmem:$0x1FE80];
	_ =	sdelay $0x6  }
0x1b8: {  	v2 =	vld.idx.msk [tilespmem:v18+s18+$0x0], $0xffff  }
0x1b9: {  	v1 =	vld.idx.msk [tilespmem:v1+s16+$0x0], $0xffff;
	_ =	sdelay $0x4  }
0x1ba: {  	v1 =	vadd.f32 v2, v1;
	_ =	sdelay $0x1  }
0x1bb: {  	[tilespmem:$0x4C80] =	vst v1;
	v1 =	vld [tilespmem:$0x1FE90];
	_ =	sdelay $0x6  }
0x1bc: {  	v2 =	vld.idx.msk [tilespmem:v20+s18+$0x0], $0xffff  }
0x1bd: {  	v1 =	vld.idx.msk [tilespmem:v1+s16+$0x0], $0xffff;
	_ =	sdelay $0x4  }
0x1be: {  	v1 =	vadd.f32 v2, v1;
	_ =	sdelay $0x1  }
0x1bf: {  	[tilespmem:$0x4C90] =	vst v1;
	v1 =	vld [tilespmem:$0x1FEA0];
	_ =	sdelay $0x6  }
0x1c0: {  	v2 =	vld.idx.msk [tilespmem:v22+s18+$0x0], $0xffff  }
0x1c1: {  	v1 =	vld.idx.msk [tilespmem:v1+s16+$0x0], $0xffff;
	_ =	sdelay $0x4  }
0x1c2: {  	v1 =	vadd.f32 v2, v1;
	_ =	sdelay $0x1  }
0x1c3: {  	[tilespmem:$0x4CA0] =	vst v1;
	v1 =	vld [tilespmem:$0x1FEB0];
	_ =	sdelay $0x6  }
0x1c4: {  	v2 =	vld.idx.msk [tilespmem:v24+s18+$0x0], $0xffff  }
0x1c5: {  	v1 =	vld.idx.msk [tilespmem:v1+s16+$0x0], $0xffff;
	_ =	sdelay $0x4  }
0x1c6: {  	v1 =	vadd.f32 v2, v1;
	_ =	sdelay $0x1  }
0x1c7: {  	[tilespmem:$0x4CB0] =	vst v1;
	v1 =	vld [tilespmem:$0x1FEC0];
	_ =	sdelay $0x6  }
0x1c8: {  	v2 =	vld.idx.msk [tilespmem:v26+s18+$0x0], $0xffff  }
0x1c9: {  	v1 =	vld.idx.msk [tilespmem:v1+s16+$0x0], $0xffff;
	_ =	sdelay $0x4  }
0x1ca: {  	v1 =	vadd.f32 v2, v1;
	_ =	sdelay $0x1  }
0x1cb: {  	[tilespmem:$0x4CC0] =	vst v1;
	v1 =	vld [tilespmem:$0x1FED0];
	_ =	sdelay $0x6  }
0x1cc: {  	v2 =	vld.idx.msk [tilespmem:v28+s18+$0x0], $0xffff  }
0x1cd: {  	v1 =	vld.idx.msk [tilespmem:v1+s16+$0x0], $0xffff;
	_ =	sdelay $0x4  }
0x1ce: {  	v1 =	vadd.f32 v2, v1;
	_ =	sdelay $0x1  }
0x1cf: {  	[tilespmem:$0x4CD0] =	vst v1;
	v1 =	vld [tilespmem:$0x1FEE0];
	_ =	sdelay $0x6  }
0x1d0: {  	v2 =	vld.idx.msk [tilespmem:v30+s18+$0x0], $0xffff  }
0x1d1: {  	v1 =	vld.idx.msk [tilespmem:v1+s16+$0x0], $0xffff;
	_ =	sdelay $0x4  }
0x1d2: {  	v1 =	vadd.f32 v2, v1;
	_ =	sdelay $0x1  }
0x1d3: {  	[tilespmem:$0x4CE0] =	vst v1;
	v1 =	vld [tilespmem:$0x1FEF0];
	_ =	sdelay $0x6  }
0x1d4: {  	v2 =	vld.idx.msk [tilespmem:v32+s18+$0x0], $0xffff  }
0x1d5: {  	v1 =	vld.idx.msk [tilespmem:v1+s16+$0x0], $0xffff;
	_ =	sdelay $0x4  }
0x1d6: {  	v1 =	vadd.f32 v2, v1;
	_ =	sdelay $0x1  }
0x1d7: {  	[tilespmem:$0x4CF0] =	vst v1;
	v1 =	vld [tilespmem:$0x1FF00];
	_ =	sdelay $0x6  }
0x1d8: {  	v2 =	vld.idx.msk [tilespmem:v34+s18+$0x0], $0xffff  }
0x1d9: {  	v1 =	vld.idx.msk [tilespmem:v1+s16+$0x0], $0xffff;
	_ =	sdelay $0x4  }
0x1da: {  	v1 =	vadd.f32 v2, v1;
	_ =	sdelay $0x1  }
0x1db: {  	[tilespmem:$0x4D00] =	vst v1;
	v1 =	vld [tilespmem:$0x1FF10];
	_ =	sdelay $0x6  }
0x1dc: {  	v2 =	vld.idx.msk [tilespmem:v36+s18+$0x0], $0xffff  }
0x1dd: {  	v1 =	vld.idx.msk [tilespmem:v1+s16+$0x0], $0xffff;
	_ =	sdelay $0x4  }
0x1de: {  	v1 =	vadd.f32 v2, v1;
	_ =	sdelay $0x1  }
0x1df: {  	[tilespmem:$0x4D10] =	vst v1;
	v1 =	vld [tilespmem:$0x1FF20];
	_ =	sdelay $0x6  }
0x1e0: {  	v2 =	vld.idx.msk [tilespmem:v38+s18+$0x0], $0xffff  }
0x1e1: {  	v1 =	vld.idx.msk [tilespmem:v1+s16+$0x0], $0xffff;
	_ =	sdelay $0x4  }
0x1e2: {  	v1 =	vadd.f32 v2, v1;
	_ =	sdelay $0x1  }
0x1e3: {  	[tilespmem:$0x4D20] =	vst v1;
	v1 =	vld [tilespmem:$0x1FF30];
	_ =	sdelay $0x6  }
0x1e4: {  	v2 =	vld.idx.msk [tilespmem:v40+s18+$0x0], $0xffff  }
0x1e5: {  	v1 =	vld.idx.msk [tilespmem:v1+s16+$0x0], $0xffff;
	_ =	sdelay $0x4  }
0x1e6: {  	v1 =	vadd.f32 v2, v1;
	_ =	sdelay $0x1  }
0x1e7: {  	[tilespmem:$0x4D30] =	vst v1;
	v1 =	vld [tilespmem:$0x1FF40];
	_ =	sdelay $0x6  }
0x1e8: {  	v2 =	vld.idx.msk [tilespmem:v42+s18+$0x0], $0xffff  }
0x1e9: {  	v1 =	vld.idx.msk [tilespmem:v1+s16+$0x0], $0xffff;
	_ =	sdelay $0x4  }
0x1ea: {  	v1 =	vadd.f32 v2, v1;
	_ =	sdelay $0x1  }
0x1eb: {  	[tilespmem:$0x4D40] =	vst v1;
	v1 =	vld [tilespmem:$0x1FF50];
	_ =	sdelay $0x6  }
0x1ec: {  	v2 =	vld.idx.msk [tilespmem:v44+s18+$0x0], $0xffff  }
0x1ed: {  	v1 =	vld.idx.msk [tilespmem:v1+s16+$0x0], $0xffff;
	_ =	sdelay $0x4  }
0x1ee: {  	v1 =	vadd.f32 v2, v1;
	_ =	sdelay $0x1  }
0x1ef: {  	[tilespmem:$0x4D50] =	vst v1;
	v1 =	vld [tilespmem:$0x1FF60];
	_ =	sdelay $0x6  }
0x1f0: {  	v2 =	vld.idx.msk [tilespmem:v46+s18+$0x0], $0xffff  }
0x1f1: {  	v1 =	vld.idx.msk [tilespmem:v1+s16+$0x0], $0xffff;
	_ =	sdelay $0x4  }
0x1f2: {  	v1 =	vadd.f32 v2, v1;
	_ =	sdelay $0x1  }
0x1f3: {  	[tilespmem:$0x4D60] =	vst v1;
	v1 =	vld [tilespmem:$0x1FF70];
	_ =	sdelay $0x6  }
0x1f4: {  	v2 =	vld.idx.msk [tilespmem:v48+s18+$0x0], $0xffff  }
0x1f5: {  	v1 =	vld.idx.msk [tilespmem:v1+s16+$0x0], $0xffff;
	_ =	sdelay $0x4  }
0x1f6: {  	v1 =	vadd.f32 v2, v1;
	_ =	sdelay $0x1  }
0x1f7: {  	[tilespmem:$0x4D70] =	vst v1;
	v1 =	vld [tilespmem:$0x1FF80];
	_ =	sdelay $0x6  }
0x1f8: {  	v2 =	vld.idx.msk [tilespmem:v50+s18+$0x0], $0xffff  }
0x1f9: {  	v1 =	vld.idx.msk [tilespmem:v1+s16+$0x0], $0xffff;
	_ =	sdelay $0x4  }
0x1fa: {  	v1 =	vadd.f32 v2, v1;
	_ =	sdelay $0x1  }
0x1fb: {  	[tilespmem:$0x4D80] =	vst v1;
	v1 =	vld [tilespmem:$0x1FF90];
	_ =	sdelay $0x6  }
0x1fc: {  	v2 =	vld.idx.msk [tilespmem:v52+s18+$0x0], $0xffff  }
0x1fd: {  	v1 =	vld.idx.msk [tilespmem:v1+s16+$0x0], $0xffff;
	_ =	sdelay $0x4  }
0x1fe: {  	v1 =	vadd.f32 v2, v1;
	_ =	sdelay $0x1  }
0x1ff: {  	[tilespmem:$0x4D90] =	vst v1;
	v1 =	vld [tilespmem:$0x1FFA0];
	_ =	sdelay $0x6  }
0x200: {  	v2 =	vld.idx.msk [tilespmem:v54+s18+$0x0], $0xffff  }
0x201: {  	v1 =	vld.idx.msk [tilespmem:v1+s16+$0x0], $0xffff;
	_ =	sdelay $0x4  }
0x202: {  	v1 =	vadd.f32 v2, v1;
	_ =	sdelay $0x1  }
0x203: {  	[tilespmem:$0x4DA0] =	vst v1;
	v1 =	vld [tilespmem:$0x1FFB0];
	_ =	sdelay $0x6  }
0x204: {  	v2 =	vld.idx.msk [tilespmem:v56+s18+$0x0], $0xffff  }
0x205: {  	v1 =	vld.idx.msk [tilespmem:v1+s16+$0x0], $0xffff;
	_ =	sdelay $0x4  }
0x206: {  	v1 =	vadd.f32 v2, v1;
	_ =	sdelay $0x1  }
0x207: {  	[tilespmem:$0x4DB0] =	vst v1;
	v1 =	vld [tilespmem:$0x1FFC0];
	_ =	sdelay $0x6  }
0x208: {  	v2 =	vld.idx.msk [tilespmem:v58+s18+$0x0], $0xffff  }
0x209: {  	v1 =	vld.idx.msk [tilespmem:v1+s16+$0x0], $0xffff;
	_ =	sdelay $0x4  }
0x20a: {  	v1 =	vadd.f32 v2, v1;
	_ =	sdelay $0x1  }
0x20b: {  	[tilespmem:$0x4DC0] =	vst v1;
	v1 =	vld [tilespmem:$0x1FFD0];
	_ =	sdelay $0x6  }
0x20c: {  	v2 =	vld.idx.msk [tilespmem:v60+s18+$0x0], $0xffff  }
0x20d: {  	v1 =	vld.idx.msk [tilespmem:v1+s16+$0x0], $0xffff;
	_ =	sdelay $0x4  }
0x20e: {  	v1 =	vadd.f32 v2, v1;
	_ =	sdelay $0x1  }
0x20f: {  	[tilespmem:$0x4DD0] =	vst v1;
	v1 =	vld [tilespmem:$0x1FFE0];
	_ =	sdelay $0x6  }
0x210: {  	v2 =	vld.idx.msk [tilespmem:v62+s18+$0x0], $0xffff  }
0x211: {  	v1 =	vld.idx.msk [tilespmem:v1+s16+$0x0], $0xffff;
	_ =	sdelay $0x4  }
0x212: {  	v1 =	vadd.f32 v2, v1  }
0x213: {  	v2 =	vld [tilespmem:$0x1FDF0]  }
0x214: {  	[tilespmem:$0x4DE0] =	vst v1;
	v1 =	vld [tilespmem:$0x1FFF0];
	_ =	sdelay $0x6  }
0x215: {  	v2 =	vld.idx.msk [tilespmem:v2+s18+$0x0], $0xffff  }
0x216: {  	v1 =	vld.idx.msk [tilespmem:v1+s16+$0x0], $0xffff;
	_ =	sdelay $0x4  }
0x217: {  	v1 =	vadd.f32 v2, v1  }
0x218: {  	v2 =	vld [tilespmem:$0x1FBF0]  }
0x219: {  	[tilespmem:$0x4DF0] =	vst v1;
	v1 =	vld [tilespmem:$0x1FBE0];
	_ =	sdelay $0x6  }
0x21a: {  	v2 =	vld.idx.msk [tilespmem:v2+s18+$0x0], $0xffff  }
0x21b: {  	v1 =	vld.idx.msk [tilespmem:v1+s16+$0x0], $0xffff;
	_ =	sdelay $0x4  }
0x21c: {  	v1 =	vadd.f32 v2, v1  }
0x21d: {  	v2 =	vld [tilespmem:$0x1FC10]  }
0x21e: {  	[tilespmem:$0x4E00] =	vst v1;
	v1 =	vld [tilespmem:$0x1FC00];
	_ =	sdelay $0x6  }
0x21f: {  	v2 =	vld.idx.msk [tilespmem:v2+s18+$0x0], $0xffff  }
0x220: {  	v1 =	vld.idx.msk [tilespmem:v1+s16+$0x0], $0xffff;
	_ =	sdelay $0x4  }
0x221: {  	v1 =	vadd.f32 v2, v1;
	v2 =	vld [tilespmem:$0x1FC20];
	_ =	sdelay $0x5  }
0x222: {  	[tilespmem:$0x4E10] =	vst v1  }
0x223: {  	v1 =	vld.idx.msk [tilespmem:v5+s16+$0x0], $0xffff  }
0x224: {  	v2 =	vld.idx.msk [tilespmem:v2+s18+$0x0], $0xffff;
	_ =	sdelay $0x4  }
0x225: {  	v1 =	vadd.f32 v2, v1;
	v2 =	vld [tilespmem:$0x1FC30];
	_ =	sdelay $0x5  }
0x226: {  	[tilespmem:$0x4E20] =	vst v1  }
0x227: {  	v1 =	vld.idx.msk [tilespmem:v7+s16+$0x0], $0xffff  }
0x228: {  	v2 =	vld.idx.msk [tilespmem:v2+s18+$0x0], $0xffff;
	_ =	sdelay $0x4  }
0x229: {  	v1 =	vadd.f32 v2, v1;
	v2 =	vld [tilespmem:$0x1FC40];
	_ =	sdelay $0x5  }
0x22a: {  	[tilespmem:$0x4E30] =	vst v1  }
0x22b: {  	v1 =	vld.idx.msk [tilespmem:v9+s16+$0x0], $0xffff  }
0x22c: {  	v2 =	vld.idx.msk [tilespmem:v2+s18+$0x0], $0xffff;
	_ =	sdelay $0x4  }
0x22d: {  	v1 =	vadd.f32 v2, v1;
	v2 =	vld [tilespmem:$0x1FC50];
	_ =	sdelay $0x5  }
0x22e: {  	[tilespmem:$0x4E40] =	vst v1  }
0x22f: {  	v1 =	vld.idx.msk [tilespmem:v11+s16+$0x0], $0xffff  }
0x230: {  	v2 =	vld.idx.msk [tilespmem:v2+s18+$0x0], $0xffff;
	_ =	sdelay $0x4  }
0x231: {  	v1 =	vadd.f32 v2, v1;
	v2 =	vld [tilespmem:$0x1FC60];
	_ =	sdelay $0x5  }
0x232: {  	[tilespmem:$0x4E50] =	vst v1  }
0x233: {  	v1 =	vld.idx.msk [tilespmem:v13+s16+$0x0], $0xffff  }
0x234: {  	v2 =	vld.idx.msk [tilespmem:v2+s18+$0x0], $0xffff;
	_ =	sdelay $0x4  }
0x235: {  	v1 =	vadd.f32 v2, v1;
	v2 =	vld [tilespmem:$0x1FC70];
	_ =	sdelay $0x5  }
0x236: {  	[tilespmem:$0x4E60] =	vst v1  }
0x237: {  	v1 =	vld.idx.msk [tilespmem:v15+s16+$0x0], $0xffff  }
0x238: {  	v2 =	vld.idx.msk [tilespmem:v2+s18+$0x0], $0xffff;
	_ =	sdelay $0x4  }
0x239: {  	v1 =	vadd.f32 v2, v1;
	v2 =	vld [tilespmem:$0x1FC80];
	_ =	sdelay $0x5  }
0x23a: {  	[tilespmem:$0x4E70] =	vst v1  }
0x23b: {  	v1 =	vld.idx.msk [tilespmem:v17+s16+$0x0], $0xffff  }
0x23c: {  	v2 =	vld.idx.msk [tilespmem:v2+s18+$0x0], $0xffff;
	_ =	sdelay $0x4  }
0x23d: {  	v1 =	vadd.f32 v2, v1;
	v2 =	vld [tilespmem:$0x1FC90];
	_ =	sdelay $0x5  }
0x23e: {  	[tilespmem:$0x4E80] =	vst v1  }
0x23f: {  	v1 =	vld.idx.msk [tilespmem:v19+s16+$0x0], $0xffff  }
0x240: {  	v2 =	vld.idx.msk [tilespmem:v2+s18+$0x0], $0xffff;
	_ =	sdelay $0x4  }
0x241: {  	v1 =	vadd.f32 v2, v1;
	v2 =	vld [tilespmem:$0x1FCA0];
	_ =	sdelay $0x5  }
0x242: {  	[tilespmem:$0x4E90] =	vst v1  }
0x243: {  	v1 =	vld.idx.msk [tilespmem:v21+s16+$0x0], $0xffff  }
0x244: {  	v2 =	vld.idx.msk [tilespmem:v2+s18+$0x0], $0xffff;
	_ =	sdelay $0x4  }
0x245: {  	v1 =	vadd.f32 v2, v1;
	v2 =	vld [tilespmem:$0x1FCB0];
	_ =	sdelay $0x5  }
0x246: {  	[tilespmem:$0x4EA0] =	vst v1  }
0x247: {  	v1 =	vld.idx.msk [tilespmem:v23+s16+$0x0], $0xffff  }
0x248: {  	v2 =	vld.idx.msk [tilespmem:v2+s18+$0x0], $0xffff;
	_ =	sdelay $0x4  }
0x249: {  	v1 =	vadd.f32 v2, v1;
	v2 =	vld [tilespmem:$0x1FCC0];
	_ =	sdelay $0x5  }
0x24a: {  	[tilespmem:$0x4EB0] =	vst v1  }
0x24b: {  	v1 =	vld.idx.msk [tilespmem:v25+s16+$0x0], $0xffff  }
0x24c: {  	v2 =	vld.idx.msk [tilespmem:v2+s18+$0x0], $0xffff;
	_ =	sdelay $0x4  }
0x24d: {  	v1 =	vadd.f32 v2, v1;
	v2 =	vld [tilespmem:$0x1FCD0];
	_ =	sdelay $0x5  }
0x24e: {  	[tilespmem:$0x4EC0] =	vst v1  }
0x24f: {  	v1 =	vld.idx.msk [tilespmem:v27+s16+$0x0], $0xffff  }
0x250: {  	v2 =	vld.idx.msk [tilespmem:v2+s18+$0x0], $0xffff;
	_ =	sdelay $0x4  }
0x251: {  	v1 =	vadd.f32 v2, v1;
	v2 =	vld [tilespmem:$0x1FCE0];
	_ =	sdelay $0x5  }
0x252: {  	[tilespmem:$0x4ED0] =	vst v1  }
0x253: {  	v1 =	vld.idx.msk [tilespmem:v29+s16+$0x0], $0xffff  }
0x254: {  	v2 =	vld.idx.msk [tilespmem:v2+s18+$0x0], $0xffff;
	_ =	sdelay $0x4  }
0x255: {  	v1 =	vadd.f32 v2, v1;
	v2 =	vld [tilespmem:$0x1FCF0];
	_ =	sdelay $0x5  }
0x256: {  	[tilespmem:$0x4EE0] =	vst v1  }
0x257: {  	v1 =	vld.idx.msk [tilespmem:v31+s16+$0x0], $0xffff  }
0x258: {  	v2 =	vld.idx.msk [tilespmem:v2+s18+$0x0], $0xffff;
	_ =	sdelay $0x4  }
0x259: {  	v1 =	vadd.f32 v2, v1;
	v2 =	vld [tilespmem:$0x1FD00];
	_ =	sdelay $0x5  }
0x25a: {  	[tilespmem:$0x4EF0] =	vst v1  }
0x25b: {  	v1 =	vld.idx.msk [tilespmem:v33+s16+$0x0], $0xffff  }
0x25c: {  	v2 =	vld.idx.msk [tilespmem:v2+s18+$0x0], $0xffff;
	_ =	sdelay $0x4  }
0x25d: {  	v1 =	vadd.f32 v2, v1;
	v2 =	vld [tilespmem:$0x1FD10];
	_ =	sdelay $0x5  }
0x25e: {  	[tilespmem:$0x4F00] =	vst v1  }
0x25f: {  	v1 =	vld.idx.msk [tilespmem:v35+s16+$0x0], $0xffff  }
0x260: {  	v2 =	vld.idx.msk [tilespmem:v2+s18+$0x0], $0xffff;
	_ =	sdelay $0x4  }
0x261: {  	v1 =	vadd.f32 v2, v1;
	v2 =	vld [tilespmem:$0x1FD20];
	_ =	sdelay $0x5  }
0x262: {  	[tilespmem:$0x4F10] =	vst v1  }
0x263: {  	v1 =	vld.idx.msk [tilespmem:v37+s16+$0x0], $0xffff  }
0x264: {  	v2 =	vld.idx.msk [tilespmem:v2+s18+$0x0], $0xffff;
	_ =	sdelay $0x4  }
0x265: {  	v1 =	vadd.f32 v2, v1;
	v2 =	vld [tilespmem:$0x1FD30];
	_ =	sdelay $0x5  }
0x266: {  	[tilespmem:$0x4F20] =	vst v1  }
0x267: {  	v1 =	vld.idx.msk [tilespmem:v39+s16+$0x0], $0xffff  }
0x268: {  	v2 =	vld.idx.msk [tilespmem:v2+s18+$0x0], $0xffff;
	_ =	sdelay $0x4  }
0x269: {  	v1 =	vadd.f32 v2, v1;
	v2 =	vld [tilespmem:$0x1FD40];
	_ =	sdelay $0x5  }
0x26a: {  	[tilespmem:$0x4F30] =	vst v1  }
0x26b: {  	v1 =	vld.idx.msk [tilespmem:v41+s16+$0x0], $0xffff  }
0x26c: {  	v2 =	vld.idx.msk [tilespmem:v2+s18+$0x0], $0xffff;
	_ =	sdelay $0x4  }
0x26d: {  	v1 =	vadd.f32 v2, v1;
	v2 =	vld [tilespmem:$0x1FD50];
	_ =	sdelay $0x5  }
0x26e: {  	[tilespmem:$0x4F40] =	vst v1  }
0x26f: {  	v1 =	vld.idx.msk [tilespmem:v43+s16+$0x0], $0xffff  }
0x270: {  	v2 =	vld.idx.msk [tilespmem:v2+s18+$0x0], $0xffff;
	_ =	sdelay $0x4  }
0x271: {  	v1 =	vadd.f32 v2, v1;
	v2 =	vld [tilespmem:$0x1FD60];
	_ =	sdelay $0x5  }
0x272: {  	[tilespmem:$0x4F50] =	vst v1  }
0x273: {  	v1 =	vld.idx.msk [tilespmem:v45+s16+$0x0], $0xffff  }
0x274: {  	v2 =	vld.idx.msk [tilespmem:v2+s18+$0x0], $0xffff;
	_ =	sdelay $0x4  }
0x275: {  	v1 =	vadd.f32 v2, v1;
	v2 =	vld [tilespmem:$0x1FD70];
	_ =	sdelay $0x5  }
0x276: {  	[tilespmem:$0x4F60] =	vst v1  }
0x277: {  	v1 =	vld.idx.msk [tilespmem:v47+s16+$0x0], $0xffff  }
0x278: {  	v2 =	vld.idx.msk [tilespmem:v2+s18+$0x0], $0xffff;
	_ =	sdelay $0x4  }
0x279: {  	v1 =	vadd.f32 v2, v1;
	v2 =	vld [tilespmem:$0x1FD80];
	_ =	sdelay $0x5  }
0x27a: {  	[tilespmem:$0x4F70] =	vst v1  }
0x27b: {  	v1 =	vld.idx.msk [tilespmem:v49+s16+$0x0], $0xffff  }
0x27c: {  	v2 =	vld.idx.msk [tilespmem:v2+s18+$0x0], $0xffff;
	_ =	sdelay $0x4  }
0x27d: {  	v1 =	vadd.f32 v2, v1;
	v2 =	vld [tilespmem:$0x1FD90];
	_ =	sdelay $0x5  }
0x27e: {  	[tilespmem:$0x4F80] =	vst v1  }
0x27f: {  	v1 =	vld.idx.msk [tilespmem:v51+s16+$0x0], $0xffff  }
0x280: {  	v2 =	vld.idx.msk [tilespmem:v2+s18+$0x0], $0xffff;
	_ =	sdelay $0x4  }
0x281: {  	v1 =	vadd.f32 v2, v1;
	v2 =	vld [tilespmem:$0x1FDA0];
	_ =	sdelay $0x5  }
0x282: {  	[tilespmem:$0x4F90] =	vst v1  }
0x283: {  	v1 =	vld.idx.msk [tilespmem:v53+s16+$0x0], $0xffff  }
0x284: {  	v2 =	vld.idx.msk [tilespmem:v2+s18+$0x0], $0xffff;
	_ =	sdelay $0x4  }
0x285: {  	v1 =	vadd.f32 v2, v1;
	v2 =	vld [tilespmem:$0x1FDB0];
	_ =	sdelay $0x5  }
0x286: {  	[tilespmem:$0x4FA0] =	vst v1  }
0x287: {  	v1 =	vld.idx.msk [tilespmem:v55+s16+$0x0], $0xffff  }
0x288: {  	v2 =	vld.idx.msk [tilespmem:v2+s18+$0x0], $0xffff;
	_ =	sdelay $0x4  }
0x289: {  	v1 =	vadd.f32 v2, v1;
	v2 =	vld [tilespmem:$0x1FDC0];
	_ =	sdelay $0x5  }
0x28a: {  	[tilespmem:$0x4FB0] =	vst v1  }
0x28b: {  	v1 =	vld.idx.msk [tilespmem:v57+s16+$0x0], $0xffff  }
0x28c: {  	v2 =	vld.idx.msk [tilespmem:v2+s18+$0x0], $0xffff;
	_ =	sdelay $0x4  }
0x28d: {  	v1 =	vadd.f32 v2, v1;
	v2 =	vld [tilespmem:$0x1FDD0];
	_ =	sdelay $0x5  }
0x28e: {  	[tilespmem:$0x4FC0] =	vst v1  }
0x28f: {  	v1 =	vld.idx.msk [tilespmem:v59+s16+$0x0], $0xffff  }
0x290: {  	v2 =	vld.idx.msk [tilespmem:v2+s18+$0x0], $0xffff;
	_ =	sdelay $0x4  }
0x291: {  	v1 =	vadd.f32 v2, v1;
	v2 =	vld [tilespmem:$0x1FDE0]  }
0x292: {  	v5 =	vld [tilespmem:$0x1FE20]  }
0x293: {  	v7 =	vld [tilespmem:$0x1FE30]  }
0x294: {  	v9 =	vld [tilespmem:$0x1FE40]  }
0x295: {  	v11 =	vld [tilespmem:$0x1FE50]  }
0x296: {  	v13 =	vld [tilespmem:$0x1FE60]  }
0x297: {  	v15 =	vld [tilespmem:$0x1FE70];
	[tilespmem:$0x4FD0] =	vst v1  }
0x298: {  	v1 =	vld.idx.msk [tilespmem:v61+s16+$0x0], $0xffff  }
0x299: {  	v2 =	vld.idx.msk [tilespmem:v2+s18+$0x0], $0xffff  }
0x29a: {  	v17 =	vld [tilespmem:$0x1FE80]  }
0x29b: {  	v19 =	vld [tilespmem:$0x1FE90]  }
0x29c: {  	v21 =	vld [tilespmem:$0x1FEA0]  }
0x29d: {  	v23 =	vld [tilespmem:$0x1FEB0]  }
0x29e: {  	v25 =	vld [tilespmem:$0x1FEC0];
	v1 =	vadd.f32 v2, v1  }
0x29f: {  	v27 =	vld [tilespmem:$0x1FED0]  }
0x2a0: {  	v29 =	vld [tilespmem:$0x1FEE0];
	[tilespmem:$0x4FE0] =	vst v1  }
0x2a1: {  	v1 =	vld.idx.msk [tilespmem:v63+s16+$0x0], $0xffff  }
0x2a2: {  	v2 =	vld.idx.msk [tilespmem:v3+s18+$0x0], $0xffff  }
0x2a3: {  	v31 =	vld [tilespmem:$0x1FEF0]  }
0x2a4: {  	v33 =	vld [tilespmem:$0x1FF00]  }
0x2a5: {  	v35 =	vld [tilespmem:$0x1FF10]  }
0x2a6: {  	v37 =	vld [tilespmem:$0x1FF20]  }
0x2a7: {  	s31 =	sadd.s32 $0x1, s26;
	v39 =	vld [tilespmem:$0x1FF30];
	v1 =	vadd.f32 v2, v1  }
0x2a8: {  	p1 =	sge.u32 s31, s4;
	v41 =	vld [tilespmem:$0x1FF40]  }
0x2a9: {  	s14 =	rddreg [dreg:$0x4];
	s0 =	sshra.s32 @!p1 s30, $0x2;
	s31 =	simm.s32 @!p1 $0x3000;
	v43 =	vld [tilespmem:$0x1FF50];
	[tilespmem:$0x4FF0] =	vst v1  }
0x2aa: {  	v45 =	vld [tilespmem:$0x1FF60];
	[hbm4b:s29+s1] =	stream.linear.scatter [tilespmem:s14], [sflag:$0x6], $0x400, $0x38  }
0x2ab: {  	s30 =	sadd.s32 $0x400, s30;
	s2 =	sadd.s32 @!p1 $0x180, s0;
	v47 =	vld [tilespmem:$0x1FF70];
	s14 =	simm.s32 @!p1 $0x80  }
0x2ac: {  	v49 =	vld [tilespmem:$0x1FF80];
	[tilespmem:s31], [sflag:$0x2] =	stream.indirect.gather @!p1 [hbm4b:s3+s14], $0x10, s2, s14, $0xb8  }
0x2ad: {  	s0 =	sadd.s32 @!p1 $0x1580, s0;
	v51 =	vld [tilespmem:$0x1FF90];
	s2 =	simm.s32 @!p1 $0x4000;
	s31 =	rddreg [dreg:$0x5]  }
0x2ae: {  	v53 =	vld [tilespmem:$0x1FFA0];
	[tilespmem:s2], [sflag:$0x4] =	stream.indirect.gather @!p1 [hbm4b:s3+s14], $0x10, s0, s14, $0xb8  }
0x2af: {  	v55 =	vld [tilespmem:$0x1FFB0];
	p1 =	sne.s32 s31, s30  }
.Ltmp0:
0x2b0: {  	v57 =	vld [tilespmem:$0x1FFC0];
	(pc) =	sbr.rel @p1 .LBB2_2-.Ltmp0, $4  }
0x2b1: {  	v59 =	vld [tilespmem:$0x1FFD0]  }
0x2b2: {  	v61 =	vld [tilespmem:$0x1FFE0]  }
0x2b3: {  	v63 =	vld [tilespmem:$0x1FFF0]  }
0x2b4: {  	s28 =	sadd.s32 $0x100, s28;
	s26 =	sadd.s32 $0x2, s26;
	v3 =	vld [tilespmem:$0x1FE10];
	s29 =	sadd.s32 $0x100, s29  }
0x2b5: {  	s25 =	sadd.s32 $0x1, s25  }
0x2b6: {  	_ =	swait.ge [sflag:s23], $0x400;
	p1 =	sne.s32 s25, s9  }
.Ltmp1:
0x2b7: {  	[sflag:s23] =	ssyncset.done $0x0;
	(pc) =	sbr.rel @p1 .LBB2_1-.Ltmp1, $4  }
0x2b8: {  	[sflag:s23] =	ssyncadd.s32 $0xFFFFFC00  }
0x2b9: {  	_ =	swait.ge [sflag:s24], $0x400  }
0x2ba: {  	[sflag:s24] =	ssyncset.done $0x0  }
0x2bb: {  	[sflag:s24] =	ssyncadd.s32 $0xFFFFFC00  }
0x2bc: {  	_ =	sfence.sel $0x180000  }
0x2bd: {  	[bflag:$0x0] =	sbarrier.arrive $0xFFFF  }
0x2be: {  	_ =	strace $0x90000047  }
0x2bf: {  	s0 =	stileid.u32;
	[bflag:$0x2] =	sbarrier.arrive $0xFFFF  }
0x2c0: {  	p0 =	sne.s32 s0, $0x0;
	s0 =	rddreg [dreg:$0x2]  }
0x2c1: {  	s0 =	sadd.s32 @!p0 $0x100000, s0  }
0x2c2: {  	[sflag:s0] =	ssyncadd.tile.s32 @!p0 $0x1;
	_ =	shalt  }
.Lfunc_end2:
_tile_overlayer_lowered:
.L_overlay_start_2:
0x2c3: {  	(tag) =	ssettag $0x2  }
0x2c4: {  	s0 =	rddreg [dreg:$0x0];
	s2 =	stileid.u32  }
0x2c5: {  	s1 =	rddreg [dreg:$0x1];
	p0 =	sne.s32 s2, $0x0  }
0x2c6: {  	s3 =	rddreg [dreg:$0x2];
	[bflag:$0x3] =	sbarrier.arrive $0xFFFF;
	s2 =	simm.s32 @!p0 $0x1C07  }
0x2c7: {  	[timem:s3], [sflag:s2] =	dma.local @!p0 [hbm:s0], s1  }
0x2c8: {  	s0 =	simm.s32 @!p0 $0x7  }
0x2c9: {  	_ =	swait.ge @!p0 [sflag:s0], s1  }
0x2ca: {  	s1 =	ssub.s32 @!p0 $0x0, s1;
	[sflag:s0] =	ssyncset.done @!p0 $0x0  }
0x2cb: {  	[sflag:s0] =	ssyncadd.s32 @!p0 s1  }
0x2cc: {  	[bflag:$0x3] =	sbarrier.arrive $0xFFFF  }
0x2cd: {  	_ =	shalt  }

</sc_bundles>
